<compile_context>
chip_gen: v7x
topology: tpu7x:2x2x1
jax: 0.10.2.dev20260603
libtpu: 0.0.44.dev20260713+nightly
codegen_flags: <defaults>
</compile_context>

<pallas_src>
import functools

import jax
import jax.numpy as jnp
from jax import lax
from jax.experimental import pallas as pl
from jax.experimental.pallas import tpu as pltpu
from jax.experimental.pallas import tpu_sc as plsc

B = 4
N_OBJ = 31
N_ALL = N_OBJ + 1
Z_WHAT = 64
IMG = 224
OBJ = 64
HID = 1024
OUTD = 3 * OBJ * OBJ
NB = 1536
HALF = (OBJ - 1) / 2.0
BANDS = 8
BROWS = IMG // BANDS
XBLK = IMG // 16


def _axis_tables(lin, ctr, scale):
    s = jnp.maximum(scale, 1e-6)
    p = ((lin - (2.0 * ctr - 1.0)) / s + 1.0) * HALF
    p0 = jnp.floor(p)
    w = p - p0
    v0 = (p0 >= 0) & (p0 <= OBJ - 1)
    v1 = (p0 + 1.0 >= 0) & (p0 + 1.0 <= OBJ - 1)
    i0 = jnp.clip(p0, -1, OBJ - 1).astype(jnp.int32)
    i1 = jnp.clip(p0 + 1.0, 0, OBJ - 1).astype(jnp.int32)
    w0 = jnp.where(v0, 1.0 - w, 0.0)
    w1 = jnp.where(v1, w, 0.0)
    return i0, i1, w0, w1


def _decode_body(z_ref, W1_ref, b1_ref, W2_ref, b2_ref, lin_ref, zw_ref,
                 ld_ref, out_ref,
                 x0_ref, wx0_ref, wx1_ref,
                 y0_ref, wy0_ref, wy1_ref,
                 w_ref, ylo_ref, yhi_ref, xblo_ref, xbhi_ref, h_ref):
    j = pl.program_id(0)

    @pl.when(j == 0)
    def _():
        h = jnp.dot(z_ref[...], W1_ref[...], preferred_element_type=jnp.float32)
        h_ref[...] = jnp.maximum(h + b1_ref[...], 0.0)

        lin = lin_ref[...]
        x0, _, wx0, wx1 = _axis_tables(lin, zw_ref[:, 0:1], zw_ref[:, 2:3])
        y0, _, wy0, wy1 = _axis_tables(lin, zw_ref[:, 1:2], zw_ref[:, 3:4])
        x0_ref[...] = x0
        wx0_ref[...] = wx0
        wx1_ref[...] = wx1
        y0_ref[...] = y0 * OBJ
        wy0_ref[...] = wy0
        wy1_ref[...] = wy1

        ld = ld_ref[...]
        m = jnp.max(ld, axis=1, keepdims=True)
        e = jnp.exp(ld - m)
        s = jnp.sum(e, axis=1, keepdims=True)
        wmat = e / s
        col = jax.lax.broadcasted_iota(jnp.int32, (B, N_ALL), 1)
        w_ref[...] = jnp.where(col == N_OBJ, 1.0, wmat)

        t = jax.lax.broadcasted_iota(jnp.int32, (B * N_ALL, IMG), 1)
        vy = (wy0 != 0.0) | (wy1 != 0.0)
        ylo_ref[...] = jnp.min(jnp.where(vy, t, IMG), axis=1, keepdims=True)
        yhi_ref[...] = jnp.max(jnp.where(vy, t + 1, 0), axis=1, keepdims=True)
        vx = (wx0 != 0.0) | (wx1 != 0.0)
        xlo = jnp.min(jnp.where(vx, t, IMG), axis=1, keepdims=True)
        xhi = jnp.max(jnp.where(vx, t + 1, 0), axis=1, keepdims=True)
        xblo_ref[...] = xlo // 16
        xbhi_ref[...] = (xhi + 15) // 16

    y = jnp.dot(h_ref[...], W2_ref[...], preferred_element_type=jnp.float32)
    out_ref[...] = jax.nn.sigmoid(y + b2_ref[...])


_PATCH = OBJ * OBJ
_CHAN = BROWS * IMG


def _sc_merge_body(d3, x0_h, wx0_h, wx1_h, y0_h, wy0_h, wy1_h,
                   meta_h, w_h, zz_h, out_h,
                   x0_v, wx0_v, wx1_v, y0_v, wy0_v, wy1_v,
                   meta_v, w_v, patch_v, acc_v, bg_v, sem0, sem1):
    cc = lax.axis_index("c")
    ss = lax.axis_index("s")
    wid = ss * 2 + cc
    b = wid // BANDS
    band = wid % BANDS
    blo = band * BROWS
    row0 = b * N_ALL

    t0 = row0 * IMG
    for hsrc, vdst in ((x0_h, x0_v), (wx0_h, wx0_v), (wx1_h, wx1_v),
                       (y0_h, y0_v), (wy0_h, wy0_v), (wy1_h, wy1_v)):
        pltpu.sync_copy(hsrc.at[pl.ds(t0, N_ALL * IMG)], vdst)
    pltpu.sync_copy(meta_h.at[pl.ds(row0 * 16, N_ALL * 16)], meta_v)
    pltpu.sync_copy(w_h.at[pl.ds(row0 * 16, N_ALL * 16)], w_v)
    pltpu.sync_copy(zz_h, acc_v)
    pltpu.sync_copy(zz_h, bg_v)

    def spl(v):
        return jnp.full((16,), v, jnp.int32)

    PB = 3 * _PATCH

    def start_fetch(i, buf, sem):
        pltpu.make_async_copy(
            d3.at[pl.ds((row0 + i) * PB, PB)],
            patch_v.at[pl.ds(buf * PB, PB)], sem).start()

    def wait_fetch(buf, sem):
        pltpu.make_async_copy(
            d3.at[pl.ds(0, PB)],
            patch_v.at[pl.ds(buf * PB, PB)], sem).wait()

    def do_object(i, boff, tgt):
        mrow = meta_v[pl.ds(i * 16, 16)]
        ylo = jnp.maximum(mrow[0], blo)
        yhi = jnp.minimum(mrow[1], blo + BROWS)
        xblo = mrow[2]
        xbhi = mrow[3]
        ws = w_v[pl.ds(i * 16, 16)][0]
        toff = i * IMG

        @pl.when((ylo < yhi) & (ws != 0.0))
        def _():
            @plsc.parallel_loop(ylo, yhi)
            def row_body(y):
                sy = spl(toff + y)
                y0r = plsc.load_gather(y0_v, [sy])
                y0m = jnp.maximum(y0r, 0)
                y1m = jnp.minimum(y0r + OBJ, (OBJ - 1) * OBJ)
                wy0 = plsc.load_gather(wy0_v, [sy]) * ws
                wy1 = plsc.load_gather(wy1_v, [sy]) * ws
                aoff0 = (y - blo) * IMG

                @plsc.parallel_loop(xblo, xbhi, unroll=4)
                def col_body(xb):
                    bs = xb * 16
                    x0r = x0_v[pl.ds(toff + bs, 16)]
                    x0v = jnp.maximum(x0r, 0)
                    x1v = jnp.minimum(x0r + 1, OBJ - 1)
                    wx0v = wx0_v[pl.ds(toff + bs, 16)]
                    wx1v = wx1_v[pl.ds(toff + bs, 16)]
                    for c in range(3):
                        co = boff + c * _PATCH
                        g00 = plsc.load_gather(patch_v, [y0m + x0v + co])
                        g01 = plsc.load_gather(patch_v, [y0m + x1v + co])
                        g10 = plsc.load_gather(patch_v, [y1m + x0v + co])
                        g11 = plsc.load_gather(patch_v, [y1m + x1v + co])
                        r = (wy0 * (wx0v * g00 + wx1v * g01)
                             + wy1 * (wx0v * g10 + wx1v * g11))
                        aoff = c * _CHAN + aoff0 + bs
                        cur = tgt[pl.ds(aoff, 16)]
                        tgt[pl.ds(aoff, 16)] = cur + r

    start_fetch(0, 0, sem0)
    start_fetch(1, 1, sem1)

    def pair_body(j, _):
        i0 = j * 2
        wait_fetch(0, sem0)
        do_object(i0, 0, acc_v)

        @pl.when(i0 + 2 < N_ALL)
        def _():
            start_fetch(i0 + 2, 0, sem0)

        wait_fetch(1, sem1)
        do_object(i0 + 1, PB, acc_v)

        @pl.when(i0 + 3 < N_ALL)
        def _():
            start_fetch(i0 + 3, 1, sem1)

        return 0

    lax.fori_loop(0, N_ALL // 2 - 1, pair_body, 0)
    wait_fetch(0, sem0)
    do_object(N_ALL - 2, 0, acc_v)
    wait_fetch(1, sem1)
    do_object(N_ALL - 1, PB, bg_v)

    @plsc.parallel_loop(0, 3 * _CHAN // 16, unroll=4)
    def crow(j):
        off = j * 16
        a = acc_v[pl.ds(off, 16)]
        g = bg_v[pl.ds(off, 16)]
        acc_v[pl.ds(off, 16)] = a + g * jnp.where(a < 0.001, 1.0, 0.0)
    for c in range(3):
        pltpu.sync_copy(acc_v.at[pl.ds(c * _CHAN, _CHAN)], out_h.at[b, c, band])


@jax.jit
def kernel(z_what, z_where, z_present, z_depth, W1, b1, W2, b2):
    zf = z_what.reshape(B * N_ALL, Z_WHAT)

    M = B * N_ALL
    MI = M * IMG

    bg_where = jnp.broadcast_to(
        jnp.array([0.5, 0.5, 1.0, 1.0], jnp.float32), (B, 1, 4))
    zw_f = jnp.concatenate([z_where, bg_where], axis=1).reshape(M, 4)

    neg_inf = jnp.full((B, 1), -jnp.inf, jnp.float32)
    dcol = jnp.concatenate([z_depth[..., 0], neg_inf], axis=1)
    pcol = jnp.concatenate([z_present[..., 0], jnp.zeros((B, 1))], axis=1)
    ld = jnp.where(pcol == 1.0, dcol, -jnp.inf)

    lin = jnp.linspace(-1.0, 1.0, IMG).astype(jnp.float32).reshape(1, IMG)

    tabf = jax.ShapeDtypeStruct((M, IMG), jnp.float32)
    tabi = jax.ShapeDtypeStruct((M, IMG), jnp.int32)
    coli = jax.ShapeDtypeStruct((M, 1), jnp.int32)

    cst = lambda s: pl.BlockSpec(s, lambda j: tuple(0 for _ in s))
    (decoded, x0, wx0, wx1, y0, wy0, wy1,
     wmat, ylo, yhi, xblo, xbhi) = pl.pallas_call(
        _decode_body,
        grid=(OUTD // NB,),
        in_specs=[
            cst((M, Z_WHAT)),
            cst((Z_WHAT, HID)),
            cst((1, HID)),
            pl.BlockSpec((HID, NB), lambda j: (0, j)),
            pl.BlockSpec((1, NB), lambda j: (0, j)),
            cst((1, IMG)),
            cst((M, 4)),
            cst((B, N_ALL)),
        ],
        out_specs=([pl.BlockSpec((M, NB), lambda j: (0, j))]
                   + [cst((M, IMG))] * 6
                   + [cst((B, N_ALL))] + [cst((M, 1))] * 4),
        out_shape=([jax.ShapeDtypeStruct((M, OUTD), jnp.float32)]
                   + [tabi, tabf, tabf, tabi, tabf, tabf]
                   + [jax.ShapeDtypeStruct((B, N_ALL), jnp.float32)]
                   + [coli] * 4),
        scratch_shapes=[pltpu.VMEM((M, HID), jnp.float32)],
    )(zf, W1, b1.reshape(1, HID), W2, b2.reshape(1, OUTD), lin, zw_f, ld)

    meta = jnp.concatenate(
        [ylo, yhi, xblo, xbhi, jnp.zeros((M, 12), jnp.int32)], axis=1)
    meta = meta.reshape(M * 16)
    wv = jnp.broadcast_to(wmat.reshape(M, 1), (M, 16)).reshape(M * 16)
    zz = jnp.zeros((3 * _CHAN,), jnp.float32)
    d3f = decoded.reshape(M * 3 * _PATCH)

    tabs = [t.reshape(MI) for t in (x0, wx0, wx1, y0, wy0, wy1)]

    mesh = plsc.VectorSubcoreMesh(core_axis_name="c", subcore_axis_name="s")
    out5 = pl.kernel(
        _sc_merge_body,
        out_type=jax.ShapeDtypeStruct((B, 3, BANDS, _CHAN), jnp.float32),
        mesh=mesh,
        scratch_types=(
            [pltpu.VMEM((MI // B,), jnp.int32)]
            + [pltpu.VMEM((MI // B,), jnp.float32)] * 2
            + [pltpu.VMEM((MI // B,), jnp.int32)]
            + [pltpu.VMEM((MI // B,), jnp.float32)] * 2
            + [pltpu.VMEM((N_ALL * 16,), jnp.int32),
               pltpu.VMEM((N_ALL * 16,), jnp.float32),
               pltpu.VMEM((2 * 3 * _PATCH,), jnp.float32),
               pltpu.VMEM((3 * _CHAN,), jnp.float32),
               pltpu.VMEM((3 * _CHAN,), jnp.float32),
               pltpu.SemaphoreType.DMA,
               pltpu.SemaphoreType.DMA]
        ),
        compiler_params=pltpu.CompilerParams(needs_layout_passes=False),
    )(d3f, *tabs, meta, wv, zz)

    return out5.reshape(B, 3, IMG, IMG)

# --- scband reference (transcript-rebuilt; emitter-appended) ---
"""Pipeline reference for scband-decoder-5634997093166 (READ-ONLY COPY).

The authoritative reference and input builder live on the scoring server;
editing this copy changes nothing except your own understanding.
"""

import jax, jax.numpy as jnp
import numpy as np

B = 4
N_OBJ = 31
Z_WHAT = 64
IMG = 224
OBJ = 64
HID = 1024


def setup_inputs(seed: int = 0):
    key = jax.random.key(seed)
    ks = jax.random.split(key, 6)
    z_what = jax.random.normal(ks[0], (B, N_OBJ + 1, Z_WHAT), dtype=jnp.float32)
    z_where = jax.random.uniform(ks[1], (B, N_OBJ, 4), dtype=jnp.float32)
    z_present = jax.random.randint(ks[2], (B, N_OBJ, 1), 0, 2).astype(jnp.float32)
    z_depth = jax.random.normal(ks[3], (B, N_OBJ, 1), dtype=jnp.float32)
    W1 = jax.random.normal(ks[4], (Z_WHAT, HID), dtype=jnp.float32) * 0.05
    b1 = jnp.zeros((HID,), dtype=jnp.float32)
    W2 = jax.random.normal(ks[5], (HID, 3 * OBJ * OBJ), dtype=jnp.float32) * 0.02
    b2 = jnp.zeros((3 * OBJ * OBJ,), dtype=jnp.float32)
    return {"z_what": z_what, "z_where": z_where, "z_present": z_present,
            "z_depth": z_depth, "W1": W1, "b1": b1, "W2": W2, "b2": b2}


def _what_decoder(z, W1, b1, W2, b2):
    h = jax.nn.relu(z @ W1 + b1)
    img = jax.nn.sigmoid(h @ W2 + b2)
    return img.reshape(-1, 3, OBJ, OBJ)


def _where_transform(decoded, z_where):
    # Spatial transformer: place each 64x64 decoded object into the IMG x IMG
    # canvas at box (cx, cy, w, h) (normalized [0,1]); zeros padding, bilinear.
    M = decoded.shape[0]
    lin = jnp.linspace(-1.0, 1.0, IMG)
    ys_t, xs_t = jnp.meshgrid(lin, lin, indexing="ij")
    cx = z_where[:, 0][:, None, None]
    cy = z_where[:, 1][:, None, None]
    sx = jnp.maximum(z_where[:, 2], 1e-6)[:, None, None]
    sy = jnp.maximum(z_where[:, 3], 1e-6)[:, None, None]
    x_s = (xs_t[None] - (2.0 * cx - 1.0)) / sx
    y_s = (ys_t[None] - (2.0 * cy - 1.0)) / sy
    px = (x_s + 1.0) * (OBJ - 1) / 2.0
    py = (y_s + 1.0) * (OBJ - 1) / 2.0
    x0 = jnp.floor(px)
    y0 = jnp.floor(py)
    x1 = x0 + 1.0
    y1 = y0 + 1.0
    wx = (px - x0)[:, None]
    wy = (py - y0)[:, None]
    flat = decoded.reshape(M, 3, OBJ * OBJ)

    def gather(xi, yi):
        valid = (xi >= 0) & (xi <= OBJ - 1) & (yi >= 0) & (yi <= OBJ - 1)
        xc = jnp.clip(xi, 0, OBJ - 1).astype(jnp.int32)
        yc = jnp.clip(yi, 0, OBJ - 1).astype(jnp.int32)
        idx = (yc * OBJ + xc).reshape(M, 1, IMG * IMG)
        vals = jnp.take_along_axis(flat, jnp.broadcast_to(idx, (M, 3, IMG * IMG)), axis=2)
        vals = vals.reshape(M, 3, IMG, IMG)
        return vals * valid.astype(flat.dtype)[:, None]

    v00 = gather(x0, y0)
    v01 = gather(x1, y0)
    v10 = gather(x0, y1)
    v11 = gather(x1, y1)
    return (v00 * (1.0 - wx) * (1.0 - wy) + v01 * wx * (1.0 - wy)
            + v10 * (1.0 - wx) * wy + v11 * wx * wy)


def _forward(z_what, z_where, z_present, z_depth, W1, b1, W2, b2):
    batch = z_what.shape[0]
    # handle_latents (background=True, drop_empty=False): append bg latents
    bg_depth = jnp.zeros((batch, 1, 1), dtype=z_depth.dtype)
    bg_present = jnp.ones((batch, 1, 1), dtype=z_present.dtype)
    bg_where = jnp.broadcast_to(jnp.array([0.5, 0.5, 1.0, 1.0], dtype=z_where.dtype), (batch, 1, 4))
    z_depth_f = jnp.concatenate([z_depth, bg_depth], axis=1)
    z_present_f = jnp.concatenate([z_present, bg_present], axis=1)
    z_where_f = jnp.concatenate([z_where, bg_where], axis=1)
    # decode_objects
    z_what_flat = z_what.reshape(-1, z_what.shape[-1])
    z_where_flat = z_where_f.reshape(-1, z_where_f.shape[-1])
    decoded = _what_decoder(z_what_flat, W1, b1, W2, b2)
    transformed = _where_transform(decoded, z_where_flat)
    # reshape_reconstructions (no-drop path)
    n = z_present_f.shape[1]
    images = transformed.reshape(batch, n, 3, IMG, IMG)
    depth = jnp.where(z_present_f == 1.0, z_depth_f, jnp.full((1,), -jnp.inf, dtype=z_depth_f.dtype))
    images = jnp.concatenate([images[:, -1:], images[:, :-1]], axis=1)
    depth = jnp.concatenate([depth[:, -1:], depth[:, :-1]], axis=1)
    # merge_reconstructions
    objects = images[:, 1:]
    object_weights = depth[:, 1:]
    wsm = jax.nn.softmax(object_weights, axis=1).reshape(batch, n - 1, 1, 1, 1)
    merged = jnp.sum(objects * wsm, axis=1)
    # fill_background
    mask = jnp.where(merged < 0.001, 1.0, 0.0)
    return merged + images[:, 0] * mask


def reference(z_what, z_where, z_present, z_depth, W1, b1, W2, b2):
    return _forward(z_what, z_where, z_present, z_depth, W1, b1, W2, b2)

if __name__ == "__main__":
    import jax
    _d = setup_inputs()
    print(jax.jit(kernel)(*tuple(_d.values())))

</pallas_src>

<mosaic_0001>
#map = affine_map<(d0, d1) -> (0)>
#map1 = affine_map<(d0, d1) -> (0, 0, 0, 0)>
module attributes {stable_mosaic.version = 14 : i64} {
  func.func @_sc_merge_body(%arg0: i32, %arg1: i32, %arg2: memref<1572864xf32, #tpu.memory_space<hbm>>, %arg3: memref<28672xi32, #tpu.memory_space<hbm>>, %arg4: memref<28672xf32, #tpu.memory_space<hbm>>, %arg5: memref<28672xf32, #tpu.memory_space<hbm>>, %arg6: memref<28672xi32, #tpu.memory_space<hbm>>, %arg7: memref<28672xf32, #tpu.memory_space<hbm>>, %arg8: memref<28672xf32, #tpu.memory_space<hbm>>, %arg9: memref<2048xi32, #tpu.memory_space<hbm>>, %arg10: memref<2048xf32, #tpu.memory_space<hbm>>, %arg11: memref<18816xf32, #tpu.memory_space<hbm>>, %arg12: memref<4x3x8x6272xf32, #tpu.memory_space<hbm>>, %arg13: memref<7168xi32, #tpu.memory_space<vmem>>, %arg14: memref<7168xf32, #tpu.memory_space<vmem>>, %arg15: memref<7168xf32, #tpu.memory_space<vmem>>, %arg16: memref<7168xi32, #tpu.memory_space<vmem>>, %arg17: memref<7168xf32, #tpu.memory_space<vmem>>, %arg18: memref<7168xf32, #tpu.memory_space<vmem>>, %arg19: memref<512xi32, #tpu.memory_space<vmem>>, %arg20: memref<512xf32, #tpu.memory_space<vmem>>, %arg21: memref<24576xf32, #tpu.memory_space<vmem>>, %arg22: memref<18816xf32, #tpu.memory_space<vmem>>, %arg23: memref<18816xf32, #tpu.memory_space<vmem>>, %arg24: memref<!tpu.dma_semaphore, #tpu.memory_space<semaphore_mem>>, %arg25: memref<!tpu.dma_semaphore, #tpu.memory_space<semaphore_mem>>) attributes {dimension_semantics = [#tpu.dimension_semantics<core_parallel>, #tpu.dimension_semantics<subcore_parallel>], iteration_bounds = array<i64: 2, 16>, scalar_prefetch = 0 : i64, scratch_operands = 13 : i64, tpu.core_type = #tpu.core_type<sc_vector_subcore>, window_params = [{transform_indices = #map}, {transform_indices = #map}, {transform_indices = #map}, {transform_indices = #map}, {transform_indices = #map}, {transform_indices = #map}, {transform_indices = #map}, {transform_indices = #map}, {transform_indices = #map}, {transform_indices = #map}, {transform_indices = #map1}]} {
    %mul3A = arith.constant 2 : i32
    %mul3A_0 = arith.muli %arg1, %mul3A : i32
    %add3A = arith.addi %mul3A_0, %arg0 : i32
    %jit3A = arith.constant 8 : i32
    %div3A = arith.divsi %add3A, %jit3A : i32
    %sign3A = arith.constant 0 : i32
    %sign3A_1 = arith.cmpi sgt, %add3A, %sign3A : i32
    %sign3A_2 = arith.extui %sign3A_1 : i1 to i32
    %sign3A_3 = arith.constant 0 : i32
    %sign3A_4 = arith.cmpi slt, %add3A, %sign3A_3 : i32
    %sign3A_5 = arith.extui %sign3A_4 : i1 to i32
    %sign3A_6 = arith.subi %sign3A_2, %sign3A_5 : i32
    %sign3A_7 = arith.constant 0 : i32
    %sign3A_8 = arith.cmpi sgt, %jit3A, %sign3A_7 : i32
    %sign3A_9 = arith.extui %sign3A_8 : i1 to i32
    %sign3A_10 = arith.constant 0 : i32
    %sign3A_11 = arith.cmpi slt, %jit3A, %sign3A_10 : i32
    %sign3A_12 = arith.extui %sign3A_11 : i1 to i32
    %sign3A_13 = arith.subi %sign3A_9, %sign3A_12 : i32
    %ne3A = arith.cmpi ne, %sign3A_6, %sign3A_13 : i32
    %rem3A = arith.remsi %add3A, %jit3A : i32
    %ne3A_14 = arith.constant 0 : i32
    %ne3A_15 = arith.cmpi ne, %rem3A, %ne3A_14 : i32
    %and3A = arith.andi %ne3A, %ne3A_15 : i1
    %sub3A = arith.constant 1 : i32
    %sub3A_16 = arith.subi %div3A, %sub3A : i32
    %select_n3A = arith.select %and3A, %sub3A_16, %div3A : i32
    %jit3A_17 = arith.constant 8 : i32
    %eq3A = arith.constant 0 : i32
    %eq3A_18 = arith.cmpi eq, %jit3A_17, %eq3A : i32
    %jit3A_19 = arith.constant 1 : i32
    %select_n3A_20 = arith.select %eq3A_18, %jit3A_19, %jit3A_17 : i32
    %rem3A_21 = arith.remsi %add3A, %select_n3A_20 : i32
    %ne3A_22 = arith.constant 0 : i32
    %ne3A_23 = arith.cmpi ne, %rem3A_21, %ne3A_22 : i32
    %lt3A = arith.constant 0 : i32
    %lt3A_24 = arith.cmpi slt, %rem3A_21, %lt3A : i32
    %lt3A_25 = arith.constant 0 : i32
    %lt3A_26 = arith.cmpi slt, %select_n3A_20, %lt3A_25 : i32
    %ne3A_27 = arith.xori %lt3A_24, %lt3A_26 : i1
    %and3A_28 = arith.andi %ne3A_27, %ne3A_23 : i1
    %add3A_29 = arith.addi %rem3A_21, %select_n3A_20 : i32
    %select_n3A_30 = arith.select %and3A_28, %add3A_29, %rem3A_21 : i32
    %mul3A_31 = arith.constant 28 : i32
    %mul3A_32 = arith.muli %select_n3A_30, %mul3A_31 : i32
    %mul3A_33 = arith.constant 32 : i32
    %mul3A_34 = arith.muli %select_n3A, %mul3A_33 : i32
    %mul3A_35 = arith.constant 224 : i32
    %mul3A_36 = arith.muli %mul3A_34, %mul3A_35 : i32
    "tpu.region"() ({
      %run_scoped3A_128 = tpu.sem_alloc : memref<!tpu.dma_semaphore, #tpu.memory_space<semaphore_mem>>
      %dma_start3A_129 = tpu.memref_slice %arg3[%mul3A_36] : memref<28672xi32, #tpu.memory_space<hbm>> -> memref<7168xi32, #tpu.memory_space<hbm>>
      %dma_start3A_130 = tpu.memref_slice %arg3[%mul3A_36] : memref<28672xi32, #tpu.memory_space<hbm>> -> memref<7168xi32, #tpu.memory_space<hbm>>
      tpu.enqueue_dma source(%dma_start3A_130 : memref<7168xi32, #tpu.memory_space<hbm>>) target(%arg13 : memref<7168xi32, #tpu.memory_space<vmem>>) target_semaphore(%run_scoped3A_128 : memref<!tpu.dma_semaphore, #tpu.memory_space<semaphore_mem>>)
      %dma_wait3A_131 = tpu.memref_slice %arg3[%mul3A_36] : memref<28672xi32, #tpu.memory_space<hbm>> -> memref<7168xi32, #tpu.memory_space<hbm>>
      %dma_wait3A_132 = tpu.memref_slice %arg3[%mul3A_36] : memref<28672xi32, #tpu.memory_space<hbm>> -> memref<7168xi32, #tpu.memory_space<hbm>>
      tpu.wait_dma2 semaphore(%run_scoped3A_128 : memref<!tpu.dma_semaphore, #tpu.memory_space<semaphore_mem>>) src(%dma_wait3A_132 : memref<7168xi32, #tpu.memory_space<hbm>>) dst(%arg13 : memref<7168xi32, #tpu.memory_space<vmem>>)
      tpu.yield
    }) : () -> ()
    "tpu.region"() ({
      %run_scoped3A_128 = tpu.sem_alloc : memref<!tpu.dma_semaphore, #tpu.memory_space<semaphore_mem>>
      %dma_start3A_129 = tpu.memref_slice %arg4[%mul3A_36] : memref<28672xf32, #tpu.memory_space<hbm>> -> memref<7168xf32, #tpu.memory_space<hbm>>
      %dma_start3A_130 = tpu.memref_slice %arg4[%mul3A_36] : memref<28672xf32, #tpu.memory_space<hbm>> -> memref<7168xf32, #tpu.memory_space<hbm>>
      tpu.enqueue_dma source(%dma_start3A_130 : memref<7168xf32, #tpu.memory_space<hbm>>) target(%arg14 : memref<7168xf32, #tpu.memory_space<vmem>>) target_semaphore(%run_scoped3A_128 : memref<!tpu.dma_semaphore, #tpu.memory_space<semaphore_mem>>)
      %dma_wait3A_131 = tpu.memref_slice %arg4[%mul3A_36] : memref<28672xf32, #tpu.memory_space<hbm>> -> memref<7168xf32, #tpu.memory_space<hbm>>
      %dma_wait3A_132 = tpu.memref_slice %arg4[%mul3A_36] : memref<28672xf32, #tpu.memory_space<hbm>> -> memref<7168xf32, #tpu.memory_space<hbm>>
      tpu.wait_dma2 semaphore(%run_scoped3A_128 : memref<!tpu.dma_semaphore, #tpu.memory_space<semaphore_mem>>) src(%dma_wait3A_132 : memref<7168xf32, #tpu.memory_space<hbm>>) dst(%arg14 : memref<7168xf32, #tpu.memory_space<vmem>>)
      tpu.yield
    }) : () -> ()
    "tpu.region"() ({
      %run_scoped3A_128 = tpu.sem_alloc : memref<!tpu.dma_semaphore, #tpu.memory_space<semaphore_mem>>
      %dma_start3A_129 = tpu.memref_slice %arg5[%mul3A_36] : memref<28672xf32, #tpu.memory_space<hbm>> -> memref<7168xf32, #tpu.memory_space<hbm>>
      %dma_start3A_130 = tpu.memref_slice %arg5[%mul3A_36] : memref<28672xf32, #tpu.memory_space<hbm>> -> memref<7168xf32, #tpu.memory_space<hbm>>
      tpu.enqueue_dma source(%dma_start3A_130 : memref<7168xf32, #tpu.memory_space<hbm>>) target(%arg15 : memref<7168xf32, #tpu.memory_space<vmem>>) target_semaphore(%run_scoped3A_128 : memref<!tpu.dma_semaphore, #tpu.memory_space<semaphore_mem>>)
      %dma_wait3A_131 = tpu.memref_slice %arg5[%mul3A_36] : memref<28672xf32, #tpu.memory_space<hbm>> -> memref<7168xf32, #tpu.memory_space<hbm>>
      %dma_wait3A_132 = tpu.memref_slice %arg5[%mul3A_36] : memref<28672xf32, #tpu.memory_space<hbm>> -> memref<7168xf32, #tpu.memory_space<hbm>>
      tpu.wait_dma2 semaphore(%run_scoped3A_128 : memref<!tpu.dma_semaphore, #tpu.memory_space<semaphore_mem>>) src(%dma_wait3A_132 : memref<7168xf32, #tpu.memory_space<hbm>>) dst(%arg15 : memref<7168xf32, #tpu.memory_space<vmem>>)
      tpu.yield
    }) : () -> ()
    "tpu.region"() ({
      %run_scoped3A_128 = tpu.sem_alloc : memref<!tpu.dma_semaphore, #tpu.memory_space<semaphore_mem>>
      %dma_start3A_129 = tpu.memref_slice %arg6[%mul3A_36] : memref<28672xi32, #tpu.memory_space<hbm>> -> memref<7168xi32, #tpu.memory_space<hbm>>
      %dma_start3A_130 = tpu.memref_slice %arg6[%mul3A_36] : memref<28672xi32, #tpu.memory_space<hbm>> -> memref<7168xi32, #tpu.memory_space<hbm>>
      tpu.enqueue_dma source(%dma_start3A_130 : memref<7168xi32, #tpu.memory_space<hbm>>) target(%arg16 : memref<7168xi32, #tpu.memory_space<vmem>>) target_semaphore(%run_scoped3A_128 : memref<!tpu.dma_semaphore, #tpu.memory_space<semaphore_mem>>)
      %dma_wait3A_131 = tpu.memref_slice %arg6[%mul3A_36] : memref<28672xi32, #tpu.memory_space<hbm>> -> memref<7168xi32, #tpu.memory_space<hbm>>
      %dma_wait3A_132 = tpu.memref_slice %arg6[%mul3A_36] : memref<28672xi32, #tpu.memory_space<hbm>> -> memref<7168xi32, #tpu.memory_space<hbm>>
      tpu.wait_dma2 semaphore(%run_scoped3A_128 : memref<!tpu.dma_semaphore, #tpu.memory_space<semaphore_mem>>) src(%dma_wait3A_132 : memref<7168xi32, #tpu.memory_space<hbm>>) dst(%arg16 : memref<7168xi32, #tpu.memory_space<vmem>>)
      tpu.yield
    }) : () -> ()
    "tpu.region"() ({
      %run_scoped3A_128 = tpu.sem_alloc : memref<!tpu.dma_semaphore, #tpu.memory_space<semaphore_mem>>
      %dma_start3A_129 = tpu.memref_slice %arg7[%mul3A_36] : memref<28672xf32, #tpu.memory_space<hbm>> -> memref<7168xf32, #tpu.memory_space<hbm>>
      %dma_start3A_130 = tpu.memref_slice %arg7[%mul3A_36] : memref<28672xf32, #tpu.memory_space<hbm>> -> memref<7168xf32, #tpu.memory_space<hbm>>
      tpu.enqueue_dma source(%dma_start3A_130 : memref<7168xf32, #tpu.memory_space<hbm>>) target(%arg17 : memref<7168xf32, #tpu.memory_space<vmem>>) target_semaphore(%run_scoped3A_128 : memref<!tpu.dma_semaphore, #tpu.memory_space<semaphore_mem>>)
      %dma_wait3A_131 = tpu.memref_slice %arg7[%mul3A_36] : memref<28672xf32, #tpu.memory_space<hbm>> -> memref<7168xf32, #tpu.memory_space<hbm>>
      %dma_wait3A_132 = tpu.memref_slice %arg7[%mul3A_36] : memref<28672xf32, #tpu.memory_space<hbm>> -> memref<7168xf32, #tpu.memory_space<hbm>>
      tpu.wait_dma2 semaphore(%run_scoped3A_128 : memref<!tpu.dma_semaphore, #tpu.memory_space<semaphore_mem>>) src(%dma_wait3A_132 : memref<7168xf32, #tpu.memory_space<hbm>>) dst(%arg17 : memref<7168xf32, #tpu.memory_space<vmem>>)
      tpu.yield
    }) : () -> ()
    "tpu.region"() ({
      %run_scoped3A_128 = tpu.sem_alloc : memref<!tpu.dma_semaphore, #tpu.memory_space<semaphore_mem>>
      %dma_start3A_129 = tpu.memref_slice %arg8[%mul3A_36] : memref<28672xf32, #tpu.memory_space<hbm>> -> memref<7168xf32, #tpu.memory_space<hbm>>
      %dma_start3A_130 = tpu.memref_slice %arg8[%mul3A_36] : memref<28672xf32, #tpu.memory_space<hbm>> -> memref<7168xf32, #tpu.memory_space<hbm>>
      tpu.enqueue_dma source(%dma_start3A_130 : memref<7168xf32, #tpu.memory_space<hbm>>) target(%arg18 : memref<7168xf32, #tpu.memory_space<vmem>>) target_semaphore(%run_scoped3A_128 : memref<!tpu.dma_semaphore, #tpu.memory_space<semaphore_mem>>)
      %dma_wait3A_131 = tpu.memref_slice %arg8[%mul3A_36] : memref<28672xf32, #tpu.memory_space<hbm>> -> memref<7168xf32, #tpu.memory_space<hbm>>
      %dma_wait3A_132 = tpu.memref_slice %arg8[%mul3A_36] : memref<28672xf32, #tpu.memory_space<hbm>> -> memref<7168xf32, #tpu.memory_space<hbm>>
      tpu.wait_dma2 semaphore(%run_scoped3A_128 : memref<!tpu.dma_semaphore, #tpu.memory_space<semaphore_mem>>) src(%dma_wait3A_132 : memref<7168xf32, #tpu.memory_space<hbm>>) dst(%arg18 : memref<7168xf32, #tpu.memory_space<vmem>>)
      tpu.yield
    }) : () -> ()
    %mul3A_37 = arith.constant 16 : i32
    %mul3A_38 = arith.muli %mul3A_34, %mul3A_37 : i32
    "tpu.region"() ({
      %run_scoped3A_128 = tpu.sem_alloc : memref<!tpu.dma_semaphore, #tpu.memory_space<semaphore_mem>>
      %dma_start3A_129 = tpu.memref_slice %arg9[%mul3A_38] : memref<2048xi32, #tpu.memory_space<hbm>> -> memref<512xi32, #tpu.memory_space<hbm>>
      %dma_start3A_130 = tpu.memref_slice %arg9[%mul3A_38] : memref<2048xi32, #tpu.memory_space<hbm>> -> memref<512xi32, #tpu.memory_space<hbm>>
      tpu.enqueue_dma source(%dma_start3A_130 : memref<512xi32, #tpu.memory_space<hbm>>) target(%arg19 : memref<512xi32, #tpu.memory_space<vmem>>) target_semaphore(%run_scoped3A_128 : memref<!tpu.dma_semaphore, #tpu.memory_space<semaphore_mem>>)
      %dma_wait3A_131 = tpu.memref_slice %arg9[%mul3A_38] : memref<2048xi32, #tpu.memory_space<hbm>> -> memref<512xi32, #tpu.memory_space<hbm>>
      %dma_wait3A_132 = tpu.memref_slice %arg9[%mul3A_38] : memref<2048xi32, #tpu.memory_space<hbm>> -> memref<512xi32, #tpu.memory_space<hbm>>
      tpu.wait_dma2 semaphore(%run_scoped3A_128 : memref<!tpu.dma_semaphore, #tpu.memory_space<semaphore_mem>>) src(%dma_wait3A_132 : memref<512xi32, #tpu.memory_space<hbm>>) dst(%arg19 : memref<512xi32, #tpu.memory_space<vmem>>)
      tpu.yield
    }) : () -> ()
    %mul3A_39 = arith.constant 16 : i32
    %mul3A_40 = arith.muli %mul3A_34, %mul3A_39 : i32
    "tpu.region"() ({
      %run_scoped3A_128 = tpu.sem_alloc : memref<!tpu.dma_semaphore, #tpu.memory_space<semaphore_mem>>
      %dma_start3A_129 = tpu.memref_slice %arg10[%mul3A_40] : memref<2048xf32, #tpu.memory_space<hbm>> -> memref<512xf32, #tpu.memory_space<hbm>>
      %dma_start3A_130 = tpu.memref_slice %arg10[%mul3A_40] : memref<2048xf32, #tpu.memory_space<hbm>> -> memref<512xf32, #tpu.memory_space<hbm>>
      tpu.enqueue_dma source(%dma_start3A_130 : memref<512xf32, #tpu.memory_space<hbm>>) target(%arg20 : memref<512xf32, #tpu.memory_space<vmem>>) target_semaphore(%run_scoped3A_128 : memref<!tpu.dma_semaphore, #tpu.memory_space<semaphore_mem>>)
      %dma_wait3A_131 = tpu.memref_slice %arg10[%mul3A_40] : memref<2048xf32, #tpu.memory_space<hbm>> -> memref<512xf32, #tpu.memory_space<hbm>>
      %dma_wait3A_132 = tpu.memref_slice %arg10[%mul3A_40] : memref<2048xf32, #tpu.memory_space<hbm>> -> memref<512xf32, #tpu.memory_space<hbm>>
      tpu.wait_dma2 semaphore(%run_scoped3A_128 : memref<!tpu.dma_semaphore, #tpu.memory_space<semaphore_mem>>) src(%dma_wait3A_132 : memref<512xf32, #tpu.memory_space<hbm>>) dst(%arg20 : memref<512xf32, #tpu.memory_space<vmem>>)
      tpu.yield
    }) : () -> ()
    "tpu.region"() ({
      %run_scoped3A_128 = tpu.sem_alloc : memref<!tpu.dma_semaphore, #tpu.memory_space<semaphore_mem>>
      tpu.enqueue_dma source(%arg11 : memref<18816xf32, #tpu.memory_space<hbm>>) target(%arg22 : memref<18816xf32, #tpu.memory_space<vmem>>) target_semaphore(%run_scoped3A_128 : memref<!tpu.dma_semaphore, #tpu.memory_space<semaphore_mem>>)
      tpu.wait_dma2 semaphore(%run_scoped3A_128 : memref<!tpu.dma_semaphore, #tpu.memory_space<semaphore_mem>>) src(%arg11 : memref<18816xf32, #tpu.memory_space<hbm>>) dst(%arg22 : memref<18816xf32, #tpu.memory_space<vmem>>)
      tpu.yield
    }) : () -> ()
    "tpu.region"() ({
      %run_scoped3A_128 = tpu.sem_alloc : memref<!tpu.dma_semaphore, #tpu.memory_space<semaphore_mem>>
      tpu.enqueue_dma source(%arg11 : memref<18816xf32, #tpu.memory_space<hbm>>) target(%arg23 : memref<18816xf32, #tpu.memory_space<vmem>>) target_semaphore(%run_scoped3A_128 : memref<!tpu.dma_semaphore, #tpu.memory_space<semaphore_mem>>)
      tpu.wait_dma2 semaphore(%run_scoped3A_128 : memref<!tpu.dma_semaphore, #tpu.memory_space<semaphore_mem>>) src(%arg11 : memref<18816xf32, #tpu.memory_space<hbm>>) dst(%arg23 : memref<18816xf32, #tpu.memory_space<vmem>>)
      tpu.yield
    }) : () -> ()
    %add3A_41 = arith.constant 0 : i32
    %add3A_42 = arith.addi %mul3A_34, %add3A_41 : i32
    %mul3A_43 = arith.constant 12288 : i32
    %mul3A_44 = arith.muli %add3A_42, %mul3A_43 : i32
    %dma_start3A = arith.constant 0 : i32
    %dma_start3A_45 = tpu.memref_slice %arg21[%dma_start3A] : memref<24576xf32, #tpu.memory_space<vmem>> -> memref<12288xf32, #tpu.memory_space<vmem>>
    %dma_start3A_46 = tpu.memref_slice %arg2[%mul3A_44] : memref<1572864xf32, #tpu.memory_space<hbm>> -> memref<12288xf32, #tpu.memory_space<hbm>>
    %dma_start3A_47 = arith.constant 0 : i32
    %dma_start3A_48 = tpu.memref_slice %arg21[%dma_start3A_47] : memref<24576xf32, #tpu.memory_space<vmem>> -> memref<12288xf32, #tpu.memory_space<vmem>>
    %dma_start3A_49 = tpu.memref_slice %arg2[%mul3A_44] : memref<1572864xf32, #tpu.memory_space<hbm>> -> memref<12288xf32, #tpu.memory_space<hbm>>
    tpu.enqueue_dma source(%dma_start3A_49 : memref<12288xf32, #tpu.memory_space<hbm>>) target(%dma_start3A_48 : memref<12288xf32, #tpu.memory_space<vmem>>) target_semaphore(%arg24 : memref<!tpu.dma_semaphore, #tpu.memory_space<semaphore_mem>>)
    %add3A_50 = arith.constant 1 : i32
    %add3A_51 = arith.addi %mul3A_34, %add3A_50 : i32
    %mul3A_52 = arith.constant 12288 : i32
    %mul3A_53 = arith.muli %add3A_51, %mul3A_52 : i32
    %dma_start3A_54 = arith.constant 12288 : i32
    %dma_start3A_55 = tpu.memref_slice %arg21[%dma_start3A_54] : memref<24576xf32, #tpu.memory_space<vmem>> -> memref<12288xf32, #tpu.memory_space<vmem>>
    %dma_start3A_56 = tpu.memref_slice %arg2[%mul3A_53] : memref<1572864xf32, #tpu.memory_space<hbm>> -> memref<12288xf32, #tpu.memory_space<hbm>>
    %dma_start3A_57 = arith.constant 12288 : i32
    %dma_start3A_58 = tpu.memref_slice %arg21[%dma_start3A_57] : memref<24576xf32, #tpu.memory_space<vmem>> -> memref<12288xf32, #tpu.memory_space<vmem>>
    %dma_start3A_59 = tpu.memref_slice %arg2[%mul3A_53] : memref<1572864xf32, #tpu.memory_space<hbm>> -> memref<12288xf32, #tpu.memory_space<hbm>>
    tpu.enqueue_dma source(%dma_start3A_59 : memref<12288xf32, #tpu.memory_space<hbm>>) target(%dma_start3A_58 : memref<12288xf32, #tpu.memory_space<vmem>>) target_semaphore(%arg25 : memref<!tpu.dma_semaphore, #tpu.memory_space<semaphore_mem>>)
    %scan3A = arith.constant 0 : i32
    %scan3A_60 = arith.constant 0 : i32
    %scan3A_61 = arith.constant 15 : i32
    %scan3A_62 = arith.addi %scan3A_60, %scan3A_61 : i32
    %scan3A_63 = arith.constant 1 : i32
    %scan3A_64 = scf.for %scan3A_128 = %scan3A_60 to %scan3A_62 step %scan3A_63 iter_args(%scan3A_129 = %scan3A) -> (i32)  : i32 {
      %mul3A_130 = arith.constant 2 : i32
      %mul3A_131 = arith.muli %scan3A_128, %mul3A_130 : i32
      %dma_wait3A_132 = arith.constant 0 : i32
      %dma_wait3A_133 = tpu.memref_slice %arg21[%dma_wait3A_132] : memref<24576xf32, #tpu.memory_space<vmem>> -> memref<12288xf32, #tpu.memory_space<vmem>>
      %dma_wait3A_134 = arith.constant 0 : i32
      %dma_wait3A_135 = tpu.memref_slice %arg2[%dma_wait3A_134] : memref<1572864xf32, #tpu.memory_space<hbm>> -> memref<12288xf32, #tpu.memory_space<hbm>>
      %dma_wait3A_136 = arith.constant 0 : i32
      %dma_wait3A_137 = tpu.memref_slice %arg21[%dma_wait3A_136] : memref<24576xf32, #tpu.memory_space<vmem>> -> memref<12288xf32, #tpu.memory_space<vmem>>
      %dma_wait3A_138 = arith.constant 0 : i32
      %dma_wait3A_139 = tpu.memref_slice %arg2[%dma_wait3A_138] : memref<1572864xf32, #tpu.memory_space<hbm>> -> memref<12288xf32, #tpu.memory_space<hbm>>
      tpu.wait_dma2 semaphore(%arg24 : memref<!tpu.dma_semaphore, #tpu.memory_space<semaphore_mem>>) src(%dma_wait3A_139 : memref<12288xf32, #tpu.memory_space<hbm>>) dst(%dma_wait3A_137 : memref<12288xf32, #tpu.memory_space<vmem>>)
      %mul3A_140 = arith.constant 16 : i32
      %mul3A_141 = arith.muli %mul3A_131, %mul3A_140 : i32
      %get3A_142 = arith.index_cast %mul3A_141 : i32 to index
      %get3A_143 = tpu.vector_load %arg19[%get3A_142] {strides = array<i32>} : memref<512xi32, #tpu.memory_space<vmem>>, vector<16xi32>,
      %slice3A_144 = vector.extract_strided_slice %get3A_143 {offsets = [0], sizes = [1], strides = [1]} : vector<16xi32> to vector<1xi32>
      %squeeze3A_145 = vector.extract %slice3A_144[0] : i32 from vector<1xi32>
      %max3A_146 = arith.maxsi %squeeze3A_145, %mul3A_32 : i32
      %slice3A_147 = vector.extract_strided_slice %get3A_143 {offsets = [1], sizes = [1], strides = [1]} : vector<16xi32> to vector<1xi32>
      %squeeze3A_148 = vector.extract %slice3A_147[0] : i32 from vector<1xi32>
      %add3A_149 = arith.constant 28 : i32
      %add3A_150 = arith.addi %mul3A_32, %add3A_149 : i32
      %min3A_151 = arith.minsi %squeeze3A_148, %add3A_150 : i32
      %slice3A_152 = vector.extract_strided_slice %get3A_143 {offsets = [2], sizes = [1], strides = [1]} : vector<16xi32> to vector<1xi32>
      %squeeze3A_153 = vector.extract %slice3A_152[0] : i32 from vector<1xi32>
      %slice3A_154 = vector.extract_strided_slice %get3A_143 {offsets = [3], sizes = [1], strides = [1]} : vector<16xi32> to vector<1xi32>
      %squeeze3A_155 = vector.extract %slice3A_154[0] : i32 from vector<1xi32>
      %mul3A_156 = arith.constant 16 : i32
      %mul3A_157 = arith.muli %mul3A_131, %mul3A_156 : i32
      %get3A_158 = arith.index_cast %mul3A_157 : i32 to index
      %get3A_159 = tpu.vector_load %arg20[%get3A_158] {strides = array<i32>} : memref<512xf32, #tpu.memory_space<vmem>>, vector<16xf32>,
      %slice3A_160 = vector.extract_strided_slice %get3A_159 {offsets = [0], sizes = [1], strides = [1]} : vector<16xf32> to vector<1xf32>
      %squeeze3A_161 = vector.extract %slice3A_160[0] : f32 from vector<1xf32>
      %mul3A_162 = arith.constant 224 : i32
      %mul3A_163 = arith.muli %mul3A_131, %mul3A_162 : i32
      %lt3A_164 = arith.cmpi slt, %max3A_146, %min3A_151 : i32
      %ne3A_165 = arith.constant 0.000000e+00 : f32
      %ne3A_166 = arith.cmpf one, %squeeze3A_161, %ne3A_165 : f32
      %and3A_167 = arith.andi %lt3A_164, %ne3A_166 : i1
      %convert_element_type3A_168 = arith.extui %and3A_167 : i1 to i32
      %cond3A_169 = arith.constant 0 : i32
      %cond3A_170 = arith.cmpi ne, %convert_element_type3A_168, %cond3A_169 : i32
      scf.if %cond3A_170 {
        %parallel_loop3A_227 = arith.constant 1 : i32
        scf.for %parallel_loop3A_228 = %max3A_146 to %min3A_151 step %parallel_loop3A_227  : i32 {
          %parallel_loop3A_229 = arith.addi %mul3A_163, %parallel_loop3A_228 : i32
          %parallel_loop3A_230 = vector.broadcast %parallel_loop3A_229 : i32 to vector<16xi32>
          %parallel_loop3A_231 = tpu.vector_load_idx %arg16[%parallel_loop3A_230] : memref<7168xi32, #tpu.memory_space<vmem>>[vector<16xi32>], vector<16xi32>,
          %parallel_loop3A_232 = arith.constant 0 : i32
          %parallel_loop3A_233 = vector.broadcast %parallel_loop3A_232 : i32 to vector<16xi32>
          %parallel_loop3A_234 = arith.maxsi %parallel_loop3A_231, %parallel_loop3A_233 : vector<16xi32>
          %parallel_loop3A_235 = arith.constant 64 : i32
          %parallel_loop3A_236 = vector.broadcast %parallel_loop3A_235 : i32 to vector<16xi32>
          %parallel_loop3A_237 = arith.addi %parallel_loop3A_231, %parallel_loop3A_236 : vector<16xi32>
          %parallel_loop3A_238 = arith.constant 4032 : i32
          %parallel_loop3A_239 = vector.broadcast %parallel_loop3A_238 : i32 to vector<16xi32>
          %parallel_loop3A_240 = arith.minsi %parallel_loop3A_237, %parallel_loop3A_239 : vector<16xi32>
          %parallel_loop3A_241 = tpu.vector_load_idx %arg17[%parallel_loop3A_230] : memref<7168xf32, #tpu.memory_space<vmem>>[vector<16xi32>], vector<16xf32>,
          %parallel_loop3A_242 = vector.broadcast %squeeze3A_161 : f32 to vector<16xf32>
          %parallel_loop3A_243 = arith.mulf %parallel_loop3A_241, %parallel_loop3A_242 : vector<16xf32>
          %parallel_loop3A_244 = tpu.vector_load_idx %arg18[%parallel_loop3A_230] : memref<7168xf32, #tpu.memory_space<vmem>>[vector<16xi32>], vector<16xf32>,
          %parallel_loop3A_245 = vector.broadcast %squeeze3A_161 : f32 to vector<16xf32>
          %parallel_loop3A_246 = arith.mulf %parallel_loop3A_244, %parallel_loop3A_245 : vector<16xf32>
          %parallel_loop3A_247 = arith.subi %parallel_loop3A_228, %mul3A_32 : i32
          %parallel_loop3A_248 = arith.constant 224 : i32
          %parallel_loop3A_249 = arith.muli %parallel_loop3A_247, %parallel_loop3A_248 : i32
          %parallel_loop3A_250 = arith.constant 1 : i32
          scf.for %parallel_loop3A_251 = %squeeze3A_153 to %squeeze3A_155 step %parallel_loop3A_250  : i32 {
            %parallel_loop3A_252 = arith.constant 16 : i32
            %parallel_loop3A_253 = arith.muli %parallel_loop3A_251, %parallel_loop3A_252 : i32
            %parallel_loop3A_254 = arith.addi %mul3A_163, %parallel_loop3A_253 : i32
            %parallel_loop3A_255 = arith.index_cast %parallel_loop3A_254 : i32 to index
            %parallel_loop3A_256 = tpu.vector_load %arg13[%parallel_loop3A_255] {strides = array<i32>} : memref<7168xi32, #tpu.memory_space<vmem>>, vector<16xi32>,
            %parallel_loop3A_257 = arith.constant 0 : i32
            %parallel_loop3A_258 = vector.broadcast %parallel_loop3A_257 : i32 to vector<16xi32>
            %parallel_loop3A_259 = arith.maxsi %parallel_loop3A_256, %parallel_loop3A_258 : vector<16xi32>
            %parallel_loop3A_260 = arith.constant 1 : i32
            %parallel_loop3A_261 = vector.broadcast %parallel_loop3A_260 : i32 to vector<16xi32>
            %parallel_loop3A_262 = arith.addi %parallel_loop3A_256, %parallel_loop3A_261 : vector<16xi32>
            %parallel_loop3A_263 = arith.constant 63 : i32
            %parallel_loop3A_264 = vector.broadcast %parallel_loop3A_263 : i32 to vector<16xi32>
            %parallel_loop3A_265 = arith.minsi %parallel_loop3A_262, %parallel_loop3A_264 : vector<16xi32>
            %parallel_loop3A_266 = arith.addi %mul3A_163, %parallel_loop3A_253 : i32
            %parallel_loop3A_267 = arith.index_cast %parallel_loop3A_266 : i32 to index
            %parallel_loop3A_268 = tpu.vector_load %arg14[%parallel_loop3A_267] {strides = array<i32>} : memref<7168xf32, #tpu.memory_space<vmem>>, vector<16xf32>,
            %parallel_loop3A_269 = arith.addi %mul3A_163, %parallel_loop3A_253 : i32
            %parallel_loop3A_270 = arith.index_cast %parallel_loop3A_269 : i32 to index
            %parallel_loop3A_271 = tpu.vector_load %arg15[%parallel_loop3A_270] {strides = array<i32>} : memref<7168xf32, #tpu.memory_space<vmem>>, vector<16xf32>,
            %parallel_loop3A_272 = arith.addi %parallel_loop3A_234, %parallel_loop3A_259 : vector<16xi32>
            %parallel_loop3A_273 = arith.constant 0 : i32
            %parallel_loop3A_274 = vector.broadcast %parallel_loop3A_273 : i32 to vector<16xi32>
            %parallel_loop3A_275 = arith.addi %parallel_loop3A_272, %parallel_loop3A_274 : vector<16xi32>
            %parallel_loop3A_276 = tpu.vector_load_idx %arg21[%parallel_loop3A_275] : memref<24576xf32, #tpu.memory_space<vmem>>[vector<16xi32>], vector<16xf32>,
            %parallel_loop3A_277 = arith.addi %parallel_loop3A_234, %parallel_loop3A_265 : vector<16xi32>
            %parallel_loop3A_278 = arith.constant 0 : i32
            %parallel_loop3A_279 = vector.broadcast %parallel_loop3A_278 : i32 to vector<16xi32>
            %parallel_loop3A_280 = arith.addi %parallel_loop3A_277, %parallel_loop3A_279 : vector<16xi32>
            %parallel_loop3A_281 = tpu.vector_load_idx %arg21[%parallel_loop3A_280] : memref<24576xf32, #tpu.memory_space<vmem>>[vector<16xi32>], vector<16xf32>,
            %parallel_loop3A_282 = arith.addi %parallel_loop3A_240, %parallel_loop3A_259 : vector<16xi32>
            %parallel_loop3A_283 = arith.constant 0 : i32
            %parallel_loop3A_284 = vector.broadcast %parallel_loop3A_283 : i32 to vector<16xi32>
            %parallel_loop3A_285 = arith.addi %parallel_loop3A_282, %parallel_loop3A_284 : vector<16xi32>
            %parallel_loop3A_286 = tpu.vector_load_idx %arg21[%parallel_loop3A_285] : memref<24576xf32, #tpu.memory_space<vmem>>[vector<16xi32>], vector<16xf32>,
            %parallel_loop3A_287 = arith.addi %parallel_loop3A_240, %parallel_loop3A_265 : vector<16xi32>
            %parallel_loop3A_288 = arith.constant 0 : i32
            %parallel_loop3A_289 = vector.broadcast %parallel_loop3A_288 : i32 to vector<16xi32>
            %parallel_loop3A_290 = arith.addi %parallel_loop3A_287, %parallel_loop3A_289 : vector<16xi32>
            %parallel_loop3A_291 = tpu.vector_load_idx %arg21[%parallel_loop3A_290] : memref<24576xf32, #tpu.memory_space<vmem>>[vector<16xi32>], vector<16xf32>,
            %parallel_loop3A_292 = arith.mulf %parallel_loop3A_268, %parallel_loop3A_276 : vector<16xf32>
            %parallel_loop3A_293 = arith.mulf %parallel_loop3A_271, %parallel_loop3A_281 : vector<16xf32>
            %parallel_loop3A_294 = arith.addf %parallel_loop3A_292, %parallel_loop3A_293 : vector<16xf32>
            %parallel_loop3A_295 = arith.mulf %parallel_loop3A_243, %parallel_loop3A_294 : vector<16xf32>
            %parallel_loop3A_296 = arith.mulf %parallel_loop3A_268, %parallel_loop3A_286 : vector<16xf32>
            %parallel_loop3A_297 = arith.mulf %parallel_loop3A_271, %parallel_loop3A_291 : vector<16xf32>
            %parallel_loop3A_298 = arith.addf %parallel_loop3A_296, %parallel_loop3A_297 : vector<16xf32>
            %parallel_loop3A_299 = arith.mulf %parallel_loop3A_246, %parallel_loop3A_298 : vector<16xf32>
            %parallel_loop3A_300 = arith.addf %parallel_loop3A_295, %parallel_loop3A_299 : vector<16xf32>
            %parallel_loop3A_301 = arith.constant 0 : i32
            %parallel_loop3A_302 = arith.addi %parallel_loop3A_301, %parallel_loop3A_249 : i32
            %parallel_loop3A_303 = arith.addi %parallel_loop3A_302, %parallel_loop3A_253 : i32
            %parallel_loop3A_304 = arith.index_cast %parallel_loop3A_303 : i32 to index
            %parallel_loop3A_305 = tpu.vector_load %arg22[%parallel_loop3A_304] {strides = array<i32>} : memref<18816xf32, #tpu.memory_space<vmem>>, vector<16xf32>,
            %parallel_loop3A_306 = arith.addf %parallel_loop3A_305, %parallel_loop3A_300 : vector<16xf32>
            %parallel_loop3A_307 = arith.index_cast %parallel_loop3A_303 : i32 to index
            %parallel_loop3A_308 = tpu.vector_load %arg22[%parallel_loop3A_307] {strides = array<i32>} : memref<18816xf32, #tpu.memory_space<vmem>>, vector<16xf32>,
            tpu.vector_store %arg22[%parallel_loop3A_307], %parallel_loop3A_306 {strides = array<i32>} : memref<18816xf32, #tpu.memory_space<vmem>>, vector<16xf32>,
            %parallel_loop3A_309 = arith.addi %parallel_loop3A_234, %parallel_loop3A_259 : vector<16xi32>
            %parallel_loop3A_310 = arith.constant 4096 : i32
            %parallel_loop3A_311 = vector.broadcast %parallel_loop3A_310 : i32 to vector<16xi32>
            %parallel_loop3A_312 = arith.addi %parallel_loop3A_309, %parallel_loop3A_311 : vector<16xi32>
            %parallel_loop3A_313 = tpu.vector_load_idx %arg21[%parallel_loop3A_312] : memref<24576xf32, #tpu.memory_space<vmem>>[vector<16xi32>], vector<16xf32>,
            %parallel_loop3A_314 = arith.addi %parallel_loop3A_234, %parallel_loop3A_265 : vector<16xi32>
            %parallel_loop3A_315 = arith.constant 4096 : i32
            %parallel_loop3A_316 = vector.broadcast %parallel_loop3A_315 : i32 to vector<16xi32>
            %parallel_loop3A_317 = arith.addi %parallel_loop3A_314, %parallel_loop3A_316 : vector<16xi32>
            %parallel_loop3A_318 = tpu.vector_load_idx %arg21[%parallel_loop3A_317] : memref<24576xf32, #tpu.memory_space<vmem>>[vector<16xi32>], vector<16xf32>,
            %parallel_loop3A_319 = arith.addi %parallel_loop3A_240, %parallel_loop3A_259 : vector<16xi32>
            %parallel_loop3A_320 = arith.constant 4096 : i32
            %parallel_loop3A_321 = vector.broadcast %parallel_loop3A_320 : i32 to vector<16xi32>
            %parallel_loop3A_322 = arith.addi %parallel_loop3A_319, %parallel_loop3A_321 : vector<16xi32>
            %parallel_loop3A_323 = tpu.vector_load_idx %arg21[%parallel_loop3A_322] : memref<24576xf32, #tpu.memory_space<vmem>>[vector<16xi32>], vector<16xf32>,
            %parallel_loop3A_324 = arith.addi %parallel_loop3A_240, %parallel_loop3A_265 : vector<16xi32>
            %parallel_loop3A_325 = arith.constant 4096 : i32
            %parallel_loop3A_326 = vector.broadcast %parallel_loop3A_325 : i32 to vector<16xi32>
            %parallel_loop3A_327 = arith.addi %parallel_loop3A_324, %parallel_loop3A_326 : vector<16xi32>
            %parallel_loop3A_328 = tpu.vector_load_idx %arg21[%parallel_loop3A_327] : memref<24576xf32, #tpu.memory_space<vmem>>[vector<16xi32>], vector<16xf32>,
            %parallel_loop3A_329 = arith.mulf %parallel_loop3A_268, %parallel_loop3A_313 : vector<16xf32>
            %parallel_loop3A_330 = arith.mulf %parallel_loop3A_271, %parallel_loop3A_318 : vector<16xf32>
            %parallel_loop3A_331 = arith.addf %parallel_loop3A_329, %parallel_loop3A_330 : vector<16xf32>
            %parallel_loop3A_332 = arith.mulf %parallel_loop3A_243, %parallel_loop3A_331 : vector<16xf32>
            %parallel_loop3A_333 = arith.mulf %parallel_loop3A_268, %parallel_loop3A_323 : vector<16xf32>
            %parallel_loop3A_334 = arith.mulf %parallel_loop3A_271, %parallel_loop3A_328 : vector<16xf32>
            %parallel_loop3A_335 = arith.addf %parallel_loop3A_333, %parallel_loop3A_334 : vector<16xf32>
            %parallel_loop3A_336 = arith.mulf %parallel_loop3A_246, %parallel_loop3A_335 : vector<16xf32>
            %parallel_loop3A_337 = arith.addf %parallel_loop3A_332, %parallel_loop3A_336 : vector<16xf32>
            %parallel_loop3A_338 = arith.constant 6272 : i32
            %parallel_loop3A_339 = arith.addi %parallel_loop3A_338, %parallel_loop3A_249 : i32
            %parallel_loop3A_340 = arith.addi %parallel_loop3A_339, %parallel_loop3A_253 : i32
            %parallel_loop3A_341 = arith.index_cast %parallel_loop3A_340 : i32 to index
            %parallel_loop3A_342 = tpu.vector_load %arg22[%parallel_loop3A_341] {strides = array<i32>} : memref<18816xf32, #tpu.memory_space<vmem>>, vector<16xf32>,
            %parallel_loop3A_343 = arith.addf %parallel_loop3A_342, %parallel_loop3A_337 : vector<16xf32>
            %parallel_loop3A_344 = arith.index_cast %parallel_loop3A_340 : i32 to index
            %parallel_loop3A_345 = tpu.vector_load %arg22[%parallel_loop3A_344] {strides = array<i32>} : memref<18816xf32, #tpu.memory_space<vmem>>, vector<16xf32>,
            tpu.vector_store %arg22[%parallel_loop3A_344], %parallel_loop3A_343 {strides = array<i32>} : memref<18816xf32, #tpu.memory_space<vmem>>, vector<16xf32>,
            %parallel_loop3A_346 = arith.addi %parallel_loop3A_234, %parallel_loop3A_259 : vector<16xi32>
            %parallel_loop3A_347 = arith.constant 8192 : i32
            %parallel_loop3A_348 = vector.broadcast %parallel_loop3A_347 : i32 to vector<16xi32>
            %parallel_loop3A_349 = arith.addi %parallel_loop3A_346, %parallel_loop3A_348 : vector<16xi32>
            %parallel_loop3A_350 = tpu.vector_load_idx %arg21[%parallel_loop3A_349] : memref<24576xf32, #tpu.memory_space<vmem>>[vector<16xi32>], vector<16xf32>,
            %parallel_loop3A_351 = arith.addi %parallel_loop3A_234, %parallel_loop3A_265 : vector<16xi32>
            %parallel_loop3A_352 = arith.constant 8192 : i32
            %parallel_loop3A_353 = vector.broadcast %parallel_loop3A_352 : i32 to vector<16xi32>
            %parallel_loop3A_354 = arith.addi %parallel_loop3A_351, %parallel_loop3A_353 : vector<16xi32>
            %parallel_loop3A_355 = tpu.vector_load_idx %arg21[%parallel_loop3A_354] : memref<24576xf32, #tpu.memory_space<vmem>>[vector<16xi32>], vector<16xf32>,
            %parallel_loop3A_356 = arith.addi %parallel_loop3A_240, %parallel_loop3A_259 : vector<16xi32>
            %parallel_loop3A_357 = arith.constant 8192 : i32
            %parallel_loop3A_358 = vector.broadcast %parallel_loop3A_357 : i32 to vector<16xi32>
            %parallel_loop3A_359 = arith.addi %parallel_loop3A_356, %parallel_loop3A_358 : vector<16xi32>
            %parallel_loop3A_360 = tpu.vector_load_idx %arg21[%parallel_loop3A_359] : memref<24576xf32, #tpu.memory_space<vmem>>[vector<16xi32>], vector<16xf32>,
            %parallel_loop3A_361 = arith.addi %parallel_loop3A_240, %parallel_loop3A_265 : vector<16xi32>
            %parallel_loop3A_362 = arith.constant 8192 : i32
            %parallel_loop3A_363 = vector.broadcast %parallel_loop3A_362 : i32 to vector<16xi32>
            %parallel_loop3A_364 = arith.addi %parallel_loop3A_361, %parallel_loop3A_363 : vector<16xi32>
            %parallel_loop3A_365 = tpu.vector_load_idx %arg21[%parallel_loop3A_364] : memref<24576xf32, #tpu.memory_space<vmem>>[vector<16xi32>], vector<16xf32>,
            %parallel_loop3A_366 = arith.mulf %parallel_loop3A_268, %parallel_loop3A_350 : vector<16xf32>
            %parallel_loop3A_367 = arith.mulf %parallel_loop3A_271, %parallel_loop3A_355 : vector<16xf32>
            %parallel_loop3A_368 = arith.addf %parallel_loop3A_366, %parallel_loop3A_367 : vector<16xf32>
            %parallel_loop3A_369 = arith.mulf %parallel_loop3A_243, %parallel_loop3A_368 : vector<16xf32>
            %parallel_loop3A_370 = arith.mulf %parallel_loop3A_268, %parallel_loop3A_360 : vector<16xf32>
            %parallel_loop3A_371 = arith.mulf %parallel_loop3A_271, %parallel_loop3A_365 : vector<16xf32>
            %parallel_loop3A_372 = arith.addf %parallel_loop3A_370, %parallel_loop3A_371 : vector<16xf32>
            %parallel_loop3A_373 = arith.mulf %parallel_loop3A_246, %parallel_loop3A_372 : vector<16xf32>
            %parallel_loop3A_374 = arith.addf %parallel_loop3A_369, %parallel_loop3A_373 : vector<16xf32>
            %parallel_loop3A_375 = arith.constant 12544 : i32
            %parallel_loop3A_376 = arith.addi %parallel_loop3A_375, %parallel_loop3A_249 : i32
            %parallel_loop3A_377 = arith.addi %parallel_loop3A_376, %parallel_loop3A_253 : i32
            %parallel_loop3A_378 = arith.index_cast %parallel_loop3A_377 : i32 to index
            %parallel_loop3A_379 = tpu.vector_load %arg22[%parallel_loop3A_378] {strides = array<i32>} : memref<18816xf32, #tpu.memory_space<vmem>>, vector<16xf32>,
            %parallel_loop3A_380 = arith.addf %parallel_loop3A_379, %parallel_loop3A_374 : vector<16xf32>
            %parallel_loop3A_381 = arith.index_cast %parallel_loop3A_377 : i32 to index
            %parallel_loop3A_382 = tpu.vector_load %arg22[%parallel_loop3A_381] {strides = array<i32>} : memref<18816xf32, #tpu.memory_space<vmem>>, vector<16xf32>,
            tpu.vector_store %arg22[%parallel_loop3A_381], %parallel_loop3A_380 {strides = array<i32>} : memref<18816xf32, #tpu.memory_space<vmem>>, vector<16xf32>,
          } {sc.loop_unroll_factor = 4 : i64, sc.parallel_access}
        } {sc.loop_unroll_factor = 1 : i64, sc.parallel_access}
      } else {
      }
      %add3A_171 = arith.constant 2 : i32
      %add3A_172 = arith.addi %mul3A_131, %add3A_171 : i32
      %lt3A_173 = arith.constant 32 : i32
      %lt3A_174 = arith.cmpi slt, %add3A_172, %lt3A_173 : i32
      %convert_element_type3A_175 = arith.extui %lt3A_174 : i1 to i32
      %cond3A_176 = arith.constant 0 : i32
      %cond3A_177 = arith.cmpi ne, %convert_element_type3A_175, %cond3A_176 : i32
      scf.if %cond3A_177 {
        %add3A_227 = arith.constant 2 : i32
        %add3A_228 = arith.addi %mul3A_131, %add3A_227 : i32
        %add3A_229 = arith.addi %mul3A_34, %add3A_228 : i32
        %mul3A_230 = arith.constant 12288 : i32
        %mul3A_231 = arith.muli %add3A_229, %mul3A_230 : i32
        %dma_start3A_232 = arith.constant 0 : i32
        %dma_start3A_233 = tpu.memref_slice %arg21[%dma_start3A_232] : memref<24576xf32, #tpu.memory_space<vmem>> -> memref<12288xf32, #tpu.memory_space<vmem>>
        %dma_start3A_234 = tpu.memref_slice %arg2[%mul3A_231] : memref<1572864xf32, #tpu.memory_space<hbm>> -> memref<12288xf32, #tpu.memory_space<hbm>>
        %dma_start3A_235 = arith.constant 0 : i32
        %dma_start3A_236 = tpu.memref_slice %arg21[%dma_start3A_235] : memref<24576xf32, #tpu.memory_space<vmem>> -> memref<12288xf32, #tpu.memory_space<vmem>>
        %dma_start3A_237 = tpu.memref_slice %arg2[%mul3A_231] : memref<1572864xf32, #tpu.memory_space<hbm>> -> memref<12288xf32, #tpu.memory_space<hbm>>
        tpu.enqueue_dma source(%dma_start3A_237 : memref<12288xf32, #tpu.memory_space<hbm>>) target(%dma_start3A_236 : memref<12288xf32, #tpu.memory_space<vmem>>) target_semaphore(%arg24 : memref<!tpu.dma_semaphore, #tpu.memory_space<semaphore_mem>>)
      } else {
      }
      %dma_wait3A_178 = arith.constant 12288 : i32
      %dma_wait3A_179 = tpu.memref_slice %arg21[%dma_wait3A_178] : memref<24576xf32, #tpu.memory_space<vmem>> -> memref<12288xf32, #tpu.memory_space<vmem>>
      %dma_wait3A_180 = arith.constant 0 : i32
      %dma_wait3A_181 = tpu.memref_slice %arg2[%dma_wait3A_180] : memref<1572864xf32, #tpu.memory_space<hbm>> -> memref<12288xf32, #tpu.memory_space<hbm>>
      %dma_wait3A_182 = arith.constant 12288 : i32
      %dma_wait3A_183 = tpu.memref_slice %arg21[%dma_wait3A_182] : memref<24576xf32, #tpu.memory_space<vmem>> -> memref<12288xf32, #tpu.memory_space<vmem>>
      %dma_wait3A_184 = arith.constant 0 : i32
      %dma_wait3A_185 = tpu.memref_slice %arg2[%dma_wait3A_184] : memref<1572864xf32, #tpu.memory_space<hbm>> -> memref<12288xf32, #tpu.memory_space<hbm>>
      tpu.wait_dma2 semaphore(%arg25 : memref<!tpu.dma_semaphore, #tpu.memory_space<semaphore_mem>>) src(%dma_wait3A_185 : memref<12288xf32, #tpu.memory_space<hbm>>) dst(%dma_wait3A_183 : memref<12288xf32, #tpu.memory_space<vmem>>)
      %add3A_186 = arith.constant 1 : i32
      %add3A_187 = arith.addi %mul3A_131, %add3A_186 : i32
      %mul3A_188 = arith.constant 16 : i32
      %mul3A_189 = arith.muli %add3A_187, %mul3A_188 : i32
      %get3A_190 = arith.index_cast %mul3A_189 : i32 to index
      %get3A_191 = tpu.vector_load %arg19[%get3A_190] {strides = array<i32>} : memref<512xi32, #tpu.memory_space<vmem>>, vector<16xi32>,
      %slice3A_192 = vector.extract_strided_slice %get3A_191 {offsets = [0], sizes = [1], strides = [1]} : vector<16xi32> to vector<1xi32>
      %squeeze3A_193 = vector.extract %slice3A_192[0] : i32 from vector<1xi32>
      %max3A_194 = arith.maxsi %squeeze3A_193, %mul3A_32 : i32
      %slice3A_195 = vector.extract_strided_slice %get3A_191 {offsets = [1], sizes = [1], strides = [1]} : vector<16xi32> to vector<1xi32>
      %squeeze3A_196 = vector.extract %slice3A_195[0] : i32 from vector<1xi32>
      %add3A_197 = arith.constant 28 : i32
      %add3A_198 = arith.addi %mul3A_32, %add3A_197 : i32
      %min3A_199 = arith.minsi %squeeze3A_196, %add3A_198 : i32
      %slice3A_200 = vector.extract_strided_slice %get3A_191 {offsets = [2], sizes = [1], strides = [1]} : vector<16xi32> to vector<1xi32>
      %squeeze3A_201 = vector.extract %slice3A_200[0] : i32 from vector<1xi32>
      %slice3A_202 = vector.extract_strided_slice %get3A_191 {offsets = [3], sizes = [1], strides = [1]} : vector<16xi32> to vector<1xi32>
      %squeeze3A_203 = vector.extract %slice3A_202[0] : i32 from vector<1xi32>
      %mul3A_204 = arith.constant 16 : i32
      %mul3A_205 = arith.muli %add3A_187, %mul3A_204 : i32
      %get3A_206 = arith.index_cast %mul3A_205 : i32 to index
      %get3A_207 = tpu.vector_load %arg20[%get3A_206] {strides = array<i32>} : memref<512xf32, #tpu.memory_space<vmem>>, vector<16xf32>,
      %slice3A_208 = vector.extract_strided_slice %get3A_207 {offsets = [0], sizes = [1], strides = [1]} : vector<16xf32> to vector<1xf32>
      %squeeze3A_209 = vector.extract %slice3A_208[0] : f32 from vector<1xf32>
      %mul3A_210 = arith.constant 224 : i32
      %mul3A_211 = arith.muli %add3A_187, %mul3A_210 : i32
      %lt3A_212 = arith.cmpi slt, %max3A_194, %min3A_199 : i32
      %ne3A_213 = arith.constant 0.000000e+00 : f32
      %ne3A_214 = arith.cmpf one, %squeeze3A_209, %ne3A_213 : f32
      %and3A_215 = arith.andi %lt3A_212, %ne3A_214 : i1
      %convert_element_type3A_216 = arith.extui %and3A_215 : i1 to i32
      %cond3A_217 = arith.constant 0 : i32
      %cond3A_218 = arith.cmpi ne, %convert_element_type3A_216, %cond3A_217 : i32
      scf.if %cond3A_218 {
        %parallel_loop3A_227 = arith.constant 1 : i32
        scf.for %parallel_loop3A_228 = %max3A_194 to %min3A_199 step %parallel_loop3A_227  : i32 {
          %parallel_loop3A_229 = arith.addi %mul3A_211, %parallel_loop3A_228 : i32
          %parallel_loop3A_230 = vector.broadcast %parallel_loop3A_229 : i32 to vector<16xi32>
          %parallel_loop3A_231 = tpu.vector_load_idx %arg16[%parallel_loop3A_230] : memref<7168xi32, #tpu.memory_space<vmem>>[vector<16xi32>], vector<16xi32>,
          %parallel_loop3A_232 = arith.constant 0 : i32
          %parallel_loop3A_233 = vector.broadcast %parallel_loop3A_232 : i32 to vector<16xi32>
          %parallel_loop3A_234 = arith.maxsi %parallel_loop3A_231, %parallel_loop3A_233 : vector<16xi32>
          %parallel_loop3A_235 = arith.constant 64 : i32
          %parallel_loop3A_236 = vector.broadcast %parallel_loop3A_235 : i32 to vector<16xi32>
          %parallel_loop3A_237 = arith.addi %parallel_loop3A_231, %parallel_loop3A_236 : vector<16xi32>
          %parallel_loop3A_238 = arith.constant 4032 : i32
          %parallel_loop3A_239 = vector.broadcast %parallel_loop3A_238 : i32 to vector<16xi32>
          %parallel_loop3A_240 = arith.minsi %parallel_loop3A_237, %parallel_loop3A_239 : vector<16xi32>
          %parallel_loop3A_241 = tpu.vector_load_idx %arg17[%parallel_loop3A_230] : memref<7168xf32, #tpu.memory_space<vmem>>[vector<16xi32>], vector<16xf32>,
          %parallel_loop3A_242 = vector.broadcast %squeeze3A_209 : f32 to vector<16xf32>
          %parallel_loop3A_243 = arith.mulf %parallel_loop3A_241, %parallel_loop3A_242 : vector<16xf32>
          %parallel_loop3A_244 = tpu.vector_load_idx %arg18[%parallel_loop3A_230] : memref<7168xf32, #tpu.memory_space<vmem>>[vector<16xi32>], vector<16xf32>,
          %parallel_loop3A_245 = vector.broadcast %squeeze3A_209 : f32 to vector<16xf32>
          %parallel_loop3A_246 = arith.mulf %parallel_loop3A_244, %parallel_loop3A_245 : vector<16xf32>
          %parallel_loop3A_247 = arith.subi %parallel_loop3A_228, %mul3A_32 : i32
          %parallel_loop3A_248 = arith.constant 224 : i32
          %parallel_loop3A_249 = arith.muli %parallel_loop3A_247, %parallel_loop3A_248 : i32
          %parallel_loop3A_250 = arith.constant 1 : i32
          scf.for %parallel_loop3A_251 = %squeeze3A_201 to %squeeze3A_203 step %parallel_loop3A_250  : i32 {
            %parallel_loop3A_252 = arith.constant 16 : i32
            %parallel_loop3A_253 = arith.muli %parallel_loop3A_251, %parallel_loop3A_252 : i32
            %parallel_loop3A_254 = arith.addi %mul3A_211, %parallel_loop3A_253 : i32
            %parallel_loop3A_255 = arith.index_cast %parallel_loop3A_254 : i32 to index
            %parallel_loop3A_256 = tpu.vector_load %arg13[%parallel_loop3A_255] {strides = array<i32>} : memref<7168xi32, #tpu.memory_space<vmem>>, vector<16xi32>,
            %parallel_loop3A_257 = arith.constant 0 : i32
            %parallel_loop3A_258 = vector.broadcast %parallel_loop3A_257 : i32 to vector<16xi32>
            %parallel_loop3A_259 = arith.maxsi %parallel_loop3A_256, %parallel_loop3A_258 : vector<16xi32>
            %parallel_loop3A_260 = arith.constant 1 : i32
            %parallel_loop3A_261 = vector.broadcast %parallel_loop3A_260 : i32 to vector<16xi32>
            %parallel_loop3A_262 = arith.addi %parallel_loop3A_256, %parallel_loop3A_261 : vector<16xi32>
            %parallel_loop3A_263 = arith.constant 63 : i32
            %parallel_loop3A_264 = vector.broadcast %parallel_loop3A_263 : i32 to vector<16xi32>
            %parallel_loop3A_265 = arith.minsi %parallel_loop3A_262, %parallel_loop3A_264 : vector<16xi32>
            %parallel_loop3A_266 = arith.addi %mul3A_211, %parallel_loop3A_253 : i32
            %parallel_loop3A_267 = arith.index_cast %parallel_loop3A_266 : i32 to index
            %parallel_loop3A_268 = tpu.vector_load %arg14[%parallel_loop3A_267] {strides = array<i32>} : memref<7168xf32, #tpu.memory_space<vmem>>, vector<16xf32>,
            %parallel_loop3A_269 = arith.addi %mul3A_211, %parallel_loop3A_253 : i32
            %parallel_loop3A_270 = arith.index_cast %parallel_loop3A_269 : i32 to index
            %parallel_loop3A_271 = tpu.vector_load %arg15[%parallel_loop3A_270] {strides = array<i32>} : memref<7168xf32, #tpu.memory_space<vmem>>, vector<16xf32>,
            %parallel_loop3A_272 = arith.addi %parallel_loop3A_234, %parallel_loop3A_259 : vector<16xi32>
            %parallel_loop3A_273 = arith.constant 12288 : i32
            %parallel_loop3A_274 = vector.broadcast %parallel_loop3A_273 : i32 to vector<16xi32>
            %parallel_loop3A_275 = arith.addi %parallel_loop3A_272, %parallel_loop3A_274 : vector<16xi32>
            %parallel_loop3A_276 = tpu.vector_load_idx %arg21[%parallel_loop3A_275] : memref<24576xf32, #tpu.memory_space<vmem>>[vector<16xi32>], vector<16xf32>,
            %parallel_loop3A_277 = arith.addi %parallel_loop3A_234, %parallel_loop3A_265 : vector<16xi32>
            %parallel_loop3A_278 = arith.constant 12288 : i32
            %parallel_loop3A_279 = vector.broadcast %parallel_loop3A_278 : i32 to vector<16xi32>
            %parallel_loop3A_280 = arith.addi %parallel_loop3A_277, %parallel_loop3A_279 : vector<16xi32>
            %parallel_loop3A_281 = tpu.vector_load_idx %arg21[%parallel_loop3A_280] : memref<24576xf32, #tpu.memory_space<vmem>>[vector<16xi32>], vector<16xf32>,
            %parallel_loop3A_282 = arith.addi %parallel_loop3A_240, %parallel_loop3A_259 : vector<16xi32>
            %parallel_loop3A_283 = arith.constant 12288 : i32
            %parallel_loop3A_284 = vector.broadcast %parallel_loop3A_283 : i32 to vector<16xi32>
            %parallel_loop3A_285 = arith.addi %parallel_loop3A_282, %parallel_loop3A_284 : vector<16xi32>
            %parallel_loop3A_286 = tpu.vector_load_idx %arg21[%parallel_loop3A_285] : memref<24576xf32, #tpu.memory_space<vmem>>[vector<16xi32>], vector<16xf32>,
            %parallel_loop3A_287 = arith.addi %parallel_loop3A_240, %parallel_loop3A_265 : vector<16xi32>
            %parallel_loop3A_288 = arith.constant 12288 : i32
            %parallel_loop3A_289 = vector.broadcast %parallel_loop3A_288 : i32 to vector<16xi32>
            %parallel_loop3A_290 = arith.addi %parallel_loop3A_287, %parallel_loop3A_289 : vector<16xi32>
            %parallel_loop3A_291 = tpu.vector_load_idx %arg21[%parallel_loop3A_290] : memref<24576xf32, #tpu.memory_space<vmem>>[vector<16xi32>], vector<16xf32>,
            %parallel_loop3A_292 = arith.mulf %parallel_loop3A_268, %parallel_loop3A_276 : vector<16xf32>
            %parallel_loop3A_293 = arith.mulf %parallel_loop3A_271, %parallel_loop3A_281 : vector<16xf32>
            %parallel_loop3A_294 = arith.addf %parallel_loop3A_292, %parallel_loop3A_293 : vector<16xf32>
            %parallel_loop3A_295 = arith.mulf %parallel_loop3A_243, %parallel_loop3A_294 : vector<16xf32>
            %parallel_loop3A_296 = arith.mulf %parallel_loop3A_268, %parallel_loop3A_286 : vector<16xf32>
            %parallel_loop3A_297 = arith.mulf %parallel_loop3A_271, %parallel_loop3A_291 : vector<16xf32>
            %parallel_loop3A_298 = arith.addf %parallel_loop3A_296, %parallel_loop3A_297 : vector<16xf32>
            %parallel_loop3A_299 = arith.mulf %parallel_loop3A_246, %parallel_loop3A_298 : vector<16xf32>
            %parallel_loop3A_300 = arith.addf %parallel_loop3A_295, %parallel_loop3A_299 : vector<16xf32>
            %parallel_loop3A_301 = arith.constant 0 : i32
            %parallel_loop3A_302 = arith.addi %parallel_loop3A_301, %parallel_loop3A_249 : i32
            %parallel_loop3A_303 = arith.addi %parallel_loop3A_302, %parallel_loop3A_253 : i32
            %parallel_loop3A_304 = arith.index_cast %parallel_loop3A_303 : i32 to index
            %parallel_loop3A_305 = tpu.vector_load %arg22[%parallel_loop3A_304] {strides = array<i32>} : memref<18816xf32, #tpu.memory_space<vmem>>, vector<16xf32>,
            %parallel_loop3A_306 = arith.addf %parallel_loop3A_305, %parallel_loop3A_300 : vector<16xf32>
            %parallel_loop3A_307 = arith.index_cast %parallel_loop3A_303 : i32 to index
            %parallel_loop3A_308 = tpu.vector_load %arg22[%parallel_loop3A_307] {strides = array<i32>} : memref<18816xf32, #tpu.memory_space<vmem>>, vector<16xf32>,
            tpu.vector_store %arg22[%parallel_loop3A_307], %parallel_loop3A_306 {strides = array<i32>} : memref<18816xf32, #tpu.memory_space<vmem>>, vector<16xf32>,
            %parallel_loop3A_309 = arith.addi %parallel_loop3A_234, %parallel_loop3A_259 : vector<16xi32>
            %parallel_loop3A_310 = arith.constant 16384 : i32
            %parallel_loop3A_311 = vector.broadcast %parallel_loop3A_310 : i32 to vector<16xi32>
            %parallel_loop3A_312 = arith.addi %parallel_loop3A_309, %parallel_loop3A_311 : vector<16xi32>
            %parallel_loop3A_313 = tpu.vector_load_idx %arg21[%parallel_loop3A_312] : memref<24576xf32, #tpu.memory_space<vmem>>[vector<16xi32>], vector<16xf32>,
            %parallel_loop3A_314 = arith.addi %parallel_loop3A_234, %parallel_loop3A_265 : vector<16xi32>
            %parallel_loop3A_315 = arith.constant 16384 : i32
            %parallel_loop3A_316 = vector.broadcast %parallel_loop3A_315 : i32 to vector<16xi32>
            %parallel_loop3A_317 = arith.addi %parallel_loop3A_314, %parallel_loop3A_316 : vector<16xi32>
            %parallel_loop3A_318 = tpu.vector_load_idx %arg21[%parallel_loop3A_317] : memref<24576xf32, #tpu.memory_space<vmem>>[vector<16xi32>], vector<16xf32>,
            %parallel_loop3A_319 = arith.addi %parallel_loop3A_240, %parallel_loop3A_259 : vector<16xi32>
            %parallel_loop3A_320 = arith.constant 16384 : i32
            %parallel_loop3A_321 = vector.broadcast %parallel_loop3A_320 : i32 to vector<16xi32>
            %parallel_loop3A_322 = arith.addi %parallel_loop3A_319, %parallel_loop3A_321 : vector<16xi32>
            %parallel_loop3A_323 = tpu.vector_load_idx %arg21[%parallel_loop3A_322] : memref<24576xf32, #tpu.memory_space<vmem>>[vector<16xi32>], vector<16xf32>,
            %parallel_loop3A_324 = arith.addi %parallel_loop3A_240, %parallel_loop3A_265 : vector<16xi32>
            %parallel_loop3A_325 = arith.constant 16384 : i32
            %parallel_loop3A_326 = vector.broadcast %parallel_loop3A_325 : i32 to vector<16xi32>
            %parallel_loop3A_327 = arith.addi %parallel_loop3A_324, %parallel_loop3A_326 : vector<16xi32>
            %parallel_loop3A_328 = tpu.vector_load_idx %arg21[%parallel_loop3A_327] : memref<24576xf32, #tpu.memory_space<vmem>>[vector<16xi32>], vector<16xf32>,
            %parallel_loop3A_329 = arith.mulf %parallel_loop3A_268, %parallel_loop3A_313 : vector<16xf32>
            %parallel_loop3A_330 = arith.mulf %parallel_loop3A_271, %parallel_loop3A_318 : vector<16xf32>
            %parallel_loop3A_331 = arith.addf %parallel_loop3A_329, %parallel_loop3A_330 : vector<16xf32>
            %parallel_loop3A_332 = arith.mulf %parallel_loop3A_243, %parallel_loop3A_331 : vector<16xf32>
            %parallel_loop3A_333 = arith.mulf %parallel_loop3A_268, %parallel_loop3A_323 : vector<16xf32>
            %parallel_loop3A_334 = arith.mulf %parallel_loop3A_271, %parallel_loop3A_328 : vector<16xf32>
            %parallel_loop3A_335 = arith.addf %parallel_loop3A_333, %parallel_loop3A_334 : vector<16xf32>
            %parallel_loop3A_336 = arith.mulf %parallel_loop3A_246, %parallel_loop3A_335 : vector<16xf32>
            %parallel_loop3A_337 = arith.addf %parallel_loop3A_332, %parallel_loop3A_336 : vector<16xf32>
            %parallel_loop3A_338 = arith.constant 6272 : i32
            %parallel_loop3A_339 = arith.addi %parallel_loop3A_338, %parallel_loop3A_249 : i32
            %parallel_loop3A_340 = arith.addi %parallel_loop3A_339, %parallel_loop3A_253 : i32
            %parallel_loop3A_341 = arith.index_cast %parallel_loop3A_340 : i32 to index
            %parallel_loop3A_342 = tpu.vector_load %arg22[%parallel_loop3A_341] {strides = array<i32>} : memref<18816xf32, #tpu.memory_space<vmem>>, vector<16xf32>,
            %parallel_loop3A_343 = arith.addf %parallel_loop3A_342, %parallel_loop3A_337 : vector<16xf32>
            %parallel_loop3A_344 = arith.index_cast %parallel_loop3A_340 : i32 to index
            %parallel_loop3A_345 = tpu.vector_load %arg22[%parallel_loop3A_344] {strides = array<i32>} : memref<18816xf32, #tpu.memory_space<vmem>>, vector<16xf32>,
            tpu.vector_store %arg22[%parallel_loop3A_344], %parallel_loop3A_343 {strides = array<i32>} : memref<18816xf32, #tpu.memory_space<vmem>>, vector<16xf32>,
            %parallel_loop3A_346 = arith.addi %parallel_loop3A_234, %parallel_loop3A_259 : vector<16xi32>
            %parallel_loop3A_347 = arith.constant 20480 : i32
            %parallel_loop3A_348 = vector.broadcast %parallel_loop3A_347 : i32 to vector<16xi32>
            %parallel_loop3A_349 = arith.addi %parallel_loop3A_346, %parallel_loop3A_348 : vector<16xi32>
            %parallel_loop3A_350 = tpu.vector_load_idx %arg21[%parallel_loop3A_349] : memref<24576xf32, #tpu.memory_space<vmem>>[vector<16xi32>], vector<16xf32>,
            %parallel_loop3A_351 = arith.addi %parallel_loop3A_234, %parallel_loop3A_265 : vector<16xi32>
            %parallel_loop3A_352 = arith.constant 20480 : i32
            %parallel_loop3A_353 = vector.broadcast %parallel_loop3A_352 : i32 to vector<16xi32>
            %parallel_loop3A_354 = arith.addi %parallel_loop3A_351, %parallel_loop3A_353 : vector<16xi32>
            %parallel_loop3A_355 = tpu.vector_load_idx %arg21[%parallel_loop3A_354] : memref<24576xf32, #tpu.memory_space<vmem>>[vector<16xi32>], vector<16xf32>,
            %parallel_loop3A_356 = arith.addi %parallel_loop3A_240, %parallel_loop3A_259 : vector<16xi32>
            %parallel_loop3A_357 = arith.constant 20480 : i32
            %parallel_loop3A_358 = vector.broadcast %parallel_loop3A_357 : i32 to vector<16xi32>
            %parallel_loop3A_359 = arith.addi %parallel_loop3A_356, %parallel_loop3A_358 : vector<16xi32>
            %parallel_loop3A_360 = tpu.vector_load_idx %arg21[%parallel_loop3A_359] : memref<24576xf32, #tpu.memory_space<vmem>>[vector<16xi32>], vector<16xf32>,
            %parallel_loop3A_361 = arith.addi %parallel_loop3A_240, %parallel_loop3A_265 : vector<16xi32>
            %parallel_loop3A_362 = arith.constant 20480 : i32
            %parallel_loop3A_363 = vector.broadcast %parallel_loop3A_362 : i32 to vector<16xi32>
            %parallel_loop3A_364 = arith.addi %parallel_loop3A_361, %parallel_loop3A_363 : vector<16xi32>
            %parallel_loop3A_365 = tpu.vector_load_idx %arg21[%parallel_loop3A_364] : memref<24576xf32, #tpu.memory_space<vmem>>[vector<16xi32>], vector<16xf32>,
            %parallel_loop3A_366 = arith.mulf %parallel_loop3A_268, %parallel_loop3A_350 : vector<16xf32>
            %parallel_loop3A_367 = arith.mulf %parallel_loop3A_271, %parallel_loop3A_355 : vector<16xf32>
            %parallel_loop3A_368 = arith.addf %parallel_loop3A_366, %parallel_loop3A_367 : vector<16xf32>
            %parallel_loop3A_369 = arith.mulf %parallel_loop3A_243, %parallel_loop3A_368 : vector<16xf32>
            %parallel_loop3A_370 = arith.mulf %parallel_loop3A_268, %parallel_loop3A_360 : vector<16xf32>
            %parallel_loop3A_371 = arith.mulf %parallel_loop3A_271, %parallel_loop3A_365 : vector<16xf32>
            %parallel_loop3A_372 = arith.addf %parallel_loop3A_370, %parallel_loop3A_371 : vector<16xf32>
            %parallel_loop3A_373 = arith.mulf %parallel_loop3A_246, %parallel_loop3A_372 : vector<16xf32>
            %parallel_loop3A_374 = arith.addf %parallel_loop3A_369, %parallel_loop3A_373 : vector<16xf32>
            %parallel_loop3A_375 = arith.constant 12544 : i32
            %parallel_loop3A_376 = arith.addi %parallel_loop3A_375, %parallel_loop3A_249 : i32
            %parallel_loop3A_377 = arith.addi %parallel_loop3A_376, %parallel_loop3A_253 : i32
            %parallel_loop3A_378 = arith.index_cast %parallel_loop3A_377 : i32 to index
            %parallel_loop3A_379 = tpu.vector_load %arg22[%parallel_loop3A_378] {strides = array<i32>} : memref<18816xf32, #tpu.memory_space<vmem>>, vector<16xf32>,
            %parallel_loop3A_380 = arith.addf %parallel_loop3A_379, %parallel_loop3A_374 : vector<16xf32>
            %parallel_loop3A_381 = arith.index_cast %parallel_loop3A_377 : i32 to index
            %parallel_loop3A_382 = tpu.vector_load %arg22[%parallel_loop3A_381] {strides = array<i32>} : memref<18816xf32, #tpu.memory_space<vmem>>, vector<16xf32>,
            tpu.vector_store %arg22[%parallel_loop3A_381], %parallel_loop3A_380 {strides = array<i32>} : memref<18816xf32, #tpu.memory_space<vmem>>, vector<16xf32>,
          } {sc.loop_unroll_factor = 4 : i64, sc.parallel_access}
        } {sc.loop_unroll_factor = 1 : i64, sc.parallel_access}
      } else {
      }
      %add3A_219 = arith.constant 3 : i32
      %add3A_220 = arith.addi %mul3A_131, %add3A_219 : i32
      %lt3A_221 = arith.constant 32 : i32
      %lt3A_222 = arith.cmpi slt, %add3A_220, %lt3A_221 : i32
      %convert_element_type3A_223 = arith.extui %lt3A_222 : i1 to i32
      %cond3A_224 = arith.constant 0 : i32
      %cond3A_225 = arith.cmpi ne, %convert_element_type3A_223, %cond3A_224 : i32
      scf.if %cond3A_225 {
        %add3A_227 = arith.constant 3 : i32
        %add3A_228 = arith.addi %mul3A_131, %add3A_227 : i32
        %add3A_229 = arith.addi %mul3A_34, %add3A_228 : i32
        %mul3A_230 = arith.constant 12288 : i32
        %mul3A_231 = arith.muli %add3A_229, %mul3A_230 : i32
        %dma_start3A_232 = arith.constant 12288 : i32
        %dma_start3A_233 = tpu.memref_slice %arg21[%dma_start3A_232] : memref<24576xf32, #tpu.memory_space<vmem>> -> memref<12288xf32, #tpu.memory_space<vmem>>
        %dma_start3A_234 = tpu.memref_slice %arg2[%mul3A_231] : memref<1572864xf32, #tpu.memory_space<hbm>> -> memref<12288xf32, #tpu.memory_space<hbm>>
        %dma_start3A_235 = arith.constant 12288 : i32
        %dma_start3A_236 = tpu.memref_slice %arg21[%dma_start3A_235] : memref<24576xf32, #tpu.memory_space<vmem>> -> memref<12288xf32, #tpu.memory_space<vmem>>
        %dma_start3A_237 = tpu.memref_slice %arg2[%mul3A_231] : memref<1572864xf32, #tpu.memory_space<hbm>> -> memref<12288xf32, #tpu.memory_space<hbm>>
        tpu.enqueue_dma source(%dma_start3A_237 : memref<12288xf32, #tpu.memory_space<hbm>>) target(%dma_start3A_236 : memref<12288xf32, #tpu.memory_space<vmem>>) target_semaphore(%arg25 : memref<!tpu.dma_semaphore, #tpu.memory_space<semaphore_mem>>)
      } else {
      }
      %scan3A_226 = arith.constant 0 : i32
      scf.yield %scan3A_226 : i32
    }
    %scan3A_65 = arith.constant 15 : i32
    %dma_wait3A = arith.constant 0 : i32
    %dma_wait3A_66 = tpu.memref_slice %arg21[%dma_wait3A] : memref<24576xf32, #tpu.memory_space<vmem>> -> memref<12288xf32, #tpu.memory_space<vmem>>
    %dma_wait3A_67 = arith.constant 0 : i32
    %dma_wait3A_68 = tpu.memref_slice %arg2[%dma_wait3A_67] : memref<1572864xf32, #tpu.memory_space<hbm>> -> memref<12288xf32, #tpu.memory_space<hbm>>
    %dma_wait3A_69 = arith.constant 0 : i32
    %dma_wait3A_70 = tpu.memref_slice %arg21[%dma_wait3A_69] : memref<24576xf32, #tpu.memory_space<vmem>> -> memref<12288xf32, #tpu.memory_space<vmem>>
    %dma_wait3A_71 = arith.constant 0 : i32
    %dma_wait3A_72 = tpu.memref_slice %arg2[%dma_wait3A_71] : memref<1572864xf32, #tpu.memory_space<hbm>> -> memref<12288xf32, #tpu.memory_space<hbm>>
    tpu.wait_dma2 semaphore(%arg24 : memref<!tpu.dma_semaphore, #tpu.memory_space<semaphore_mem>>) src(%dma_wait3A_72 : memref<12288xf32, #tpu.memory_space<hbm>>) dst(%dma_wait3A_70 : memref<12288xf32, #tpu.memory_space<vmem>>)
    %get3A = arith.constant 480 : index
    %get3A_73 = tpu.vector_load %arg19[%get3A] {strides = array<i32>} : memref<512xi32, #tpu.memory_space<vmem>>, vector<16xi32>,
    %slice3A = vector.extract_strided_slice %get3A_73 {offsets = [0], sizes = [1], strides = [1]} : vector<16xi32> to vector<1xi32>
    %squeeze3A = vector.extract %slice3A[0] : i32 from vector<1xi32>
    %max3A = arith.maxsi %squeeze3A, %mul3A_32 : i32
    %slice3A_74 = vector.extract_strided_slice %get3A_73 {offsets = [1], sizes = [1], strides = [1]} : vector<16xi32> to vector<1xi32>
    %squeeze3A_75 = vector.extract %slice3A_74[0] : i32 from vector<1xi32>
    %add3A_76 = arith.constant 28 : i32
    %add3A_77 = arith.addi %mul3A_32, %add3A_76 : i32
    %min3A = arith.minsi %squeeze3A_75, %add3A_77 : i32
    %slice3A_78 = vector.extract_strided_slice %get3A_73 {offsets = [2], sizes = [1], strides = [1]} : vector<16xi32> to vector<1xi32>
    %squeeze3A_79 = vector.extract %slice3A_78[0] : i32 from vector<1xi32>
    %slice3A_80 = vector.extract_strided_slice %get3A_73 {offsets = [3], sizes = [1], strides = [1]} : vector<16xi32> to vector<1xi32>
    %squeeze3A_81 = vector.extract %slice3A_80[0] : i32 from vector<1xi32>
    %get3A_82 = arith.constant 480 : index
    %get3A_83 = tpu.vector_load %arg20[%get3A_82] {strides = array<i32>} : memref<512xf32, #tpu.memory_space<vmem>>, vector<16xf32>,
    %slice3A_84 = vector.extract_strided_slice %get3A_83 {offsets = [0], sizes = [1], strides = [1]} : vector<16xf32> to vector<1xf32>
    %squeeze3A_85 = vector.extract %slice3A_84[0] : f32 from vector<1xf32>
    %lt3A_86 = arith.cmpi slt, %max3A, %min3A : i32
    %ne3A_87 = arith.constant 0.000000e+00 : f32
    %ne3A_88 = arith.cmpf one, %squeeze3A_85, %ne3A_87 : f32
    %and3A_89 = arith.andi %lt3A_86, %ne3A_88 : i1
    %convert_element_type3A = arith.extui %and3A_89 : i1 to i32
    %cond3A = arith.constant 0 : i32
    %cond3A_90 = arith.cmpi ne, %convert_element_type3A, %cond3A : i32
    scf.if %cond3A_90 {
      %parallel_loop3A_128 = arith.constant 1 : i32
      scf.for %parallel_loop3A_129 = %max3A to %min3A step %parallel_loop3A_128  : i32 {
        %parallel_loop3A_130 = arith.constant 6720 : i32
        %parallel_loop3A_131 = arith.addi %parallel_loop3A_130, %parallel_loop3A_129 : i32
        %parallel_loop3A_132 = vector.broadcast %parallel_loop3A_131 : i32 to vector<16xi32>
        %parallel_loop3A_133 = tpu.vector_load_idx %arg16[%parallel_loop3A_132] : memref<7168xi32, #tpu.memory_space<vmem>>[vector<16xi32>], vector<16xi32>,
        %parallel_loop3A_134 = arith.constant 0 : i32
        %parallel_loop3A_135 = vector.broadcast %parallel_loop3A_134 : i32 to vector<16xi32>
        %parallel_loop3A_136 = arith.maxsi %parallel_loop3A_133, %parallel_loop3A_135 : vector<16xi32>
        %parallel_loop3A_137 = arith.constant 64 : i32
        %parallel_loop3A_138 = vector.broadcast %parallel_loop3A_137 : i32 to vector<16xi32>
        %parallel_loop3A_139 = arith.addi %parallel_loop3A_133, %parallel_loop3A_138 : vector<16xi32>
        %parallel_loop3A_140 = arith.constant 4032 : i32
        %parallel_loop3A_141 = vector.broadcast %parallel_loop3A_140 : i32 to vector<16xi32>
        %parallel_loop3A_142 = arith.minsi %parallel_loop3A_139, %parallel_loop3A_141 : vector<16xi32>
        %parallel_loop3A_143 = tpu.vector_load_idx %arg17[%parallel_loop3A_132] : memref<7168xf32, #tpu.memory_space<vmem>>[vector<16xi32>], vector<16xf32>,
        %parallel_loop3A_144 = vector.broadcast %squeeze3A_85 : f32 to vector<16xf32>
        %parallel_loop3A_145 = arith.mulf %parallel_loop3A_143, %parallel_loop3A_144 : vector<16xf32>
        %parallel_loop3A_146 = tpu.vector_load_idx %arg18[%parallel_loop3A_132] : memref<7168xf32, #tpu.memory_space<vmem>>[vector<16xi32>], vector<16xf32>,
        %parallel_loop3A_147 = vector.broadcast %squeeze3A_85 : f32 to vector<16xf32>
        %parallel_loop3A_148 = arith.mulf %parallel_loop3A_146, %parallel_loop3A_147 : vector<16xf32>
        %parallel_loop3A_149 = arith.subi %parallel_loop3A_129, %mul3A_32 : i32
        %parallel_loop3A_150 = arith.constant 224 : i32
        %parallel_loop3A_151 = arith.muli %parallel_loop3A_149, %parallel_loop3A_150 : i32
        %parallel_loop3A_152 = arith.constant 1 : i32
        scf.for %parallel_loop3A_153 = %squeeze3A_79 to %squeeze3A_81 step %parallel_loop3A_152  : i32 {
          %parallel_loop3A_154 = arith.constant 16 : i32
          %parallel_loop3A_155 = arith.muli %parallel_loop3A_153, %parallel_loop3A_154 : i32
          %parallel_loop3A_156 = arith.constant 6720 : i32
          %parallel_loop3A_157 = arith.addi %parallel_loop3A_156, %parallel_loop3A_155 : i32
          %parallel_loop3A_158 = arith.index_cast %parallel_loop3A_157 : i32 to index
          %parallel_loop3A_159 = tpu.vector_load %arg13[%parallel_loop3A_158] {strides = array<i32>} : memref<7168xi32, #tpu.memory_space<vmem>>, vector<16xi32>,
          %parallel_loop3A_160 = arith.constant 0 : i32
          %parallel_loop3A_161 = vector.broadcast %parallel_loop3A_160 : i32 to vector<16xi32>
          %parallel_loop3A_162 = arith.maxsi %parallel_loop3A_159, %parallel_loop3A_161 : vector<16xi32>
          %parallel_loop3A_163 = arith.constant 1 : i32
          %parallel_loop3A_164 = vector.broadcast %parallel_loop3A_163 : i32 to vector<16xi32>
          %parallel_loop3A_165 = arith.addi %parallel_loop3A_159, %parallel_loop3A_164 : vector<16xi32>
          %parallel_loop3A_166 = arith.constant 63 : i32
          %parallel_loop3A_167 = vector.broadcast %parallel_loop3A_166 : i32 to vector<16xi32>
          %parallel_loop3A_168 = arith.minsi %parallel_loop3A_165, %parallel_loop3A_167 : vector<16xi32>
          %parallel_loop3A_169 = arith.constant 6720 : i32
          %parallel_loop3A_170 = arith.addi %parallel_loop3A_169, %parallel_loop3A_155 : i32
          %parallel_loop3A_171 = arith.index_cast %parallel_loop3A_170 : i32 to index
          %parallel_loop3A_172 = tpu.vector_load %arg14[%parallel_loop3A_171] {strides = array<i32>} : memref<7168xf32, #tpu.memory_space<vmem>>, vector<16xf32>,
          %parallel_loop3A_173 = arith.constant 6720 : i32
          %parallel_loop3A_174 = arith.addi %parallel_loop3A_173, %parallel_loop3A_155 : i32
          %parallel_loop3A_175 = arith.index_cast %parallel_loop3A_174 : i32 to index
          %parallel_loop3A_176 = tpu.vector_load %arg15[%parallel_loop3A_175] {strides = array<i32>} : memref<7168xf32, #tpu.memory_space<vmem>>, vector<16xf32>,
          %parallel_loop3A_177 = arith.addi %parallel_loop3A_136, %parallel_loop3A_162 : vector<16xi32>
          %parallel_loop3A_178 = arith.constant 0 : i32
          %parallel_loop3A_179 = vector.broadcast %parallel_loop3A_178 : i32 to vector<16xi32>
          %parallel_loop3A_180 = arith.addi %parallel_loop3A_177, %parallel_loop3A_179 : vector<16xi32>
          %parallel_loop3A_181 = tpu.vector_load_idx %arg21[%parallel_loop3A_180] : memref<24576xf32, #tpu.memory_space<vmem>>[vector<16xi32>], vector<16xf32>,
          %parallel_loop3A_182 = arith.addi %parallel_loop3A_136, %parallel_loop3A_168 : vector<16xi32>
          %parallel_loop3A_183 = arith.constant 0 : i32
          %parallel_loop3A_184 = vector.broadcast %parallel_loop3A_183 : i32 to vector<16xi32>
          %parallel_loop3A_185 = arith.addi %parallel_loop3A_182, %parallel_loop3A_184 : vector<16xi32>
          %parallel_loop3A_186 = tpu.vector_load_idx %arg21[%parallel_loop3A_185] : memref<24576xf32, #tpu.memory_space<vmem>>[vector<16xi32>], vector<16xf32>,
          %parallel_loop3A_187 = arith.addi %parallel_loop3A_142, %parallel_loop3A_162 : vector<16xi32>
          %parallel_loop3A_188 = arith.constant 0 : i32
          %parallel_loop3A_189 = vector.broadcast %parallel_loop3A_188 : i32 to vector<16xi32>
          %parallel_loop3A_190 = arith.addi %parallel_loop3A_187, %parallel_loop3A_189 : vector<16xi32>
          %parallel_loop3A_191 = tpu.vector_load_idx %arg21[%parallel_loop3A_190] : memref<24576xf32, #tpu.memory_space<vmem>>[vector<16xi32>], vector<16xf32>,
          %parallel_loop3A_192 = arith.addi %parallel_loop3A_142, %parallel_loop3A_168 : vector<16xi32>
          %parallel_loop3A_193 = arith.constant 0 : i32
          %parallel_loop3A_194 = vector.broadcast %parallel_loop3A_193 : i32 to vector<16xi32>
          %parallel_loop3A_195 = arith.addi %parallel_loop3A_192, %parallel_loop3A_194 : vector<16xi32>
          %parallel_loop3A_196 = tpu.vector_load_idx %arg21[%parallel_loop3A_195] : memref<24576xf32, #tpu.memory_space<vmem>>[vector<16xi32>], vector<16xf32>,
          %parallel_loop3A_197 = arith.mulf %parallel_loop3A_172, %parallel_loop3A_181 : vector<16xf32>
          %parallel_loop3A_198 = arith.mulf %parallel_loop3A_176, %parallel_loop3A_186 : vector<16xf32>
          %parallel_loop3A_199 = arith.addf %parallel_loop3A_197, %parallel_loop3A_198 : vector<16xf32>
          %parallel_loop3A_200 = arith.mulf %parallel_loop3A_145, %parallel_loop3A_199 : vector<16xf32>
          %parallel_loop3A_201 = arith.mulf %parallel_loop3A_172, %parallel_loop3A_191 : vector<16xf32>
          %parallel_loop3A_202 = arith.mulf %parallel_loop3A_176, %parallel_loop3A_196 : vector<16xf32>
          %parallel_loop3A_203 = arith.addf %parallel_loop3A_201, %parallel_loop3A_202 : vector<16xf32>
          %parallel_loop3A_204 = arith.mulf %parallel_loop3A_148, %parallel_loop3A_203 : vector<16xf32>
          %parallel_loop3A_205 = arith.addf %parallel_loop3A_200, %parallel_loop3A_204 : vector<16xf32>
          %parallel_loop3A_206 = arith.constant 0 : i32
          %parallel_loop3A_207 = arith.addi %parallel_loop3A_206, %parallel_loop3A_151 : i32
          %parallel_loop3A_208 = arith.addi %parallel_loop3A_207, %parallel_loop3A_155 : i32
          %parallel_loop3A_209 = arith.index_cast %parallel_loop3A_208 : i32 to index
          %parallel_loop3A_210 = tpu.vector_load %arg22[%parallel_loop3A_209] {strides = array<i32>} : memref<18816xf32, #tpu.memory_space<vmem>>, vector<16xf32>,
          %parallel_loop3A_211 = arith.addf %parallel_loop3A_210, %parallel_loop3A_205 : vector<16xf32>
          %parallel_loop3A_212 = arith.index_cast %parallel_loop3A_208 : i32 to index
          %parallel_loop3A_213 = tpu.vector_load %arg22[%parallel_loop3A_212] {strides = array<i32>} : memref<18816xf32, #tpu.memory_space<vmem>>, vector<16xf32>,
          tpu.vector_store %arg22[%parallel_loop3A_212], %parallel_loop3A_211 {strides = array<i32>} : memref<18816xf32, #tpu.memory_space<vmem>>, vector<16xf32>,
          %parallel_loop3A_214 = arith.addi %parallel_loop3A_136, %parallel_loop3A_162 : vector<16xi32>
          %parallel_loop3A_215 = arith.constant 4096 : i32
          %parallel_loop3A_216 = vector.broadcast %parallel_loop3A_215 : i32 to vector<16xi32>
          %parallel_loop3A_217 = arith.addi %parallel_loop3A_214, %parallel_loop3A_216 : vector<16xi32>
          %parallel_loop3A_218 = tpu.vector_load_idx %arg21[%parallel_loop3A_217] : memref<24576xf32, #tpu.memory_space<vmem>>[vector<16xi32>], vector<16xf32>,
          %parallel_loop3A_219 = arith.addi %parallel_loop3A_136, %parallel_loop3A_168 : vector<16xi32>
          %parallel_loop3A_220 = arith.constant 4096 : i32
          %parallel_loop3A_221 = vector.broadcast %parallel_loop3A_220 : i32 to vector<16xi32>
          %parallel_loop3A_222 = arith.addi %parallel_loop3A_219, %parallel_loop3A_221 : vector<16xi32>
          %parallel_loop3A_223 = tpu.vector_load_idx %arg21[%parallel_loop3A_222] : memref<24576xf32, #tpu.memory_space<vmem>>[vector<16xi32>], vector<16xf32>,
          %parallel_loop3A_224 = arith.addi %parallel_loop3A_142, %parallel_loop3A_162 : vector<16xi32>
          %parallel_loop3A_225 = arith.constant 4096 : i32
          %parallel_loop3A_226 = vector.broadcast %parallel_loop3A_225 : i32 to vector<16xi32>
          %parallel_loop3A_227 = arith.addi %parallel_loop3A_224, %parallel_loop3A_226 : vector<16xi32>
          %parallel_loop3A_228 = tpu.vector_load_idx %arg21[%parallel_loop3A_227] : memref<24576xf32, #tpu.memory_space<vmem>>[vector<16xi32>], vector<16xf32>,
          %parallel_loop3A_229 = arith.addi %parallel_loop3A_142, %parallel_loop3A_168 : vector<16xi32>
          %parallel_loop3A_230 = arith.constant 4096 : i32
          %parallel_loop3A_231 = vector.broadcast %parallel_loop3A_230 : i32 to vector<16xi32>
          %parallel_loop3A_232 = arith.addi %parallel_loop3A_229, %parallel_loop3A_231 : vector<16xi32>
          %parallel_loop3A_233 = tpu.vector_load_idx %arg21[%parallel_loop3A_232] : memref<24576xf32, #tpu.memory_space<vmem>>[vector<16xi32>], vector<16xf32>,
          %parallel_loop3A_234 = arith.mulf %parallel_loop3A_172, %parallel_loop3A_218 : vector<16xf32>
          %parallel_loop3A_235 = arith.mulf %parallel_loop3A_176, %parallel_loop3A_223 : vector<16xf32>
          %parallel_loop3A_236 = arith.addf %parallel_loop3A_234, %parallel_loop3A_235 : vector<16xf32>
          %parallel_loop3A_237 = arith.mulf %parallel_loop3A_145, %parallel_loop3A_236 : vector<16xf32>
          %parallel_loop3A_238 = arith.mulf %parallel_loop3A_172, %parallel_loop3A_228 : vector<16xf32>
          %parallel_loop3A_239 = arith.mulf %parallel_loop3A_176, %parallel_loop3A_233 : vector<16xf32>
          %parallel_loop3A_240 = arith.addf %parallel_loop3A_238, %parallel_loop3A_239 : vector<16xf32>
          %parallel_loop3A_241 = arith.mulf %parallel_loop3A_148, %parallel_loop3A_240 : vector<16xf32>
          %parallel_loop3A_242 = arith.addf %parallel_loop3A_237, %parallel_loop3A_241 : vector<16xf32>
          %parallel_loop3A_243 = arith.constant 6272 : i32
          %parallel_loop3A_244 = arith.addi %parallel_loop3A_243, %parallel_loop3A_151 : i32
          %parallel_loop3A_245 = arith.addi %parallel_loop3A_244, %parallel_loop3A_155 : i32
          %parallel_loop3A_246 = arith.index_cast %parallel_loop3A_245 : i32 to index
          %parallel_loop3A_247 = tpu.vector_load %arg22[%parallel_loop3A_246] {strides = array<i32>} : memref<18816xf32, #tpu.memory_space<vmem>>, vector<16xf32>,
          %parallel_loop3A_248 = arith.addf %parallel_loop3A_247, %parallel_loop3A_242 : vector<16xf32>
          %parallel_loop3A_249 = arith.index_cast %parallel_loop3A_245 : i32 to index
          %parallel_loop3A_250 = tpu.vector_load %arg22[%parallel_loop3A_249] {strides = array<i32>} : memref<18816xf32, #tpu.memory_space<vmem>>, vector<16xf32>,
          tpu.vector_store %arg22[%parallel_loop3A_249], %parallel_loop3A_248 {strides = array<i32>} : memref<18816xf32, #tpu.memory_space<vmem>>, vector<16xf32>,
          %parallel_loop3A_251 = arith.addi %parallel_loop3A_136, %parallel_loop3A_162 : vector<16xi32>
          %parallel_loop3A_252 = arith.constant 8192 : i32
          %parallel_loop3A_253 = vector.broadcast %parallel_loop3A_252 : i32 to vector<16xi32>
          %parallel_loop3A_254 = arith.addi %parallel_loop3A_251, %parallel_loop3A_253 : vector<16xi32>
          %parallel_loop3A_255 = tpu.vector_load_idx %arg21[%parallel_loop3A_254] : memref<24576xf32, #tpu.memory_space<vmem>>[vector<16xi32>], vector<16xf32>,
          %parallel_loop3A_256 = arith.addi %parallel_loop3A_136, %parallel_loop3A_168 : vector<16xi32>
          %parallel_loop3A_257 = arith.constant 8192 : i32
          %parallel_loop3A_258 = vector.broadcast %parallel_loop3A_257 : i32 to vector<16xi32>
          %parallel_loop3A_259 = arith.addi %parallel_loop3A_256, %parallel_loop3A_258 : vector<16xi32>
          %parallel_loop3A_260 = tpu.vector_load_idx %arg21[%parallel_loop3A_259] : memref<24576xf32, #tpu.memory_space<vmem>>[vector<16xi32>], vector<16xf32>,
          %parallel_loop3A_261 = arith.addi %parallel_loop3A_142, %parallel_loop3A_162 : vector<16xi32>
          %parallel_loop3A_262 = arith.constant 8192 : i32
          %parallel_loop3A_263 = vector.broadcast %parallel_loop3A_262 : i32 to vector<16xi32>
          %parallel_loop3A_264 = arith.addi %parallel_loop3A_261, %parallel_loop3A_263 : vector<16xi32>
          %parallel_loop3A_265 = tpu.vector_load_idx %arg21[%parallel_loop3A_264] : memref<24576xf32, #tpu.memory_space<vmem>>[vector<16xi32>], vector<16xf32>,
          %parallel_loop3A_266 = arith.addi %parallel_loop3A_142, %parallel_loop3A_168 : vector<16xi32>
          %parallel_loop3A_267 = arith.constant 8192 : i32
          %parallel_loop3A_268 = vector.broadcast %parallel_loop3A_267 : i32 to vector<16xi32>
          %parallel_loop3A_269 = arith.addi %parallel_loop3A_266, %parallel_loop3A_268 : vector<16xi32>
          %parallel_loop3A_270 = tpu.vector_load_idx %arg21[%parallel_loop3A_269] : memref<24576xf32, #tpu.memory_space<vmem>>[vector<16xi32>], vector<16xf32>,
          %parallel_loop3A_271 = arith.mulf %parallel_loop3A_172, %parallel_loop3A_255 : vector<16xf32>
          %parallel_loop3A_272 = arith.mulf %parallel_loop3A_176, %parallel_loop3A_260 : vector<16xf32>
          %parallel_loop3A_273 = arith.addf %parallel_loop3A_271, %parallel_loop3A_272 : vector<16xf32>
          %parallel_loop3A_274 = arith.mulf %parallel_loop3A_145, %parallel_loop3A_273 : vector<16xf32>
          %parallel_loop3A_275 = arith.mulf %parallel_loop3A_172, %parallel_loop3A_265 : vector<16xf32>
          %parallel_loop3A_276 = arith.mulf %parallel_loop3A_176, %parallel_loop3A_270 : vector<16xf32>
          %parallel_loop3A_277 = arith.addf %parallel_loop3A_275, %parallel_loop3A_276 : vector<16xf32>
          %parallel_loop3A_278 = arith.mulf %parallel_loop3A_148, %parallel_loop3A_277 : vector<16xf32>
          %parallel_loop3A_279 = arith.addf %parallel_loop3A_274, %parallel_loop3A_278 : vector<16xf32>
          %parallel_loop3A_280 = arith.constant 12544 : i32
          %parallel_loop3A_281 = arith.addi %parallel_loop3A_280, %parallel_loop3A_151 : i32
          %parallel_loop3A_282 = arith.addi %parallel_loop3A_281, %parallel_loop3A_155 : i32
          %parallel_loop3A_283 = arith.index_cast %parallel_loop3A_282 : i32 to index
          %parallel_loop3A_284 = tpu.vector_load %arg22[%parallel_loop3A_283] {strides = array<i32>} : memref<18816xf32, #tpu.memory_space<vmem>>, vector<16xf32>,
          %parallel_loop3A_285 = arith.addf %parallel_loop3A_284, %parallel_loop3A_279 : vector<16xf32>
          %parallel_loop3A_286 = arith.index_cast %parallel_loop3A_282 : i32 to index
          %parallel_loop3A_287 = tpu.vector_load %arg22[%parallel_loop3A_286] {strides = array<i32>} : memref<18816xf32, #tpu.memory_space<vmem>>, vector<16xf32>,
          tpu.vector_store %arg22[%parallel_loop3A_286], %parallel_loop3A_285 {strides = array<i32>} : memref<18816xf32, #tpu.memory_space<vmem>>, vector<16xf32>,
        } {sc.loop_unroll_factor = 4 : i64, sc.parallel_access}
      } {sc.loop_unroll_factor = 1 : i64, sc.parallel_access}
    } else {
    }
    %dma_wait3A_91 = arith.constant 12288 : i32
    %dma_wait3A_92 = tpu.memref_slice %arg21[%dma_wait3A_91] : memref<24576xf32, #tpu.memory_space<vmem>> -> memref<12288xf32, #tpu.memory_space<vmem>>
    %dma_wait3A_93 = arith.constant 0 : i32
    %dma_wait3A_94 = tpu.memref_slice %arg2[%dma_wait3A_93] : memref<1572864xf32, #tpu.memory_space<hbm>> -> memref<12288xf32, #tpu.memory_space<hbm>>
    %dma_wait3A_95 = arith.constant 12288 : i32
    %dma_wait3A_96 = tpu.memref_slice %arg21[%dma_wait3A_95] : memref<24576xf32, #tpu.memory_space<vmem>> -> memref<12288xf32, #tpu.memory_space<vmem>>
    %dma_wait3A_97 = arith.constant 0 : i32
    %dma_wait3A_98 = tpu.memref_slice %arg2[%dma_wait3A_97] : memref<1572864xf32, #tpu.memory_space<hbm>> -> memref<12288xf32, #tpu.memory_space<hbm>>
    tpu.wait_dma2 semaphore(%arg25 : memref<!tpu.dma_semaphore, #tpu.memory_space<semaphore_mem>>) src(%dma_wait3A_98 : memref<12288xf32, #tpu.memory_space<hbm>>) dst(%dma_wait3A_96 : memref<12288xf32, #tpu.memory_space<vmem>>)
    %get3A_99 = arith.constant 496 : index
    %get3A_100 = tpu.vector_load %arg19[%get3A_99] {strides = array<i32>} : memref<512xi32, #tpu.memory_space<vmem>>, vector<16xi32>,
    %slice3A_101 = vector.extract_strided_slice %get3A_100 {offsets = [0], sizes = [1], strides = [1]} : vector<16xi32> to vector<1xi32>
    %squeeze3A_102 = vector.extract %slice3A_101[0] : i32 from vector<1xi32>
    %max3A_103 = arith.maxsi %squeeze3A_102, %mul3A_32 : i32
    %slice3A_104 = vector.extract_strided_slice %get3A_100 {offsets = [1], sizes = [1], strides = [1]} : vector<16xi32> to vector<1xi32>
    %squeeze3A_105 = vector.extract %slice3A_104[0] : i32 from vector<1xi32>
    %add3A_106 = arith.constant 28 : i32
    %add3A_107 = arith.addi %mul3A_32, %add3A_106 : i32
    %min3A_108 = arith.minsi %squeeze3A_105, %add3A_107 : i32
    %slice3A_109 = vector.extract_strided_slice %get3A_100 {offsets = [2], sizes = [1], strides = [1]} : vector<16xi32> to vector<1xi32>
    %squeeze3A_110 = vector.extract %slice3A_109[0] : i32 from vector<1xi32>
    %slice3A_111 = vector.extract_strided_slice %get3A_100 {offsets = [3], sizes = [1], strides = [1]} : vector<16xi32> to vector<1xi32>
    %squeeze3A_112 = vector.extract %slice3A_111[0] : i32 from vector<1xi32>
    %get3A_113 = arith.constant 496 : index
    %get3A_114 = tpu.vector_load %arg20[%get3A_113] {strides = array<i32>} : memref<512xf32, #tpu.memory_space<vmem>>, vector<16xf32>,
    %slice3A_115 = vector.extract_strided_slice %get3A_114 {offsets = [0], sizes = [1], strides = [1]} : vector<16xf32> to vector<1xf32>
    %squeeze3A_116 = vector.extract %slice3A_115[0] : f32 from vector<1xf32>
    %lt3A_117 = arith.cmpi slt, %max3A_103, %min3A_108 : i32
    %ne3A_118 = arith.constant 0.000000e+00 : f32
    %ne3A_119 = arith.cmpf one, %squeeze3A_116, %ne3A_118 : f32
    %and3A_120 = arith.andi %lt3A_117, %ne3A_119 : i1
    %convert_element_type3A_121 = arith.extui %and3A_120 : i1 to i32
    %cond3A_122 = arith.constant 0 : i32
    %cond3A_123 = arith.cmpi ne, %convert_element_type3A_121, %cond3A_122 : i32
    scf.if %cond3A_123 {
      %parallel_loop3A_128 = arith.constant 1 : i32
      scf.for %parallel_loop3A_129 = %max3A_103 to %min3A_108 step %parallel_loop3A_128  : i32 {
        %parallel_loop3A_130 = arith.constant 6944 : i32
        %parallel_loop3A_131 = arith.addi %parallel_loop3A_130, %parallel_loop3A_129 : i32
        %parallel_loop3A_132 = vector.broadcast %parallel_loop3A_131 : i32 to vector<16xi32>
        %parallel_loop3A_133 = tpu.vector_load_idx %arg16[%parallel_loop3A_132] : memref<7168xi32, #tpu.memory_space<vmem>>[vector<16xi32>], vector<16xi32>,
        %parallel_loop3A_134 = arith.constant 0 : i32
        %parallel_loop3A_135 = vector.broadcast %parallel_loop3A_134 : i32 to vector<16xi32>
        %parallel_loop3A_136 = arith.maxsi %parallel_loop3A_133, %parallel_loop3A_135 : vector<16xi32>
        %parallel_loop3A_137 = arith.constant 64 : i32
        %parallel_loop3A_138 = vector.broadcast %parallel_loop3A_137 : i32 to vector<16xi32>
        %parallel_loop3A_139 = arith.addi %parallel_loop3A_133, %parallel_loop3A_138 : vector<16xi32>
        %parallel_loop3A_140 = arith.constant 4032 : i32
        %parallel_loop3A_141 = vector.broadcast %parallel_loop3A_140 : i32 to vector<16xi32>
        %parallel_loop3A_142 = arith.minsi %parallel_loop3A_139, %parallel_loop3A_141 : vector<16xi32>
        %parallel_loop3A_143 = tpu.vector_load_idx %arg17[%parallel_loop3A_132] : memref<7168xf32, #tpu.memory_space<vmem>>[vector<16xi32>], vector<16xf32>,
        %parallel_loop3A_144 = vector.broadcast %squeeze3A_116 : f32 to vector<16xf32>
        %parallel_loop3A_145 = arith.mulf %parallel_loop3A_143, %parallel_loop3A_144 : vector<16xf32>
        %parallel_loop3A_146 = tpu.vector_load_idx %arg18[%parallel_loop3A_132] : memref<7168xf32, #tpu.memory_space<vmem>>[vector<16xi32>], vector<16xf32>,
        %parallel_loop3A_147 = vector.broadcast %squeeze3A_116 : f32 to vector<16xf32>
        %parallel_loop3A_148 = arith.mulf %parallel_loop3A_146, %parallel_loop3A_147 : vector<16xf32>
        %parallel_loop3A_149 = arith.subi %parallel_loop3A_129, %mul3A_32 : i32
        %parallel_loop3A_150 = arith.constant 224 : i32
        %parallel_loop3A_151 = arith.muli %parallel_loop3A_149, %parallel_loop3A_150 : i32
        %parallel_loop3A_152 = arith.constant 1 : i32
        scf.for %parallel_loop3A_153 = %squeeze3A_110 to %squeeze3A_112 step %parallel_loop3A_152  : i32 {
          %parallel_loop3A_154 = arith.constant 16 : i32
          %parallel_loop3A_155 = arith.muli %parallel_loop3A_153, %parallel_loop3A_154 : i32
          %parallel_loop3A_156 = arith.constant 6944 : i32
          %parallel_loop3A_157 = arith.addi %parallel_loop3A_156, %parallel_loop3A_155 : i32
          %parallel_loop3A_158 = arith.index_cast %parallel_loop3A_157 : i32 to index
          %parallel_loop3A_159 = tpu.vector_load %arg13[%parallel_loop3A_158] {strides = array<i32>} : memref<7168xi32, #tpu.memory_space<vmem>>, vector<16xi32>,
          %parallel_loop3A_160 = arith.constant 0 : i32
          %parallel_loop3A_161 = vector.broadcast %parallel_loop3A_160 : i32 to vector<16xi32>
          %parallel_loop3A_162 = arith.maxsi %parallel_loop3A_159, %parallel_loop3A_161 : vector<16xi32>
          %parallel_loop3A_163 = arith.constant 1 : i32
          %parallel_loop3A_164 = vector.broadcast %parallel_loop3A_163 : i32 to vector<16xi32>
          %parallel_loop3A_165 = arith.addi %parallel_loop3A_159, %parallel_loop3A_164 : vector<16xi32>
          %parallel_loop3A_166 = arith.constant 63 : i32
          %parallel_loop3A_167 = vector.broadcast %parallel_loop3A_166 : i32 to vector<16xi32>
          %parallel_loop3A_168 = arith.minsi %parallel_loop3A_165, %parallel_loop3A_167 : vector<16xi32>
          %parallel_loop3A_169 = arith.constant 6944 : i32
          %parallel_loop3A_170 = arith.addi %parallel_loop3A_169, %parallel_loop3A_155 : i32
          %parallel_loop3A_171 = arith.index_cast %parallel_loop3A_170 : i32 to index
          %parallel_loop3A_172 = tpu.vector_load %arg14[%parallel_loop3A_171] {strides = array<i32>} : memref<7168xf32, #tpu.memory_space<vmem>>, vector<16xf32>,
          %parallel_loop3A_173 = arith.constant 6944 : i32
          %parallel_loop3A_174 = arith.addi %parallel_loop3A_173, %parallel_loop3A_155 : i32
          %parallel_loop3A_175 = arith.index_cast %parallel_loop3A_174 : i32 to index
          %parallel_loop3A_176 = tpu.vector_load %arg15[%parallel_loop3A_175] {strides = array<i32>} : memref<7168xf32, #tpu.memory_space<vmem>>, vector<16xf32>,
          %parallel_loop3A_177 = arith.addi %parallel_loop3A_136, %parallel_loop3A_162 : vector<16xi32>
          %parallel_loop3A_178 = arith.constant 12288 : i32
          %parallel_loop3A_179 = vector.broadcast %parallel_loop3A_178 : i32 to vector<16xi32>
          %parallel_loop3A_180 = arith.addi %parallel_loop3A_177, %parallel_loop3A_179 : vector<16xi32>
          %parallel_loop3A_181 = tpu.vector_load_idx %arg21[%parallel_loop3A_180] : memref<24576xf32, #tpu.memory_space<vmem>>[vector<16xi32>], vector<16xf32>,
          %parallel_loop3A_182 = arith.addi %parallel_loop3A_136, %parallel_loop3A_168 : vector<16xi32>
          %parallel_loop3A_183 = arith.constant 12288 : i32
          %parallel_loop3A_184 = vector.broadcast %parallel_loop3A_183 : i32 to vector<16xi32>
          %parallel_loop3A_185 = arith.addi %parallel_loop3A_182, %parallel_loop3A_184 : vector<16xi32>
          %parallel_loop3A_186 = tpu.vector_load_idx %arg21[%parallel_loop3A_185] : memref<24576xf32, #tpu.memory_space<vmem>>[vector<16xi32>], vector<16xf32>,
          %parallel_loop3A_187 = arith.addi %parallel_loop3A_142, %parallel_loop3A_162 : vector<16xi32>
          %parallel_loop3A_188 = arith.constant 12288 : i32
          %parallel_loop3A_189 = vector.broadcast %parallel_loop3A_188 : i32 to vector<16xi32>
          %parallel_loop3A_190 = arith.addi %parallel_loop3A_187, %parallel_loop3A_189 : vector<16xi32>
          %parallel_loop3A_191 = tpu.vector_load_idx %arg21[%parallel_loop3A_190] : memref<24576xf32, #tpu.memory_space<vmem>>[vector<16xi32>], vector<16xf32>,
          %parallel_loop3A_192 = arith.addi %parallel_loop3A_142, %parallel_loop3A_168 : vector<16xi32>
          %parallel_loop3A_193 = arith.constant 12288 : i32
          %parallel_loop3A_194 = vector.broadcast %parallel_loop3A_193 : i32 to vector<16xi32>
          %parallel_loop3A_195 = arith.addi %parallel_loop3A_192, %parallel_loop3A_194 : vector<16xi32>
          %parallel_loop3A_196 = tpu.vector_load_idx %arg21[%parallel_loop3A_195] : memref<24576xf32, #tpu.memory_space<vmem>>[vector<16xi32>], vector<16xf32>,
          %parallel_loop3A_197 = arith.mulf %parallel_loop3A_172, %parallel_loop3A_181 : vector<16xf32>
          %parallel_loop3A_198 = arith.mulf %parallel_loop3A_176, %parallel_loop3A_186 : vector<16xf32>
          %parallel_loop3A_199 = arith.addf %parallel_loop3A_197, %parallel_loop3A_198 : vector<16xf32>
          %parallel_loop3A_200 = arith.mulf %parallel_loop3A_145, %parallel_loop3A_199 : vector<16xf32>
          %parallel_loop3A_201 = arith.mulf %parallel_loop3A_172, %parallel_loop3A_191 : vector<16xf32>
          %parallel_loop3A_202 = arith.mulf %parallel_loop3A_176, %parallel_loop3A_196 : vector<16xf32>
          %parallel_loop3A_203 = arith.addf %parallel_loop3A_201, %parallel_loop3A_202 : vector<16xf32>
          %parallel_loop3A_204 = arith.mulf %parallel_loop3A_148, %parallel_loop3A_203 : vector<16xf32>
          %parallel_loop3A_205 = arith.addf %parallel_loop3A_200, %parallel_loop3A_204 : vector<16xf32>
          %parallel_loop3A_206 = arith.constant 0 : i32
          %parallel_loop3A_207 = arith.addi %parallel_loop3A_206, %parallel_loop3A_151 : i32
          %parallel_loop3A_208 = arith.addi %parallel_loop3A_207, %parallel_loop3A_155 : i32
          %parallel_loop3A_209 = arith.index_cast %parallel_loop3A_208 : i32 to index
          %parallel_loop3A_210 = tpu.vector_load %arg23[%parallel_loop3A_209] {strides = array<i32>} : memref<18816xf32, #tpu.memory_space<vmem>>, vector<16xf32>,
          %parallel_loop3A_211 = arith.addf %parallel_loop3A_210, %parallel_loop3A_205 : vector<16xf32>
          %parallel_loop3A_212 = arith.index_cast %parallel_loop3A_208 : i32 to index
          %parallel_loop3A_213 = tpu.vector_load %arg23[%parallel_loop3A_212] {strides = array<i32>} : memref<18816xf32, #tpu.memory_space<vmem>>, vector<16xf32>,
          tpu.vector_store %arg23[%parallel_loop3A_212], %parallel_loop3A_211 {strides = array<i32>} : memref<18816xf32, #tpu.memory_space<vmem>>, vector<16xf32>,
          %parallel_loop3A_214 = arith.addi %parallel_loop3A_136, %parallel_loop3A_162 : vector<16xi32>
          %parallel_loop3A_215 = arith.constant 16384 : i32
          %parallel_loop3A_216 = vector.broadcast %parallel_loop3A_215 : i32 to vector<16xi32>
          %parallel_loop3A_217 = arith.addi %parallel_loop3A_214, %parallel_loop3A_216 : vector<16xi32>
          %parallel_loop3A_218 = tpu.vector_load_idx %arg21[%parallel_loop3A_217] : memref<24576xf32, #tpu.memory_space<vmem>>[vector<16xi32>], vector<16xf32>,
          %parallel_loop3A_219 = arith.addi %parallel_loop3A_136, %parallel_loop3A_168 : vector<16xi32>
          %parallel_loop3A_220 = arith.constant 16384 : i32
          %parallel_loop3A_221 = vector.broadcast %parallel_loop3A_220 : i32 to vector<16xi32>
          %parallel_loop3A_222 = arith.addi %parallel_loop3A_219, %parallel_loop3A_221 : vector<16xi32>
          %parallel_loop3A_223 = tpu.vector_load_idx %arg21[%parallel_loop3A_222] : memref<24576xf32, #tpu.memory_space<vmem>>[vector<16xi32>], vector<16xf32>,
          %parallel_loop3A_224 = arith.addi %parallel_loop3A_142, %parallel_loop3A_162 : vector<16xi32>
          %parallel_loop3A_225 = arith.constant 16384 : i32
          %parallel_loop3A_226 = vector.broadcast %parallel_loop3A_225 : i32 to vector<16xi32>
          %parallel_loop3A_227 = arith.addi %parallel_loop3A_224, %parallel_loop3A_226 : vector<16xi32>
          %parallel_loop3A_228 = tpu.vector_load_idx %arg21[%parallel_loop3A_227] : memref<24576xf32, #tpu.memory_space<vmem>>[vector<16xi32>], vector<16xf32>,
          %parallel_loop3A_229 = arith.addi %parallel_loop3A_142, %parallel_loop3A_168 : vector<16xi32>
          %parallel_loop3A_230 = arith.constant 16384 : i32
          %parallel_loop3A_231 = vector.broadcast %parallel_loop3A_230 : i32 to vector<16xi32>
          %parallel_loop3A_232 = arith.addi %parallel_loop3A_229, %parallel_loop3A_231 : vector<16xi32>
          %parallel_loop3A_233 = tpu.vector_load_idx %arg21[%parallel_loop3A_232] : memref<24576xf32, #tpu.memory_space<vmem>>[vector<16xi32>], vector<16xf32>,
          %parallel_loop3A_234 = arith.mulf %parallel_loop3A_172, %parallel_loop3A_218 : vector<16xf32>
          %parallel_loop3A_235 = arith.mulf %parallel_loop3A_176, %parallel_loop3A_223 : vector<16xf32>
          %parallel_loop3A_236 = arith.addf %parallel_loop3A_234, %parallel_loop3A_235 : vector<16xf32>
          %parallel_loop3A_237 = arith.mulf %parallel_loop3A_145, %parallel_loop3A_236 : vector<16xf32>
          %parallel_loop3A_238 = arith.mulf %parallel_loop3A_172, %parallel_loop3A_228 : vector<16xf32>
          %parallel_loop3A_239 = arith.mulf %parallel_loop3A_176, %parallel_loop3A_233 : vector<16xf32>
          %parallel_loop3A_240 = arith.addf %parallel_loop3A_238, %parallel_loop3A_239 : vector<16xf32>
          %parallel_loop3A_241 = arith.mulf %parallel_loop3A_148, %parallel_loop3A_240 : vector<16xf32>
          %parallel_loop3A_242 = arith.addf %parallel_loop3A_237, %parallel_loop3A_241 : vector<16xf32>
          %parallel_loop3A_243 = arith.constant 6272 : i32
          %parallel_loop3A_244 = arith.addi %parallel_loop3A_243, %parallel_loop3A_151 : i32
          %parallel_loop3A_245 = arith.addi %parallel_loop3A_244, %parallel_loop3A_155 : i32
          %parallel_loop3A_246 = arith.index_cast %parallel_loop3A_245 : i32 to index
          %parallel_loop3A_247 = tpu.vector_load %arg23[%parallel_loop3A_246] {strides = array<i32>} : memref<18816xf32, #tpu.memory_space<vmem>>, vector<16xf32>,
          %parallel_loop3A_248 = arith.addf %parallel_loop3A_247, %parallel_loop3A_242 : vector<16xf32>
          %parallel_loop3A_249 = arith.index_cast %parallel_loop3A_245 : i32 to index
          %parallel_loop3A_250 = tpu.vector_load %arg23[%parallel_loop3A_249] {strides = array<i32>} : memref<18816xf32, #tpu.memory_space<vmem>>, vector<16xf32>,
          tpu.vector_store %arg23[%parallel_loop3A_249], %parallel_loop3A_248 {strides = array<i32>} : memref<18816xf32, #tpu.memory_space<vmem>>, vector<16xf32>,
          %parallel_loop3A_251 = arith.addi %parallel_loop3A_136, %parallel_loop3A_162 : vector<16xi32>
          %parallel_loop3A_252 = arith.constant 20480 : i32
          %parallel_loop3A_253 = vector.broadcast %parallel_loop3A_252 : i32 to vector<16xi32>
          %parallel_loop3A_254 = arith.addi %parallel_loop3A_251, %parallel_loop3A_253 : vector<16xi32>
          %parallel_loop3A_255 = tpu.vector_load_idx %arg21[%parallel_loop3A_254] : memref<24576xf32, #tpu.memory_space<vmem>>[vector<16xi32>], vector<16xf32>,
          %parallel_loop3A_256 = arith.addi %parallel_loop3A_136, %parallel_loop3A_168 : vector<16xi32>
          %parallel_loop3A_257 = arith.constant 20480 : i32
          %parallel_loop3A_258 = vector.broadcast %parallel_loop3A_257 : i32 to vector<16xi32>
          %parallel_loop3A_259 = arith.addi %parallel_loop3A_256, %parallel_loop3A_258 : vector<16xi32>
          %parallel_loop3A_260 = tpu.vector_load_idx %arg21[%parallel_loop3A_259] : memref<24576xf32, #tpu.memory_space<vmem>>[vector<16xi32>], vector<16xf32>,
          %parallel_loop3A_261 = arith.addi %parallel_loop3A_142, %parallel_loop3A_162 : vector<16xi32>
          %parallel_loop3A_262 = arith.constant 20480 : i32
          %parallel_loop3A_263 = vector.broadcast %parallel_loop3A_262 : i32 to vector<16xi32>
          %parallel_loop3A_264 = arith.addi %parallel_loop3A_261, %parallel_loop3A_263 : vector<16xi32>
          %parallel_loop3A_265 = tpu.vector_load_idx %arg21[%parallel_loop3A_264] : memref<24576xf32, #tpu.memory_space<vmem>>[vector<16xi32>], vector<16xf32>,
          %parallel_loop3A_266 = arith.addi %parallel_loop3A_142, %parallel_loop3A_168 : vector<16xi32>
          %parallel_loop3A_267 = arith.constant 20480 : i32
          %parallel_loop3A_268 = vector.broadcast %parallel_loop3A_267 : i32 to vector<16xi32>
          %parallel_loop3A_269 = arith.addi %parallel_loop3A_266, %parallel_loop3A_268 : vector<16xi32>
          %parallel_loop3A_270 = tpu.vector_load_idx %arg21[%parallel_loop3A_269] : memref<24576xf32, #tpu.memory_space<vmem>>[vector<16xi32>], vector<16xf32>,
          %parallel_loop3A_271 = arith.mulf %parallel_loop3A_172, %parallel_loop3A_255 : vector<16xf32>
          %parallel_loop3A_272 = arith.mulf %parallel_loop3A_176, %parallel_loop3A_260 : vector<16xf32>
          %parallel_loop3A_273 = arith.addf %parallel_loop3A_271, %parallel_loop3A_272 : vector<16xf32>
          %parallel_loop3A_274 = arith.mulf %parallel_loop3A_145, %parallel_loop3A_273 : vector<16xf32>
          %parallel_loop3A_275 = arith.mulf %parallel_loop3A_172, %parallel_loop3A_265 : vector<16xf32>
          %parallel_loop3A_276 = arith.mulf %parallel_loop3A_176, %parallel_loop3A_270 : vector<16xf32>
          %parallel_loop3A_277 = arith.addf %parallel_loop3A_275, %parallel_loop3A_276 : vector<16xf32>
          %parallel_loop3A_278 = arith.mulf %parallel_loop3A_148, %parallel_loop3A_277 : vector<16xf32>
          %parallel_loop3A_279 = arith.addf %parallel_loop3A_274, %parallel_loop3A_278 : vector<16xf32>
          %parallel_loop3A_280 = arith.constant 12544 : i32
          %parallel_loop3A_281 = arith.addi %parallel_loop3A_280, %parallel_loop3A_151 : i32
          %parallel_loop3A_282 = arith.addi %parallel_loop3A_281, %parallel_loop3A_155 : i32
          %parallel_loop3A_283 = arith.index_cast %parallel_loop3A_282 : i32 to index
          %parallel_loop3A_284 = tpu.vector_load %arg23[%parallel_loop3A_283] {strides = array<i32>} : memref<18816xf32, #tpu.memory_space<vmem>>, vector<16xf32>,
          %parallel_loop3A_285 = arith.addf %parallel_loop3A_284, %parallel_loop3A_279 : vector<16xf32>
          %parallel_loop3A_286 = arith.index_cast %parallel_loop3A_282 : i32 to index
          %parallel_loop3A_287 = tpu.vector_load %arg23[%parallel_loop3A_286] {strides = array<i32>} : memref<18816xf32, #tpu.memory_space<vmem>>, vector<16xf32>,
          tpu.vector_store %arg23[%parallel_loop3A_286], %parallel_loop3A_285 {strides = array<i32>} : memref<18816xf32, #tpu.memory_space<vmem>>, vector<16xf32>,
        } {sc.loop_unroll_factor = 4 : i64, sc.parallel_access}
      } {sc.loop_unroll_factor = 1 : i64, sc.parallel_access}
    } else {
    }
    %parallel_loop3A = arith.constant 0 : i32
    %parallel_loop3A_124 = arith.constant 1176 : i32
    %parallel_loop3A_125 = arith.constant 1 : i32
    scf.for %parallel_loop3A_128 = %parallel_loop3A to %parallel_loop3A_124 step %parallel_loop3A_125  : i32 {
      %parallel_loop3A_129 = arith.constant 16 : i32
      %parallel_loop3A_130 = arith.muli %parallel_loop3A_128, %parallel_loop3A_129 : i32
      %parallel_loop3A_131 = arith.index_cast %parallel_loop3A_130 : i32 to index
      %parallel_loop3A_132 = tpu.vector_load %arg22[%parallel_loop3A_131] {strides = array<i32>} : memref<18816xf32, #tpu.memory_space<vmem>>, vector<16xf32>,
      %parallel_loop3A_133 = arith.index_cast %parallel_loop3A_130 : i32 to index
      %parallel_loop3A_134 = tpu.vector_load %arg23[%parallel_loop3A_133] {strides = array<i32>} : memref<18816xf32, #tpu.memory_space<vmem>>, vector<16xf32>,
      %parallel_loop3A_135 = arith.constant 1.000000e-03 : f32
      %parallel_loop3A_136 = vector.broadcast %parallel_loop3A_135 : f32 to vector<16xf32>
      %parallel_loop3A_137 = arith.cmpf olt, %parallel_loop3A_132, %parallel_loop3A_136 : vector<16xf32>
      %parallel_loop3A_138 = arith.constant 1.000000e+00 : f32
      %parallel_loop3A_139 = arith.constant 0.000000e+00 : f32
      %parallel_loop3A_140 = vector.broadcast %parallel_loop3A_138 : f32 to vector<16xf32>
      %parallel_loop3A_141 = vector.broadcast %parallel_loop3A_139 : f32 to vector<16xf32>
      %parallel_loop3A_142 = arith.select %parallel_loop3A_137, %parallel_loop3A_140, %parallel_loop3A_141 : vector<16xi1>, vector<16xf32>
      %parallel_loop3A_143 = arith.mulf %parallel_loop3A_134, %parallel_loop3A_142 : vector<16xf32>
      %parallel_loop3A_144 = arith.addf %parallel_loop3A_132, %parallel_loop3A_143 : vector<16xf32>
      %parallel_loop3A_145 = arith.index_cast %parallel_loop3A_130 : i32 to index
      %parallel_loop3A_146 = tpu.vector_load %arg22[%parallel_loop3A_145] {strides = array<i32>} : memref<18816xf32, #tpu.memory_space<vmem>>, vector<16xf32>,
      tpu.vector_store %arg22[%parallel_loop3A_145], %parallel_loop3A_144 {strides = array<i32>} : memref<18816xf32, #tpu.memory_space<vmem>>, vector<16xf32>,
    } {sc.loop_unroll_factor = 4 : i64, sc.parallel_access}
    %run_scoped3A = arith.constant 0 : i32
    "tpu.region"() ({
      %run_scoped3A_128 = tpu.sem_alloc : memref<!tpu.dma_semaphore, #tpu.memory_space<semaphore_mem>>
      %dma_start3A_129 = arith.constant 0 : i32
      %dma_start3A_130 = tpu.memref_slice %arg22[%dma_start3A_129] : memref<18816xf32, #tpu.memory_space<vmem>> -> memref<6272xf32, #tpu.memory_space<vmem>>
      %dma_start3A_131 = arith.constant 0 : i32
      %dma_start3A_132 = tpu.memref_slice %arg12[%select_n3A, %run_scoped3A, %select_n3A_30, %dma_start3A_131] : memref<4x3x8x6272xf32, #tpu.memory_space<hbm>> -> memref<1x1x1x6272xf32, #tpu.memory_space<hbm>>
      %dma_start3A_133 = tpu.memref_squeeze %dma_start3A_132 : memref<1x1x1x6272xf32, #tpu.memory_space<hbm>> -> memref<6272xf32, #tpu.memory_space<hbm>>
      %dma_start3A_134 = arith.constant 0 : i32
      %dma_start3A_135 = tpu.memref_slice %arg12[%select_n3A, %run_scoped3A, %select_n3A_30, %dma_start3A_134] : memref<4x3x8x6272xf32, #tpu.memory_space<hbm>> -> memref<1x1x1x6272xf32, #tpu.memory_space<hbm>>
      %dma_start3A_136 = tpu.memref_squeeze %dma_start3A_135 : memref<1x1x1x6272xf32, #tpu.memory_space<hbm>> -> memref<6272xf32, #tpu.memory_space<hbm>>
      %dma_start3A_137 = arith.constant 0 : i32
      %dma_start3A_138 = tpu.memref_slice %arg22[%dma_start3A_137] : memref<18816xf32, #tpu.memory_space<vmem>> -> memref<6272xf32, #tpu.memory_space<vmem>>
      tpu.enqueue_dma source(%dma_start3A_138 : memref<6272xf32, #tpu.memory_space<vmem>>) target(%dma_start3A_136 : memref<6272xf32, #tpu.memory_space<hbm>>) target_semaphore(%run_scoped3A_128 : memref<!tpu.dma_semaphore, #tpu.memory_space<semaphore_mem>>)
      %dma_wait3A_139 = arith.constant 0 : i32
      %dma_wait3A_140 = tpu.memref_slice %arg22[%dma_wait3A_139] : memref<18816xf32, #tpu.memory_space<vmem>> -> memref<6272xf32, #tpu.memory_space<vmem>>
      %dma_wait3A_141 = arith.constant 0 : i32
      %dma_wait3A_142 = tpu.memref_slice %arg12[%select_n3A, %run_scoped3A, %select_n3A_30, %dma_wait3A_141] : memref<4x3x8x6272xf32, #tpu.memory_space<hbm>> -> memref<1x1x1x6272xf32, #tpu.memory_space<hbm>>
      %dma_wait3A_143 = tpu.memref_squeeze %dma_wait3A_142 : memref<1x1x1x6272xf32, #tpu.memory_space<hbm>> -> memref<6272xf32, #tpu.memory_space<hbm>>
      %dma_wait3A_144 = arith.constant 0 : i32
      %dma_wait3A_145 = tpu.memref_slice %arg12[%select_n3A, %run_scoped3A, %select_n3A_30, %dma_wait3A_144] : memref<4x3x8x6272xf32, #tpu.memory_space<hbm>> -> memref<1x1x1x6272xf32, #tpu.memory_space<hbm>>
      %dma_wait3A_146 = tpu.memref_squeeze %dma_wait3A_145 : memref<1x1x1x6272xf32, #tpu.memory_space<hbm>> -> memref<6272xf32, #tpu.memory_space<hbm>>
      %dma_wait3A_147 = arith.constant 0 : i32
      %dma_wait3A_148 = tpu.memref_slice %arg22[%dma_wait3A_147] : memref<18816xf32, #tpu.memory_space<vmem>> -> memref<6272xf32, #tpu.memory_space<vmem>>
      tpu.wait_dma2 semaphore(%run_scoped3A_128 : memref<!tpu.dma_semaphore, #tpu.memory_space<semaphore_mem>>) src(%dma_wait3A_148 : memref<6272xf32, #tpu.memory_space<vmem>>) dst(%dma_wait3A_146 : memref<6272xf32, #tpu.memory_space<hbm>>)
      tpu.yield
    }) : () -> ()
    %run_scoped3A_126 = arith.constant 1 : i32
    "tpu.region"() ({
      %run_scoped3A_128 = tpu.sem_alloc : memref<!tpu.dma_semaphore, #tpu.memory_space<semaphore_mem>>
      %dma_start3A_129 = arith.constant 6272 : i32
      %dma_start3A_130 = tpu.memref_slice %arg22[%dma_start3A_129] : memref<18816xf32, #tpu.memory_space<vmem>> -> memref<6272xf32, #tpu.memory_space<vmem>>
      %dma_start3A_131 = arith.constant 0 : i32
      %dma_start3A_132 = tpu.memref_slice %arg12[%select_n3A, %run_scoped3A_126, %select_n3A_30, %dma_start3A_131] : memref<4x3x8x6272xf32, #tpu.memory_space<hbm>> -> memref<1x1x1x6272xf32, #tpu.memory_space<hbm>>
      %dma_start3A_133 = tpu.memref_squeeze %dma_start3A_132 : memref<1x1x1x6272xf32, #tpu.memory_space<hbm>> -> memref<6272xf32, #tpu.memory_space<hbm>>
      %dma_start3A_134 = arith.constant 0 : i32
      %dma_start3A_135 = tpu.memref_slice %arg12[%select_n3A, %run_scoped3A_126, %select_n3A_30, %dma_start3A_134] : memref<4x3x8x6272xf32, #tpu.memory_space<hbm>> -> memref<1x1x1x6272xf32, #tpu.memory_space<hbm>>
      %dma_start3A_136 = tpu.memref_squeeze %dma_start3A_135 : memref<1x1x1x6272xf32, #tpu.memory_space<hbm>> -> memref<6272xf32, #tpu.memory_space<hbm>>
      %dma_start3A_137 = arith.constant 6272 : i32
      %dma_start3A_138 = tpu.memref_slice %arg22[%dma_start3A_137] : memref<18816xf32, #tpu.memory_space<vmem>> -> memref<6272xf32, #tpu.memory_space<vmem>>
      tpu.enqueue_dma source(%dma_start3A_138 : memref<6272xf32, #tpu.memory_space<vmem>>) target(%dma_start3A_136 : memref<6272xf32, #tpu.memory_space<hbm>>) target_semaphore(%run_scoped3A_128 : memref<!tpu.dma_semaphore, #tpu.memory_space<semaphore_mem>>)
      %dma_wait3A_139 = arith.constant 6272 : i32
      %dma_wait3A_140 = tpu.memref_slice %arg22[%dma_wait3A_139] : memref<18816xf32, #tpu.memory_space<vmem>> -> memref<6272xf32, #tpu.memory_space<vmem>>
      %dma_wait3A_141 = arith.constant 0 : i32
      %dma_wait3A_142 = tpu.memref_slice %arg12[%select_n3A, %run_scoped3A_126, %select_n3A_30, %dma_wait3A_141] : memref<4x3x8x6272xf32, #tpu.memory_space<hbm>> -> memref<1x1x1x6272xf32, #tpu.memory_space<hbm>>
      %dma_wait3A_143 = tpu.memref_squeeze %dma_wait3A_142 : memref<1x1x1x6272xf32, #tpu.memory_space<hbm>> -> memref<6272xf32, #tpu.memory_space<hbm>>
      %dma_wait3A_144 = arith.constant 0 : i32
      %dma_wait3A_145 = tpu.memref_slice %arg12[%select_n3A, %run_scoped3A_126, %select_n3A_30, %dma_wait3A_144] : memref<4x3x8x6272xf32, #tpu.memory_space<hbm>> -> memref<1x1x1x6272xf32, #tpu.memory_space<hbm>>
      %dma_wait3A_146 = tpu.memref_squeeze %dma_wait3A_145 : memref<1x1x1x6272xf32, #tpu.memory_space<hbm>> -> memref<6272xf32, #tpu.memory_space<hbm>>
      %dma_wait3A_147 = arith.constant 6272 : i32
      %dma_wait3A_148 = tpu.memref_slice %arg22[%dma_wait3A_147] : memref<18816xf32, #tpu.memory_space<vmem>> -> memref<6272xf32, #tpu.memory_space<vmem>>
      tpu.wait_dma2 semaphore(%run_scoped3A_128 : memref<!tpu.dma_semaphore, #tpu.memory_space<semaphore_mem>>) src(%dma_wait3A_148 : memref<6272xf32, #tpu.memory_space<vmem>>) dst(%dma_wait3A_146 : memref<6272xf32, #tpu.memory_space<hbm>>)
      tpu.yield
    }) : () -> ()
    %run_scoped3A_127 = arith.constant 2 : i32
    "tpu.region"() ({
      %run_scoped3A_128 = tpu.sem_alloc : memref<!tpu.dma_semaphore, #tpu.memory_space<semaphore_mem>>
      %dma_start3A_129 = arith.constant 12544 : i32
      %dma_start3A_130 = tpu.memref_slice %arg22[%dma_start3A_129] : memref<18816xf32, #tpu.memory_space<vmem>> -> memref<6272xf32, #tpu.memory_space<vmem>>
      %dma_start3A_131 = arith.constant 0 : i32
      %dma_start3A_132 = tpu.memref_slice %arg12[%select_n3A, %run_scoped3A_127, %select_n3A_30, %dma_start3A_131] : memref<4x3x8x6272xf32, #tpu.memory_space<hbm>> -> memref<1x1x1x6272xf32, #tpu.memory_space<hbm>>
      %dma_start3A_133 = tpu.memref_squeeze %dma_start3A_132 : memref<1x1x1x6272xf32, #tpu.memory_space<hbm>> -> memref<6272xf32, #tpu.memory_space<hbm>>
      %dma_start3A_134 = arith.constant 0 : i32
      %dma_start3A_135 = tpu.memref_slice %arg12[%select_n3A, %run_scoped3A_127, %select_n3A_30, %dma_start3A_134] : memref<4x3x8x6272xf32, #tpu.memory_space<hbm>> -> memref<1x1x1x6272xf32, #tpu.memory_space<hbm>>
      %dma_start3A_136 = tpu.memref_squeeze %dma_start3A_135 : memref<1x1x1x6272xf32, #tpu.memory_space<hbm>> -> memref<6272xf32, #tpu.memory_space<hbm>>
      %dma_start3A_137 = arith.constant 12544 : i32
      %dma_start3A_138 = tpu.memref_slice %arg22[%dma_start3A_137] : memref<18816xf32, #tpu.memory_space<vmem>> -> memref<6272xf32, #tpu.memory_space<vmem>>
      tpu.enqueue_dma source(%dma_start3A_138 : memref<6272xf32, #tpu.memory_space<vmem>>) target(%dma_start3A_136 : memref<6272xf32, #tpu.memory_space<hbm>>) target_semaphore(%run_scoped3A_128 : memref<!tpu.dma_semaphore, #tpu.memory_space<semaphore_mem>>)
      %dma_wait3A_139 = arith.constant 12544 : i32
      %dma_wait3A_140 = tpu.memref_slice %arg22[%dma_wait3A_139] : memref<18816xf32, #tpu.memory_space<vmem>> -> memref<6272xf32, #tpu.memory_space<vmem>>
      %dma_wait3A_141 = arith.constant 0 : i32
      %dma_wait3A_142 = tpu.memref_slice %arg12[%select_n3A, %run_scoped3A_127, %select_n3A_30, %dma_wait3A_141] : memref<4x3x8x6272xf32, #tpu.memory_space<hbm>> -> memref<1x1x1x6272xf32, #tpu.memory_space<hbm>>
      %dma_wait3A_143 = tpu.memref_squeeze %dma_wait3A_142 : memref<1x1x1x6272xf32, #tpu.memory_space<hbm>> -> memref<6272xf32, #tpu.memory_space<hbm>>
      %dma_wait3A_144 = arith.constant 0 : i32
      %dma_wait3A_145 = tpu.memref_slice %arg12[%select_n3A, %run_scoped3A_127, %select_n3A_30, %dma_wait3A_144] : memref<4x3x8x6272xf32, #tpu.memory_space<hbm>> -> memref<1x1x1x6272xf32, #tpu.memory_space<hbm>>
      %dma_wait3A_146 = tpu.memref_squeeze %dma_wait3A_145 : memref<1x1x1x6272xf32, #tpu.memory_space<hbm>> -> memref<6272xf32, #tpu.memory_space<hbm>>
      %dma_wait3A_147 = arith.constant 12544 : i32
      %dma_wait3A_148 = tpu.memref_slice %arg22[%dma_wait3A_147] : memref<18816xf32, #tpu.memory_space<vmem>> -> memref<6272xf32, #tpu.memory_space<vmem>>
      tpu.wait_dma2 semaphore(%run_scoped3A_128 : memref<!tpu.dma_semaphore, #tpu.memory_space<semaphore_mem>>) src(%dma_wait3A_148 : memref<6272xf32, #tpu.memory_space<vmem>>) dst(%dma_wait3A_146 : memref<6272xf32, #tpu.memory_space<hbm>>)
      tpu.yield
    }) : () -> ()
    return
  }
}

module attributes {stable_mosaic.version = 14 : i64} {
  func.func @_decode_body(%arg0: i32, %arg1: memref<128x64xf32, #tpu.memory_space<vmem>>, %arg2: memref<64x1024xf32, #tpu.memory_space<vmem>>, %arg3: memref<1x1024xf32, #tpu.memory_space<vmem>>, %arg4: memref<1024x1536xf32, #tpu.memory_space<vmem>>, %arg5: memref<1x1536xf32, #tpu.memory_space<vmem>>, %arg6: memref<1x224xf32, #tpu.memory_space<vmem>>, %arg7: memref<128x4xf32, #tpu.memory_space<vmem>>, %arg8: memref<4x32xf32, #tpu.memory_space<vmem>>, %arg9: memref<128x1536xf32, #tpu.memory_space<vmem>>, %arg10: memref<128x224xi32, #tpu.memory_space<vmem>>, %arg11: memref<128x224xf32, #tpu.memory_space<vmem>>, %arg12: memref<128x224xf32, #tpu.memory_space<vmem>>, %arg13: memref<128x224xi32, #tpu.memory_space<vmem>>, %arg14: memref<128x224xf32, #tpu.memory_space<vmem>>, %arg15: memref<128x224xf32, #tpu.memory_space<vmem>>, %arg16: memref<4x32xf32, #tpu.memory_space<vmem>>, %arg17: memref<128x1xi32, #tpu.memory_space<vmem>>, %arg18: memref<128x1xi32, #tpu.memory_space<vmem>>, %arg19: memref<128x1xi32, #tpu.memory_space<vmem>>, %arg20: memref<128x1xi32, #tpu.memory_space<vmem>>, %arg21: memref<128x1024xf32, #tpu.memory_space<vmem>>) attributes {dimension_semantics = [#tpu.dimension_semantics<arbitrary>], iteration_bounds = array<i64: 8>, scalar_prefetch = 0 : i64, scratch_operands = 1 : i64, tpu.core_type = #tpu.core_type<tc>, window_params = [{pipeline_mode = #tpu.pipeline_mode<synchronous>, transform_indices = @transform_0, window_bounds = array<i64: 128, 64>}, {pipeline_mode = #tpu.pipeline_mode<synchronous>, transform_indices = @transform_1, window_bounds = array<i64: 64, 1024>}, {pipeline_mode = #tpu.pipeline_mode<synchronous>, transform_indices = @transform_2, window_bounds = array<i64: 1, 1024>}, {transform_indices = @transform_3, window_bounds = array<i64: 1024, 1536>}, {transform_indices = @transform_4, window_bounds = array<i64: 1, 1536>}, {pipeline_mode = #tpu.pipeline_mode<synchronous>, transform_indices = @transform_5, window_bounds = array<i64: 1, 224>}, {pipeline_mode = #tpu.pipeline_mode<synchronous>, transform_indices = @transform_6, window_bounds = array<i64: 128, 4>}, {pipeline_mode = #tpu.pipeline_mode<synchronous>, transform_indices = @transform_7, window_bounds = array<i64: 4, 32>}, {transform_indices = @transform_8, window_bounds = array<i64: 128, 1536>}, {pipeline_mode = #tpu.pipeline_mode<synchronous>, transform_indices = @transform_9, window_bounds = array<i64: 128, 224>}, {pipeline_mode = #tpu.pipeline_mode<synchronous>, transform_indices = @transform_10, window_bounds = array<i64: 128, 224>}, {pipeline_mode = #tpu.pipeline_mode<synchronous>, transform_indices = @transform_11, window_bounds = array<i64: 128, 224>}, {pipeline_mode = #tpu.pipeline_mode<synchronous>, transform_indices = @transform_12, window_bounds = array<i64: 128, 224>}, {pipeline_mode = #tpu.pipeline_mode<synchronous>, transform_indices = @transform_13, window_bounds = array<i64: 128, 224>}, {pipeline_mode = #tpu.pipeline_mode<synchronous>, transform_indices = @transform_14, window_bounds = array<i64: 128, 224>}, {pipeline_mode = #tpu.pipeline_mode<synchronous>, transform_indices = @transform_15, window_bounds = array<i64: 4, 32>}, {pipeline_mode = #tpu.pipeline_mode<synchronous>, transform_indices = @transform_16, window_bounds = array<i64: 128, 1>}, {pipeline_mode = #tpu.pipeline_mode<synchronous>, transform_indices = @transform_17, window_bounds = array<i64: 128, 1>}, {pipeline_mode = #tpu.pipeline_mode<synchronous>, transform_indices = @transform_18, window_bounds = array<i64: 128, 1>}, {pipeline_mode = #tpu.pipeline_mode<synchronous>, transform_indices = @transform_19, window_bounds = array<i64: 128, 1>}]} {
    %eq3A = arith.constant 0 : i32
    %eq3A_0 = arith.cmpi eq, %arg0, %eq3A : i32
    %convert_element_type3A = arith.extui %eq3A_0 : i1 to i32
    %cond3A = arith.constant 0 : i32
    %cond3A_1 = arith.cmpi ne, %convert_element_type3A, %cond3A : i32
    scf.if %cond3A_1 {
      %get3A_19 = arith.constant 0 : index
      %get3A_20 = arith.constant 0 : index
      %get3A_21 = vector.load %arg1[%get3A_19, %get3A_20] : memref<128x64xf32, #tpu.memory_space<vmem>>, vector<128x64xf32>
      %get3A_22 = arith.constant 0 : index
      %get3A_23 = arith.constant 0 : index
      %get3A_24 = vector.load %arg2[%get3A_22, %get3A_23] : memref<64x1024xf32, #tpu.memory_space<vmem>>, vector<64x1024xf32>
      %dot_general3A_25 = arith.constant dense<0.000000e+00> : vector<128x1024xf32>
      %dot_general3A_26 = tpu.matmul %get3A_21, %get3A_24, %dot_general3A_25 {dimension_numbers = #tpu.dot_dimension_numbers<[1], [0], [0], [1], [0, 0, 1, 1], [], []>, transpose_lhs_hint = false} : vector<128x64xf32>, vector<64x1024xf32>, vector<128x1024xf32> -> vector<128x1024xf32>
      %get3A_27 = arith.constant 0 : index
      %get3A_28 = arith.constant 0 : index
      %get3A_29 = vector.load %arg3[%get3A_27, %get3A_28] : memref<1x1024xf32, #tpu.memory_space<vmem>>, vector<1x1024xf32>
      %add3A_30 = vector.broadcast %get3A_29 : vector<1x1024xf32> to vector<128x1024xf32>
      %add3A_31 = arith.addf %dot_general3A_26, %add3A_30 : vector<128x1024xf32>
      %max3A = arith.constant 0.000000e+00 : f32
      %max3A_32 = vector.broadcast %max3A : f32 to vector<128x1024xf32>
      %max3A_33 = arith.maximumf %add3A_31, %max3A_32 : vector<128x1024xf32>
      %swap3A_34 = arith.constant 0 : index
      %swap3A_35 = arith.constant 0 : index
      %swap3A_36 = vector.load %arg21[%swap3A_34, %swap3A_35] : memref<128x1024xf32, #tpu.memory_space<vmem>>, vector<128x1024xf32>
      tpu.vector_store %arg21[%swap3A_34, %swap3A_35], %max3A_33 {strides = array<i32>} : memref<128x1024xf32, #tpu.memory_space<vmem>>, vector<128x1024xf32>,
      %get3A_37 = arith.constant 0 : index
      %get3A_38 = arith.constant 0 : index
      %get3A_39 = vector.load %arg6[%get3A_37, %get3A_38] : memref<1x224xf32, #tpu.memory_space<vmem>>, vector<1x224xf32>
      %get3A_40 = arith.constant 0 : index
      %get3A_41 = arith.constant 0 : index
      %get3A_42 = vector.load %arg7[%get3A_40, %get3A_41] : memref<128x4xf32, #tpu.memory_space<vmem>>, vector<128x1xf32>
      %get3A_43 = arith.constant 0 : index
      %get3A_44 = arith.constant 2 : index
      %get3A_45 = vector.load %arg7[%get3A_43, %get3A_44] : memref<128x4xf32, #tpu.memory_space<vmem>>, vector<128x1xf32>
      %max3A_46 = arith.constant 9.99999997E-7 : f32
      %max3A_47 = vector.broadcast %max3A_46 : f32 to vector<128x1xf32>
      %max3A_48 = arith.maximumf %get3A_45, %max3A_47 : vector<128x1xf32>
      %mul3A = arith.constant 2.000000e+00 : f32
      %mul3A_49 = vector.broadcast %mul3A : f32 to vector<128x1xf32>
      %mul3A_50 = arith.mulf %mul3A_49, %get3A_42 : vector<128x1xf32>
      %sub3A = arith.constant 1.000000e+00 : f32
      %sub3A_51 = vector.broadcast %sub3A : f32 to vector<128x1xf32>
      %sub3A_52 = arith.subf %mul3A_50, %sub3A_51 : vector<128x1xf32>
      %sub3A_53 = vector.broadcast %get3A_39 : vector<1x224xf32> to vector<128x224xf32>
      %sub3A_54 = vector.broadcast %sub3A_52 : vector<128x1xf32> to vector<128x224xf32>
      %sub3A_55 = arith.subf %sub3A_53, %sub3A_54 : vector<128x224xf32>
      %div3A = vector.broadcast %max3A_48 : vector<128x1xf32> to vector<128x224xf32>
      %div3A_56 = arith.divf %sub3A_55, %div3A : vector<128x224xf32>
      %add3A_57 = arith.constant 1.000000e+00 : f32
      %add3A_58 = vector.broadcast %add3A_57 : f32 to vector<128x224xf32>
      %add3A_59 = arith.addf %div3A_56, %add3A_58 : vector<128x224xf32>
      %mul3A_60 = arith.constant 3.150000e+01 : f32
      %mul3A_61 = vector.broadcast %mul3A_60 : f32 to vector<128x224xf32>
      %mul3A_62 = arith.mulf %add3A_59, %mul3A_61 : vector<128x224xf32>
      %floor3A = math.floor %mul3A_62 : vector<128x224xf32>
      %sub3A_63 = arith.subf %mul3A_62, %floor3A : vector<128x224xf32>
      %ge3A = arith.constant 0.000000e+00 : f32
      %ge3A_64 = vector.broadcast %ge3A : f32 to vector<128x224xf32>
      %ge3A_65 = arith.cmpf oge, %floor3A, %ge3A_64 : vector<128x224xf32>
      %le3A = arith.constant 6.300000e+01 : f32
      %le3A_66 = vector.broadcast %le3A : f32 to vector<128x224xf32>
      %le3A_67 = arith.cmpf ole, %floor3A, %le3A_66 : vector<128x224xf32>
      %and3A = arith.andi %ge3A_65, %le3A_67 : vector<128x224xi1>
      %add3A_68 = arith.constant 1.000000e+00 : f32
      %add3A_69 = vector.broadcast %add3A_68 : f32 to vector<128x224xf32>
      %add3A_70 = arith.addf %floor3A, %add3A_69 : vector<128x224xf32>
      %ge3A_71 = arith.constant 0.000000e+00 : f32
      %ge3A_72 = vector.broadcast %ge3A_71 : f32 to vector<128x224xf32>
      %ge3A_73 = arith.cmpf oge, %add3A_70, %ge3A_72 : vector<128x224xf32>
      %add3A_74 = arith.constant 1.000000e+00 : f32
      %add3A_75 = vector.broadcast %add3A_74 : f32 to vector<128x224xf32>
      %add3A_76 = arith.addf %floor3A, %add3A_75 : vector<128x224xf32>
      %le3A_77 = arith.constant 6.300000e+01 : f32
      %le3A_78 = vector.broadcast %le3A_77 : f32 to vector<128x224xf32>
      %le3A_79 = arith.cmpf ole, %add3A_76, %le3A_78 : vector<128x224xf32>
      %and3A_80 = arith.andi %ge3A_73, %le3A_79 : vector<128x224xi1>
      %jit3A = arith.constant -1 : i32
      %jit3A_81 = arith.constant 63 : i32
      %convert_element_type3A_82 = arith.sitofp %jit3A : i32 to f32
      %max3A_83 = vector.broadcast %convert_element_type3A_82 : f32 to vector<128x224xf32>
      %max3A_84 = arith.maximumf %max3A_83, %floor3A : vector<128x224xf32>
      %convert_element_type3A_85 = arith.sitofp %jit3A_81 : i32 to f32
      %min3A = vector.broadcast %convert_element_type3A_85 : f32 to vector<128x224xf32>
      %min3A_86 = arith.minimumf %min3A, %max3A_84 : vector<128x224xf32>
      %convert_element_type3A_87 = arith.fptosi %min3A_86 : vector<128x224xf32> to vector<128x224xi32>
      %sub3A_88 = arith.constant 1.000000e+00 : f32
      %sub3A_89 = vector.broadcast %sub3A_88 : f32 to vector<128x224xf32>
      %sub3A_90 = arith.subf %sub3A_89, %sub3A_63 : vector<128x224xf32>
      %jit3A_91 = arith.constant 0.000000e+00 : f32
      %broadcast_in_dim3A = vector.broadcast %jit3A_91 : f32 to vector<128x224xf32>
      %select_n3A = arith.select %and3A, %sub3A_90, %broadcast_in_dim3A : vector<128x224xi1>, vector<128x224xf32>
      %jit3A_92 = arith.constant 0.000000e+00 : f32
      %broadcast_in_dim3A_93 = vector.broadcast %jit3A_92 : f32 to vector<128x224xf32>
      %select_n3A_94 = arith.select %and3A_80, %sub3A_63, %broadcast_in_dim3A_93 : vector<128x224xi1>, vector<128x224xf32>
      %get3A_95 = arith.constant 0 : index
      %get3A_96 = arith.constant 1 : index
      %get3A_97 = vector.load %arg7[%get3A_95, %get3A_96] : memref<128x4xf32, #tpu.memory_space<vmem>>, vector<128x1xf32>
      %get3A_98 = arith.constant 0 : index
      %get3A_99 = arith.constant 3 : index
      %get3A_100 = vector.load %arg7[%get3A_98, %get3A_99] : memref<128x4xf32, #tpu.memory_space<vmem>>, vector<128x1xf32>
      %max3A_101 = arith.constant 9.99999997E-7 : f32
      %max3A_102 = vector.broadcast %max3A_101 : f32 to vector<128x1xf32>
      %max3A_103 = arith.maximumf %get3A_100, %max3A_102 : vector<128x1xf32>
      %mul3A_104 = arith.constant 2.000000e+00 : f32
      %mul3A_105 = vector.broadcast %mul3A_104 : f32 to vector<128x1xf32>
      %mul3A_106 = arith.mulf %mul3A_105, %get3A_97 : vector<128x1xf32>
      %sub3A_107 = arith.constant 1.000000e+00 : f32
      %sub3A_108 = vector.broadcast %sub3A_107 : f32 to vector<128x1xf32>
      %sub3A_109 = arith.subf %mul3A_106, %sub3A_108 : vector<128x1xf32>
      %sub3A_110 = vector.broadcast %get3A_39 : vector<1x224xf32> to vector<128x224xf32>
      %sub3A_111 = vector.broadcast %sub3A_109 : vector<128x1xf32> to vector<128x224xf32>
      %sub3A_112 = arith.subf %sub3A_110, %sub3A_111 : vector<128x224xf32>
      %div3A_113 = vector.broadcast %max3A_103 : vector<128x1xf32> to vector<128x224xf32>
      %div3A_114 = arith.divf %sub3A_112, %div3A_113 : vector<128x224xf32>
      %add3A_115 = arith.constant 1.000000e+00 : f32
      %add3A_116 = vector.broadcast %add3A_115 : f32 to vector<128x224xf32>
      %add3A_117 = arith.addf %div3A_114, %add3A_116 : vector<128x224xf32>
      %mul3A_118 = arith.constant 3.150000e+01 : f32
      %mul3A_119 = vector.broadcast %mul3A_118 : f32 to vector<128x224xf32>
      %mul3A_120 = arith.mulf %add3A_117, %mul3A_119 : vector<128x224xf32>
      %floor3A_121 = math.floor %mul3A_120 : vector<128x224xf32>
      %sub3A_122 = arith.subf %mul3A_120, %floor3A_121 : vector<128x224xf32>
      %ge3A_123 = arith.constant 0.000000e+00 : f32
      %ge3A_124 = vector.broadcast %ge3A_123 : f32 to vector<128x224xf32>
      %ge3A_125 = arith.cmpf oge, %floor3A_121, %ge3A_124 : vector<128x224xf32>
      %le3A_126 = arith.constant 6.300000e+01 : f32
      %le3A_127 = vector.broadcast %le3A_126 : f32 to vector<128x224xf32>
      %le3A_128 = arith.cmpf ole, %floor3A_121, %le3A_127 : vector<128x224xf32>
      %and3A_129 = arith.andi %ge3A_125, %le3A_128 : vector<128x224xi1>
      %add3A_130 = arith.constant 1.000000e+00 : f32
      %add3A_131 = vector.broadcast %add3A_130 : f32 to vector<128x224xf32>
      %add3A_132 = arith.addf %floor3A_121, %add3A_131 : vector<128x224xf32>
      %ge3A_133 = arith.constant 0.000000e+00 : f32
      %ge3A_134 = vector.broadcast %ge3A_133 : f32 to vector<128x224xf32>
      %ge3A_135 = arith.cmpf oge, %add3A_132, %ge3A_134 : vector<128x224xf32>
      %add3A_136 = arith.constant 1.000000e+00 : f32
      %add3A_137 = vector.broadcast %add3A_136 : f32 to vector<128x224xf32>
      %add3A_138 = arith.addf %floor3A_121, %add3A_137 : vector<128x224xf32>
      %le3A_139 = arith.constant 6.300000e+01 : f32
      %le3A_140 = vector.broadcast %le3A_139 : f32 to vector<128x224xf32>
      %le3A_141 = arith.cmpf ole, %add3A_138, %le3A_140 : vector<128x224xf32>
      %and3A_142 = arith.andi %ge3A_135, %le3A_141 : vector<128x224xi1>
      %jit3A_143 = arith.constant -1 : i32
      %jit3A_144 = arith.constant 63 : i32
      %convert_element_type3A_145 = arith.sitofp %jit3A_143 : i32 to f32
      %max3A_146 = vector.broadcast %convert_element_type3A_145 : f32 to vector<128x224xf32>
      %max3A_147 = arith.maximumf %max3A_146, %floor3A_121 : vector<128x224xf32>
      %convert_element_type3A_148 = arith.sitofp %jit3A_144 : i32 to f32
      %min3A_149 = vector.broadcast %convert_element_type3A_148 : f32 to vector<128x224xf32>
      %min3A_150 = arith.minimumf %min3A_149, %max3A_147 : vector<128x224xf32>
      %convert_element_type3A_151 = arith.fptosi %min3A_150 : vector<128x224xf32> to vector<128x224xi32>
      %sub3A_152 = arith.constant 1.000000e+00 : f32
      %sub3A_153 = vector.broadcast %sub3A_152 : f32 to vector<128x224xf32>
      %sub3A_154 = arith.subf %sub3A_153, %sub3A_122 : vector<128x224xf32>
      %jit3A_155 = arith.constant 0.000000e+00 : f32
      %broadcast_in_dim3A_156 = vector.broadcast %jit3A_155 : f32 to vector<128x224xf32>
      %select_n3A_157 = arith.select %and3A_129, %sub3A_154, %broadcast_in_dim3A_156 : vector<128x224xi1>, vector<128x224xf32>
      %jit3A_158 = arith.constant 0.000000e+00 : f32
      %broadcast_in_dim3A_159 = vector.broadcast %jit3A_158 : f32 to vector<128x224xf32>
      %select_n3A_160 = arith.select %and3A_142, %sub3A_122, %broadcast_in_dim3A_159 : vector<128x224xi1>, vector<128x224xf32>
      %swap3A_161 = arith.constant 0 : index
      %swap3A_162 = arith.constant 0 : index
      %swap3A_163 = vector.load %arg10[%swap3A_161, %swap3A_162] : memref<128x224xi32, #tpu.memory_space<vmem>>, vector<128x224xi32>
      tpu.vector_store %arg10[%swap3A_161, %swap3A_162], %convert_element_type3A_87 {strides = array<i32>} : memref<128x224xi32, #tpu.memory_space<vmem>>, vector<128x224xi32>,
      %swap3A_164 = arith.constant 0 : index
      %swap3A_165 = arith.constant 0 : index
      %swap3A_166 = vector.load %arg11[%swap3A_164, %swap3A_165] : memref<128x224xf32, #tpu.memory_space<vmem>>, vector<128x224xf32>
      tpu.vector_store %arg11[%swap3A_164, %swap3A_165], %select_n3A {strides = array<i32>} : memref<128x224xf32, #tpu.memory_space<vmem>>, vector<128x224xf32>,
      %swap3A_167 = arith.constant 0 : index
      %swap3A_168 = arith.constant 0 : index
      %swap3A_169 = vector.load %arg12[%swap3A_167, %swap3A_168] : memref<128x224xf32, #tpu.memory_space<vmem>>, vector<128x224xf32>
      tpu.vector_store %arg12[%swap3A_167, %swap3A_168], %select_n3A_94 {strides = array<i32>} : memref<128x224xf32, #tpu.memory_space<vmem>>, vector<128x224xf32>,
      %mul3A_170 = arith.constant 64 : i32
      %mul3A_171 = vector.broadcast %mul3A_170 : i32 to vector<128x224xi32>
      %mul3A_172 = arith.muli %convert_element_type3A_151, %mul3A_171 : vector<128x224xi32>
      %swap3A_173 = arith.constant 0 : index
      %swap3A_174 = arith.constant 0 : index
      %swap3A_175 = vector.load %arg13[%swap3A_173, %swap3A_174] : memref<128x224xi32, #tpu.memory_space<vmem>>, vector<128x224xi32>
      tpu.vector_store %arg13[%swap3A_173, %swap3A_174], %mul3A_172 {strides = array<i32>} : memref<128x224xi32, #tpu.memory_space<vmem>>, vector<128x224xi32>,
      %swap3A_176 = arith.constant 0 : index
      %swap3A_177 = arith.constant 0 : index
      %swap3A_178 = vector.load %arg14[%swap3A_176, %swap3A_177] : memref<128x224xf32, #tpu.memory_space<vmem>>, vector<128x224xf32>
      tpu.vector_store %arg14[%swap3A_176, %swap3A_177], %select_n3A_157 {strides = array<i32>} : memref<128x224xf32, #tpu.memory_space<vmem>>, vector<128x224xf32>,
      %swap3A_179 = arith.constant 0 : index
      %swap3A_180 = arith.constant 0 : index
      %swap3A_181 = vector.load %arg15[%swap3A_179, %swap3A_180] : memref<128x224xf32, #tpu.memory_space<vmem>>, vector<128x224xf32>
      tpu.vector_store %arg15[%swap3A_179, %swap3A_180], %select_n3A_160 {strides = array<i32>} : memref<128x224xf32, #tpu.memory_space<vmem>>, vector<128x224xf32>,
      %get3A_182 = arith.constant 0 : index
      %get3A_183 = arith.constant 0 : index
      %get3A_184 = vector.load %arg8[%get3A_182, %get3A_183] : memref<4x32xf32, #tpu.memory_space<vmem>>, vector<4x32xf32>
      %reduce_max3A = arith.constant dense<0xFF800000> : vector<4xf32>
      %reduce_max3A_185 = vector.multi_reduction <maximumf>, %get3A_184, %reduce_max3A [1] : vector<4x32xf32> to vector<4xf32>
      %broadcast_in_dim3A_186 = vector.shape_cast %reduce_max3A_185 : vector<4xf32> to vector<4x1xf32>
      %sub3A_187 = vector.broadcast %broadcast_in_dim3A_186 : vector<4x1xf32> to vector<4x32xf32>
      %sub3A_188 = arith.subf %get3A_184, %sub3A_187 : vector<4x32xf32>
      %exp3A = math.exp %sub3A_188 : vector<4x32xf32>
      %reduce_sum3A = arith.constant dense<0.000000e+00> : vector<4xf32>
      %reduce_sum3A_189 = vector.multi_reduction <add>, %exp3A, %reduce_sum3A [1] : vector<4x32xf32> to vector<4xf32>
      %broadcast_in_dim3A_190 = vector.shape_cast %reduce_sum3A_189 : vector<4xf32> to vector<4x1xf32>
      %div3A_191 = vector.broadcast %broadcast_in_dim3A_190 : vector<4x1xf32> to vector<4x32xf32>
      %div3A_192 = arith.divf %exp3A, %div3A_191 : vector<4x32xf32>
      %iota3A = tpu.iota {dimensions = array<i32: 1>} : vector<4x32xi32>
      %eq3A_193 = arith.constant 31 : i32
      %eq3A_194 = vector.broadcast %eq3A_193 : i32 to vector<4x32xi32>
      %eq3A_195 = arith.cmpi eq, %iota3A, %eq3A_194 : vector<4x32xi32>
      %jit3A_196 = arith.constant 1.000000e+00 : f32
      %broadcast_in_dim3A_197 = vector.broadcast %jit3A_196 : f32 to vector<4x32xf32>
      %select_n3A_198 = arith.select %eq3A_195, %broadcast_in_dim3A_197, %div3A_192 : vector<4x32xi1>, vector<4x32xf32>
      %swap3A_199 = arith.constant 0 : index
      %swap3A_200 = arith.constant 0 : index
      %swap3A_201 = vector.load %arg16[%swap3A_199, %swap3A_200] : memref<4x32xf32, #tpu.memory_space<vmem>>, vector<4x32xf32>
      tpu.vector_store %arg16[%swap3A_199, %swap3A_200], %select_n3A_198 {strides = array<i32>} : memref<4x32xf32, #tpu.memory_space<vmem>>, vector<4x32xf32>,
      %iota3A_202 = tpu.iota {dimensions = array<i32: 1>} : vector<128x224xi32>
      %ne3A = arith.constant 0.000000e+00 : f32
      %ne3A_203 = vector.broadcast %ne3A : f32 to vector<128x224xf32>
      %ne3A_204 = arith.cmpf one, %select_n3A_157, %ne3A_203 : vector<128x224xf32>
      %ne3A_205 = arith.constant 0.000000e+00 : f32
      %ne3A_206 = vector.broadcast %ne3A_205 : f32 to vector<128x224xf32>
      %ne3A_207 = arith.cmpf one, %select_n3A_160, %ne3A_206 : vector<128x224xf32>
      %or3A = arith.ori %ne3A_204, %ne3A_207 : vector<128x224xi1>
      %jit3A_208 = arith.constant 224 : i32
      %broadcast_in_dim3A_209 = vector.broadcast %jit3A_208 : i32 to vector<128x224xi32>
      %select_n3A_210 = arith.select %or3A, %iota3A_202, %broadcast_in_dim3A_209 : vector<128x224xi1>, vector<128x224xi32>
      %reduce_min3A = arith.constant dense<2147483647> : vector<128xi32>
      %reduce_min3A_211 = vector.multi_reduction <minsi>, %select_n3A_210, %reduce_min3A [1] : vector<128x224xi32> to vector<128xi32>
      %broadcast_in_dim3A_212 = vector.shape_cast %reduce_min3A_211 : vector<128xi32> to vector<128x1xi32>
      %swap3A_213 = arith.constant 0 : index
      %swap3A_214 = arith.constant 0 : index
      %swap3A_215 = vector.load %arg17[%swap3A_213, %swap3A_214] : memref<128x1xi32, #tpu.memory_space<vmem>>, vector<128x1xi32>
      tpu.vector_store %arg17[%swap3A_213, %swap3A_214], %broadcast_in_dim3A_212 {strides = array<i32>} : memref<128x1xi32, #tpu.memory_space<vmem>>, vector<128x1xi32>,
      %add3A_216 = arith.constant 1 : i32
      %add3A_217 = vector.broadcast %add3A_216 : i32 to vector<128x224xi32>
      %add3A_218 = arith.addi %iota3A_202, %add3A_217 : vector<128x224xi32>
      %jit3A_219 = arith.constant 0 : i32
      %broadcast_in_dim3A_220 = vector.broadcast %jit3A_219 : i32 to vector<128x224xi32>
      %select_n3A_221 = arith.select %or3A, %add3A_218, %broadcast_in_dim3A_220 : vector<128x224xi1>, vector<128x224xi32>
      %reduce_max3A_222 = arith.constant dense<-2147483648> : vector<128xi32>
      %reduce_max3A_223 = vector.multi_reduction <maxsi>, %select_n3A_221, %reduce_max3A_222 [1] : vector<128x224xi32> to vector<128xi32>
      %broadcast_in_dim3A_224 = vector.shape_cast %reduce_max3A_223 : vector<128xi32> to vector<128x1xi32>
      %swap3A_225 = arith.constant 0 : index
      %swap3A_226 = arith.constant 0 : index
      %swap3A_227 = vector.load %arg18[%swap3A_225, %swap3A_226] : memref<128x1xi32, #tpu.memory_space<vmem>>, vector<128x1xi32>
      tpu.vector_store %arg18[%swap3A_225, %swap3A_226], %broadcast_in_dim3A_224 {strides = array<i32>} : memref<128x1xi32, #tpu.memory_space<vmem>>, vector<128x1xi32>,
      %ne3A_228 = arith.constant 0.000000e+00 : f32
      %ne3A_229 = vector.broadcast %ne3A_228 : f32 to vector<128x224xf32>
      %ne3A_230 = arith.cmpf one, %select_n3A, %ne3A_229 : vector<128x224xf32>
      %ne3A_231 = arith.constant 0.000000e+00 : f32
      %ne3A_232 = vector.broadcast %ne3A_231 : f32 to vector<128x224xf32>
      %ne3A_233 = arith.cmpf one, %select_n3A_94, %ne3A_232 : vector<128x224xf32>
      %or3A_234 = arith.ori %ne3A_230, %ne3A_233 : vector<128x224xi1>
      %jit3A_235 = arith.constant 224 : i32
      %broadcast_in_dim3A_236 = vector.broadcast %jit3A_235 : i32 to vector<128x224xi32>
      %select_n3A_237 = arith.select %or3A_234, %iota3A_202, %broadcast_in_dim3A_236 : vector<128x224xi1>, vector<128x224xi32>
      %reduce_min3A_238 = arith.constant dense<2147483647> : vector<128xi32>
      %reduce_min3A_239 = vector.multi_reduction <minsi>, %select_n3A_237, %reduce_min3A_238 [1] : vector<128x224xi32> to vector<128xi32>
      %broadcast_in_dim3A_240 = vector.shape_cast %reduce_min3A_239 : vector<128xi32> to vector<128x1xi32>
      %add3A_241 = arith.constant 1 : i32
      %add3A_242 = vector.broadcast %add3A_241 : i32 to vector<128x224xi32>
      %add3A_243 = arith.addi %iota3A_202, %add3A_242 : vector<128x224xi32>
      %jit3A_244 = arith.constant 0 : i32
      %broadcast_in_dim3A_245 = vector.broadcast %jit3A_244 : i32 to vector<128x224xi32>
      %select_n3A_246 = arith.select %or3A_234, %add3A_243, %broadcast_in_dim3A_245 : vector<128x224xi1>, vector<128x224xi32>
      %reduce_max3A_247 = arith.constant dense<-2147483648> : vector<128xi32>
      %reduce_max3A_248 = vector.multi_reduction <maxsi>, %select_n3A_246, %reduce_max3A_247 [1] : vector<128x224xi32> to vector<128xi32>
      %broadcast_in_dim3A_249 = vector.shape_cast %reduce_max3A_248 : vector<128xi32> to vector<128x1xi32>
      %jit3A_250 = arith.constant 16 : i32
      %div3A_251 = vector.broadcast %jit3A_250 : i32 to vector<128x1xi32>
      %div3A_252 = arith.divsi %broadcast_in_dim3A_240, %div3A_251 : vector<128x1xi32>
      %sign3A = arith.constant 0 : i32
      %sign3A_253 = vector.broadcast %sign3A : i32 to vector<128x1xi32>
      %sign3A_254 = arith.cmpi sgt, %broadcast_in_dim3A_240, %sign3A_253 : vector<128x1xi32>
      %sign3A_255 = arith.extui %sign3A_254 : vector<128x1xi1> to vector<128x1xi32>
      %sign3A_256 = arith.constant 0 : i32
      %sign3A_257 = vector.broadcast %sign3A_256 : i32 to vector<128x1xi32>
      %sign3A_258 = arith.cmpi slt, %broadcast_in_dim3A_240, %sign3A_257 : vector<128x1xi32>
      %sign3A_259 = arith.extui %sign3A_258 : vector<128x1xi1> to vector<128x1xi32>
      %sign3A_260 = arith.subi %sign3A_255, %sign3A_259 : vector<128x1xi32>
      %sign3A_261 = arith.constant 0 : i32
      %sign3A_262 = arith.cmpi sgt, %jit3A_250, %sign3A_261 : i32
      %sign3A_263 = arith.extui %sign3A_262 : i1 to i32
      %sign3A_264 = arith.constant 0 : i32
      %sign3A_265 = arith.cmpi slt, %jit3A_250, %sign3A_264 : i32
      %sign3A_266 = arith.extui %sign3A_265 : i1 to i32
      %sign3A_267 = arith.subi %sign3A_263, %sign3A_266 : i32
      %ne3A_268 = vector.broadcast %sign3A_267 : i32 to vector<128x1xi32>
      %ne3A_269 = arith.cmpi ne, %sign3A_260, %ne3A_268 : vector<128x1xi32>
      %rem3A = vector.broadcast %jit3A_250 : i32 to vector<128x1xi32>
      %rem3A_270 = arith.remsi %broadcast_in_dim3A_240, %rem3A : vector<128x1xi32>
      %ne3A_271 = arith.constant 0 : i32
      %ne3A_272 = vector.broadcast %ne3A_271 : i32 to vector<128x1xi32>
      %ne3A_273 = arith.cmpi ne, %rem3A_270, %ne3A_272 : vector<128x1xi32>
      %and3A_274 = arith.andi %ne3A_269, %ne3A_273 : vector<128x1xi1>
      %sub3A_275 = arith.constant 1 : i32
      %sub3A_276 = vector.broadcast %sub3A_275 : i32 to vector<128x1xi32>
      %sub3A_277 = arith.subi %div3A_252, %sub3A_276 : vector<128x1xi32>
      %select_n3A_278 = arith.select %and3A_274, %sub3A_277, %div3A_252 : vector<128x1xi1>, vector<128x1xi32>
      %swap3A_279 = arith.constant 0 : index
      %swap3A_280 = arith.constant 0 : index
      %swap3A_281 = vector.load %arg19[%swap3A_279, %swap3A_280] : memref<128x1xi32, #tpu.memory_space<vmem>>, vector<128x1xi32>
      tpu.vector_store %arg19[%swap3A_279, %swap3A_280], %select_n3A_278 {strides = array<i32>} : memref<128x1xi32, #tpu.memory_space<vmem>>, vector<128x1xi32>,
      %add3A_282 = arith.constant 15 : i32
      %add3A_283 = vector.broadcast %add3A_282 : i32 to vector<128x1xi32>
      %add3A_284 = arith.addi %broadcast_in_dim3A_249, %add3A_283 : vector<128x1xi32>
      %jit3A_285 = arith.constant 16 : i32
      %div3A_286 = vector.broadcast %jit3A_285 : i32 to vector<128x1xi32>
      %div3A_287 = arith.divsi %add3A_284, %div3A_286 : vector<128x1xi32>
      %sign3A_288 = arith.constant 0 : i32
      %sign3A_289 = vector.broadcast %sign3A_288 : i32 to vector<128x1xi32>
      %sign3A_290 = arith.cmpi sgt, %add3A_284, %sign3A_289 : vector<128x1xi32>
      %sign3A_291 = arith.extui %sign3A_290 : vector<128x1xi1> to vector<128x1xi32>
      %sign3A_292 = arith.constant 0 : i32
      %sign3A_293 = vector.broadcast %sign3A_292 : i32 to vector<128x1xi32>
      %sign3A_294 = arith.cmpi slt, %add3A_284, %sign3A_293 : vector<128x1xi32>
      %sign3A_295 = arith.extui %sign3A_294 : vector<128x1xi1> to vector<128x1xi32>
      %sign3A_296 = arith.subi %sign3A_291, %sign3A_295 : vector<128x1xi32>
      %sign3A_297 = arith.constant 0 : i32
      %sign3A_298 = arith.cmpi sgt, %jit3A_285, %sign3A_297 : i32
      %sign3A_299 = arith.extui %sign3A_298 : i1 to i32
      %sign3A_300 = arith.constant 0 : i32
      %sign3A_301 = arith.cmpi slt, %jit3A_285, %sign3A_300 : i32
      %sign3A_302 = arith.extui %sign3A_301 : i1 to i32
      %sign3A_303 = arith.subi %sign3A_299, %sign3A_302 : i32
      %ne3A_304 = vector.broadcast %sign3A_303 : i32 to vector<128x1xi32>
      %ne3A_305 = arith.cmpi ne, %sign3A_296, %ne3A_304 : vector<128x1xi32>
      %rem3A_306 = vector.broadcast %jit3A_285 : i32 to vector<128x1xi32>
      %rem3A_307 = arith.remsi %add3A_284, %rem3A_306 : vector<128x1xi32>
      %ne3A_308 = arith.constant 0 : i32
      %ne3A_309 = vector.broadcast %ne3A_308 : i32 to vector<128x1xi32>
      %ne3A_310 = arith.cmpi ne, %rem3A_307, %ne3A_309 : vector<128x1xi32>
      %and3A_311 = arith.andi %ne3A_305, %ne3A_310 : vector<128x1xi1>
      %sub3A_312 = arith.constant 1 : i32
      %sub3A_313 = vector.broadcast %sub3A_312 : i32 to vector<128x1xi32>
      %sub3A_314 = arith.subi %div3A_287, %sub3A_313 : vector<128x1xi32>
      %select_n3A_315 = arith.select %and3A_311, %sub3A_314, %div3A_287 : vector<128x1xi1>, vector<128x1xi32>
      %swap3A_316 = arith.constant 0 : index
      %swap3A_317 = arith.constant 0 : index
      %swap3A_318 = vector.load %arg20[%swap3A_316, %swap3A_317] : memref<128x1xi32, #tpu.memory_space<vmem>>, vector<128x1xi32>
      tpu.vector_store %arg20[%swap3A_316, %swap3A_317], %select_n3A_315 {strides = array<i32>} : memref<128x1xi32, #tpu.memory_space<vmem>>, vector<128x1xi32>,
    } else {
    }
    %get3A = arith.constant 0 : index
    %get3A_2 = arith.constant 0 : index
    %get3A_3 = vector.load %arg21[%get3A, %get3A_2] : memref<128x1024xf32, #tpu.memory_space<vmem>>, vector<128x1024xf32>
    %get3A_4 = arith.constant 0 : index
    %get3A_5 = arith.constant 0 : index
    %get3A_6 = vector.load %arg4[%get3A_4, %get3A_5] : memref<1024x1536xf32, #tpu.memory_space<vmem>>, vector<1024x1536xf32>
    %dot_general3A = arith.constant dense<0.000000e+00> : vector<128x1536xf32>
    %dot_general3A_7 = tpu.matmul %get3A_3, %get3A_6, %dot_general3A {dimension_numbers = #tpu.dot_dimension_numbers<[1], [0], [0], [1], [0, 0, 1, 1], [], []>, transpose_lhs_hint = false} : vector<128x1024xf32>, vector<1024x1536xf32>, vector<128x1536xf32> -> vector<128x1536xf32>
    %get3A_8 = arith.constant 0 : index
    %get3A_9 = arith.constant 0 : index
    %get3A_10 = vector.load %arg5[%get3A_8, %get3A_9] : memref<1x1536xf32, #tpu.memory_space<vmem>>, vector<1x1536xf32>
    %add3A = vector.broadcast %get3A_10 : vector<1x1536xf32> to vector<128x1536xf32>
    %add3A_11 = arith.addf %dot_general3A_7, %add3A : vector<128x1536xf32>
    %logistic3A = arith.negf %add3A_11 : vector<128x1536xf32>
    %logistic3A_12 = math.exp %logistic3A : vector<128x1536xf32>
    %logistic3A_13 = arith.constant 1.000000e+00 : f32
    %logistic3A_14 = vector.broadcast %logistic3A_13 : f32 to vector<128x1536xf32>
    %logistic3A_15 = arith.addf %logistic3A_14, %logistic3A_12 : vector<128x1536xf32>
    %logistic3A_16 = arith.divf %logistic3A_14, %logistic3A_15 : vector<128x1536xf32>
    %swap3A = arith.constant 0 : index
    %swap3A_17 = arith.constant 0 : index
    %swap3A_18 = vector.load %arg9[%swap3A, %swap3A_17] : memref<128x1536xf32, #tpu.memory_space<vmem>>, vector<128x1536xf32>
    tpu.vector_store %arg9[%swap3A, %swap3A_17], %logistic3A_16 {strides = array<i32>} : memref<128x1536xf32, #tpu.memory_space<vmem>>, vector<128x1536xf32>,
    return
  }
  func.func @transform_0(%arg0: i32) -> (i32, i32) {
    %c0_i32 = arith.constant 0 : i32
    %c0_i32_0 = arith.constant 0 : i32
    %c0_i32_1 = arith.constant 0 : i32
    return %c0_i32, %c0_i32_0 : i32, i32
  }
  func.func @transform_1(%arg0: i32) -> (i32, i32) {
    %c0_i32 = arith.constant 0 : i32
    %c0_i32_0 = arith.constant 0 : i32
    %c0_i32_1 = arith.constant 0 : i32
    return %c0_i32, %c0_i32_0 : i32, i32
  }
  func.func @transform_2(%arg0: i32) -> (i32, i32) {
    %c0_i32 = arith.constant 0 : i32
    %c0_i32_0 = arith.constant 0 : i32
    %c0_i32_1 = arith.constant 0 : i32
    return %c0_i32, %c0_i32_0 : i32, i32
  }
  func.func @transform_3(%arg0: i32) -> (i32, i32) {
    %c0_i32 = arith.constant 0 : i32
    %c0_i32_0 = arith.constant 0 : i32
    return %c0_i32, %arg0 : i32, i32
  }
  func.func @transform_4(%arg0: i32) -> (i32, i32) {
    %c0_i32 = arith.constant 0 : i32
    %c0_i32_0 = arith.constant 0 : i32
    return %c0_i32, %arg0 : i32, i32
  }
  func.func @transform_5(%arg0: i32) -> (i32, i32) {
    %c0_i32 = arith.constant 0 : i32
    %c0_i32_0 = arith.constant 0 : i32
    %c0_i32_1 = arith.constant 0 : i32
    return %c0_i32, %c0_i32_0 : i32, i32
  }
  func.func @transform_6(%arg0: i32) -> (i32, i32) {
    %c0_i32 = arith.constant 0 : i32
    %c0_i32_0 = arith.constant 0 : i32
    %c0_i32_1 = arith.constant 0 : i32
    return %c0_i32, %c0_i32_0 : i32, i32
  }
  func.func @transform_7(%arg0: i32) -> (i32, i32) {
    %c0_i32 = arith.constant 0 : i32
    %c0_i32_0 = arith.constant 0 : i32
    %c0_i32_1 = arith.constant 0 : i32
    return %c0_i32, %c0_i32_0 : i32, i32
  }
  func.func @transform_8(%arg0: i32) -> (i32, i32) {
    %c0_i32 = arith.constant 0 : i32
    %c0_i32_0 = arith.constant 0 : i32
    return %c0_i32, %arg0 : i32, i32
  }
  func.func @transform_9(%arg0: i32) -> (i32, i32) {
    %c0_i32 = arith.constant 0 : i32
    %c0_i32_0 = arith.constant 0 : i32
    %c0_i32_1 = arith.constant 0 : i32
    return %c0_i32, %c0_i32_0 : i32, i32
  }
  func.func @transform_10(%arg0: i32) -> (i32, i32) {
    %c0_i32 = arith.constant 0 : i32
    %c0_i32_0 = arith.constant 0 : i32
    %c0_i32_1 = arith.constant 0 : i32
    return %c0_i32, %c0_i32_0 : i32, i32
  }
  func.func @transform_11(%arg0: i32) -> (i32, i32) {
    %c0_i32 = arith.constant 0 : i32
    %c0_i32_0 = arith.constant 0 : i32
    %c0_i32_1 = arith.constant 0 : i32
    return %c0_i32, %c0_i32_0 : i32, i32
  }
  func.func @transform_12(%arg0: i32) -> (i32, i32) {
    %c0_i32 = arith.constant 0 : i32
    %c0_i32_0 = arith.constant 0 : i32
    %c0_i32_1 = arith.constant 0 : i32
    return %c0_i32, %c0_i32_0 : i32, i32
  }
  func.func @transform_13(%arg0: i32) -> (i32, i32) {
    %c0_i32 = arith.constant 0 : i32
    %c0_i32_0 = arith.constant 0 : i32
    %c0_i32_1 = arith.constant 0 : i32
    return %c0_i32, %c0_i32_0 : i32, i32
  }
  func.func @transform_14(%arg0: i32) -> (i32, i32) {
    %c0_i32 = arith.constant 0 : i32
    %c0_i32_0 = arith.constant 0 : i32
    %c0_i32_1 = arith.constant 0 : i32
    return %c0_i32, %c0_i32_0 : i32, i32
  }
  func.func @transform_15(%arg0: i32) -> (i32, i32) {
    %c0_i32 = arith.constant 0 : i32
    %c0_i32_0 = arith.constant 0 : i32
    %c0_i32_1 = arith.constant 0 : i32
    return %c0_i32, %c0_i32_0 : i32, i32
  }
  func.func @transform_16(%arg0: i32) -> (i32, i32) {
    %c0_i32 = arith.constant 0 : i32
    %c0_i32_0 = arith.constant 0 : i32
    %c0_i32_1 = arith.constant 0 : i32
    return %c0_i32, %c0_i32_0 : i32, i32
  }
  func.func @transform_17(%arg0: i32) -> (i32, i32) {
    %c0_i32 = arith.constant 0 : i32
    %c0_i32_0 = arith.constant 0 : i32
    %c0_i32_1 = arith.constant 0 : i32
    return %c0_i32, %c0_i32_0 : i32, i32
  }
  func.func @transform_18(%arg0: i32) -> (i32, i32) {
    %c0_i32 = arith.constant 0 : i32
    %c0_i32_0 = arith.constant 0 : i32
    %c0_i32_1 = arith.constant 0 : i32
    return %c0_i32, %c0_i32_0 : i32, i32
  }
  func.func @transform_19(%arg0: i32) -> (i32, i32) {
    %c0_i32 = arith.constant 0 : i32
    %c0_i32_0 = arith.constant 0 : i32
    %c0_i32_1 = arith.constant 0 : i32
    return %c0_i32, %c0_i32_0 : i32, i32
  }
}

</mosaic_0001>

<sc_bundles>
// kernel: kernel.4.cloned.1.call-start
scs
__scs_entry_jumppad:
0x0: {  	(pc) =	sbr.rel $0x88, $3  }
0x1: {  	(tag) =	ssettag $0x0;
	lr =	simm.s32 $0x1  }
0x2: {  	[smem:$0x3F99] =	sst lr;
	_ =	strace $0xD0000000  }
0x3: {  	_ = 	snop  }
0x4: {  	_ = 	snop  }
0x5: {  	_ = 	snop  }
0x6: {  	_ = 	snop  }
0x7: {  	_ = 	snop  }
__scs_overlays_trampoline_lowered:
0x8: {  	[smem:$0x3FA8] =	sst s0  }
0x9: {  	[smem:$0x3FA9] =	sst s1  }
0xa: {  	[smem:$0x3FAA] =	sst s2  }
0xb: {  	[smem:$0x3FAB] =	sst s3  }
0xc: {  	[smem:$0x3FAC] =	sst s4  }
0xd: {  	[smem:$0x3FAD] =	sst s5  }
0xe: {  	[smem:$0x3FAE] =	sst s6  }
0xf: {  	[smem:$0x3FAF] =	sst s7  }
0x10: {  	[smem:$0x3FB0] =	sst s8  }
0x11: {  	[smem:$0x3FB1] =	sst s9;
	s0 =	simm.s32 @!p0 $0x0  }
0x12: {  	s1 =	sld [smem:$0x3F97];
	s0 =	simm.s32 @p0 $0x1  }
0x13: {  	[smem:$0x3FB2] =	sst s0;
	s0 =	simm.s32 @!p1 $0x0  }
0x14: {  	s2 =	sld [smem:$0x3F96];
	s0 =	simm.s32 @p1 $0x1  }
0x15: {  	[smem:$0x3FB3] =	sst s0;
	s0 =	simm.s32 @!p2 $0x0  }
0x16: {  	s3 =	sld [smem:$0x3FDB];
	s0 =	simm.s32 @p2 $0x1  }
0x17: {  	s4 =	simm.s32 $0x1BF5;
	[smem:$0x3FB5] =	sst s0  }
0x18: {  	s0 =	sld [smem:$0x3F98];
	_ =	swait.ge [sflag:s4], $0x0  }
0x19: {  	s7 =	sld [smem:$0x3F99]  }
0x1a: {  	s8 =	sadd.s32 $0xFFFFE003, lr  }
0x1b: {  	s9 =	sadd.s32 $0xFFFFFEF7, lr;
	s5 =	simm.s32 $0xFFFFFFFF;
	p2 =	slt.u32 s8, $0xFFFFF086  }
0x1c: {  	p1 =	slt.u32 s9, $0xF7A;
	s5 =	simm.s32 @!p2 $0x0  }
0x1d: {  	s5 =	simm.s32 @p1 $0x1;
	p0 =	seq.s32 s7, s2  }
0x1e: {  	s7 =	smul.u32 @!p0 $0xF7A, s2;
	p2 =	seq.s32 @!p0 s5, $0x0  }
0x1f: {  	s9 =	smul.u32 $0xF7A, s1;
	s8 =	simm.s32 @!p0 $0x1BF5;
	p2 =	por !p2, p0  }
0x20: {  	[sflag:s8] =	ssyncset.s32 @!p0 $0xFFFFF086;
	s6 =	sadd.s32 @!p0 s3, s7;
	s7 =	simm.s32 @!p0 $0x108  }
0x21: {  	s3 =	sadd.s32 s3, s9;
	s6 =	sadd.s32 @!p0 $0x88, s6;
	s7 =	simm.s32 @p2 $0x1082  }
0x22: {  	[simem:s7], [sflag:s8] =	dma.local @!p0 [hbm:s6], $0xF7A  }
0x23: {  	s9 =	sor.u32 $0xD0000000, s2;
	s6 =	simm.s32 $0x108;
	_ =	swait.ge @!p0 [sflag:s8], $0x0  }
0x24: {  	s3 =	sadd.s32 $0x88, s3;
	s6 =	simm.s32 @!p1 $0x1082;
	[sflag:s4] =	ssyncset.s32 $0xFFFFF086  }
0x25: {  	[simem:s6], [sflag:s4] =	dma.local [hbm:s3], $0xF7A  }
0x26: {  	[smem:$0x3F99] =	sst s1;
	(tag) =	ssettag s2;
	_ =	strace s9  }
0x27: {  	s1 =	sld [smem:$0x3FA9]  }
0x28: {  	s2 =	sld [smem:$0x3FAA]  }
0x29: {  	s4 =	sld [smem:$0x3FAC]  }
0x2a: {  	p0 =	seq.s32 s5, $0x0;
	s5 =	sld [smem:$0x3FAD]  }
0x2b: {  	s6 =	sld [smem:$0x3FAE]  }
0x2c: {  	s7 =	sld [smem:$0x3FAF]  }
0x2d: {  	s3 =	simm.s32 $0x108;
	s8 =	sld [smem:$0x3FB0]  }
0x2e: {  	s3 =	simm.s32 @!p0 $0x1082;
	s9 =	sld [smem:$0x3FB1]  }
0x2f: {  	lr =	sadd.s32 s0, s3;
	s0 =	sld [smem:$0x3FA8]  }
0x30: {  	s3 =	sld [smem:$0x3FAB]  }
0x31: {  	[smem:$0x3FB4] =	sst s10  }
0x32: {  	s10 =	sld [smem:$0x3FB2];
	_ =	sdelay $0x3  }
0x33: {  	p0 =	seq.s32 s10, $0x1;
	s10 =	sld [smem:$0x3FB4];
	_ =	sdelay $0x3  }
0x34: {  	[smem:$0x3FB4] =	sst s10  }
0x35: {  	s10 =	sld [smem:$0x3FB3];
	_ =	sdelay $0x3  }
0x36: {  	p1 =	seq.s32 s10, $0x1;
	s10 =	sld [smem:$0x3FB4];
	_ =	sdelay $0x3  }
0x37: {  	[smem:$0x3FB4] =	sst s10  }
0x38: {  	s10 =	sld [smem:$0x3FB5]  }
0x39: {  	_ = 	snop;
	(pc) =	sbr.ind lr, $3  }
0x3a: {  	_ = 	snop  }
0x3b: {  	_ = 	snop  }
0x3c: {  	p2 =	seq.s32 s10, $0x1;
	s10 =	sld [smem:$0x3FB4]  }
0x3d: {  	_ =	shalt  }
0x3e: {  	_ =	shalt  }
0x3f: {  	_ =	shalt  }
0x40: {  	_ =	shalt  }
0x41: {  	_ =	shalt  }
0x42: {  	_ =	shalt  }
0x43: {  	_ =	shalt  }
0x44: {  	_ =	shalt  }
0x45: {  	_ =	shalt  }
0x46: {  	_ =	shalt  }
0x47: {  	_ =	shalt  }
0x48: {  	_ =	shalt  }
0x49: {  	_ =	shalt  }
0x4a: {  	_ =	shalt  }
0x4b: {  	_ =	shalt  }
0x4c: {  	_ =	shalt  }
0x4d: {  	_ =	shalt  }
0x4e: {  	_ =	shalt  }
0x4f: {  	_ =	shalt  }
0x50: {  	_ =	shalt  }
0x51: {  	_ =	shalt  }
0x52: {  	_ =	shalt  }
0x53: {  	_ =	shalt  }
0x54: {  	_ =	shalt  }
0x55: {  	_ =	shalt  }
0x56: {  	_ =	shalt  }
0x57: {  	_ =	shalt  }
0x58: {  	_ =	shalt  }
0x59: {  	_ =	shalt  }
0x5a: {  	_ =	shalt  }
0x5b: {  	_ =	shalt  }
0x5c: {  	_ =	shalt  }
0x5d: {  	_ =	shalt  }
0x5e: {  	_ =	shalt  }
0x5f: {  	_ =	shalt  }
0x60: {  	_ =	shalt  }
0x61: {  	_ =	shalt  }
0x62: {  	_ =	shalt  }
0x63: {  	_ =	shalt  }
0x64: {  	_ =	shalt  }
0x65: {  	_ =	shalt  }
0x66: {  	_ =	shalt  }
0x67: {  	_ =	shalt  }
0x68: {  	_ =	shalt  }
0x69: {  	_ =	shalt  }
0x6a: {  	_ =	shalt  }
0x6b: {  	_ =	shalt  }
0x6c: {  	_ =	shalt  }
0x6d: {  	_ =	shalt  }
0x6e: {  	_ =	shalt  }
0x6f: {  	_ =	shalt  }
0x70: {  	_ =	shalt  }
0x71: {  	_ =	shalt  }
0x72: {  	_ =	shalt  }
0x73: {  	_ =	shalt  }
0x74: {  	_ =	shalt  }
0x75: {  	_ =	shalt  }
0x76: {  	_ =	shalt  }
0x77: {  	_ =	shalt  }
0x78: {  	_ =	shalt  }
0x79: {  	_ =	shalt  }
0x7a: {  	_ =	shalt  }
0x7b: {  	_ =	shalt  }
0x7c: {  	_ =	shalt  }
0x7d: {  	_ =	shalt  }
0x7e: {  	_ =	shalt  }
0x7f: {  	_ =	shalt  }
0x80: {  	_ =	shalt  }
0x81: {  	_ =	shalt  }
0x82: {  	_ =	shalt  }
0x83: {  	_ =	shalt  }
0x84: {  	_ =	shalt  }
0x85: {  	_ =	shalt  }
0x86: {  	_ =	shalt  }
0x87: {  	_ =	shalt  }
.Lfunc_end0:
.L_simem_size_0:
called_computation_lowered:
.L_overlay_start_0:
0x88: {  	s2 =	sld [smem:$0x3FD9]  }
0x89: {  	s3 =	sld [smem:$0x3FFE];
	_ =	sdelay $0x1  }
0x8a: {  	s1 =	srdreg.scid  }
0x8b: {  	s0 =	sand.u32 $0x1, s1  }
0x8c: {  	s17 =	sshll.u32 s0, $0xA;
	s2 =	sadd.s32 s3, s2  }
0x8d: {  	s2 =	sadd.s32 s2, s17  }
0x8e: {  	[smem:$0x3FC0] =	sst s2  }
0x8f: {  	_ = 	snop  }
0x90: {  	s2 =	sld [smem:$0x3FD0];
	(tm) =	ssettm $0x1  }
0x91: {  	s18 =	sld [smem:$0x3FFB];
	_ =	sdelay $0x3  }
0x92: {  	_ =	strace s18  }
0x93: {  	s3 =	sld [smem:$0x3FFC];
	_ =	sdelay $0x3  }
0x94: {  	_ =	strace s3  }
0x95: {  	s3 =	sld [smem:$0x3FFD];
	_ =	sdelay $0x3  }
0x96: {  	_ =	strace s3  }
0x97: {  	_ =	strace $0x8FFFFFFF  }
0x98: {  	s19 =	sld [smem:$0x3FDB];
	_ =	sdelay $0x1  }
0x99: {  	s4 =	simm.s32 $_scs_section_size  }
0x9a: {  	s5 =	simm.s32 $_size__tile_overlayer_lowered;
	s6 =	simm.s32 $_tile_overlayer_lowered  }
0x9b: {  	s22 =	simm.s32 $0x1BFF;
	s21 =	sshll.u32 s6, $0x1;
	s3 =	sadd.s32 s4, s19  }
0x9c: {  	s7 =	simm.s32 $0x0;
	s20 =	sshll.u32 s5, $0x1;
	s5 =	sadd.s32 s21, s3  }
0x9d: {  	[timem:s7], [sflag:s22] =	dma.local [hbm:s5], s20  }
0x9e: {  	_ =	swait.ge [sflag:s22], s20  }
0x9f: {  	s4 =	ssub.s32 $0x0, s20;
	[sflag:s22] =	ssyncset.done $0x0  }
0xa0: {  	[sflag:s22] =	ssyncadd.s32 s4;
	_ =	sdelay $0x1  }
0xa1: {  	s23 =	simm.s32 $0x1B8B  }
0xa2: {  	_ =	swait.ge [sflag:s23], $0x1  }
0xa3: {  	[sflag:s23] =	ssyncset.done $0x0  }
0xa4: {  	s25 =	simm.s32 $0x1B8E;
	s24 =	sld [smem:$0x3FFE];
	[sflag:s23] =	ssyncadd.s32 $0xFFFFFFFF  }
0xa5: {  	s26 =	simm.s32 $execute0_lowered;
	[smem:$0x3FD2] =	sst s25  }
0xa6: {  	s5 =	sshll.u32 s26, $0x1;
	_ =	strace $0x80000046;
	[dreg:$0x1] =	wrdreg $0xFFFFFFFF  }
0xa7: {  	s28 =	simm.s32 $_size_execute0_lowered;
	s3 =	sadd.s32 s3, s5;
	[dreg:$0x0] =	wrdreg $0x0  }
0xa8: {  	s5 =	sshll.u32 s28, $0x1;
	[dreg:$0x2] =	wrdreg s3  }
0xa9: {  	[dreg:$0x3] =	wrdreg s5  }
0xaa: {  	[dreg:$0x4] =	wrdreg $0xC0  }
0xab: {  	_ =	task [dreg:s7], $0x5FFFF  }
0xac: {  	[dreg:$0x1] =	wrdreg $0xFFFFFFFF  }
0xad: {  	[dreg:$0x0] =	wrdreg $0x60  }
0xae: {  	[dreg:$0x2] =	wrdreg s24  }
0xaf: {  	[dreg:$0x3] =	wrdreg s2  }
0xb0: {  	[dreg:$0x4] =	wrdreg $0x9  }
0xb1: {  	_ =	task.clear_ibuf [dreg:s7], $0x5FFFF;
	_ =	strace $0x90000046  }
0xb2: {  	s29 =	simm.s32 $0x9;
	_ =	strace $0x80000048  }
0xb3: {  	_ =	swait.ge [sflag:s29], $0x1  }
0xb4: {  	[sflag:s29] =	ssyncadd.s32 $0xFFFFFFFF  }
0xb5: {  	_ =	strace $0x90000048  }
0xb6: {  	_ =	sfence  }
0xb7: {  	s30 =	sld [smem:$0x0];
	_ =	sdelay $0x2  }
0xb8: {  	s31 =	sshll.u32 s1, $0xD;
	s1 =	sshrl.u32 s1, $0x2  }
0xb9: {  	s3 =	sand.u32 $0x4000, s31;
	s1 =	sadd.s32 s1, s30  }
0xba: {  	s0 =	sor.u32 s3, s0;
	s1 =	sshll.u32 s1, $0x11  }
0xbb: {  	s0 =	sor.u32 s1, s0  }
0xbc: {  	s0 =	sadd.s32 $0x8F2B, s0  }
0xbd: {  	[sflag:s0] =	ssyncadd.remote.s32 $0x1  }
0xbe: {  	_ =	sfence.sel $0xFFFF  }
0xbf: {  	[dreg:$0x0] =	wrdreg $0xFFFFFFFF;
	(pc) =	sbr.abs _section_cstart, $3  }
0xc0: {  	[dreg:$0x1] =	wrdreg $0xFFFFFFFF  }
0xc1: {  	_ =	task.clear_ibuf [dreg:s7], $0x2FFFF;
	_ =	strace $0x9FFFFFFF  }
0xc2: {  	(tm) =	ssettm $0x7FFFFFFF  }
0xc3: {  	_ =	shalt  }
tec
execute0_lowered:
.L_overlay_start_1:
0x0: {  	(tag) =	ssettag $0x1  }
0x1: {  	s0 =	rddreg [dreg:$0x0]  }
0x2: {  	s1 =	rddreg [dreg:$0x1];
	s10 =	stileid.u32;
	s3 =	simm.s32 $0x0  }
0x3: {  	s4 =	srdreg.scid;
	s28 =	simm.s32 $0x5400;
	s29 =	simm.s32 $0x7000  }
0x4: {  	s30 =	simm.s32 $0x8C00;
	s2 =	sshrl.u32 s10, $0x2;
	[smem:$0x7FF] =	sst s3  }
0x5: {  	s11 =	sadd.s32 $0x1000, s0;
	s4 =	sand.u32 $0x1, s4;
	s8 =	sshll.u32 s10, $0x1  }
0x6: {  	s9 =	sadd.s32 $0x35800, s0;
	s20 =	smul.u32 $0x380, s2;
	_ =	strace $0x80000047  }
0x7: {  	s6 =	sshll.u32 s2, $0x6;
	s7 =	ssub.s32 $0x2, s4;
	[dreg:$0x4] =	wrdreg s9  }
0x8: {  	[dreg:$0x3] =	wrdreg s11;
	s6 =	sadd.s32 s6, s0;
	s1 =	sadd.s32 s1, s20  }
0x9: {  	s25 =	smul.u32 $0xC000, s2;
	s13 =	sadd.s32 $0xE00, s6;
	[dreg:$0x6] =	wrdreg s1  }
0xa: {  	s22 =	sshll.u32 s2, $0x5;
	s16 =	sadd.s32 $0x35600, s6;
	[dreg:$0xc] =	wrdreg s13  }
0xb: {  	s21 =	sshrl.u32 s7, $0x1;
	s14 =	sadd.s32 s11, s25;
	[dreg:$0xe] =	wrdreg s16  }
0xc: {  	s5 =	sadd.s32 s20, s0;
	s20 =	sor.u32 $0x2, s22;
	[dreg:$0xd] =	wrdreg s14  }
0xd: {  	s7 =	ssub.s32 s7, s21;
	s21 =	sor.u32 $0x3, s22;
	[dreg:$0x11] =	wrdreg s20  }
0xe: {  	s8 =	sand.u32 $0x6, s8;
	s23 =	sadd.s32 $0x31000, s5;
	[dreg:$0x12] =	wrdreg s21  }
0xf: {  	s15 =	smul.u32 $0x24C00, s2;
	s24 =	sadd.s32 $0x31E00, s5;
	[dreg:$0x7] =	wrdreg s23  }
0x10: {  	s8 =	sor.u32 s4, s8;
	s26 =	sadd.s32 $0x32C00, s5;
	[dreg:$0x8] =	wrdreg s24  }
0x11: {  	s4 =	smul.u32 $0xFFFFFFE4, s4;
	s31 =	sadd.s32 $0x33A00, s5;
	[dreg:$0x9] =	wrdreg s26  }
0x12: {  	s12 =	smul.u32 $0x1C, s8;
	s5 =	sadd.s32 $0x34800, s5;
	[dreg:$0xa] =	wrdreg s31  }
0x13: {  	s18 =	sshll.u32 s8, $0x7;
	s17 =	sadd.s32 $0x600, s14;
	[dreg:$0xb] =	wrdreg s5  }
0x14: {  	s0 =	sadd.s32 $0x36200, s0;
	s1 =	sor.u32 s15, s18;
	[dreg:$0xf] =	wrdreg s17  }
0x15: {  	[dreg:$0x5] =	wrdreg s12;
	s19 =	sadd.s32 $0x1C, s12;
	s22 =	sshrl.u32 s1, $0x3  }
0x16: {  	s23 =	sadd.s32 $0xC400, s1;
	s1 =	sadd.s32 $0x18800, s1;
	s24 =	sand.u32 $0x3, s10  }
0x17: {  	s26 =	smax.u32 s7, $0x1;
	[dreg:$0x10] =	wrdreg s19;
	s3 =	sshrl.u32 s23, $0x3  }
0x18: {  	s1 =	sshrl.u32 s1, $0x3;
	s2 =	sadd.s32 s0, s22;
	[dreg:$0x16] =	wrdreg s26  }
0x19: {  	s5 =	smul.u32 $0x38, s24;
	[dreg:$0x13] =	wrdreg s2;
	s25 =	sadd.s32 s0, s3  }
0x1a: {  	s26 =	simm.s32 $0xAC00;
	s0 =	sadd.s32 s0, s1;
	[dreg:$0x14] =	wrdreg s25  }
0x1b: {  	s2 =	simm.s32 $0x3;
	[dreg:$0x15] =	wrdreg s0;
	s31 =	ssub.s32 s4, s5  }
0x1c: {  	s1 =	simm.s32 $0x0;
	s4 =	simm.s32 $0x10C00;
	[dreg:$0x17] =	wrdreg s31  }
.LBB2_1:
0x1d: {  	[dreg:$0x18] =	wrdreg s1  }
0x1e: {  	s0 =	simm.s32 $0x0;
	s7 =	rddreg [dreg:$0x6]  }
0x1f: {  	[tilespmem:s0], [sflag:$0x3] =	stream.linear.gather [hbm4b:s7+s0], $0x1C00, $0x38;
	[tilespmem:$0x19F00] =	vst v63  }
0x20: {  	_ =	swait.ge [sflag:s2], $0x1C00  }
0x21: {  	[sflag:s2] =	ssyncset.done $0x0  }
0x22: {  	s3 =	simm.s32 $0x1C00;
	s8 =	rddreg [dreg:$0x7];
	[sflag:s2] =	ssyncadd.s32 $0xFFFFE400  }
0x23: {  	[tilespmem:s3], [sflag:$0x3] =	stream.linear.gather [hbm4b:s8+s0], $0x1C00, $0x38;
	[tilespmem:$0x19F00] =	vst v63  }
0x24: {  	_ =	swait.ge [sflag:s2], $0x1C00  }
0x25: {  	[sflag:s2] =	ssyncset.done $0x0  }
0x26: {  	s10 =	simm.s32 $0x3800;
	s9 =	rddreg [dreg:$0x8];
	[sflag:s2] =	ssyncadd.s32 $0xFFFFE400  }
0x27: {  	[tilespmem:s10], [sflag:$0x3] =	stream.linear.gather [hbm4b:s9+s0], $0x1C00, $0x38;
	[tilespmem:$0x19F00] =	vst v63  }
0x28: {  	_ =	swait.ge [sflag:s2], $0x1C00  }
0x29: {  	[sflag:s2] =	ssyncset.done $0x0  }
0x2a: {  	s11 =	rddreg [dreg:$0x9];
	[sflag:s2] =	ssyncadd.s32 $0xFFFFE400  }
0x2b: {  	[tilespmem:s28], [sflag:$0x3] =	stream.linear.gather [hbm4b:s11+s0], $0x1C00, $0x38;
	[tilespmem:$0x19F00] =	vst v63  }
0x2c: {  	_ =	swait.ge [sflag:s2], $0x1C00  }
0x2d: {  	[sflag:s2] =	ssyncset.done $0x0  }
0x2e: {  	s12 =	rddreg [dreg:$0xa];
	[sflag:s2] =	ssyncadd.s32 $0xFFFFE400  }
0x2f: {  	[tilespmem:s29], [sflag:$0x3] =	stream.linear.gather [hbm4b:s12+s0], $0x1C00, $0x38;
	[tilespmem:$0x19F00] =	vst v63  }
0x30: {  	_ =	swait.ge [sflag:s2], $0x1C00  }
0x31: {  	[sflag:s2] =	ssyncset.done $0x0  }
0x32: {  	s13 =	rddreg [dreg:$0xb];
	[sflag:s2] =	ssyncadd.s32 $0xFFFFE400  }
0x33: {  	[tilespmem:s30], [sflag:$0x3] =	stream.linear.gather [hbm4b:s13+s0], $0x1C00, $0x38;
	[tilespmem:$0x19F00] =	vst v63  }
0x34: {  	_ =	swait.ge [sflag:s2], $0x1C00  }
0x35: {  	[sflag:s2] =	ssyncset.done $0x0  }
0x36: {  	s15 =	simm.s32 $0xA800;
	s14 =	rddreg [dreg:$0xc];
	[sflag:s2] =	ssyncadd.s32 $0xFFFFE400  }
0x37: {  	[tilespmem:s15], [sflag:$0x3] =	stream.linear.gather [hbm4b:s14+s0], $0x200, $0x38;
	[tilespmem:$0x19F00] =	vst v63  }
0x38: {  	_ =	swait.ge [sflag:s2], $0x200  }
0x39: {  	[sflag:s2] =	ssyncset.done $0x0  }
0x3a: {  	s17 =	simm.s32 $0xAA00;
	s16 =	rddreg [dreg:$0xe];
	[sflag:s2] =	ssyncadd.s32 $0xFFFFFE00  }
0x3b: {  	[tilespmem:s17], [sflag:$0x3] =	stream.linear.gather [hbm4b:s16+s0], $0x200, $0x38;
	[tilespmem:$0x19F00] =	vst v63  }
0x3c: {  	_ =	swait.ge [sflag:s2], $0x200  }
0x3d: {  	[sflag:s2] =	ssyncset.done $0x0  }
0x3e: {  	s18 =	rddreg [dreg:$0x4];
	[sflag:s2] =	ssyncadd.s32 $0xFFFFFE00  }
0x3f: {  	[tilespmem:s4], [sflag:$0x3] =	stream.linear.gather [hbm4b:s18+s0], $0x4980, $0x38;
	[tilespmem:$0x19F00] =	vst v63  }
0x40: {  	_ =	swait.ge [sflag:s2], $0x4980  }
0x41: {  	s19 =	simm.s32 $0x15580;
	[sflag:s2] =	ssyncset.done $0x0  }
0x42: {  	s22 =	simm.s32 $0xDC00;
	s23 =	simm.s32 $0x3830;
	[sflag:s2] =	ssyncadd.s32 $0xFFFFB680  }
0x43: {  	[tilespmem:s19], [sflag:$0x3] =	stream.linear.gather [hbm4b:s18+s0], $0x4980, $0x38;
	[tilespmem:$0x19F00] =	vst v63  }
0x44: {  	s24 =	simm.s32 $0x1C30;
	_ =	swait.ge [sflag:s2], $0x4980;
	[dreg:$0x19] =	wrdreg s23  }
0x45: {  	s25 =	simm.s32 $0x30;
	s31 =	simm.s32 $0x3910;
	[dreg:$0x1a] =	wrdreg s24  }
0x46: {  	s12 =	simm.s32 $0x1D10;
	s14 =	simm.s32 $0x110;
	[dreg:$0x1b] =	wrdreg s25  }
.Ltmp0:
0x47: {  	[dreg:$0x1c] =	wrdreg s31;
	[sflag:s2] =	ssyncset.done $0x0;
	(pc) =	sbr.rel .LBB2_2-.Ltmp0, $4  }
0x48: {  	s15 =	simm.s32 $0xE0;
	s20 =	rddreg [dreg:$0xd];
	[sflag:s2] =	ssyncadd.s32 $0xFFFFB680  }
0x49: {  	[tilespmem:s26], [sflag:$0x1] =	stream.linear.gather [hbm4b:s20+s0], $0x3000, $0x38;
	[tilespmem:$0x19F00] =	vst v63  }
0x4a: {  	s19 =	simm.s32 $0x0;
	s21 =	rddreg [dreg:$0xf];
	s20 =	simm.s32 $0x0  }
0x4b: {  	[tilespmem:s22], [sflag:$0x2] =	stream.linear.gather [hbm4b:s21+s0], $0x3000, $0x38;
	[tilespmem:$0x19F00] =	vst v63  }
.LBB2_14:
0x4c: {  	s0 =	rddreg [dreg:$0x12]  }
0x4d: {  	s1 =	rddreg [dreg:$0x3];
	s0 =	sadd.s32 s21, s0  }
0x4e: {  	s22 =	simm.s32 $0x0;
	s23 =	rddreg [dreg:$0x19];
	s0 =	smul.u32 $0x600, s0  }
0x4f: {  	s2 =	simm.s32 $0xDC00;
	s20 =	sadd.s32 $0x1, s20;
	s24 =	rddreg [dreg:$0x1a]  }
0x50: {  	s25 =	rddreg [dreg:$0x1b];
	p0 =	sne.s32 s20, $0xF;
	s0 =	sadd.s32 s1, s0  }
0x51: {  	[tilespmem:s2], [sflag:$0x2] =	stream.linear.gather [hbm4b:s0+s22], $0x3000, $0x38;
	[tilespmem:$0x19F00] =	vst v63  }
.Ltmp1:
0x52: {  	s31 =	rddreg [dreg:$0x1c];
	s0 =	sadd.s32 $0x1C0, s23;
	(pc) =	sbr.rel @!p0 .LBB2_15-.Ltmp1, $4  }
0x53: {  	[dreg:$0x19] =	wrdreg s0;
	s0 =	sadd.s32 $0x1C0, s24  }
0x54: {  	s19 =	sadd.s32 $0x1C0, s19;
	[dreg:$0x1a] =	wrdreg s0;
	s0 =	sadd.s32 $0x1C0, s25  }
0x55: {  	s12 =	sadd.s32 $0x1C0, s12;
	[dreg:$0x1b] =	wrdreg s0;
	s0 =	sadd.s32 $0x1C0, s31  }
0x56: {  	s14 =	sadd.s32 $0x1C0, s14;
	s15 =	sadd.s32 $0x1C0, s15;
	[dreg:$0x1c] =	wrdreg s0  }
.LBB2_2:
0x57: {  	s0 =	simm.s32 $0x1  }
0x58: {  	_ =	swait.ge [sflag:s0], $0x3000  }
0x59: {  	[sflag:s0] =	ssyncset.done $0x0  }
0x5a: {  	s31 =	sshll.u32 s20, $0x5;
	[sflag:s0] =	ssyncadd.s32 $0xFFFFD000  }
0x5b: {  	v1 =	vld [tilespmem:s31+$0xA800];
	_ =	sdelay $0x3  }
0x5c: {  	v0 =	vld [tilespmem:s31+$0xAA00]  }
0x5d: {  	(v2sf) =	vpush v1, $0x0  }
0x5e: {  	(v2sf) =	vpush v1, $0x1  }
0x5f: {  	(v2sf) =	vpush v1, $0x2  }
0x60: {  	(v2sf) =	vpush v1, $0x3  }
0x61: {  	(v2sf) =	vpush v0, $0x0;
	_ =	sdelay $0xa  }
0x62: {  	s0 =	rddreg [dreg:$0x5];
	s1 =	spop (v2sf)  }
0x63: {  	s4 =	rddreg [dreg:$0x10];
	s3 =	spop (v2sf);
	p0 =	sgt.s32 s1, s0  }
0x64: {  	s2 =	spop (v2sf);
	s0 =	smov.u32 @p0 s1;
	p0 =	slt.s32 s3, s4  }
0x65: {  	s1 =	spop (v2sf);
	s4 =	smov.u32 @p0 s3  }
0x66: {  	s3 =	spop (v2sf);
	p0 =	sge.s32 s0, s4  }
0x67: {  	p1 =	slt.f32 @!p0 s3, $0.0e+00;
	p2 =	sgt.f32 @!p0 s3, $0.0e+00  }
0x68: {  	_ = 	snop  }
0x69: {  	p1 =	por @!p0 p2, p1  }
0x6a: {  	p1 =	por @!p0 !p1, !p1  }
0x6b: {  	p0 =	por p0, p1  }
.Ltmp2:
0x6c: {  	_ = 	snop;
	(pc) =	sbr.rel @p0 .LBB2_8-.Ltmp2, $1  }
0x6d: {  	_ =	sdelay $0x3  }
0x6e: {  	s7 =	rddreg [dreg:$0x17]  }
0x6f: {  	s3 =	ssub.s32 s1, s2;
	s13 =	rddreg [dreg:$0x19]  }
0x70: {  	s5 =	smul.u32 $0x1C0, s20;
	s8 =	sshll.u32 s2, $0x6;
	s16 =	rddreg [dreg:$0x1a]  }
0x71: {  	s18 =	sshll.u32 s1, $0x4;
	s23 =	sshll.u32 s1, $0x6;
	s6 =	sshra.s32 s3, $0x1F  }
0x72: {  	s25 =	rddreg [dreg:$0x1b];
	s7 =	sadd.s32 s0, s7;
	s6 =	sshrl.u32 s6, $0x1E  }
0x73: {  	s10 =	sshra.s32 s8, $0x2;
	s11 =	smul.u32 $0x380, s7;
	s6 =	sadd.s32 s6, s3  }
0x74: {  	s13 =	sadd.s32 s10, s13;
	s16 =	sadd.s32 s10, s16;
	s9 =	sand.u32 $0xFFFFFFFC, s6  }
0x75: {  	s17 =	sadd.s32 s8, s11;
	s8 =	sadd.s32 s18, s19;
	s18 =	sadd.s32 s10, s25  }
0x76: {  	s6 =	ssub.s32 s3, s9;
	s7 =	sadd.s32 s2, s9;
	s3 =	sshra.s32 s17, $0x2  }
.Ltmp3:
0x77: {  	s21 =	sshll.u32 s6, $0x4;
	s17 =	sadd.s32 $0x124A0, s3;
	(pc) =	sbr.rel .LBB2_4-.Ltmp3, $4  }
0x78: {  	s24 =	sshll.u32 s6, $0x6;
	s22 =	ssub.s32 s8, s21;
	s8 =	sadd.s32 s23, s11  }
0x79: {  	v51 =	vbroadcast v0, $0x0;
	p0 =	sge.s32 s2, s7;
	s3 =	sshll.u32 s22, $0x2;
	s31 =	ssub.s32 s8, s24  }
0x7a: {  	p1 =	sge.s32 s7, s1;
	s21 =	sshra.s32 s3, $0x2;
	s3 =	sshra.s32 s31, $0x2  }
0x7b: {  	[tilespmem:$0x1FFF0] =	vst v51;
	s23 =	sadd.s32 $0x3800, s21;
	s24 =	sadd.s32 $0x1C00, s21;
	s25 =	sadd.s32 $0x12480, s3  }
.LBB2_7:
0x7c: {  	s0 =	sadd.s32 $0x1, s0  }
0x7d: {  	p2 =	sne.s32 s0, s4  }
.Ltmp4:
0x7e: {  	_ = 	snop;
	(pc) =	sbr.rel @!p2 .LBB2_8-.Ltmp4, $2  }
0x7f: {  	_ =	sdelay $0x2  }
0x80: {  	s17 =	sadd.s32 $0xE0, s17;
	s25 =	sadd.s32 $0xE0, s25  }
.LBB2_4:
0x81: {  	s1 =	sadd.s32 s5, s0  }
0x82: {  	v0 =	vmov s1;
	_ =	sdelay $0x4  }
0x83: {  	v2 =	vld.idx.msk [tilespmem:v0+s28+$0x0], $0xffff  }
0x84: {  	v4 =	vld.idx.msk [tilespmem:v0+s29+$0x0], $0xffff  }
0x85: {  	v0 =	vld.idx.msk [tilespmem:v0+s30+$0x0], $0xffff  }
.Ltmp5:
0x86: {  	_ = 	snop;
	(pc) =	sbr.rel @p0 .LBB2_5-.Ltmp5, $4  }
0x87: {  	_ = 	snop  }
0x88: {  	v3 =	vadd.s32 $0x40, v2  }
0x89: {  	vm0 =	vgt.s32 v2, $0x0;
	v4 =	vmul.f32 v4, v51;
	vm15 =	vlt.s32 v3, $0xFC0  }
0x8a: {  	v5 =	vmul.f32 v0, v51;
	v52 =	vnsel vm0, $0x0, v2;
	v54 =	vnsel vm15, $0xFC0, v3  }
0x8b: {  	v0 =	vld [tilespmem:s18+$0x0];
	_ =	sdelay $0x4  }
0x8c: {  	vm0 =	vgt.s32 v0, $0x0  }
0x8d: {  	v6 =	vnsel vm0, $0x0, v0;
	v0 =	vadd.s32 $0x1, v0  }
0x8e: {  	vm10 =	vlt.s32 v0, $0x3F;
	v9 =	vadd.s32 v52, v6  }
0x8f: {  	v7 =	vld [tilespmem:s18+$0xFFFFFFE0];
	v10 =	vadd.s32 v54, v6;
	v0 =	vnsel vm10, $0x3F, v0  }
0x90: {  	v12 =	vld [tilespmem:s18+$0xFFFFFFD0];
	v11 =	vadd.s32 v52, v0  }
0x91: {  	v8 =	vld [tilespmem:s13+$0x0];
	v13 =	vadd.s32 v54, v0  }
0x92: {  	v0 =	vld [tilespmem:s16+$0x0]  }
0x93: {  	v14 =	vld.idx.msk [tilespmem:v9+s26+$0x0], $0xffff  }
0x94: {  	v15 =	vld.idx.msk [tilespmem:v10+s26+$0x0], $0xffff  }
0x95: {  	v16 =	vld.idx.msk [tilespmem:v11+s26+$0x0], $0xffff  }
0x96: {  	v18 =	vld.idx.msk [tilespmem:v13+s26+$0x0], $0xffff  }
0x97: {  	v17 =	vadd.s32 $0x1, v12  }
0x98: {  	vm11 =	vlt.s32 v17, $0x3F  }
0x99: {  	v19 =	vadd.s32 $0x1, v7;
	vm13 =	vgt.s32 v12, $0x0;
	v17 =	vnsel vm11, $0x3F, v17  }
0x9a: {  	v31 =	vld [tilespmem:s16+$0xFFFFFFD0];
	v21 =	vadd.s32 v52, v17;
	v14 =	vmul.f32 v14, v0;
	v15 =	vmul.f32 v15, v0  }
0x9b: {  	v1 =	vld [tilespmem:s16+$0xFFFFFFF0];
	v24 =	vadd.s32 v54, v17;
	v16 =	vmul.f32 v16, v8;
	v17 =	vmul.f32 v18, v8  }
0x9c: {  	v2 =	vld [tilespmem:s13+$0xFFFFFFF0];
	vm14 =	vgt.s32 v7, $0x0;
	vm12 =	vlt.s32 v19, $0x3F;
	v12 =	vnsel vm13, $0x0, v12  }
0x9d: {  	v63 =	vld [tilespmem:s17+$0xFFFFE760];
	v28 =	vadd.s32 v52, v12;
	v14 =	vadd.f32 v16, v14;
	v15 =	vadd.f32 v17, v15  }
0x9e: {  	v7 =	vnsel vm14, $0x0, v7;
	v19 =	vnsel vm12, $0x3F, v19;
	v32 =	vadd.s32 v54, v12;
	v16 =	vld [tilespmem:s17+$0xFFFFE790]  }
0x9f: {  	v57 =	vld [tilespmem:s17+$0xFFFFFFE0];
	v34 =	vadd.s32 v52, v7;
	v14 =	vmul.f32 v14, v4;
	v15 =	vmul.f32 v15, v5  }
0xa0: {  	v3 =	vld [tilespmem:s17+$0xFFFFFFF0];
	v25 =	vadd.s32 v52, v19  }
0xa1: {  	v6 =	vld [tilespmem:s18+$0xFFFFFFF0];
	v14 =	vadd.f32 v15, v14;
	v15 =	vadd.s32 $0x1000, v9  }
0xa2: {  	v22 =	vadd.s32 $0x1000, v11;
	v23 =	vld.idx.msk [tilespmem:v28+s26+$0x0], $0xffff  }
0xa3: {  	v33 =	vadd.s32 $0x1000, v13;
	v35 =	vld.idx.msk [tilespmem:v32+s26+$0x0], $0xffff;
	v14 =	vadd.f32 v14, v16  }
0xa4: {  	v36 =	vld.idx.msk [tilespmem:v34+s26+$0x0], $0xffff;
	v16 =	vadd.s32 $0x1000, v10  }
0xa5: {  	v62 =	vld.idx.msk [tilespmem:v25+s26+$0x0], $0xffff;
	[tilespmem:s17+$0xFFFFE790] =	vst v14  }
0xa6: {  	vm15 =	vgt.s32 v6, $0x0;
	v14 =	vadd.s32 v54, v7;
	v7 =	vld.idx.msk [tilespmem:v15+s26+$0x0], $0xffff  }
0xa7: {  	v20 =	vadd.s32 $0x1, v6;
	v6 =	vnsel vm15, $0x0, v6;
	v15 =	vld.idx.msk [tilespmem:v22+s26+$0x0], $0xffff  }
0xa8: {  	vm1 =	vlt.s32 v20, $0x3F;
	v37 =	vadd.s32 v52, v6;
	v40 =	vadd.s32 v54, v6;
	v6 =	vld.idx.msk [tilespmem:v33+s26+$0x0], $0xffff  }
0xa9: {  	v18 =	vnsel vm1, $0x3F, v20;
	v20 =	vadd.s32 v54, v19;
	v16 =	vld.idx.msk [tilespmem:v16+s26+$0x0], $0xffff  }
0xaa: {  	v44 =	vmul.f32 v23, v31;
	v23 =	vld [tilespmem:s16+$0xFFFFFFE0]  }
0xab: {  	v19 =	vld.idx.msk [tilespmem:v21+s26+$0x0], $0xffff  }
0xac: {  	v33 =	vld [tilespmem:s13+$0xFFFFFFD0]  }
0xad: {  	v17 =	vld.idx.msk [tilespmem:v24+s26+$0x0], $0xffff;
	v7 =	vmul.f32 v7, v0;
	v15 =	vmul.f32 v15, v8  }
0xae: {  	v48 =	vadd.s32 $0x1000, v28;
	v27 =	vld.idx.msk [tilespmem:v20+s26+$0x0], $0xffff;
	v6 =	vmul.f32 v6, v8;
	v16 =	vmul.f32 v16, v0  }
0xaf: {  	v53 =	vadd.s32 $0x2000, v9;
	v26 =	vadd.s32 v52, v18;
	v18 =	vadd.s32 v54, v18;
	v22 =	vld [tilespmem:s13+$0xFFFFFFE0]  }
0xb0: {  	v58 =	vadd.s32 $0x1000, v32;
	v38 =	vld.idx.msk [tilespmem:v14+s26+$0x0], $0xffff;
	v7 =	vadd.f32 v15, v7;
	v15 =	vadd.f32 v6, v16  }
0xb1: {  	v61 =	vadd.s32 $0x1000, v34;
	v42 =	vadd.s32 $0x1000, v21;
	v16 =	vmul.f32 v19, v33;
	v19 =	vld [tilespmem:s17+$0x10]  }
0xb2: {  	v43 =	vadd.s32 $0x1000, v24;
	v39 =	vld.idx.msk [tilespmem:v37+s26+$0x0], $0xffff;
	v47 =	vmul.f32 v7, v4;
	v15 =	vmul.f32 v15, v5  }
0xb3: {  	v11 =	vadd.s32 $0x2000, v11;
	v35 =	vmul.f32 v35, v31;
	v41 =	vld.idx.msk [tilespmem:v40+s26+$0x0], $0xffff;
	v17 =	vmul.f32 v17, v33  }
0xb4: {  	v55 =	vmul.f32 v36, v23;
	v30 =	vld.idx.msk [tilespmem:v18+s26+$0x0], $0xffff;
	v10 =	vadd.s32 $0x2000, v10;
	v15 =	vadd.f32 v15, v47  }
0xb5: {  	v36 =	vld [tilespmem:s17+$0xFFFFE780];
	v12 =	vmul.f32 v62, v22;
	v17 =	vadd.f32 v17, v35;
	v16 =	vadd.f32 v16, v44  }
0xb6: {  	v29 =	vld.idx.msk [tilespmem:v26+s26+$0x0], $0xffff;
	v27 =	vmul.f32 v27, v22;
	v38 =	vmul.f32 v38, v23;
	v15 =	vadd.f32 v15, v19  }
0xb7: {  	v13 =	vadd.s32 $0x2000, v13;
	v17 =	vmul.f32 v17, v5;
	v47 =	vld [tilespmem:s17+$0xFFFFE770];
	v16 =	vmul.f32 v16, v4;
	[tilespmem:$0x1FFE0] =	vst v3  }
0xb8: {  	v45 =	vadd.s32 $0x1000, v25;
	v12 =	vadd.f32 v12, v55;
	v27 =	vadd.f32 v27, v38;
	[tilespmem:s17+$0x10] =	vst v15  }
0xb9: {  	v59 =	vmul.f32 v41, v1;
	v16 =	vadd.f32 v17, v16;
	v15 =	vmul.f32 v30, v2;
	v30 =	vld.idx.msk [tilespmem:v53+s26+$0x0], $0xffff  }
0xba: {  	v46 =	vadd.s32 $0x1000, v20;
	v60 =	vmul.f32 v12, v4;
	v27 =	vmul.f32 v27, v5;
	v11 =	vld.idx.msk [tilespmem:v11+s26+$0x0], $0xffff  }
0xbb: {  	v29 =	vmul.f32 v29, v2;
	v17 =	vmul.f32 v39, v1;
	v16 =	vadd.f32 v16, v63;
	v10 =	vld.idx.msk [tilespmem:v10+s26+$0x0], $0xffff  }
0xbc: {  	v49 =	vadd.s32 $0x1000, v26;
	v50 =	vadd.s32 $0x1000, v18;
	v27 =	vadd.f32 v27, v60;
	v13 =	vld.idx.msk [tilespmem:v13+s26+$0x0], $0xffff  }
0xbd: {  	v41 =	vadd.s32 $0x1000, v40;
	v29 =	vadd.f32 v29, v17;
	v15 =	vadd.f32 v15, v59;
	[tilespmem:s17+$0xFFFFE760] =	vst v16  }
0xbe: {  	v62 =	vadd.s32 $0x1000, v14;
	v35 =	vadd.s32 $0x2000, v14;
	v17 =	vadd.s32 $0x2000, v21;
	v48 =	vld.idx.msk [tilespmem:v48+s26+$0x0], $0xffff  }
0xbf: {  	v21 =	vadd.f32 v27, v47;
	v29 =	vmul.f32 v29, v4;
	v42 =	vld.idx.msk [tilespmem:v42+s26+$0x0], $0xffff;
	v15 =	vmul.f32 v15, v5  }
0xc0: {  	v16 =	vadd.s32 $0x2000, v24;
	v24 =	vld.idx.msk [tilespmem:v58+s26+$0x0], $0xffff;
	v47 =	vmul.f32 v30, v0;
	v11 =	vmul.f32 v11, v8  }
0xc1: {  	v6 =	vadd.s32 $0x2000, v40;
	v43 =	vld.idx.msk [tilespmem:v43+s26+$0x0], $0xffff;
	v0 =	vmul.f32 v10, v0;
	v8 =	vmul.f32 v13, v8  }
0xc2: {  	v19 =	vadd.s32 $0x2000, v18;
	v63 =	vadd.s32 $0x1000, v37;
	[tilespmem:s17+$0xFFFFE770] =	vst v21;
	v58 =	vld [tilespmem:s17+$0x1890];
	v55 =	vadd.f32 v15, v29  }
0xc3: {  	v21 =	vadd.s32 $0x2000, v26;
	v56 =	vld.idx.msk [tilespmem:v61+s26+$0x0], $0xffff;
	v11 =	vadd.f32 v11, v47;
	v0 =	vadd.f32 v8, v0  }
0xc4: {  	v26 =	vadd.s32 $0x2000, v37;
	v30 =	vadd.s32 $0x2000, v25;
	v15 =	vld.idx.msk [tilespmem:v45+s26+$0x0], $0xffff;
	v8 =	vadd.f32 v55, v36  }
0xc5: {  	s9 =	sadd.s32 $0x4, s2;
	v18 =	vld.idx.msk [tilespmem:v62+s26+$0x0], $0xffff;
	v25 =	vadd.s32 $0x2000, v20;
	v11 =	vmul.f32 v11, v4;
	v0 =	vmul.f32 v0, v5  }
0xc6: {  	p3 =	slt.s32 s9, s7;
	v29 =	vadd.s32 $0x2000, v28;
	v20 =	vld.idx.msk [tilespmem:v46+s26+$0x0], $0xffff;
	v24 =	vmul.f32 v24, v31;
	v60 =	vmul.f32 v43, v33;
	[tilespmem:s17+$0xFFFFE780] =	vst v8  }
.Ltmp6:
0xc7: {  	v59 =	vmul.f32 v42, v33;
	v8 =	vmul.f32 v48, v31;
	v38 =	vld.idx.msk [tilespmem:v63+s26+$0x0], $0xffff;
	v0 =	vadd.f32 v0, v11;
	(pc) =	sbr.rel @!p3 .LBB2_32-.Ltmp6, $4  }
0xc8: {  	v28 =	vadd.s32 $0x2000, v32;
	v61 =	vmul.f32 v56, v23;
	v62 =	vadd.f32 v60, v24;
	v39 =	vld.idx.msk [tilespmem:v49+s26+$0x0], $0xffff  }
0xc9: {  	v63 =	vmul.f32 v15, v22;
	v37 =	vld.idx.msk [tilespmem:v41+s26+$0x0], $0xffff;
	v8 =	vadd.f32 v59, v8;
	v10 =	vadd.f32 v0, v58  }
0xca: {  	v36 =	vadd.s32 $0x2000, v34;
	v46 =	vmul.f32 v18, v23;
	v40 =	vld.idx.msk [tilespmem:v50+s26+$0x0], $0xffff;
	v45 =	vmul.f32 v62, v5  }
0xcb: {  	s8 =	sadd.s32 $0x40, s18;
	p2 =	por $0x0, $0x0;
	v53 =	vld [tilespmem:s17+$0x0];
	v42 =	vadd.f32 v63, v61;
	v44 =	vmul.f32 v8, v4;
	v0 =	vmul.f32 v20, v22;
	[tilespmem:s17+$0x1890] =	vst v10  }
0xcc: {  	v8 =	vld [tilespmem:s8+$0x0];
	_ =	sdelay $0x1  }
0xcd: {  	v3 =	vld [tilespmem:s17+$0x1860];
	v10 =	vadd.f32 v45, v44;
	_ =	sdelay $0x1  }
0xce: {  	v10 =	vadd.f32 v10, v57  }
0xcf: {  	v11 =	vld [tilespmem:s8+$0xFFFFFFE0];
	vm0 =	vgt.s32 v8, $0x0  }
0xd0: {  	v13 =	vld [tilespmem:s8+$0xFFFFFFF0];
	[tilespmem:s17+$0xFFFFFFE0] =	vst v10;
	v10 =	vnsel vm0, $0x0, v8;
	v8 =	vadd.s32 $0x1, v8  }
0xd1: {  	v14 =	vld [tilespmem:s8+$0xFFFFFFD0];
	v12 =	vmov v53;
	[tilespmem:$0x1FFB0] =	vst v3;
	vm10 =	vlt.s32 v8, $0x3F;
	v53 =	vadd.s32 v52, v10  }
0xd2: {  	s1 =	sadd.s32 $0x40, s16;
	v18 =	vld.idx.msk [tilespmem:v29+s26+$0x0], $0xffff;
	v51 =	vadd.s32 v54, v10;
	[tilespmem:$0x1FFD0] =	vst v19;
	v8 =	vnsel vm10, $0x3F, v8  }
0xd3: {  	v27 =	vmov v54;
	s22 =	sadd.s32 $0x40, s13;
	v47 =	vld [tilespmem:s1+$0x0];
	v54 =	vadd.s32 v52, v8  }
0xd4: {  	v24 =	vmov v52;
	v50 =	vld [tilespmem:s22+$0x0];
	v52 =	vadd.s32 v27, v8  }
0xd5: {  	v3 =	vld [tilespmem:s17+$0x1880]  }
0xd6: {  	v15 =	vld.idx.msk [tilespmem:v53+s26+$0x0], $0xffff  }
0xd7: {  	v32 =	vld.idx.msk [tilespmem:v51+s26+$0x0], $0xffff  }
0xd8: {  	v10 =	vadd.s32 $0x1, v11;
	v34 =	vld.idx.msk [tilespmem:v54+s26+$0x0], $0xffff  }
0xd9: {  	vm12 =	vlt.s32 v10, $0x3F;
	v41 =	vld.idx.msk [tilespmem:v52+s26+$0x0], $0xffff  }
0xda: {  	vm1 =	vgt.s32 v14, $0x0;
	v55 =	vld.idx.msk [tilespmem:v28+s26+$0x0], $0xffff;
	v28 =	vadd.s32 $0x1, v13;
	v10 =	vnsel vm12, $0x3F, v10  }
0xdb: {  	v8 =	vadd.s32 $0x1, v14;
	vm13 =	vlt.s32 v28, $0x3F;
	v20 =	vadd.s32 v24, v10  }
0xdc: {  	v19 =	vld.idx.msk [tilespmem:v17+s26+$0x0], $0xffff;
	vm11 =	vlt.s32 v8, $0x3F;
	v43 =	vnsel vm13, $0x3F, v28;
	v28 =	vadd.s32 v27, v10  }
0xdd: {  	v56 =	vld.idx.msk [tilespmem:v16+s26+$0x0], $0xffff;
	v8 =	vnsel vm11, $0x3F, v8;
	v15 =	vmul.f32 v15, v47;
	v62 =	vmul.f32 v32, v47  }
0xde: {  	v29 =	vld [tilespmem:s17+$0x1870];
	v17 =	vadd.s32 v24, v8;
	[tilespmem:$0x1FFA0] =	vst v3;
	v63 =	vmul.f32 v34, v50;
	v48 =	vmul.f32 v41, v50  }
0xdf: {  	vm14 =	vgt.s32 v11, $0x0;
	v14 =	vnsel vm1, $0x0, v14;
	v16 =	vadd.s32 v27, v8;
	v10 =	vld [tilespmem:s1+$0xFFFFFFD0]  }
0xe0: {  	s3 =	sadd.s32 $0x40, s17;
	v59 =	vld.idx.msk [tilespmem:v20+s26+$0x0], $0xffff;
	v32 =	vadd.s32 v24, v43;
	v15 =	vadd.f32 v63, v15;
	v49 =	vadd.f32 v48, v62  }
0xe1: {  	v44 =	vadd.s32 v27, v14;
	v34 =	vadd.s32 v27, v43;
	v41 =	vadd.s32 v24, v14;
	v14 =	vld [tilespmem:s3+$0xFFFFE790]  }
0xe2: {  	v11 =	vnsel vm14, $0x0, v11;
	v60 =	vld.idx.msk [tilespmem:v28+s26+$0x0], $0xffff;
	v15 =	vmul.f32 v15, v4;
	v48 =	vmul.f32 v49, v5  }
0xe3: {  	v45 =	vadd.s32 v27, v11;
	v57 =	vld.idx.msk [tilespmem:v17+s26+$0x0], $0xffff  }
0xe4: {  	v58 =	vld.idx.msk [tilespmem:v16+s26+$0x0], $0xffff;
	v43 =	vadd.s32 v24, v11;
	v11 =	vadd.f32 v48, v15;
	v15 =	vadd.s32 $0x1000, v53  }
0xe5: {  	v38 =	vmul.f32 v38, v1;
	v7 =	vmov v1;
	v1 =	vadd.s32 $0x1000, v54;
	v61 =	vld.idx.msk [tilespmem:v32+s26+$0x0], $0xffff  }
0xe6: {  	v62 =	vld.idx.msk [tilespmem:v34+s26+$0x0], $0xffff;
	v11 =	vadd.f32 v11, v14  }
0xe7: {  	v3 =	vadd.s32 $0x1000, v52;
	v63 =	vld.idx.msk [tilespmem:v41+s26+$0x0], $0xffff;
	[tilespmem:$0x1FFC0] =	vst v6  }
0xe8: {  	v14 =	vadd.s32 $0x1000, v51;
	[tilespmem:s3+$0xFFFFE790] =	vst v11  }
0xe9: {  	vm15 =	vgt.s32 v13, $0x0;
	v11 =	vadd.f32 v0, v46;
	v46 =	vld.idx.msk [tilespmem:v15+s26+$0x0], $0xffff  }
0xea: {  	v39 =	vmul.f32 v39, v2;
	v37 =	vmul.f32 v37, v7;
	v13 =	vnsel vm15, $0x0, v13;
	v1 =	vld.idx.msk [tilespmem:v1+s26+$0x0], $0xffff  }
0xeb: {  	v40 =	vmul.f32 v40, v2;
	v8 =	vmovc v2;
	v2 =	vadd.s32 v24, v13;
	v0 =	vadd.s32 v27, v13;
	v9 =	vld [tilespmem:$0x1FFE0]  }
0xec: {  	v13 =	vmul.f32 v42, v4;
	v15 =	vadd.f32 v39, v38;
	v3 =	vld.idx.msk [tilespmem:v3+s26+$0x0], $0xffff;
	v11 =	vmul.f32 v11, v5  }
0xed: {  	v37 =	vadd.f32 v40, v37;
	v38 =	vld.idx.msk [tilespmem:v14+s26+$0x0], $0xffff  }
0xee: {  	v6 =	vmov v30;
	v30 =	vld.idx.msk [tilespmem:v44+s26+$0x0], $0xffff;
	v14 =	vmul.f32 v15, v4;
	v11 =	vadd.f32 v11, v13  }
0xef: {  	v49 =	vmov v35;
	v35 =	vld.idx.msk [tilespmem:v45+s26+$0x0], $0xffff;
	v15 =	vmul.f32 v37, v5;
	v13 =	vmul.f32 v18, v31  }
0xf0: {  	v40 =	vld [tilespmem:s3+$0x10];
	v18 =	vmul.f32 v56, v33;
	v9 =	vadd.f32 v11, v9;
	v11 =	vmul.f32 v55, v31  }
0xf1: {  	v48 =	vmov v25;
	v25 =	vld.idx.msk [tilespmem:v43+s26+$0x0], $0xffff;
	v56 =	vmul.f32 v46, v47;
	v1 =	vmul.f32 v1, v50  }
0xf2: {  	v42 =	vld [tilespmem:s3+$0xFFFFE770];
	v3 =	vmul.f32 v3, v50;
	v46 =	vadd.f32 v18, v11;
	v11 =	vmul.f32 v38, v47  }
0xf3: {  	v37 =	vld.idx.msk [tilespmem:v2+s26+$0x0], $0xffff;
	v39 =	vadd.f32 v15, v14  }
0xf4: {  	v15 =	vld [tilespmem:s22+$0xFFFFFFD0];
	v14 =	vmul.f32 v19, v33;
	v1 =	vadd.f32 v1, v56;
	v3 =	vadd.f32 v3, v11  }
0xf5: {  	v31 =	vld.idx.msk [tilespmem:v0+s26+$0x0], $0xffff  }
0xf6: {  	v19 =	vadd.f32 v14, v13;
	v14 =	vld [tilespmem:s22+$0xFFFFFFE0];
	v1 =	vmul.f32 v1, v4;
	v3 =	vmul.f32 v3, v5  }
0xf7: {  	v13 =	vld [tilespmem:s1+$0xFFFFFFE0]  }
0xf8: {  	v1 =	vadd.f32 v3, v1;
	v3 =	vld [tilespmem:s3+$0xFFFFFFF0]  }
0xf9: {  	v54 =	vadd.s32 $0x2000, v54;
	v55 =	vmul.f32 v63, v10;
	v18 =	vld [tilespmem:s1+$0xFFFFFFF0];
	v56 =	vmul.f32 v57, v15  }
0xfa: {  	v52 =	vadd.s32 $0x2000, v52;
	v30 =	vmul.f32 v30, v10;
	v63 =	vmovc v7;
	v7 =	vld [tilespmem:s3+$0xFFFFE780];
	v57 =	vmul.f32 v58, v15  }
0xfb: {  	v19 =	vmul.f32 v19, v4;
	v11 =	vld [tilespmem:s22+$0xFFFFFFF0];
	v33 =	vadd.f32 v56, v55;
	v59 =	vmul.f32 v59, v14  }
0xfc: {  	v38 =	vld [tilespmem:s3+$0xFFFFE760];
	[tilespmem:s17+$0xFFFFFFF0] =	vst v9;
	v30 =	vadd.f32 v57, v30;
	v25 =	vmul.f32 v25, v13;
	v60 =	vmul.f32 v60, v14  }
0xfd: {  	v35 =	vmul.f32 v35, v13;
	v57 =	vld [tilespmem:s3+$0xFFFFFFE0];
	v1 =	vadd.f32 v1, v40;
	v40 =	vadd.s32 $0x2000, v53;
	[tilespmem:$0x1FFE0] =	vst v3  }
0xfe: {  	v51 =	vadd.s32 $0x2000, v51;
	v58 =	vmul.f32 v46, v5;
	v37 =	vmul.f32 v37, v18;
	v36 =	vld.idx.msk [tilespmem:v36+s26+$0x0], $0xffff  }
0xff: {  	v25 =	vadd.f32 v59, v25;
	v35 =	vadd.f32 v60, v35;
	v33 =	vmul.f32 v33, v4;
	v55 =	vld.idx.msk [tilespmem:v6+s26+$0x0], $0xffff  }
0x100: {  	v12 =	vadd.f32 v39, v12;
	v30 =	vmul.f32 v30, v5;
	v46 =	vmul.f32 v61, v11;
	v60 =	vld.idx.msk [tilespmem:v49+s26+$0x0], $0xffff  }
0x101: {  	v25 =	vmul.f32 v25, v4;
	v35 =	vmul.f32 v35, v5;
	[tilespmem:s3+$0x10] =	vst v1;
	v1 =	vld.idx.msk [tilespmem:v48+s26+$0x0], $0xffff  }
0x102: {  	v31 =	vmul.f32 v31, v18;
	v53 =	vmul.f32 v62, v11;
	v30 =	vadd.f32 v30, v33;
	v40 =	vld.idx.msk [tilespmem:v40+s26+$0x0], $0xffff  }
0x103: {  	v61 =	vadd.s32 $0x1000, v41;
	v37 =	vadd.f32 v46, v37;
	v25 =	vadd.f32 v35, v25;
	v35 =	vld.idx.msk [tilespmem:v54+s26+$0x0], $0xffff  }
0x104: {  	v39 =	vadd.f32 v58, v19;
	v31 =	vadd.f32 v53, v31;
	v51 =	vld.idx.msk [tilespmem:v51+s26+$0x0], $0xffff  }
0x105: {  	v37 =	vmul.f32 v37, v4;
	[tilespmem:s17+$0x0] =	vst v12;
	v12 =	vadd.f32 v30, v38;
	v53 =	vld.idx.msk [tilespmem:v52+s26+$0x0], $0xffff  }
0x106: {  	v58 =	vadd.s32 $0x1000, v43;
	v31 =	vmul.f32 v31, v5;
	v26 =	vld.idx.msk [tilespmem:v26+s26+$0x0], $0xffff;
	v36 =	vmul.f32 v36, v23  }
0x107: {  	v25 =	vadd.f32 v25, v42;
	v3 =	vld [tilespmem:$0x1FFB0];
	[tilespmem:s3+$0xFFFFE760] =	vst v12;
	v56 =	vmul.f32 v60, v23;
	v59 =	vmul.f32 v55, v22  }
0x108: {  	v1 =	vmul.f32 v1, v22;
	v60 =	vld.idx.msk [tilespmem:v61+s26+$0x0], $0xffff;
	v61 =	vadd.s32 $0x1000, v20;
	v40 =	vmul.f32 v40, v47  }
0x109: {  	v12 =	vld.idx.msk [tilespmem:v21+s26+$0x0], $0xffff;
	v35 =	vmul.f32 v35, v50;
	v47 =	vmul.f32 v51, v47  }
0x10a: {  	[tilespmem:s3+$0xFFFFE770] =	vst v25;
	v38 =	vmul.f32 v53, v50;
	v36 =	vadd.f32 v59, v36;
	v1 =	vadd.f32 v1, v56  }
0x10b: {  	v31 =	vadd.f32 v31, v37;
	v21 =	vld.idx.msk [tilespmem:v58+s26+$0x0], $0xffff;
	v25 =	vmul.f32 v26, v63;
	v48 =	vadd.f32 v35, v40  }
0x10c: {  	v58 =	vld [tilespmem:s3+$0x1890];
	v49 =	vadd.f32 v38, v47;
	v26 =	vmul.f32 v36, v4;
	v1 =	vmul.f32 v1, v5  }
0x10d: {  	v46 =	vadd.s32 $0x1000, v17;
	v7 =	vadd.f32 v31, v7;
	v35 =	vadd.s32 $0x1000, v28;
	v31 =	vld.idx.msk [tilespmem:v61+s26+$0x0], $0xffff  }
0x10e: {  	v23 =	vmul.f32 v48, v4;
	v1 =	vadd.f32 v1, v26;
	v26 =	vmul.f32 v49, v5  }
0x10f: {  	v30 =	vadd.s32 $0x1000, v44  }
0x110: {  	v54 =	vadd.s32 $0x1000, v16;
	v47 =	vadd.f32 v26, v23;
	_ =	sdelay $0x1  }
0x111: {  	v61 =	vmul.f32 v31, v14;
	v31 =	vadd.f32 v47, v58;
	v47 =	vadd.f32 v1, v29;
	v1 =	vld.idx.msk [tilespmem:v35+s26+$0x0], $0xffff  }
0x112: {  	v46 =	vld.idx.msk [tilespmem:v46+s26+$0x0], $0xffff;
	v3 =	vadd.f32 v39, v3  }
0x113: {  	v30 =	vld.idx.msk [tilespmem:v30+s26+$0x0], $0xffff;
	v50 =	vadd.s32 $0x1000, v45;
	[tilespmem:s3+$0xFFFFE780] =	vst v7;
	v12 =	vmul.f32 v12, v8  }
0x114: {  	v62 =	vmovc v8;
	v6 =	vadd.s32 $0x2000, v0;
	v37 =	vld.idx.msk [tilespmem:v54+s26+$0x0], $0xffff;
	v59 =	vadd.s32 $0x1000, v2;
	v8 =	vadd.s32 $0x1000, v34;
	[tilespmem:s17+$0x1860] =	vst v3  }
0x115: {  	v40 =	vadd.f32 v12, v25;
	v25 =	vadd.s32 $0x1000, v32;
	v58 =	vadd.s32 $0x2000, v2;
	v2 =	vld [tilespmem:$0x1FFC0];
	[tilespmem:s3+$0x1890] =	vst v31  }
0x116: {  	v22 =	vmul.f32 v60, v10;
	v60 =	vadd.s32 $0x1000, v0;
	v0 =	vmul.f32 v1, v14;
	v1 =	vld [tilespmem:$0x1FFD0]  }
0x117: {  	v53 =	vld [tilespmem:s3+$0x0]  }
0x118: {  	s10 =	sadd.s32 $0x4, s9;
	v19 =	vadd.s32 $0x2000, v45;
	v17 =	vadd.s32 $0x2000, v17;
	v16 =	vadd.s32 $0x2000, v16;
	v52 =	vld.idx.msk [tilespmem:v50+s26+$0x0], $0xffff  }
0x119: {  	p3 =	slt.s32 s10, s7;
	v7 =	vadd.s32 $0x2000, v34;
	v56 =	vmul.f32 v46, v15;
	v30 =	vmul.f32 v30, v10;
	v38 =	vld.idx.msk [tilespmem:v59+s26+$0x0], $0xffff  }
.Ltmp7:
0x11a: {  	v48 =	vadd.s32 $0x2000, v32;
	v37 =	vmul.f32 v37, v15;
	v32 =	vmul.f32 v40, v4;
	v40 =	vld.idx.msk [tilespmem:v8+s26+$0x0], $0xffff;
	(pc) =	sbr.rel @!p3 .LBB2_34-.Ltmp7, $4  }
0x11b: {  	v21 =	vmul.f32 v21, v13;
	v33 =	vadd.f32 v56, v22;
	v56 =	vadd.s32 $0x2000, v20;
	v39 =	vld.idx.msk [tilespmem:v25+s26+$0x0], $0xffff  }
0x11c: {  	v30 =	vadd.f32 v37, v30;
	v26 =	vadd.s32 $0x2000, v28;
	v28 =	vadd.s32 $0x2000, v44;
	v37 =	vld.idx.msk [tilespmem:v60+s26+$0x0], $0xffff  }
0x11d: {  	s11 =	sadd.s32 $0x40, s8;
	v44 =	vmul.f32 v33, v4;
	v29 =	vadd.s32 $0x2000, v41;
	v60 =	vadd.s32 $0x2000, v43;
	v43 =	vld.idx.msk [tilespmem:v2+s26+$0x0], $0xffff  }
0x11e: {  	p2 =	por $0x1, $0x1;
	s8 =	smov.u32 s17;
	s9 =	smov.u32 s3;
	v45 =	vmul.f32 v30, v5;
	v46 =	vmul.f32 v52, v13;
	v42 =	vadd.f32 v61, v21;
	v34 =	vld.idx.msk [tilespmem:v1+s26+$0x0], $0xffff  }
.LBB2_35:
0x11f: {  	v1 =	vld [tilespmem:s11+$0x0]  }
0x120: {  	v36 =	vld [tilespmem:s11+$0xFFFFFFF0]  }
0x121: {  	[tilespmem:s8+$0x1870] =	vst v47;
	v61 =	vld [tilespmem:s11+$0xFFFFFFD0];
	v30 =	vadd.f32 v45, v44;
	v0 =	vadd.f32 v0, v46  }
0x122: {  	v21 =	vmul.f32 v40, v11;
	v41 =	vmul.f32 v42, v4;
	v33 =	vld [tilespmem:s11+$0xFFFFFFE0]  }
0x123: {  	[tilespmem:$0x1FED0] =	vst v19;
	v42 =	vld [tilespmem:s3+$0x1860];
	v52 =	vmul.f32 v0, v5;
	v19 =	vadd.f32 v30, v57;
	v30 =	vmul.f32 v37, v18  }
0x124: {  	[tilespmem:$0x1FEE0] =	vst v26;
	s22 =	sadd.s32 $0x40, s22;
	v0 =	vld [tilespmem:s3+$0x1870];
	v31 =	vmul.f32 v38, v18;
	v35 =	vmul.f32 v39, v11;
	vm0 =	vgt.s32 v1, $0x0  }
0x125: {  	v38 =	vld [tilespmem:s22+$0x0];
	[tilespmem:s3+$0xFFFFFFE0] =	vst v19;
	v54 =	vadd.f32 v21, v30;
	v30 =	vnsel vm0, $0x0, v1;
	v1 =	vadd.s32 $0x1, v1  }
0x126: {  	v26 =	vmovc v18;
	v40 =	vmul.f32 v43, v63;
	v18 =	vld.idx.msk [tilespmem:v29+s26+$0x0], $0xffff;
	vm13 =	vlt.s32 v1, $0x3F;
	v47 =	vadd.s32 v24, v30  }
0x127: {  	vm2 =	vgt.s32 v61, $0x0;
	v55 =	vld.idx.msk [tilespmem:v17+s26+$0x0], $0xffff;
	v43 =	vadd.s32 v27, v30;
	v1 =	vnsel vm13, $0x3F, v1  }
0x128: {  	[tilespmem:$0x1FEC0] =	vst v56;
	vm4 =	vgt.s32 v36, $0x0;
	v31 =	vadd.f32 v35, v31;
	v56 =	vld.idx.msk [tilespmem:v28+s26+$0x0], $0xffff;
	v46 =	vadd.s32 v27, v1  }
0x129: {  	s1 =	sadd.s32 $0x40, s1;
	v22 =	vadd.s32 $0x1, v33;
	v17 =	vadd.s32 $0x1, v36;
	v57 =	vld.idx.msk [tilespmem:v16+s26+$0x0], $0xffff;
	v50 =	vadd.s32 v24, v1  }
0x12a: {  	[tilespmem:$0x1FF80] =	vst v6;
	v28 =	vadd.s32 $0x1, v61;
	vm1 =	vlt.s32 v22, $0x3F;
	v29 =	vmul.f32 v31, v4;
	v31 =	vld [tilespmem:s1+$0x0]  }
0x12b: {  	v44 =	vmovc v58;
	v16 =	vnsel vm2, $0x0, v61;
	vm14 =	vlt.s32 v28, $0x3F;
	[tilespmem:$0x1FF60] =	vst v0;
	vm3 =	vlt.s32 v17, $0x3F;
	v23 =	vld.idx.msk [tilespmem:v47+s26+$0x0], $0xffff  }
0x12c: {  	v19 =	vmovc v60;
	v60 =	vadd.s32 v24, v16;
	v0 =	vmovc v62;
	v1 =	vnsel vm14, $0x3F, v28;
	v17 =	vnsel vm3, $0x3F, v17;
	v51 =	vld.idx.msk [tilespmem:v43+s26+$0x0], $0xffff  }
0x12d: {  	v58 =	vadd.s32 v24, v1;
	v61 =	vadd.s32 v24, v17;
	v62 =	vadd.s32 v27, v17;
	v17 =	vld.idx.msk [tilespmem:v46+s26+$0x0], $0xffff  }
0x12e: {  	[tilespmem:$0x1FF90] =	vst v7;
	v28 =	vnsel vm1, $0x3F, v22;
	v1 =	vadd.s32 v27, v1;
	v2 =	vadd.s32 $0x1000, v58;
	v45 =	vld.idx.msk [tilespmem:v50+s26+$0x0], $0xffff  }
0x12f: {  	v25 =	vmovc v53;
	v53 =	vld [tilespmem:s3+$0x1880];
	v41 =	vadd.f32 v52, v41;
	v59 =	vadd.s32 v24, v28;
	v3 =	vadd.s32 $0x1000, v1;
	[tilespmem:$0x1FEF0] =	vst v2  }
0x130: {  	vm15 =	vgt.s32 v33, $0x0;
	v6 =	vld [tilespmem:s1+$0xFFFFFFD0];
	v63 =	vadd.s32 v27, v16;
	v16 =	vadd.s32 $0x1000, v61;
	[tilespmem:$0x1FF00] =	vst v3  }
0x131: {  	v49 =	vnsel vm4, $0x0, v36;
	v30 =	vmovc v48;
	v28 =	vadd.s32 v27, v28;
	v3 =	vadd.s32 $0x1000, v59;
	[tilespmem:$0x1FF30] =	vst v16;
	v52 =	vld.idx.msk [tilespmem:v60+s26+$0x0], $0xffff  }
0x132: {  	[tilespmem:$0x1FF10] =	vst v3;
	v3 =	vadd.s32 $0x1000, v28;
	v2 =	vld.idx.msk [tilespmem:v58+s26+$0x0], $0xffff;
	v48 =	vmul.f32 v51, v31;
	v17 =	vmul.f32 v17, v38  }
0x133: {  	v16 =	vadd.s32 $0x1000, v62;
	[tilespmem:$0x1FF20] =	vst v3;
	v3 =	vld.idx.msk [tilespmem:v1+s26+$0x0], $0xffff;
	v20 =	vmul.f32 v23, v31;
	v51 =	vmul.f32 v45, v38  }
0x134: {  	v33 =	vnsel vm15, $0x0, v33;
	[tilespmem:$0x1FF50] =	vst v16;
	v16 =	vld.idx.msk [tilespmem:v59+s26+$0x0], $0xffff;
	v48 =	vadd.f32 v17, v48;
	v17 =	vadd.s32 $0x2000, v58  }
0x135: {  	s3 =	sadd.s32 $0x40, s3;
	v7 =	vadd.s32 v24, v49;
	v9 =	vadd.s32 v27, v33;
	v20 =	vadd.f32 v51, v20;
	[tilespmem:$0x1FF70] =	vst v17;
	v17 =	vld [tilespmem:$0x1FFE0]  }
0x136: {  	v12 =	vadd.s32 v27, v49;
	v37 =	vadd.s32 $0x2000, v1;
	v1 =	vld [tilespmem:s3+$0xFFFFE790];
	v51 =	vmul.f32 v54, v5  }
0x137: {  	v8 =	vadd.s32 v24, v33;
	v49 =	vld.idx.msk [tilespmem:v28+s26+$0x0], $0xffff;
	v20 =	vmul.f32 v20, v4;
	v48 =	vmul.f32 v48, v5  }
0x138: {  	v21 =	vadd.s32 $0x1000, v12;
	v22 =	vld.idx.msk [tilespmem:v61+s26+$0x0], $0xffff  }
0x139: {  	[tilespmem:$0x1FF40] =	vst v21;
	v21 =	vld.idx.msk [tilespmem:v62+s26+$0x0], $0xffff;
	v29 =	vadd.f32 v51, v29;
	v48 =	vadd.f32 v48, v20  }
0x13a: {  	v23 =	vld.idx.msk [tilespmem:v9+s26+$0x0], $0xffff;
	v58 =	vadd.s32 $0x2000, v28;
	v20 =	vadd.s32 $0x1000, v47;
	v28 =	vadd.f32 v41, v17  }
0x13b: {  	v51 =	vld.idx.msk [tilespmem:v63+s26+$0x0], $0xffff;
	v17 =	vadd.f32 v29, v25;
	v1 =	vadd.f32 v48, v1;
	v48 =	vadd.s32 $0x1000, v43  }
0x13c: {  	v35 =	vadd.s32 $0x1000, v63;
	v41 =	vld.idx.msk [tilespmem:v8+s26+$0x0], $0xffff;
	[tilespmem:s9+$0xFFFFFFF0] =	vst v28;
	v28 =	vadd.s32 $0x2000, v63;
	v63 =	vadd.s32 $0x1000, v46  }
0x13d: {  	v33 =	vadd.s32 $0x1000, v60;
	v34 =	vmul.f32 v34, v0;
	v29 =	vadd.s32 $0x2000, v60;
	v60 =	vld.idx.msk [tilespmem:v7+s26+$0x0], $0xffff;
	[tilespmem:s9+$0x0] =	vst v17  }
0x13e: {  	v54 =	vadd.s32 $0x2000, v61;
	v61 =	vadd.s32 $0x2000, v62;
	v62 =	vadd.s32 $0x1000, v50;
	[tilespmem:s3+$0xFFFFE790] =	vst v1;
	v17 =	vld.idx.msk [tilespmem:v12+s26+$0x0], $0xffff  }
0x13f: {  	v18 =	vmul.f32 v18, v10;
	v56 =	vmul.f32 v56, v10;
	v1 =	vadd.s32 $0x2000, v12;
	v12 =	vld.idx.msk [tilespmem:v20+s26+$0x0], $0xffff  }
0x140: {  	v10 =	vmov v6;
	v52 =	vmul.f32 v52, v6;
	v51 =	vmul.f32 v51, v6;
	v6 =	vld.idx.msk [tilespmem:v48+s26+$0x0], $0xffff  }
0x141: {  	v0 =	vadd.f32 v34, v40;
	v48 =	vld.idx.msk [tilespmem:v63+s26+$0x0], $0xffff  }
0x142: {  	v55 =	vmul.f32 v55, v15;
	v63 =	vmov v26;
	v26 =	vld [tilespmem:$0x1FFA0]  }
0x143: {  	v0 =	vmul.f32 v0, v5;
	v20 =	vld.idx.msk [tilespmem:v62+s26+$0x0], $0xffff  }
0x144: {  	v62 =	vmov v11;
	v11 =	vadd.f32 v55, v18;
	v18 =	vld [tilespmem:s1+$0xFFFFFFF0]  }
0x145: {  	v0 =	vadd.f32 v0, v32  }
0x146: {  	v57 =	vmul.f32 v57, v15  }
0x147: {  	v25 =	vld [tilespmem:s22+$0xFFFFFFD0];
	v0 =	vadd.f32 v0, v26  }
0x148: {  	v56 =	vadd.f32 v57, v56;
	v57 =	vmul.f32 v11, v4;
	v11 =	vld [tilespmem:s22+$0xFFFFFFF0]  }
0x149: {  	[tilespmem:s8+$0x1880] =	vst v0;
	v0 =	vmul.f32 v17, v18;
	v17 =	vld.idx.msk [tilespmem:v19+s26+$0x0], $0xffff  }
0x14a: {  	v19 =	vld [tilespmem:$0x1FEC0];
	_ =	sdelay $0x2  }
0x14b: {  	v55 =	vld [tilespmem:s1+$0xFFFFFFE0];
	v2 =	vmul.f32 v2, v25  }
0x14c: {  	v40 =	vmul.f32 v56, v5;
	v3 =	vmul.f32 v3, v25;
	v15 =	vmov v25;
	v25 =	vld [tilespmem:s22+$0xFFFFFFE0]  }
0x14d: {  	v2 =	vadd.f32 v2, v52;
	v26 =	vld [tilespmem:s3+$0xFFFFFFF0]  }
0x14e: {  	v34 =	vadd.f32 v40, v57;
	v12 =	vmul.f32 v12, v31;
	v20 =	vmul.f32 v20, v38  }
0x14f: {  	v3 =	vadd.f32 v3, v51;
	v6 =	vmul.f32 v6, v31;
	v48 =	vmul.f32 v48, v38  }
0x150: {  	v41 =	vmul.f32 v41, v55;
	v40 =	vmul.f32 v60, v18;
	v34 =	vadd.f32 v34, v42;
	v42 =	vld.idx.msk [tilespmem:v19+s26+$0x0], $0xffff  }
0x151: {  	v2 =	vmul.f32 v2, v4;
	v12 =	vadd.f32 v20, v12;
	v6 =	vadd.f32 v48, v6;
	v19 =	vld [tilespmem:$0x1FED0]  }
0x152: {  	v3 =	vmul.f32 v3, v5;
	v16 =	vmul.f32 v16, v25;
	v48 =	vld [tilespmem:s3+$0x10];
	[tilespmem:$0x1FFE0] =	vst v26;
	v26 =	vmov v53  }
0x153: {  	v12 =	vmul.f32 v12, v4;
	v6 =	vmul.f32 v6, v5;
	[tilespmem:$0x1FFA0] =	vst v26;
	v26 =	vld [tilespmem:$0x1FEE0]  }
0x154: {  	v20 =	vmul.f32 v22, v11;
	v21 =	vmul.f32 v21, v11;
	v2 =	vadd.f32 v3, v2  }
0x155: {  	v6 =	vadd.f32 v6, v12;
	v12 =	vadd.s32 $0x2000, v47;
	v47 =	vadd.s32 $0x2000, v43  }
0x156: {  	v45 =	vadd.s32 $0x1000, v9;
	v20 =	vadd.f32 v20, v40;
	v0 =	vadd.f32 v21, v0  }
0x157: {  	v9 =	vadd.s32 $0x2000, v9;
	v16 =	vadd.f32 v16, v41;
	v6 =	vadd.f32 v6, v48  }
0x158: {  	v52 =	vld [tilespmem:s3+$0xFFFFE770];
	v41 =	vadd.s32 $0x2000, v50;
	v3 =	vmul.f32 v20, v4;
	v0 =	vmul.f32 v0, v5  }
0x159: {  	v39 =	vadd.s32 $0x1000, v7;
	[tilespmem:s3+$0x10] =	vst v6;
	v48 =	vld.idx.msk [tilespmem:v19+s26+$0x0], $0xffff;
	v19 =	vmov v9;
	v9 =	vadd.s32 $0x2000, v46  }
0x15a: {  	v23 =	vmul.f32 v23, v55;
	v32 =	vmul.f32 v49, v25;
	v0 =	vadd.f32 v0, v3;
	v3 =	vld.idx.msk [tilespmem:v47+s26+$0x0], $0xffff  }
0x15b: {  	v36 =	vadd.s32 $0x1000, v8;
	v8 =	vadd.s32 $0x2000, v8;
	v7 =	vadd.s32 $0x2000, v7;
	v50 =	vld.idx.msk [tilespmem:v26+s26+$0x0], $0xffff  }
0x15c: {  	v60 =	vmovc v8;
	v8 =	vadd.f32 v32, v23;
	v26 =	vmov v58;
	v58 =	vmov v7;
	v7 =	vld.idx.msk [tilespmem:v12+s26+$0x0], $0xffff  }
0x15d: {  	v12 =	vld.idx.msk [tilespmem:v41+s26+$0x0], $0xffff  }
0x15e: {  	v16 =	vmul.f32 v16, v4;
	v8 =	vmul.f32 v8, v5;
	v9 =	vld.idx.msk [tilespmem:v9+s26+$0x0], $0xffff;
	_ =	sdelay $0x1  }
0x15f: {  	v8 =	vadd.f32 v8, v16  }
0x160: {  	v16 =	vmul.f32 v17, v13;
	v17 =	vmul.f32 v42, v14  }
0x161: {  	v8 =	vadd.f32 v8, v52;
	v3 =	vmul.f32 v3, v31;
	v7 =	vmul.f32 v7, v31  }
0x162: {  	v51 =	vld [tilespmem:s3+$0xFFFFE760];
	v12 =	vmul.f32 v12, v38;
	v9 =	vmul.f32 v9, v38  }
0x163: {  	[tilespmem:s3+$0xFFFFE770] =	vst v8;
	v8 =	vadd.f32 v17, v16;
	v16 =	vld [tilespmem:$0x1FEF0]  }
0x164: {  	v7 =	vadd.f32 v12, v7;
	v3 =	vadd.f32 v9, v3;
	_ =	sdelay $0x1  }
0x165: {  	v7 =	vmul.f32 v7, v4;
	v3 =	vmul.f32 v3, v5  }
0x166: {  	v49 =	vld [tilespmem:s3+$0xFFFFE780]  }
0x167: {  	v2 =	vadd.f32 v2, v51;
	v3 =	vadd.f32 v3, v7;
	v7 =	vld [tilespmem:$0x1FF40]  }
0x168: {  	[tilespmem:s9+$0x1860] =	vst v34  }
0x169: {  	[tilespmem:s3+$0xFFFFE760] =	vst v2  }
0x16a: {  	v16 =	vld.idx.msk [tilespmem:v16+s26+$0x0], $0xffff;
	_ =	sdelay $0x1  }
0x16b: {  	v52 =	vld.idx.msk [tilespmem:v30+s26+$0x0], $0xffff;
	v0 =	vadd.f32 v0, v49  }
0x16c: {  	v6 =	vld.idx.msk [tilespmem:v44+s26+$0x0], $0xffff  }
0x16d: {  	[tilespmem:s3+$0xFFFFE780] =	vst v0;
	v17 =	vld [tilespmem:$0x1FF00]  }
0x16e: {  	v9 =	vmul.f32 v16, v15;
	v16 =	vmov v37;
	v37 =	vld.idx.msk [tilespmem:v7+s26+$0x0], $0xffff  }
0x16f: {  	v7 =	vld [tilespmem:$0x1FF50]  }
0x170: {  	v57 =	vld [tilespmem:s3+$0xFFFFFFE0];
	v2 =	vmul.f32 v50, v14;
	v20 =	vmul.f32 v48, v13  }
0x171: {  	v53 =	vld [tilespmem:s3+$0x0]  }
0x172: {  	v48 =	vmov v54;
	v54 =	vld.idx.msk [tilespmem:v33+s26+$0x0], $0xffff;
	v0 =	vadd.f32 v2, v20  }
0x173: {  	v21 =	vmul.f32 v52, v62;
	v6 =	vmul.f32 v6, v63;
	v13 =	vmov v55;
	v55 =	vld [tilespmem:$0x1FF10]  }
0x174: {  	v8 =	vmul.f32 v8, v4;
	v20 =	vld.idx.msk [tilespmem:v36+s26+$0x0], $0xffff;
	v0 =	vmul.f32 v0, v5  }
0x175: {  	v6 =	vadd.f32 v21, v6;
	v17 =	vld.idx.msk [tilespmem:v17+s26+$0x0], $0xffff  }
0x176: {  	v0 =	vadd.f32 v0, v8;
	v8 =	vld [tilespmem:$0x1FF20]  }
0x177: {  	v40 =	vld.idx.msk [tilespmem:v7+s26+$0x0], $0xffff  }
0x178: {  	v7 =	vld [tilespmem:$0x1FF60]  }
0x179: {  	v32 =	vmul.f32 v6, v4;
	v6 =	vmov v1;
	v1 =	vld [tilespmem:$0x1FF90]  }
0x17a: {  	v2 =	vld.idx.msk [tilespmem:v35+s26+$0x0], $0xffff  }
0x17b: {  	v59 =	vadd.s32 $0x2000, v59;
	v23 =	vld.idx.msk [tilespmem:v55+s26+$0x0], $0xffff  }
0x17c: {  	v56 =	vmov v59;
	v59 =	vmul.f32 v17, v15;
	v17 =	vmul.f32 v20, v13;
	v20 =	vld [tilespmem:$0x1FF30]  }
0x17d: {  	v22 =	vmul.f32 v54, v10;
	v47 =	vadd.f32 v0, v7;
	v0 =	vld [tilespmem:$0x1FF80]  }
0x17e: {  	v12 =	vld [tilespmem:s3+$0x1890]  }
0x17f: {  	s10 =	sadd.s32 $0x4, s10;
	v14 =	vmov v25;
	v25 =	vld.idx.msk [tilespmem:v45+s26+$0x0], $0xffff;
	v9 =	vadd.f32 v9, v22  }
0x180: {  	p3 =	slt.s32 s10, s7;
	v2 =	vmul.f32 v2, v10;
	v8 =	vld.idx.msk [tilespmem:v8+s26+$0x0], $0xffff  }
.Ltmp8:
0x181: {  	v38 =	vld.idx.msk [tilespmem:v39+s26+$0x0], $0xffff;
	v44 =	vmul.f32 v9, v4;
	v9 =	vmul.f32 v23, v14;
	(pc) =	sbr.rel @p3 .LBB2_35-.Ltmp8, $4  }
0x182: {  	v34 =	vld.idx.msk [tilespmem:v1+s26+$0x0], $0xffff;
	v2 =	vadd.f32 v59, v2  }
0x183: {  	v3 =	vadd.f32 v3, v12;
	v42 =	vadd.f32 v9, v17;
	v17 =	vld [tilespmem:$0x1FF70]  }
0x184: {  	v46 =	vmul.f32 v25, v13;
	v39 =	vld.idx.msk [tilespmem:v20+s26+$0x0], $0xffff  }
0x185: {  	s11 =	sadd.s32 $0x40, s11;
	s8 =	smov.u32 s9;
	s9 =	smov.u32 s3;
	v45 =	vmul.f32 v2, v5;
	[tilespmem:s3+$0x1890] =	vst v3;
	v7 =	vmov v61;
	v43 =	vld.idx.msk [tilespmem:v0+s26+$0x0], $0xffff;
	v0 =	vmul.f32 v8, v14  }
0x186: {  	v31 =	vmov v10;
	v33 =	vmov v15;
	v36 =	vmov v60  }
0x187: {  	v30 =	vmovc v56;
	v35 =	vmovc v19;
	v25 =	vmov v26;
	v26 =	vmov v58;
	v23 =	vmov v13;
	v51 =	vld [tilespmem:$0x1FFF0]  }
0x188: {  	v22 =	vmovc v14;
	v21 =	vmovc v48;
	v19 =	vmov v7;
	v52 =	vmov v24;
	v54 =	vmov v27;
	v20 =	vld [tilespmem:$0x1FFA0]  }
.LBB2_37:
0x189: {  	v1 =	vadd.f32 v45, v44;
	v3 =	vmul.f32 v38, v18;
	v7 =	vmul.f32 v39, v11  }
0x18a: {  	v8 =	vmul.f32 v37, v18;
	v9 =	vmul.f32 v40, v11  }
0x18b: {  	v1 =	vadd.f32 v1, v57  }
0x18c: {  	v48 =	vadd.f32 v7, v3;
	v7 =	vadd.f32 v9, v8;
	_ =	sdelay $0x1  }
0x18d: {  	v56 =	vld [tilespmem:s3+$0x1870];
	[tilespmem:s3+$0xFFFFFFE0] =	vst v1;
	v1 =	vmul.f32 v48, v4;
	v7 =	vmul.f32 v7, v5  }
0x18e: {  	v0 =	vadd.f32 v0, v46;
	v12 =	vld [tilespmem:s3+$0x1880]  }
0x18f: {  	v10 =	vld [tilespmem:$0x1FFE0];
	v1 =	vadd.f32 v7, v1  }
0x190: {  	v2 =	vmul.f32 v42, v4;
	v0 =	vmul.f32 v0, v5;
	v3 =	vld.idx.msk [tilespmem:v29+s26+$0x0], $0xffff  }
0x191: {  	v49 =	vld.idx.msk [tilespmem:v17+s26+$0x0], $0xffff;
	v1 =	vadd.f32 v1, v53  }
0x192: {  	v0 =	vadd.f32 v0, v2;
	v50 =	vld.idx.msk [tilespmem:v28+s26+$0x0], $0xffff  }
0x193: {  	v55 =	vld.idx.msk [tilespmem:v16+s26+$0x0], $0xffff;
	[tilespmem:s9+$0x0] =	vst v1  }
0x194: {  	v0 =	vadd.f32 v0, v10;
	v14 =	vld.idx.msk [tilespmem:v26+s26+$0x0], $0xffff  }
0x195: {  	v15 =	vld.idx.msk [tilespmem:v21+s26+$0x0], $0xffff  }
0x196: {  	v6 =	vld.idx.msk [tilespmem:v6+s26+$0x0], $0xffff;
	[tilespmem:s9+$0xFFFFFFF0] =	vst v0  }
0x197: {  	v0 =	vld.idx.msk [tilespmem:v36+s26+$0x0], $0xffff  }
0x198: {  	v3 =	vmul.f32 v3, v31;
	v8 =	vmul.f32 v49, v33;
	v7 =	vld.idx.msk [tilespmem:v30+s26+$0x0], $0xffff  }
0x199: {  	v13 =	vld.idx.msk [tilespmem:v35+s26+$0x0], $0xffff  }
0x19a: {  	v16 =	vmul.f32 @p2 v43, v63;
	v3 =	vadd.f32 v8, v3;
	v57 =	vld.idx.msk [tilespmem:v25+s26+$0x0], $0xffff  }
0x19b: {  	v17 =	vmul.f32 @p2 v34, v62;
	v2 =	vmul.f32 v50, v31;
	v59 =	vld.idx.msk [tilespmem:v19+s26+$0x0], $0xffff  }
0x19c: {  	v58 =	vmul.f32 v55, v33;
	v3 =	vmul.f32 v3, v4  }
0x19d: {  	v60 =	vmul.f32 v14, v18;
	v61 =	vmul.f32 v15, v11  }
0x19e: {  	v0 =	vmul.f32 v0, v23;
	v7 =	vmul.f32 v7, v22  }
0x19f: {  	v2 =	vadd.f32 v58, v2;
	v13 =	vmul.f32 v13, v23;
	v1 =	vmul.f32 v57, v22  }
0x1a0: {  	v62 =	vld [tilespmem:s3+$0x1860];
	v16 =	vadd.f32 @p2 v17, v16;
	v6 =	vmul.f32 v6, v18;
	v9 =	vmul.f32 v59, v11  }
0x1a1: {  	v2 =	vmul.f32 v2, v5;
	v0 =	vadd.f32 v7, v0;
	v1 =	vadd.f32 v1, v13  }
0x1a2: {  	v8 =	vadd.f32 v61, v60;
	v6 =	vadd.f32 v9, v6;
	v7 =	vmul.f32 @p2 v16, v5  }
0x1a3: {  	v2 =	vadd.f32 v2, v3;
	v0 =	vmul.f32 v0, v4;
	v1 =	vmul.f32 v1, v5  }
0x1a4: {  	v6 =	vmul.f32 v6, v5;
	v3 =	vadd.f32 @p2 v7, v32;
	v7 =	vmul.f32 v8, v4  }
0x1a5: {  	v2 =	vadd.f32 v2, v62;
	v0 =	vadd.f32 v1, v0  }
0x1a6: {  	[tilespmem:s8+$0x1870] =	vst @p2 v47;
	v1 =	vadd.f32 @p2 v3, v20;
	v3 =	vadd.f32 v6, v7  }
0x1a7: {  	[tilespmem:s9+$0x1860] =	vst v2;
	v0 =	vadd.f32 v0, v56  }
0x1a8: {  	[tilespmem:s8+$0x1880] =	vst @p2 v1;
	v63 =	vadd.f32 v3, v12  }
0x1a9: {  	[tilespmem:s9+$0x1870] =	vst v0  }
0x1aa: {  	[tilespmem:s9+$0x1880] =	vst v63  }
.LBB2_5:
.Ltmp9:
0x1ab: {  	(pc) =	sbr.rel @p1 .LBB2_7-.Ltmp9, $3  }
0x1ac: {  	_ =	sdelay $0x1  }
0x1ad: {  	s1 =	smov.u32 s21;
	s3 =	smov.u32 s25  }
0x1ae: {  	s8 =	smov.u32 s24;
	s9 =	smov.u32 s23;
	s10 =	smov.u32 s6  }
.LBB2_6:
0x1af: {  	v0 =	vld [tilespmem:s1+$0x0];
	_ =	sdelay $0x4  }
0x1b0: {  	vm0 =	vgt.s32 v0, $0x0  }
0x1b1: {  	v1 =	vadd.s32 $0x1, v0;
	v0 =	vnsel vm0, $0x0, v0  }
0x1b2: {  	vm15 =	vlt.s32 v1, $0x3F;
	v2 =	vadd.s32 v52, v0  }
0x1b3: {  	v1 =	vnsel vm15, $0x3F, v1;
	v0 =	vadd.s32 v54, v0  }
0x1b4: {  	v3 =	vadd.s32 v52, v1  }
0x1b5: {  	v6 =	vld [tilespmem:s8+$0x0];
	v1 =	vadd.s32 v54, v1  }
0x1b6: {  	v7 =	vld [tilespmem:s9+$0x0]  }
0x1b7: {  	v8 =	vld.idx.msk [tilespmem:v2+s26+$0x0], $0xffff  }
0x1b8: {  	v10 =	vld.idx.msk [tilespmem:v0+s26+$0x0], $0xffff  }
0x1b9: {  	v9 =	vld.idx.msk [tilespmem:v3+s26+$0x0], $0xffff  }
0x1ba: {  	v11 =	vld.idx.msk [tilespmem:v1+s26+$0x0], $0xffff;
	_ =	sdelay $0x3  }
0x1bb: {  	v8 =	vmul.f32 v8, v6;
	v10 =	vmul.f32 v10, v6  }
0x1bc: {  	v9 =	vmul.f32 v9, v7;
	v11 =	vmul.f32 v11, v7;
	_ =	sdelay $0x1  }
0x1bd: {  	v8 =	vadd.f32 v9, v8;
	v53 =	vadd.f32 v11, v10  }
0x1be: {  	v55 =	vld [tilespmem:s3+$0xFFFFE780]  }
0x1bf: {  	v8 =	vmul.f32 v8, v4;
	v9 =	vmul.f32 v53, v5;
	_ =	sdelay $0x1  }
0x1c0: {  	v56 =	vadd.s32 $0x1000, v2;
	v8 =	vadd.f32 v9, v8  }
0x1c1: {  	v57 =	vadd.s32 $0x1000, v3  }
0x1c2: {  	v58 =	vadd.s32 $0x1000, v0;
	v8 =	vadd.f32 v8, v55  }
0x1c3: {  	v12 =	vadd.s32 $0x1000, v1  }
0x1c4: {  	[tilespmem:s3+$0xFFFFE780] =	vst v8  }
0x1c5: {  	v8 =	vld.idx.msk [tilespmem:v56+s26+$0x0], $0xffff  }
0x1c6: {  	v59 =	vld.idx.msk [tilespmem:v57+s26+$0x0], $0xffff  }
0x1c7: {  	v10 =	vld.idx.msk [tilespmem:v58+s26+$0x0], $0xffff  }
0x1c8: {  	v60 =	vld.idx.msk [tilespmem:v12+s26+$0x0], $0xffff;
	_ =	sdelay $0x3  }
0x1c9: {  	v8 =	vmul.f32 v8, v6;
	v9 =	vmul.f32 v59, v7  }
0x1ca: {  	v10 =	vmul.f32 v10, v6;
	v11 =	vmul.f32 v60, v7;
	_ =	sdelay $0x1  }
0x1cb: {  	v8 =	vadd.f32 v9, v8;
	v61 =	vadd.f32 v11, v10  }
0x1cc: {  	v62 =	vld [tilespmem:s3+$0x0]  }
0x1cd: {  	v8 =	vmul.f32 v8, v4;
	v9 =	vmul.f32 v61, v5;
	_ =	sdelay $0x1  }
0x1ce: {  	v2 =	vadd.s32 $0x2000, v2;
	v8 =	vadd.f32 v9, v8  }
0x1cf: {  	v3 =	vadd.s32 $0x2000, v3  }
0x1d0: {  	v0 =	vadd.s32 $0x2000, v0;
	v8 =	vadd.f32 v8, v62  }
0x1d1: {  	v1 =	vadd.s32 $0x2000, v1  }
0x1d2: {  	[tilespmem:s3+$0x0] =	vst v8  }
0x1d3: {  	v2 =	vld.idx.msk [tilespmem:v2+s26+$0x0], $0xffff  }
0x1d4: {  	v3 =	vld.idx.msk [tilespmem:v3+s26+$0x0], $0xffff  }
0x1d5: {  	v0 =	vld.idx.msk [tilespmem:v0+s26+$0x0], $0xffff  }
0x1d6: {  	v1 =	vld.idx.msk [tilespmem:v1+s26+$0x0], $0xffff;
	_ =	sdelay $0x3  }
0x1d7: {  	v2 =	vmul.f32 v2, v6;
	v3 =	vmul.f32 v3, v7  }
0x1d8: {  	v0 =	vmul.f32 v0, v6;
	v1 =	vmul.f32 v1, v7;
	_ =	sdelay $0x1  }
0x1d9: {  	v2 =	vadd.f32 v3, v2;
	v0 =	vadd.f32 v1, v0  }
0x1da: {  	v63 =	vld [tilespmem:s3+$0x1880]  }
0x1db: {  	v2 =	vmul.f32 v2, v4;
	v0 =	vmul.f32 v0, v5  }
0x1dc: {  	p2 =	sne.s32 s10, $0x1  }
.Ltmp10:
0x1dd: {  	v0 =	vadd.f32 v0, v2;
	(pc) =	sbr.rel @p2 .LBB2_6-.Ltmp10, $4  }
0x1de: {  	_ = 	snop  }
0x1df: {  	v0 =	vadd.f32 v0, v63  }
0x1e0: {  	s9 =	sadd.s32 $0x10, s9;
	s8 =	sadd.s32 $0x10, s8  }
0x1e1: {  	s1 =	sadd.s32 $0x10, s1;
	s10 =	sadd.s32 $0xFFFFFFFF, s10;
	[tilespmem:s3+$0x1880] =	vst v0;
	s3 =	sadd.s32 $0x10, s3  }
.Ltmp11:
0x1e2: {  	_ = 	snop;
	(pc) =	sbr.rel .LBB2_7-.Ltmp11, $1  }
0x1e3: {  	_ =	sdelay $0x3  }
.LBB2_32:
.Ltmp12:
0x1e4: {  	(pc) =	sbr.rel .LBB2_37-.Ltmp12, $2  }
0x1e5: {  	_ =	sdelay $0x2  }
0x1e6: {  	v18 =	vmov v1;
	v11 =	vmov v2;
	s3 =	smov.u32 s17;
	s9 =	smov.u32 s17  }
.LBB2_34:
.Ltmp13:
0x1e7: {  	(pc) =	sbr.rel .LBB2_37-.Ltmp13, $4  }
0x1e8: {  	_ = 	snop  }
0x1e9: {  	v31 =	vmov v10;
	v33 =	vmov v15;
	v36 =	vmov v60  }
0x1ea: {  	v30 =	vmovc v56;
	v35 =	vmovc v19;
	v25 =	vmov v26;
	v26 =	vmov v58;
	v23 =	vmov v13;
	v51 =	vld [tilespmem:$0x1FFF0]  }
0x1eb: {  	s8 =	smov.u32 s17;
	s9 =	smov.u32 s3;
	v22 =	vmovc v14;
	v21 =	vmovc v48;
	v19 =	vmov v7;
	v52 =	vmov v24;
	v54 =	vmov v27;
	v20 =	vld [tilespmem:$0x1FFA0]  }
.LBB2_8:
0x1ec: {  	s21 =	sshll.u32 s20, $0x1;
	s0 =	rddreg [dreg:$0x11]  }
0x1ed: {  	s0 =	sadd.s32 s21, s0  }
0x1ee: {  	s0 =	smul.u32 $0x600, s0  }
0x1ef: {  	s1 =	rddreg [dreg:$0x3]  }
0x1f0: {  	s24 =	simm.s32 $0x0;
	s25 =	simm.s32 $0x2;
	s0 =	sadd.s32 s1, s0  }
0x1f1: {  	[tilespmem:s26], [sflag:$0x1] =	stream.linear.gather [hbm4b:s0+s24], $0x3000, $0x38;
	[tilespmem:$0x19F00] =	vst v63  }
0x1f2: {  	_ =	swait.ge [sflag:s25], $0x3000  }
0x1f3: {  	s0 =	sor.u32 $0x1, s21;
	[sflag:s25] =	ssyncset.done $0x0  }
0x1f4: {  	s31 =	sshll.u32 s0, $0x4;
	[sflag:s25] =	ssyncadd.s32 $0xFFFFD000  }
0x1f5: {  	v1 =	vld [tilespmem:s31+$0xA800];
	_ =	sdelay $0x3  }
0x1f6: {  	v0 =	vld [tilespmem:s31+$0xAA00]  }
0x1f7: {  	(v2sf) =	vpush v1, $0x0  }
0x1f8: {  	(v2sf) =	vpush v1, $0x1  }
0x1f9: {  	(v2sf) =	vpush v1, $0x2  }
0x1fa: {  	(v2sf) =	vpush v1, $0x3  }
0x1fb: {  	(v2sf) =	vpush v0, $0x0;
	_ =	sdelay $0xa  }
0x1fc: {  	s5 =	rddreg [dreg:$0x5];
	s1 =	spop (v2sf)  }
0x1fd: {  	s16 =	rddreg [dreg:$0x10];
	s2 =	spop (v2sf);
	p0 =	sgt.s32 s1, s5  }
0x1fe: {  	s13 =	spop (v2sf);
	s5 =	smov.u32 @p0 s1;
	p0 =	slt.s32 s2, s16  }
0x1ff: {  	s1 =	spop (v2sf);
	s16 =	smov.u32 @p0 s2  }
0x200: {  	s2 =	spop (v2sf);
	p0 =	sge.s32 s5, s16  }
0x201: {  	p1 =	slt.f32 @!p0 s2, $0.0e+00;
	p2 =	sgt.f32 @!p0 s2, $0.0e+00  }
0x202: {  	_ = 	snop  }
0x203: {  	p1 =	por @!p0 p2, p1  }
0x204: {  	p1 =	por @!p0 !p1, !p1  }
0x205: {  	p0 =	por p0, p1  }
.Ltmp14:
0x206: {  	_ = 	snop;
	(pc) =	sbr.rel @p0 .LBB2_14-.Ltmp14, $1  }
0x207: {  	_ =	sdelay $0x3  }
0x208: {  	s2 =	ssub.s32 s1, s13  }
0x209: {  	s4 =	rddreg [dreg:$0x17];
	s10 =	sshll.u32 s13, $0x6;
	s6 =	smul.u32 $0xE0, s0  }
0x20a: {  	s22 =	rddreg [dreg:$0x1c];
	s3 =	sshra.s32 s2, $0x1F;
	s4 =	sadd.s32 s5, s4  }
0x20b: {  	s11 =	sshra.s32 s10, $0x2;
	s3 =	sshrl.u32 s3, $0x1E;
	s8 =	smul.u32 $0x380, s4  }
0x20c: {  	s18 =	sshll.u32 s1, $0x4;
	s24 =	sadd.s32 s11, s22;
	s3 =	sadd.s32 s3, s2  }
0x20d: {  	s17 =	sadd.s32 s11, s12;
	s25 =	sand.u32 $0xFFFFFFFC, s3;
	s31 =	sadd.s32 s10, s8  }
0x20e: {  	s4 =	ssub.s32 s2, s25;
	s7 =	sadd.s32 s13, s25;
	s9 =	sshra.s32 s31, $0x2  }
0x20f: {  	s2 =	sadd.s32 s18, s15;
	s25 =	sshll.u32 s1, $0x6;
	s18 =	sadd.s32 s11, s14  }
.Ltmp15:
0x210: {  	s9 =	sadd.s32 $0x124A0, s9;
	s23 =	sshll.u32 s4, $0x4;
	(pc) =	sbr.rel .LBB2_10-.Ltmp15, $4  }
0x211: {  	s3 =	sadd.s32 s25, s8;
	s31 =	sshll.u32 s4, $0x6;
	s2 =	ssub.s32 s2, s23  }
0x212: {  	v19 =	vbroadcast v0, $0x0;
	p0 =	sge.s32 s13, s7;
	s3 =	ssub.s32 s3, s31;
	s2 =	sshll.u32 s2, $0x2  }
0x213: {  	p1 =	sge.s32 s7, s1;
	s3 =	sshra.s32 s3, $0x2;
	s2 =	sshra.s32 s2, $0x2  }
0x214: {  	[tilespmem:$0x1FEB0] =	vst v19;
	s25 =	sadd.s32 $0x12480, s3;
	s23 =	sadd.s32 $0x3800, s2;
	s0 =	sadd.s32 $0x1C00, s2  }
.LBB2_13:
0x215: {  	s5 =	sadd.s32 $0x1, s5  }
0x216: {  	p2 =	sne.s32 s5, s16  }
.Ltmp16:
0x217: {  	_ = 	snop;
	(pc) =	sbr.rel @!p2 .LBB2_14-.Ltmp16, $2  }
0x218: {  	_ =	sdelay $0x2  }
0x219: {  	s9 =	sadd.s32 $0xE0, s9;
	s25 =	sadd.s32 $0xE0, s25  }
.LBB2_10:
0x21a: {  	s1 =	sadd.s32 s6, s5  }
0x21b: {  	v0 =	vmov s1;
	_ =	sdelay $0x4  }
0x21c: {  	v1 =	vld.idx.msk [tilespmem:v0+s28+$0x0], $0xffff  }
0x21d: {  	v4 =	vld.idx.msk [tilespmem:v0+s29+$0x0], $0xffff  }
0x21e: {  	v0 =	vld.idx.msk [tilespmem:v0+s30+$0x0], $0xffff  }
.Ltmp17:
0x21f: {  	_ = 	snop;
	(pc) =	sbr.rel @p0 .LBB2_11-.Ltmp17, $4  }
0x220: {  	_ = 	snop  }
0x221: {  	v3 =	vadd.s32 $0x40, v1  }
0x222: {  	vm0 =	vgt.s32 v1, $0x0;
	v53 =	vmul.f32 v4, v19;
	vm15 =	vlt.s32 v3, $0xFC0  }
0x223: {  	v5 =	vmul.f32 v0, v19;
	v63 =	vnsel vm0, $0x0, v1;
	v62 =	vnsel vm15, $0xFC0, v3  }
0x224: {  	v0 =	vld [tilespmem:s18+$0x0];
	_ =	sdelay $0x4  }
0x225: {  	vm0 =	vgt.s32 v0, $0x0  }
0x226: {  	v1 =	vnsel vm0, $0x0, v0  }
0x227: {  	v0 =	vadd.s32 $0x1, v0;
	v9 =	vadd.s32 v63, v1  }
0x228: {  	vm10 =	vlt.s32 v0, $0x3F;
	v10 =	vadd.s32 v62, v1;
	v6 =	vadd.s32 $0x3000, v9  }
0x229: {  	v0 =	vnsel vm10, $0x3F, v0;
	v1 =	vadd.s32 $0x3000, v10  }
0x22a: {  	v12 =	vld [tilespmem:s18+$0xFFFFFFE0];
	v11 =	vadd.s32 v63, v0  }
0x22b: {  	v14 =	vld [tilespmem:s18+$0xFFFFFFD0];
	v13 =	vadd.s32 v62, v0;
	v7 =	vadd.s32 $0x3000, v11  }
0x22c: {  	v0 =	vld [tilespmem:s17+$0x0];
	v8 =	vadd.s32 $0x3000, v13  }
0x22d: {  	v6 =	vld.idx.msk [tilespmem:v6+s26+$0x0], $0xffff  }
0x22e: {  	v15 =	vld.idx.msk [tilespmem:v1+s26+$0x0], $0xffff  }
0x22f: {  	v1 =	vld [tilespmem:s24+$0x0]  }
0x230: {  	v7 =	vld.idx.msk [tilespmem:v7+s26+$0x0], $0xffff  }
0x231: {  	v8 =	vld.idx.msk [tilespmem:v8+s26+$0x0], $0xffff;
	_ =	sdelay $0x2  }
0x232: {  	v16 =	vadd.s32 $0x1, v14;
	vm13 =	vgt.s32 v14, $0x0  }
0x233: {  	vm14 =	vgt.s32 v12, $0x0;
	v20 =	vmul.f32 v6, v0;
	v15 =	vmul.f32 v15, v0  }
0x234: {  	v18 =	vld [tilespmem:s18+$0xFFFFFFF0];
	v14 =	vnsel vm13, $0x0, v14;
	v7 =	vmul.f32 v7, v1;
	v21 =	vmul.f32 v8, v1  }
0x235: {  	v23 =	vld [tilespmem:s24+$0xFFFFFFD0];
	v17 =	vadd.s32 $0x1, v12;
	v12 =	vnsel vm14, $0x0, v12;
	v34 =	vadd.s32 v63, v14  }
0x236: {  	v2 =	vld [tilespmem:s17+$0xFFFFFFE0];
	v14 =	vadd.s32 v62, v14;
	v7 =	vadd.f32 v7, v20;
	v15 =	vadd.f32 v21, v15  }
0x237: {  	v25 =	vld [tilespmem:s9+$0xFFFFE790];
	v37 =	vadd.s32 v63, v12;
	v39 =	vadd.s32 v62, v12;
	v36 =	vadd.s32 $0x3000, v14  }
0x238: {  	v22 =	vld [tilespmem:s17+$0xFFFFFFF0];
	v12 =	vadd.s32 $0x3000, v37;
	v28 =	vmul.f32 v7, v53;
	v15 =	vmul.f32 v15, v5  }
0x239: {  	v58 =	vld [tilespmem:s24+$0xFFFFFFF0]  }
0x23a: {  	v54 =	vld [tilespmem:s9+$0x10];
	v15 =	vadd.f32 v15, v28;
	v28 =	vadd.s32 $0x4000, v9  }
0x23b: {  	v55 =	vld [tilespmem:s9+$0xFFFFE760];
	vm11 =	vlt.s32 v16, $0x3F;
	v31 =	vadd.s32 $0x4000, v11  }
0x23c: {  	v16 =	vnsel vm11, $0x3F, v16;
	v33 =	vadd.s32 $0x4000, v13;
	v36 =	vld.idx.msk [tilespmem:v36+s26+$0x0], $0xffff;
	v15 =	vadd.f32 v15, v25  }
0x23d: {  	v30 =	vadd.s32 $0x1, v18;
	v24 =	vadd.s32 v63, v16;
	v12 =	vld.idx.msk [tilespmem:v12+s26+$0x0], $0xffff;
	v25 =	vadd.s32 $0x4000, v10  }
0x23e: {  	vm15 =	vgt.s32 v18, $0x0;
	v6 =	vld [tilespmem:s17+$0xFFFFFFD0];
	v8 =	vadd.s32 v62, v16;
	v16 =	vadd.s32 $0x3000, v24;
	[tilespmem:s9+$0xFFFFE790] =	vst v15  }
0x23f: {  	vm1 =	vlt.s32 v17, $0x3F;
	vm12 =	vlt.s32 v30, $0x3F;
	v21 =	vadd.s32 $0x3000, v8;
	v28 =	vld.idx.msk [tilespmem:v28+s26+$0x0], $0xffff  }
0x240: {  	v18 =	vnsel vm15, $0x0, v18;
	v17 =	vnsel vm1, $0x3F, v17;
	v15 =	vadd.s32 $0x3000, v34;
	v31 =	vld.idx.msk [tilespmem:v31+s26+$0x0], $0xffff  }
0x241: {  	v30 =	vnsel vm12, $0x3F, v30;
	v26 =	vadd.s32 v63, v17;
	v41 =	vadd.s32 $0x3000, v39;
	v33 =	vld.idx.msk [tilespmem:v33+s26+$0x0], $0xffff  }
0x242: {  	v40 =	vadd.s32 v63, v18;
	v17 =	vadd.s32 v62, v17;
	v27 =	vadd.s32 $0x3000, v26;
	v25 =	vld.idx.msk [tilespmem:v25+s26+$0x0], $0xffff  }
0x243: {  	v42 =	vadd.s32 v62, v18;
	v32 =	vadd.s32 v63, v30;
	v29 =	vadd.s32 $0x3000, v17;
	v16 =	vld.idx.msk [tilespmem:v16+s26+$0x0], $0xffff  }
0x244: {  	v30 =	vadd.s32 v62, v30;
	v18 =	vadd.s32 $0x3000, v40;
	v43 =	vadd.s32 $0x3000, v42;
	v21 =	vld.idx.msk [tilespmem:v21+s26+$0x0], $0xffff  }
0x245: {  	v48 =	vadd.s32 $0x4000, v34;
	v56 =	vadd.s32 $0x5000, v10;
	v51 =	vadd.s32 $0x4000, v14;
	v15 =	vld.idx.msk [tilespmem:v15+s26+$0x0], $0xffff  }
0x246: {  	v57 =	vadd.s32 $0x4000, v37;
	v41 =	vld.idx.msk [tilespmem:v41+s26+$0x0], $0xffff;
	v28 =	vmul.f32 v28, v0;
	v31 =	vmul.f32 v31, v1  }
0x247: {  	v35 =	vadd.s32 $0x3000, v32;
	v27 =	vld.idx.msk [tilespmem:v27+s26+$0x0], $0xffff;
	v33 =	vmul.f32 v33, v1;
	v25 =	vmul.f32 v25, v0  }
0x248: {  	v3 =	vadd.s32 $0x4000, v39;
	v38 =	vadd.s32 $0x3000, v30;
	v29 =	vld.idx.msk [tilespmem:v29+s26+$0x0], $0xffff;
	v52 =	vmul.f32 v36, v6  }
0x249: {  	v20 =	vld [tilespmem:s24+$0xFFFFFFE0];
	v16 =	vmul.f32 v16, v23;
	v28 =	vadd.f32 v31, v28;
	v25 =	vadd.f32 v33, v25  }
0x24a: {  	v49 =	vld [tilespmem:s9+$0xFFFFE770];
	v59 =	vadd.s32 $0x4000, v40;
	v21 =	vmul.f32 v21, v23;
	v15 =	vmul.f32 v15, v6  }
0x24b: {  	v44 =	vadd.s32 $0x4000, v24;
	v18 =	vld.idx.msk [tilespmem:v18+s26+$0x0], $0xffff;
	v28 =	vmul.f32 v28, v53;
	v25 =	vmul.f32 v25, v5  }
0x24c: {  	v35 =	vld.idx.msk [tilespmem:v35+s26+$0x0], $0xffff;
	v12 =	vmul.f32 v12, v2;
	v41 =	vmul.f32 v41, v2;
	v33 =	vadd.f32 v21, v52  }
0x24d: {  	v38 =	vld.idx.msk [tilespmem:v38+s26+$0x0], $0xffff;
	v9 =	vadd.s32 $0x5000, v9;
	v15 =	vadd.f32 v16, v15;
	v25 =	vadd.f32 v25, v28  }
0x24e: {  	v11 =	vadd.s32 $0x5000, v11;
	v7 =	vld [tilespmem:s9+$0xFFFFFFE0];
	v27 =	vmul.f32 v27, v20;
	v29 =	vmul.f32 v29, v20  }
0x24f: {  	v16 =	vld.idx.msk [tilespmem:v43+s26+$0x0], $0xffff;
	v33 =	vmul.f32 v33, v5;
	v15 =	vmul.f32 v15, v53;
	v25 =	vadd.f32 v25, v54  }
0x250: {  	v46 =	vadd.s32 $0x4000, v26;
	v13 =	vadd.s32 $0x5000, v13;
	v10 =	vld [tilespmem:s9+$0x0];
	v27 =	vadd.f32 v27, v12  }
0x251: {  	v47 =	vadd.s32 $0x4000, v17;
	v29 =	vadd.f32 v29, v41;
	v28 =	vld [tilespmem:s9+$0xFFFFE780];
	v15 =	vadd.f32 v33, v15;
	[tilespmem:s9+$0x10] =	vst v25  }
0x252: {  	v50 =	vadd.s32 $0x4000, v30;
	v18 =	vmul.f32 v18, v22;
	v35 =	vmul.f32 v35, v58;
	v9 =	vld.idx.msk [tilespmem:v9+s26+$0x0], $0xffff  }
0x253: {  	v25 =	vmul.f32 v27, v53;
	v27 =	vmul.f32 v29, v5;
	v15 =	vadd.f32 v15, v55;
	v11 =	vld.idx.msk [tilespmem:v11+s26+$0x0], $0xffff  }
0x254: {  	v38 =	vmul.f32 v38, v58;
	v4 =	vadd.s32 $0x4000, v8;
	v16 =	vmul.f32 v16, v22;
	v36 =	vld.idx.msk [tilespmem:v56+s26+$0x0], $0xffff  }
0x255: {  	v34 =	vadd.s32 $0x5000, v34;
	v31 =	vadd.s32 $0x4000, v32;
	v13 =	vld.idx.msk [tilespmem:v13+s26+$0x0], $0xffff;
	v60 =	vadd.f32 v27, v25;
	[tilespmem:s9+$0xFFFFE760] =	vst v15  }
0x256: {  	v16 =	vadd.f32 v38, v16;
	v25 =	vadd.s32 $0x5000, v24;
	v15 =	vadd.f32 v35, v18;
	v24 =	vld.idx.msk [tilespmem:v48+s26+$0x0], $0xffff  }
0x257: {  	v52 =	vadd.s32 $0x4000, v42;
	v55 =	vadd.s32 $0x5000, v8;
	v61 =	vld.idx.msk [tilespmem:v44+s26+$0x0], $0xffff;
	v8 =	vadd.f32 v60, v49  }
0x258: {  	v38 =	vadd.s32 $0x5000, v17;
	v16 =	vmul.f32 v16, v5;
	v17 =	vld.idx.msk [tilespmem:v51+s26+$0x0], $0xffff;
	v15 =	vmul.f32 v15, v53  }
0x259: {  	v29 =	vadd.s32 $0x5000, v30;
	v30 =	vadd.s32 $0x5000, v14;
	v27 =	vadd.s32 $0x5000, v26;
	[tilespmem:s9+$0xFFFFE770] =	vst v8;
	v8 =	vld.idx.msk [tilespmem:v4+s26+$0x0], $0xffff  }
0x25a: {  	v15 =	vadd.f32 v16, v15;
	v9 =	vmul.f32 v9, v0;
	v11 =	vmul.f32 v11, v1;
	v16 =	vld.idx.msk [tilespmem:v57+s26+$0x0], $0xffff  }
0x25b: {  	v26 =	vadd.s32 $0x5000, v32;
	v0 =	vmul.f32 v36, v0;
	v1 =	vmul.f32 v13, v1;
	v14 =	vld.idx.msk [tilespmem:v46+s26+$0x0], $0xffff  }
0x25c: {  	v32 =	vadd.s32 $0x5000, v42;
	v13 =	vadd.f32 v15, v28;
	v15 =	vld.idx.msk [tilespmem:v3+s26+$0x0], $0xffff;
	v9 =	vadd.f32 v11, v9  }
0x25d: {  	s8 =	sadd.s32 $0x4, s13;
	v11 =	vmul.f32 v24, v6;
	v24 =	vmul.f32 v61, v23;
	v28 =	vld.idx.msk [tilespmem:v47+s26+$0x0], $0xffff;
	v0 =	vadd.f32 v1, v0  }
0x25e: {  	p3 =	slt.s32 s8, s7;
	v49 =	vadd.s32 $0x5000, v40;
	v17 =	vmul.f32 v17, v6;
	v3 =	vld [tilespmem:s9+$0x1890];
	v9 =	vmul.f32 v9, v53  }
.Ltmp18:
0x25f: {  	v12 =	vld [tilespmem:s9+$0xFFFFFFF0];
	[tilespmem:s9+$0xFFFFE780] =	vst v13;
	v0 =	vmul.f32 v0, v5;
	v11 =	vadd.f32 v24, v11;
	v8 =	vmul.f32 v8, v23;
	(pc) =	sbr.rel @!p3 .LBB2_39-.Ltmp18, $4  }
0x260: {  	v36 =	vadd.s32 $0x5000, v37;
	v1 =	vld.idx.msk [tilespmem:v59+s26+$0x0], $0xffff;
	v13 =	vmul.f32 v16, v2;
	v14 =	vmul.f32 v14, v20  }
0x261: {  	v43 =	vld.idx.msk [tilespmem:v31+s26+$0x0], $0xffff;
	v9 =	vadd.f32 v0, v9;
	v44 =	vmul.f32 v11, v53;
	v16 =	vadd.f32 v8, v17  }
0x262: {  	v37 =	vadd.s32 $0x5000, v39;
	v39 =	vld.idx.msk [tilespmem:v52+s26+$0x0], $0xffff;
	v0 =	vmul.f32 v15, v2;
	v8 =	vmul.f32 v28, v20  }
0x263: {  	s3 =	sadd.s32 $0x40, s18;
	p2 =	por $0x0, $0x0;
	v40 =	vld.idx.msk [tilespmem:v50+s26+$0x0], $0xffff;
	v51 =	vadd.f32 v14, v13;
	v28 =	vadd.f32 v9, v3;
	v42 =	vmul.f32 v16, v5  }
0x264: {  	v9 =	vld [tilespmem:s3+$0x0];
	_ =	sdelay $0x1  }
0x265: {  	v3 =	vld [tilespmem:s9+$0x1860];
	v11 =	vadd.f32 v42, v44;
	_ =	sdelay $0x1  }
0x266: {  	v11 =	vadd.f32 v11, v7  }
0x267: {  	v21 =	vld [tilespmem:s3+$0xFFFFFFF0];
	vm0 =	vgt.s32 v9, $0x0  }
0x268: {  	v14 =	vld [tilespmem:s3+$0xFFFFFFD0];
	[tilespmem:s9+$0xFFFFFFE0] =	vst v11;
	v13 =	vnsel vm0, $0x0, v9;
	v9 =	vadd.s32 $0x1, v9  }
0x269: {  	v42 =	vld [tilespmem:s3+$0xFFFFFFE0];
	[tilespmem:$0x1FE30] =	vst v3;
	vm12 =	vlt.s32 v9, $0x3F;
	v46 =	vadd.s32 v63, v13  }
0x26a: {  	[tilespmem:$0x1FE40] =	vst v49;
	v44 =	vadd.s32 v62, v13;
	v9 =	vnsel vm12, $0x3F, v9;
	v11 =	vadd.s32 $0x3000, v46  }
0x26b: {  	v49 =	vld.idx.msk [tilespmem:v34+s26+$0x0], $0xffff;
	v13 =	vadd.s32 $0x3000, v44;
	v48 =	vadd.s32 v63, v9  }
0x26c: {  	v50 =	vld.idx.msk [tilespmem:v25+s26+$0x0], $0xffff;
	v45 =	vadd.s32 v62, v9;
	v15 =	vadd.s32 $0x3000, v48  }
0x26d: {  	s22 =	sadd.s32 $0x40, s17;
	v47 =	vld.idx.msk [tilespmem:v30+s26+$0x0], $0xffff;
	v9 =	vadd.s32 $0x3000, v45  }
0x26e: {  	v25 =	vld [tilespmem:s22+$0x0]  }
0x26f: {  	v11 =	vld.idx.msk [tilespmem:v11+s26+$0x0], $0xffff  }
0x270: {  	v0 =	vadd.f32 v8, v0;
	v8 =	vld.idx.msk [tilespmem:v13+s26+$0x0], $0xffff  }
0x271: {  	v30 =	vld.idx.msk [tilespmem:v15+s26+$0x0], $0xffff;
	[tilespmem:$0x1FE20] =	vst v53  }
0x272: {  	s1 =	sadd.s32 $0x40, s24;
	v51 =	vmul.f32 v51, v53;
	v52 =	vmul.f32 v1, v22;
	vm3 =	vgt.s32 v14, $0x0;
	v9 =	vld.idx.msk [tilespmem:v9+s26+$0x0], $0xffff  }
0x273: {  	v1 =	vmovc v38;
	v43 =	vmul.f32 v43, v58;
	v41 =	vnsel vm3, $0x0, v14;
	v13 =	vadd.s32 $0x1, v14;
	v38 =	vld [tilespmem:s1+$0x0]  }
0x274: {  	vm13 =	vlt.s32 v13, $0x3F;
	v53 =	vmul.f32 v0, v5;
	v0 =	vadd.s32 $0x1, v42;
	v17 =	vld.idx.msk [tilespmem:v55+s26+$0x0], $0xffff  }
0x275: {  	v15 =	vadd.s32 $0x1, v21;
	v13 =	vnsel vm13, $0x3F, v13;
	vm1 =	vlt.s32 v0, $0x3F;
	[tilespmem:$0x1FEA0] =	vst v58;
	v3 =	vld [tilespmem:$0x1FE20]  }
0x276: {  	v19 =	vmovc v22;
	vm2 =	vlt.s32 v15, $0x3F;
	v18 =	vadd.s32 v63, v13;
	v22 =	vadd.s32 v62, v13;
	v14 =	vld [tilespmem:s22+$0xFFFFFFD0]  }
0x277: {  	v0 =	vnsel vm1, $0x3F, v0;
	v54 =	vnsel vm2, $0x3F, v15;
	v15 =	vld [tilespmem:s1+$0xFFFFFFD0];
	v55 =	vadd.s32 $0x3000, v18  }
0x278: {  	v13 =	vld [tilespmem:s22+$0xFFFFFFE0];
	v56 =	vadd.s32 $0x3000, v22;
	v60 =	vmul.f32 v11, v25;
	v8 =	vmul.f32 v8, v25  }
0x279: {  	v16 =	vld [tilespmem:s1+$0xFFFFFFE0];
	v24 =	vadd.s32 v63, v0;
	v57 =	vmul.f32 v30, v38;
	v61 =	vmul.f32 v9, v38  }
0x27a: {  	v31 =	vadd.s32 v63, v54;
	v11 =	vld [tilespmem:s22+$0xFFFFFFF0];
	v30 =	vadd.s32 v62, v0;
	v0 =	vadd.s32 $0x3000, v24  }
0x27b: {  	s31 =	sadd.s32 $0x40, s9;
	v33 =	vadd.s32 $0x3000, v31;
	v9 =	vld [tilespmem:s1+$0xFFFFFFF0];
	v57 =	vadd.f32 v57, v60;
	v8 =	vadd.f32 v61, v8  }
0x27c: {  	v34 =	vadd.s32 v63, v41;
	v41 =	vadd.s32 v62, v41;
	v59 =	vadd.s32 $0x3000, v30;
	v60 =	vld [tilespmem:s31+$0xFFFFE790]  }
0x27d: {  	v55 =	vld.idx.msk [tilespmem:v55+s26+$0x0], $0xffff;
	v61 =	vadd.s32 $0x3000, v34;
	v57 =	vmul.f32 v57, v3;
	v8 =	vmul.f32 v8, v5  }
0x27e: {  	v56 =	vld.idx.msk [tilespmem:v56+s26+$0x0], $0xffff;
	v3 =	vadd.s32 $0x3000, v41  }
0x27f: {  	v4 =	vmovc v58;
	v43 =	vadd.f32 v43, v52;
	v52 =	vld.idx.msk [tilespmem:v0+s26+$0x0], $0xffff;
	v0 =	vadd.f32 v8, v57;
	v8 =	vadd.s32 $0x4000, v46  }
0x280: {  	v39 =	vmul.f32 v39, v19;
	v40 =	vmul.f32 v40, v4;
	vm14 =	vgt.s32 v42, $0x0;
	v58 =	vld.idx.msk [tilespmem:v33+s26+$0x0], $0xffff  }
0x281: {  	v35 =	vnsel vm14, $0x0, v42;
	v57 =	vld.idx.msk [tilespmem:v59+s26+$0x0], $0xffff;
	v59 =	vadd.s32 $0x4000, v48;
	v42 =	vadd.f32 v0, v60  }
0x282: {  	v39 =	vadd.f32 v40, v39;
	v40 =	vadd.s32 v62, v35;
	v61 =	vld.idx.msk [tilespmem:v61+s26+$0x0], $0xffff;
	[tilespmem:$0x1FE90] =	vst v32;
	v60 =	vadd.s32 $0x4000, v44  }
0x283: {  	v51 =	vadd.f32 v53, v51;
	v53 =	vadd.s32 $0x3000, v40;
	v3 =	vld.idx.msk [tilespmem:v3+s26+$0x0], $0xffff;
	[tilespmem:s31+$0xFFFFE790] =	vst v42  }
0x284: {  	vm15 =	vgt.s32 v21, $0x0;
	v0 =	vadd.s32 v63, v35;
	v33 =	vld.idx.msk [tilespmem:v8+s26+$0x0], $0xffff  }
0x285: {  	v21 =	vnsel vm15, $0x0, v21;
	v32 =	vadd.s32 $0x3000, v0;
	v7 =	vld [tilespmem:$0x1FE20];
	[tilespmem:$0x1FE80] =	vst v26  }
0x286: {  	v42 =	vadd.s32 v63, v21;
	v59 =	vld.idx.msk [tilespmem:v59+s26+$0x0], $0xffff;
	[tilespmem:$0x1FE10] =	vst v62  }
0x287: {  	v35 =	vadd.s32 $0x3000, v42;
	v8 =	vadd.s32 v62, v21;
	v21 =	vld.idx.msk [tilespmem:v60+s26+$0x0], $0xffff  }
0x288: {  	v4 =	vadd.s32 $0x4000, v45;
	v26 =	vmul.f32 v39, v5;
	v39 =	vadd.s32 v62, v54;
	v53 =	vld.idx.msk [tilespmem:v53+s26+$0x0], $0xffff  }
0x289: {  	v54 =	vadd.s32 $0x3000, v8;
	v60 =	vmul.f32 v61, v14;
	v61 =	vmul.f32 v57, v16;
	v57 =	vld [tilespmem:s31+$0xFFFFE780]  }
0x28a: {  	v32 =	vld.idx.msk [tilespmem:v32+s26+$0x0], $0xffff  }
0x28b: {  	v62 =	vmul.f32 v3, v14;
	v3 =	vld [tilespmem:$0x1FE20];
	v43 =	vmul.f32 v43, v7  }
0x28c: {  	v55 =	vmul.f32 v55, v15;
	v7 =	vmovc v10;
	v10 =	vadd.f32 v51, v12;
	v51 =	vadd.s32 $0x3000, v39;
	v35 =	vld.idx.msk [tilespmem:v35+s26+$0x0], $0xffff  }
0x28d: {  	v49 =	vmul.f32 v49, v6;
	v50 =	vmul.f32 v50, v23;
	v26 =	vadd.f32 v26, v43;
	v43 =	vld.idx.msk [tilespmem:v4+s26+$0x0], $0xffff  }
0x28e: {  	v55 =	vadd.f32 v55, v60;
	v60 =	vmul.f32 v52, v16;
	v33 =	vmul.f32 v33, v25;
	v52 =	vld.idx.msk [tilespmem:v54+s26+$0x0], $0xffff  }
0x28f: {  	v59 =	vmul.f32 v59, v38;
	v12 =	vadd.f32 v26, v7;
	v26 =	vmul.f32 v56, v15;
	v56 =	vld [tilespmem:s9+$0x1870]  }
0x290: {  	v7 =	vld [tilespmem:s31+$0xFFFFFFE0]  }
0x291: {  	v49 =	vadd.f32 v50, v49;
	v21 =	vmul.f32 v21, v25;
	v33 =	vadd.f32 v59, v33;
	v50 =	vld.idx.msk [tilespmem:v51+s26+$0x0], $0xffff  }
0x292: {  	v32 =	vmul.f32 v32, v13;
	v51 =	vld [tilespmem:s31+$0xFFFFE770];
	v43 =	vmul.f32 v43, v38  }
0x293: {  	v33 =	vmul.f32 v33, v3;
	v3 =	vld [tilespmem:$0x1FE20]  }
0x294: {  	v32 =	vadd.f32 v60, v32;
	v60 =	vld [tilespmem:s31+$0x10];
	[tilespmem:s9+$0xFFFFFFF0] =	vst v10;
	v21 =	vadd.f32 v43, v21  }
0x295: {  	v46 =	vadd.s32 $0x5000, v46;
	v48 =	vadd.s32 $0x5000, v48;
	v36 =	vld.idx.msk [tilespmem:v36+s26+$0x0], $0xffff  }
0x296: {  	v44 =	vadd.s32 $0x5000, v44;
	v53 =	vmul.f32 v53, v13;
	v27 =	vld.idx.msk [tilespmem:v27+s26+$0x0], $0xffff;
	v21 =	vmul.f32 v21, v5  }
0x297: {  	v35 =	vmul.f32 v35, v11;
	v26 =	vadd.f32 v26, v62;
	v62 =	vmul.f32 v58, v9;
	v43 =	vld [tilespmem:s31+$0xFFFFE760]  }
0x298: {  	v53 =	vadd.f32 v61, v53;
	v55 =	vmul.f32 v55, v3;
	v3 =	vld [tilespmem:$0x1FE20];
	v10 =	vadd.f32 v21, v33  }
0x299: {  	v61 =	vmul.f32 v52, v11;
	v37 =	vld.idx.msk [tilespmem:v37+s26+$0x0], $0xffff;
	v35 =	vadd.f32 v62, v35;
	v26 =	vmul.f32 v26, v5  }
0x29a: {  	v62 =	vmul.f32 v53, v5;
	v53 =	vld [tilespmem:$0x1FE20];
	v50 =	vmul.f32 v50, v9;
	v10 =	vadd.f32 v10, v60  }
0x29b: {  	v45 =	vadd.s32 $0x5000, v45;
	v52 =	vld [tilespmem:s31+$0xFFFFFFF0];
	v26 =	vadd.f32 v26, v55  }
0x29c: {  	v33 =	vadd.f32 v50, v61;
	v50 =	vld.idx.msk [tilespmem:v1+s26+$0x0], $0xffff;
	v1 =	vmul.f32 v17, v23;
	v23 =	vadd.s32 $0x4000, v34;
	[tilespmem:s31+$0x10] =	vst v10  }
0x29d: {  	v26 =	vadd.f32 v26, v43;
	v43 =	vadd.s32 $0x4000, v18;
	v32 =	vmul.f32 v32, v3;
	v46 =	vld.idx.msk [tilespmem:v46+s26+$0x0], $0xffff  }
0x29e: {  	v6 =	vmul.f32 v47, v6;
	v55 =	vld.idx.msk [tilespmem:v48+s26+$0x0], $0xffff  }
0x29f: {  	v35 =	vmul.f32 v35, v53;
	v33 =	vmul.f32 v33, v5;
	v32 =	vadd.f32 v62, v32;
	v44 =	vld.idx.msk [tilespmem:v44+s26+$0x0], $0xffff  }
0x2a0: {  	v36 =	vmul.f32 v36, v2;
	v1 =	vadd.f32 v1, v6;
	[tilespmem:s31+$0xFFFFE760] =	vst v26;
	v45 =	vld.idx.msk [tilespmem:v45+s26+$0x0], $0xffff  }
0x2a1: {  	v6 =	vadd.s32 $0x4000, v41;
	v33 =	vadd.f32 v33, v35;
	v23 =	vld.idx.msk [tilespmem:v23+s26+$0x0], $0xffff;
	v32 =	vadd.f32 v32, v51  }
0x2a2: {  	v27 =	vmul.f32 v27, v20;
	v60 =	vadd.s32 $0x4000, v22;
	v20 =	vmul.f32 v50, v20;
	v50 =	vld.idx.msk [tilespmem:v43+s26+$0x0], $0xffff  }
0x2a3: {  	v54 =	vmovc v19;
	v19 =	vmul.f32 v37, v2;
	v26 =	vadd.s32 $0x4000, v0;
	v2 =	vadd.f32 v33, v57;
	v33 =	vld [tilespmem:s31+$0x0];
	[tilespmem:s31+$0xFFFFE770] =	vst v32  }
0x2a4: {  	v61 =	vadd.s32 $0x4000, v24;
	v27 =	vadd.f32 v27, v36;
	v3 =	vld [tilespmem:$0x1FE30];
	[tilespmem:s9+$0x0] =	vst v12  }
0x2a5: {  	v62 =	vmul.f32 v49, v53;
	v1 =	vmul.f32 v1, v5;
	v19 =	vadd.f32 v20, v19;
	v4 =	vld [tilespmem:$0x1FE40]  }
0x2a6: {  	v27 =	vmul.f32 v27, v53;
	v6 =	vld.idx.msk [tilespmem:v6+s26+$0x0], $0xffff  }
0x2a7: {  	v1 =	vadd.f32 v1, v62;
	v37 =	vld.idx.msk [tilespmem:v60+s26+$0x0], $0xffff;
	v32 =	vadd.s32 $0x4000, v30;
	v19 =	vmul.f32 v19, v5  }
0x2a8: {  	v26 =	vld.idx.msk [tilespmem:v26+s26+$0x0], $0xffff;
	v20 =	vmul.f32 v46, v25;
	v25 =	vmul.f32 v44, v25  }
0x2a9: {  	v51 =	vld.idx.msk [tilespmem:v61+s26+$0x0], $0xffff;
	v35 =	vmul.f32 v55, v38;
	v44 =	vadd.f32 v1, v3;
	v1 =	vadd.s32 $0x4000, v40  }
0x2aa: {  	v19 =	vadd.f32 v19, v27;
	v27 =	vld [tilespmem:s31+$0x1890];
	v3 =	vadd.s32 $0x4000, v42  }
0x2ab: {  	v43 =	vadd.s32 $0x4000, v31;
	v20 =	vadd.f32 v35, v20;
	v35 =	vld [tilespmem:s9+$0x1880]  }
0x2ac: {  	v55 =	vmul.f32 v37, v15;
	v37 =	vadd.s32 $0x4000, v8;
	v32 =	vld.idx.msk [tilespmem:v32+s26+$0x0], $0xffff  }
0x2ad: {  	[tilespmem:s9+$0x1890] =	vst v28;
	v57 =	vld.idx.msk [tilespmem:v4+s26+$0x0], $0xffff  }
0x2ae: {  	[tilespmem:s31+$0xFFFFE780] =	vst v2;
	v2 =	vadd.s32 $0x5000, v30;
	v62 =	vld.idx.msk [tilespmem:v1+s26+$0x0], $0xffff  }
0x2af: {  	v38 =	vmul.f32 v45, v38;
	v1 =	vld.idx.msk [tilespmem:v3+s26+$0x0], $0xffff;
	[tilespmem:$0x1FE50] =	vst v2  }
0x2b0: {  	v0 =	vadd.s32 $0x5000, v0;
	v61 =	vadd.s32 $0x4000, v39;
	v43 =	vld.idx.msk [tilespmem:v43+s26+$0x0], $0xffff  }
0x2b1: {  	v25 =	vadd.f32 v38, v25;
	v38 =	vadd.s32 $0x5000, v39;
	v39 =	vld.idx.msk [tilespmem:v37+s26+$0x0], $0xffff;
	[tilespmem:$0x1FE60] =	vst v0;
	v0 =	vadd.s32 $0x5000, v40  }
0x2b2: {  	[tilespmem:$0x1FE70] =	vst v0  }
0x2b3: {  	[tilespmem:s9+$0x1860] =	vst v44  }
0x2b4: {  	v2 =	vld [tilespmem:$0x1FE80];
	_ =	sdelay $0x5  }
0x2b5: {  	v4 =	vadd.f32 v19, v56;
	_ =	sdelay $0x1  }
0x2b6: {  	v30 =	vadd.s32 $0x5000, v41;
	[tilespmem:s9+$0x1870] =	vst v4;
	v41 =	vld.idx.msk [tilespmem:v2+s26+$0x0], $0xffff  }
0x2b7: {  	v2 =	vld [tilespmem:$0x1FE90]  }
0x2b8: {  	v58 =	vmovc v9;
	v9 =	vadd.s32 $0x5000, v31;
	v34 =	vadd.s32 $0x5000, v34;
	v23 =	vmul.f32 v23, v14  }
0x2b9: {  	s10 =	sadd.s32 $0x4, s8;
	v49 =	vadd.s32 $0x5000, v42;
	v36 =	vmul.f32 v50, v15;
	v6 =	vmul.f32 v6, v14  }
0x2ba: {  	p3 =	slt.s32 s10, s7;
	v50 =	vadd.s32 $0x5000, v8;
	v20 =	vmul.f32 v20, v53;
	v25 =	vmul.f32 v25, v5  }
.Ltmp19:
0x2bb: {  	v26 =	vmul.f32 v26, v13;
	v60 =	vmul.f32 v51, v16;
	v6 =	vadd.f32 v55, v6;
	(pc) =	sbr.rel @!p3 .LBB2_41-.Ltmp19, $4  }
0x2bc: {  	v23 =	vadd.f32 v36, v23;
	v55 =	vadd.s32 $0x5000, v22;
	v19 =	vadd.f32 v25, v20  }
0x2bd: {  	v51 =	vadd.f32 v60, v26;
	v42 =	vmul.f32 v6, v5;
	v25 =	vadd.s32 $0x5000, v18;
	v40 =	vld.idx.msk [tilespmem:v61+s26+$0x0], $0xffff  }
0x2be: {  	s11 =	sadd.s32 $0x40, s3;
	v8 =	vmul.f32 v32, v16;
	v28 =	vadd.f32 v19, v27;
	v44 =	vmul.f32 v23, v53;
	v21 =	vld [tilespmem:$0x1FEA0]  }
0x2bf: {  	p2 =	por $0x1, $0x1;
	s8 =	smov.u32 s9;
	s3 =	smov.u32 s31;
	v59 =	vmovc v11;
	v27 =	vadd.s32 $0x5000, v24;
	v24 =	vmul.f32 v57, v54;
	v0 =	vmul.f32 v62, v13;
	v22 =	vld.idx.msk [tilespmem:v2+s26+$0x0], $0xffff  }
.LBB2_42:
0x2c0: {  	_ =	sdelay $0x2  }
0x2c1: {  	v0 =	vadd.f32 v8, v0;
	_ =	sdelay $0x1  }
0x2c2: {  	v23 =	vmul.f32 v51, v53;
	v0 =	vmul.f32 v0, v5  }
0x2c3: {  	v6 =	vld [tilespmem:s11+$0x0];
	[tilespmem:s31+$0x1890] =	vst v28;
	v28 =	vadd.f32 v42, v44  }
0x2c4: {  	v3 =	vmov v49;
	v49 =	vadd.f32 v0, v23;
	v0 =	vld.idx.msk [tilespmem:v29+s26+$0x0], $0xffff  }
0x2c5: {  	v2 =	vmov v50;
	v28 =	vadd.f32 v28, v7  }
0x2c6: {  	[tilespmem:$0x1FDE0] =	vst v2;
	v2 =	vmul.f32 v41, v21  }
0x2c7: {  	v57 =	vld [tilespmem:s11+$0xFFFFFFD0];
	[tilespmem:s31+$0xFFFFFFE0] =	vst v28  }
0x2c8: {  	[tilespmem:$0x1FCA0] =	vst v2;
	v2 =	vld.idx.msk [tilespmem:v30+s26+$0x0], $0xffff  }
0x2c9: {  	[tilespmem:$0x1FD00] =	vst v0;
	v0 =	vmov v38  }
0x2ca: {  	[tilespmem:$0x1FD30] =	vst v0;
	v0 =	vld [tilespmem:s31+$0x1860]  }
0x2cb: {  	v37 =	vld [tilespmem:s11+$0xFFFFFFF0]  }
0x2cc: {  	[tilespmem:$0x1FDF0] =	vst v58;
	v1 =	vmul.f32 v1, v59;
	v8 =	vld [tilespmem:s11+$0xFFFFFFE0];
	v32 =	vmul.f32 v43, v58  }
0x2cd: {  	v36 =	vmul.f32 v39, v59;
	v58 =	vmul.f32 v40, v58;
	[tilespmem:$0x1FCB0] =	vst v2;
	v2 =	vld.idx.msk [tilespmem:v55+s26+$0x0], $0xffff;
	_ =	sdelay $0x1  }
0x2ce: {  	v1 =	vadd.f32 v32, v1;
	v50 =	vadd.f32 v58, v36;
	vm0 =	vgt.s32 v6, $0x0;
	[tilespmem:$0x1FD50] =	vst v0;
	v0 =	vld [tilespmem:$0x1FE10]  }
0x2cf: {  	v60 =	vadd.s32 $0x1, v37;
	v28 =	vnsel vm0, $0x0, v6;
	v6 =	vadd.s32 $0x1, v6  }
0x2d0: {  	vm3 =	vgt.s32 v57, $0x0;
	vm4 =	vgt.s32 v8, $0x0;
	vm14 =	vlt.s32 v6, $0x3F  }
0x2d1: {  	vm5 =	vgt.s32 v37, $0x0;
	v46 =	vadd.s32 v63, v28;
	v6 =	vnsel vm14, $0x3F, v6;
	[tilespmem:$0x1FCD0] =	vst v2;
	v2 =	vld [tilespmem:s31+$0x1870]  }
0x2d2: {  	s1 =	sadd.s32 $0x40, s1;
	vm2 =	vlt.s32 v60, $0x3F;
	v23 =	vld.idx.msk [tilespmem:v25+s26+$0x0], $0xffff;
	v25 =	vadd.s32 $0x3000, v46;
	v48 =	vadd.s32 v63, v6  }
0x2d3: {  	s22 =	sadd.s32 $0x40, s22;
	v47 =	vld [tilespmem:s1+$0xFFFFFFE0];
	v39 =	vnsel vm3, $0x0, v57;
	v18 =	vadd.s32 $0x3000, v48;
	v43 =	vadd.s32 v0, v28  }
0x2d4: {  	v36 =	vld [tilespmem:s22+$0x0];
	v37 =	vnsel vm5, $0x0, v37;
	v44 =	vadd.s32 v0, v6;
	v61 =	vadd.s32 $0x3000, v43  }
0x2d5: {  	[tilespmem:$0x1FCE0] =	vst v22;
	v32 =	vld.idx.msk [tilespmem:v34+s26+$0x0], $0xffff;
	v30 =	vadd.s32 $0x1, v57;
	v34 =	vnsel vm2, $0x3F, v60;
	v6 =	vadd.s32 $0x3000, v44  }
0x2d6: {  	v12 =	vadd.s32 v63, v39;
	v38 =	vmul.f32 v1, v53;
	v1 =	vadd.s32 $0x1, v8;
	[tilespmem:$0x1FD90] =	vst v2;
	v2 =	vld [tilespmem:s31+$0x1880]  }
0x2d7: {  	[tilespmem:$0x1FD70] =	vst v35;
	vm15 =	vlt.s32 v30, $0x3F;
	v7 =	vadd.s32 v63, v34;
	vm1 =	vlt.s32 v1, $0x3F;
	v25 =	vld.idx.msk [tilespmem:v25+s26+$0x0], $0xffff  }
0x2d8: {  	[tilespmem:$0x1FCC0] =	vst v3;
	v30 =	vnsel vm15, $0x3F, v30;
	v8 =	vnsel vm4, $0x0, v8;
	v1 =	vnsel vm1, $0x3F, v1;
	v18 =	vld.idx.msk [tilespmem:v18+s26+$0x0], $0xffff  }
0x2d9: {  	v55 =	vadd.s32 v63, v30;
	v22 =	vadd.s32 v63, v1;
	v30 =	vadd.s32 v0, v30;
	v42 =	vld.idx.msk [tilespmem:v61+s26+$0x0], $0xffff  }
0x2da: {  	v10 =	vadd.s32 v0, v1;
	v34 =	vadd.s32 v0, v34;
	v17 =	vadd.s32 v0, v8;
	v1 =	vld.idx.msk [tilespmem:v6+s26+$0x0], $0xffff  }
0x2db: {  	v35 =	vadd.s32 v0, v37;
	[tilespmem:$0x1FDC0] =	vst v2;
	v2 =	vadd.s32 v0, v39;
	v39 =	vld [tilespmem:s1+$0x0];
	v0 =	vadd.s32 $0x4000, v55  }
0x2dc: {  	v51 =	vld [tilespmem:s22+$0xFFFFFFF0];
	v58 =	vadd.s32 $0x3000, v7;
	[tilespmem:$0x1FD10] =	vst v0;
	v0 =	vadd.s32 $0x4000, v30  }
0x2dd: {  	v60 =	vld [tilespmem:s22+$0xFFFFFFD0];
	v6 =	vadd.s32 $0x3000, v55;
	[tilespmem:$0x1FD20] =	vst v0;
	v0 =	vadd.s32 $0x4000, v22  }
0x2de: {  	v57 =	vld [tilespmem:s1+$0xFFFFFFD0];
	[tilespmem:$0x1FD40] =	vst v0;
	v0 =	vadd.s32 $0x4000, v10  }
0x2df: {  	v3 =	vadd.s32 v63, v8;
	v25 =	vmul.f32 v25, v36;
	v42 =	vmul.f32 v42, v36;
	[tilespmem:$0x1FD60] =	vst v0;
	v0 =	vld [tilespmem:$0x1FE20]  }
0x2e0: {  	[tilespmem:$0x1FCF0] =	vst v54;
	v53 =	vld [tilespmem:s22+$0xFFFFFFE0];
	v8 =	vadd.s32 $0x3000, v30;
	v18 =	vmul.f32 v18, v39;
	v1 =	vmul.f32 v1, v39  }
0x2e1: {  	[tilespmem:$0x1FDD0] =	vst v9;
	v62 =	vmov v24;
	v58 =	vld.idx.msk [tilespmem:v58+s26+$0x0], $0xffff;
	v54 =	vadd.s32 $0x3000, v10  }
0x2e2: {  	v11 =	vmovc v52;
	v9 =	vadd.s32 $0x3000, v34;
	s31 =	sadd.s32 $0x40, s31;
	v52 =	vld.idx.msk [tilespmem:v6+s26+$0x0], $0xffff;
	v6 =	vadd.f32 v18, v25;
	v1 =	vadd.f32 v1, v42  }
0x2e3: {  	v24 =	vadd.s32 $0x3000, v3;
	v45 =	vadd.s32 $0x3000, v22;
	v28 =	vmovc v16;
	v16 =	vmovc v15;
	v15 =	vmov v14;
	v25 =	vld [tilespmem:s31+$0xFFFFE790]  }
0x2e4: {  	v14 =	vmovc v33;
	v33 =	vadd.s32 v63, v37;
	v37 =	vld [tilespmem:s1+$0xFFFFFFF0];
	v61 =	vmul.f32 v6, v0;
	v1 =	vmul.f32 v1, v5  }
0x2e5: {  	v29 =	vld.idx.msk [tilespmem:v8+s26+$0x0], $0xffff;
	v19 =	vadd.s32 $0x3000, v2;
	v6 =	vadd.s32 $0x5000, v55  }
0x2e6: {  	v54 =	vld.idx.msk [tilespmem:v54+s26+$0x0], $0xffff;
	v55 =	vadd.s32 $0x5000, v30;
	v30 =	vadd.f32 v49, v11;
	v56 =	vadd.f32 v1, v61  }
0x2e7: {  	v31 =	vadd.s32 $0x4000, v46;
	v9 =	vld.idx.msk [tilespmem:v9+s26+$0x0], $0xffff  }
0x2e8: {  	v18 =	vmovc v21;
	v21 =	vld.idx.msk [tilespmem:v45+s26+$0x0], $0xffff;
	v45 =	vmov v59;
	v59 =	vadd.s32 $0x4000, v48;
	[tilespmem:s3+$0xFFFFFFF0] =	vst v30;
	v25 =	vadd.f32 v56, v25  }
0x2e9: {  	v4 =	vadd.s32 $0x3000, v12;
	v41 =	vadd.s32 $0x4000, v2;
	v30 =	vadd.s32 $0x5000, v2;
	v2 =	vld.idx.msk [tilespmem:v24+s26+$0x0], $0xffff  }
0x2ea: {  	v20 =	vadd.s32 $0x3000, v17;
	v19 =	vld.idx.msk [tilespmem:v19+s26+$0x0], $0xffff;
	[tilespmem:s31+$0xFFFFE790] =	vst v25;
	v25 =	vmul.f32 v50, v5  }
0x2eb: {  	v0 =	vadd.s32 $0x4000, v7;
	v11 =	vld [tilespmem:$0x1FCA0]  }
0x2ec: {  	v26 =	vadd.s32 $0x3000, v33;
	v7 =	vadd.s32 $0x5000, v7;
	[tilespmem:$0x1FD80] =	vst v0;
	v31 =	vld.idx.msk [tilespmem:v31+s26+$0x0], $0xffff;
	v25 =	vadd.f32 v25, v38  }
0x2ed: {  	v40 =	vmovc v27;
	v27 =	vadd.s32 $0x3000, v35;
	v8 =	vadd.s32 $0x4000, v12;
	v0 =	vadd.s32 $0x4000, v34;
	[tilespmem:$0x1FE00] =	vst v7;
	v59 =	vld.idx.msk [tilespmem:v59+s26+$0x0], $0xffff  }
0x2ee: {  	v1 =	vld.idx.msk [tilespmem:v4+s26+$0x0], $0xffff;
	v21 =	vmul.f32 v21, v47;
	v2 =	vmul.f32 v2, v53;
	v7 =	vadd.f32 v25, v14  }
0x2ef: {  	[tilespmem:$0x1FDB0] =	vst v0;
	v38 =	vadd.s32 $0x5000, v34;
	v34 =	vadd.s32 $0x5000, v12;
	v12 =	vmul.f32 v19, v60;
	v19 =	vld.idx.msk [tilespmem:v20+s26+$0x0], $0xffff  }
0x2f0: {  	v0 =	vadd.s32 $0x4000, v43;
	v2 =	vadd.f32 v21, v2;
	v21 =	vld [tilespmem:$0x1FE20];
	[tilespmem:s3+$0x0] =	vst v7  }
0x2f1: {  	v29 =	vmul.f32 v29, v57;
	v4 =	vadd.s32 $0x4000, v35;
	v20 =	vld.idx.msk [tilespmem:v26+s26+$0x0], $0xffff  }
0x2f2: {  	[tilespmem:$0x1FDA0] =	vst v4;
	v4 =	vadd.s32 $0x4000, v44;
	v24 =	vld.idx.msk [tilespmem:v27+s26+$0x0], $0xffff;
	v26 =	vmul.f32 v31, v36;
	v27 =	vmul.f32 v59, v39  }
0x2f3: {  	v12 =	vadd.f32 v29, v12;
	v29 =	vadd.f32 v11, v62;
	v11 =	vld [tilespmem:$0x1FE60]  }
0x2f4: {  	v26 =	vadd.f32 v27, v26  }
0x2f5: {  	v0 =	vld.idx.msk [tilespmem:v0+s26+$0x0], $0xffff  }
0x2f6: {  	v21 =	vmul.f32 v26, v21;
	v26 =	vld [tilespmem:$0x1FE20]  }
0x2f7: {  	v4 =	vld.idx.msk [tilespmem:v4+s26+$0x0], $0xffff;
	_ =	sdelay $0x2  }
0x2f8: {  	v23 =	vmul.f32 v23, v16;
	v42 =	vadd.s32 $0x4000, v3;
	v3 =	vadd.s32 $0x5000, v3  }
0x2f9: {  	v7 =	vmul.f32 v32, v15;
	v2 =	vmul.f32 v2, v26;
	v26 =	vld.idx.msk [tilespmem:v11+s26+$0x0], $0xffff;
	v11 =	vmov v3  }
0x2fa: {  	v0 =	vmul.f32 v0, v36;
	v4 =	vmul.f32 v4, v39;
	[tilespmem:$0x1FE60] =	vst v11;
	v11 =	vld [tilespmem:$0x1FE70]  }
0x2fb: {  	v23 =	vadd.f32 v23, v7;
	v7 =	vld [tilespmem:$0x1FE20]  }
0x2fc: {  	v52 =	vmul.f32 v52, v57;
	v1 =	vmul.f32 v1, v60;
	v0 =	vadd.f32 v4, v0  }
0x2fd: {  	v4 =	vmul.f32 v12, v5;
	v12 =	vmul.f32 v20, v51;
	v20 =	vld [tilespmem:s31+$0x10]  }
0x2fe: {  	v1 =	vadd.f32 v52, v1;
	v0 =	vmul.f32 v0, v5  }
0x2ff: {  	v25 =	vld [tilespmem:s31+$0xFFFFE760]  }
0x300: {  	v1 =	vmul.f32 v1, v7;
	v0 =	vadd.f32 v0, v21  }
0x301: {  	v61 =	vadd.s32 $0x4000, v17;
	v17 =	vadd.s32 $0x5000, v17  }
0x302: {  	v1 =	vadd.f32 v4, v1;
	v0 =	vadd.f32 v0, v20;
	v20 =	vld.idx.msk [tilespmem:v11+s26+$0x0], $0xffff;
	v11 =	vmov v17  }
0x303: {  	[tilespmem:$0x1FE70] =	vst v11;
	v11 =	vld [tilespmem:$0x1FE50]  }
0x304: {  	v1 =	vadd.f32 v1, v25;
	v25 =	vmov v6;
	v6 =	vld [tilespmem:$0x1FCC0]  }
0x305: {  	v54 =	vmul.f32 v54, v47;
	v19 =	vmul.f32 v19, v53;
	_ =	sdelay $0x1  }
0x306: {  	v19 =	vadd.f32 v54, v19;
	_ =	sdelay $0x1  }
0x307: {  	v58 =	vmul.f32 v58, v37;
	v19 =	vmul.f32 v19, v5;
	v3 =	vld [tilespmem:$0x1FE20]  }
0x308: {  	v9 =	vmul.f32 v9, v37;
	v24 =	vmul.f32 v24, v51  }
0x309: {  	v10 =	vadd.s32 $0x5000, v10;
	v21 =	vadd.s32 $0x5000, v46;
	v2 =	vadd.f32 v19, v2;
	v19 =	vld.idx.msk [tilespmem:v11+s26+$0x0], $0xffff  }
0x30a: {  	v12 =	vadd.f32 v58, v12;
	v9 =	vadd.f32 v9, v24;
	v11 =	vmov v10;
	v10 =	vld.idx.msk [tilespmem:v6+s26+$0x0], $0xffff  }
0x30b: {  	v6 =	vld [tilespmem:$0x1FCD0]  }
0x30c: {  	v9 =	vmul.f32 v9, v5;
	v3 =	vmul.f32 v12, v3  }
0x30d: {  	[tilespmem:s31+$0x10] =	vst v0  }
0x30e: {  	v3 =	vadd.f32 v9, v3;
	v9 =	vld.idx.msk [tilespmem:v21+s26+$0x0], $0xffff  }
0x30f: {  	[tilespmem:$0x1FE50] =	vst v11;
	v11 =	vld [tilespmem:$0x1FCF0]  }
0x310: {  	v21 =	vmul.f32 v6, v16;
	v6 =	vld [tilespmem:$0x1FCE0];
	_ =	sdelay $0x1  }
0x311: {  	v31 =	vld [tilespmem:s31+$0xFFFFE770]  }
0x312: {  	v62 =	vld [tilespmem:s31+$0xFFFFE780];
	v12 =	vadd.s32 $0x5000, v48  }
0x313: {  	v22 =	vadd.s32 $0x5000, v22;
	v24 =	vld.idx.msk [tilespmem:v40+s26+$0x0], $0xffff;
	v4 =	vadd.s32 $0x5000, v43  }
0x314: {  	v27 =	vmov v22;
	v22 =	vmul.f32 v6, v11;
	v11 =	vld [tilespmem:$0x1FD20];
	_ =	sdelay $0x1  }
0x315: {  	v2 =	vadd.f32 v2, v31  }
0x316: {  	[tilespmem:s31+$0xFFFFE760] =	vst v1;
	v1 =	vld.idx.msk [tilespmem:v12+s26+$0x0], $0xffff;
	v12 =	vmul.f32 v26, v13  }
0x317: {  	[tilespmem:s31+$0xFFFFE770] =	vst v2;
	v2 =	vadd.f32 v3, v62;
	v3 =	vld.idx.msk [tilespmem:v4+s26+$0x0], $0xffff;
	v4 =	vmul.f32 v24, v28;
	_ =	sdelay $0x1  }
0x318: {  	v0 =	vld [tilespmem:$0x1FCB0];
	v20 =	vmul.f32 v20, v13;
	[tilespmem:s31+$0xFFFFE780] =	vst v2;
	v2 =	vadd.f32 v4, v12;
	v4 =	vmul.f32 v19, v28  }
0x319: {  	v13 =	vmov v53;
	v53 =	vld [tilespmem:$0x1FE20]  }
0x31a: {  	v4 =	vadd.f32 v4, v20;
	v20 =	vld.idx.msk [tilespmem:v11+s26+$0x0], $0xffff  }
0x31b: {  	v11 =	vld [tilespmem:$0x1FD40]  }
0x31c: {  	v6 =	vld [tilespmem:$0x1FD00]  }
0x31d: {  	v0 =	vmul.f32 v0, v15;
	_ =	sdelay $0x1  }
0x31e: {  	v0 =	vadd.f32 v21, v0  }
0x31f: {  	v19 =	vmul.f32 v23, v53  }
0x320: {  	v0 =	vmul.f32 v0, v5;
	v21 =	vmul.f32 v6, v18;
	v6 =	vld.idx.msk [tilespmem:v8+s26+$0x0], $0xffff  }
0x321: {  	v8 =	vld [tilespmem:$0x1FD10]  }
0x322: {  	v17 =	vadd.s32 $0x5000, v44;
	v0 =	vadd.f32 v0, v19;
	v19 =	vld.idx.msk [tilespmem:v11+s26+$0x0], $0xffff  }
0x323: {  	v11 =	vld [tilespmem:$0x1FD50];
	_ =	sdelay $0x3  }
0x324: {  	v17 =	vld.idx.msk [tilespmem:v17+s26+$0x0], $0xffff  }
0x325: {  	v0 =	vadd.f32 v0, v11;
	v11 =	vld [tilespmem:$0x1FD60];
	_ =	sdelay $0x1  }
0x326: {  	v12 =	vld.idx.msk [tilespmem:v8+s26+$0x0], $0xffff;
	_ =	sdelay $0x1  }
0x327: {  	v17 =	vmul.f32 v17, v39;
	v3 =	vmul.f32 v3, v36  }
0x328: {  	v14 =	vmovc v60;
	v54 =	vmov v45;
	v9 =	vmul.f32 v9, v36;
	v1 =	vmul.f32 v1, v39  }
0x329: {  	v15 =	vmovc v57;
	v2 =	vmul.f32 v2, v53;
	v3 =	vadd.f32 v17, v3;
	v17 =	vld [tilespmem:s31+$0x1890];
	v4 =	vmul.f32 v4, v5  }
0x32a: {  	v9 =	vadd.f32 v1, v9;
	v6 =	vmul.f32 v6, v14;
	v8 =	vld.idx.msk [tilespmem:v41+s26+$0x0], $0xffff;
	v12 =	vmul.f32 v12, v15  }
0x32b: {  	v24 =	vmul.f32 v10, v54;
	v3 =	vmul.f32 v3, v5;
	v10 =	vadd.f32 v21, v22;
	v22 =	vld.idx.msk [tilespmem:v11+s26+$0x0], $0xffff  }
0x32c: {  	[tilespmem:s3+$0x1860] =	vst v0;
	v0 =	vadd.f32 v4, v2;
	v4 =	vadd.f32 v12, v6;
	v6 =	vmul.f32 v9, v53;
	v11 =	vld [tilespmem:$0x1FD80];
	_ =	sdelay $0x1  }
0x32d: {  	v3 =	vadd.f32 v3, v6;
	_ =	sdelay $0x1  }
0x32e: {  	v28 =	vadd.f32 v3, v17;
	v3 =	vld [tilespmem:$0x1FDD0]  }
0x32f: {  	v8 =	vmul.f32 v8, v14;
	v9 =	vmul.f32 v20, v15;
	_ =	sdelay $0x1  }
0x330: {  	v6 =	vadd.f32 v9, v8;
	v8 =	vld [tilespmem:$0x1FDB0]  }
0x331: {  	v43 =	vld.idx.msk [tilespmem:v11+s26+$0x0], $0xffff  }
0x332: {  	v11 =	vld [tilespmem:$0x1FD90];
	_ =	sdelay $0x1  }
0x333: {  	v1 =	vld [tilespmem:$0x1FD70]  }
0x334: {  	v41 =	vld.idx.msk [tilespmem:v3+s26+$0x0], $0xffff  }
0x335: {  	v3 =	vld [tilespmem:$0x1FDE0]  }
0x336: {  	v11 =	vadd.f32 v0, v11;
	v0 =	vld [tilespmem:$0x1FDA0]  }
0x337: {  	v56 =	vadd.s32 $0x4000, v33;
	v40 =	vld.idx.msk [tilespmem:v8+s26+$0x0], $0xffff  }
0x338: {  	v21 =	vmul.f32 v29, v53;
	v10 =	vmul.f32 v10, v5;
	v8 =	vld [tilespmem:$0x1FDC0];
	_ =	sdelay $0x1  }
0x339: {  	v10 =	vadd.f32 v10, v21  }
0x33a: {  	v21 =	vld.idx.msk [tilespmem:v61+s26+$0x0], $0xffff  }
0x33b: {  	v16 =	vmov v47;
	v2 =	vadd.f32 v10, v1;
	v1 =	vld.idx.msk [tilespmem:v56+s26+$0x0], $0xffff  }
0x33c: {  	v50 =	vadd.s32 $0x5000, v35;
	v35 =	vmov v8;
	v8 =	vmul.f32 v22, v16;
	v22 =	vld.idx.msk [tilespmem:v3+s26+$0x0], $0xffff  }
0x33d: {  	v39 =	vld.idx.msk [tilespmem:v0+s26+$0x0], $0xffff  }
0x33e: {  	[tilespmem:s8+$0x1880] =	vst v2;
	v2 =	vld [tilespmem:$0x1FDF0];
	_ =	sdelay $0x1  }
0x33f: {  	v18 =	vld.idx.msk [tilespmem:v42+s26+$0x0], $0xffff;
	_ =	sdelay $0x1  }
0x340: {  	s10 =	sadd.s32 $0x4, s10  }
0x341: {  	p3 =	slt.s32 s10, s7;
	v0 =	vmul.f32 v21, v13;
	v21 =	vmov v2;
	v2 =	vld [tilespmem:$0x1FE00]  }
.Ltmp20:
0x342: {  	_ = 	snop;
	(pc) =	sbr.rel @p3 .LBB2_42-.Ltmp20, $4  }
0x343: {  	v52 =	vld [tilespmem:s31+$0xFFFFFFF0];
	v10 =	vmul.f32 v18, v13  }
0x344: {  	v49 =	vadd.s32 $0x5000, v33;
	v33 =	vld [tilespmem:s31+$0x0];
	v44 =	vmul.f32 v4, v53;
	v4 =	vmul.f32 v19, v16  }
0x345: {  	v59 =	vmov v51;
	v7 =	vld [tilespmem:s31+$0xFFFFFFE0]  }
0x346: {  	s11 =	sadd.s32 $0x40, s11;
	v58 =	vmovc v37;
	v29 =	vld [tilespmem:$0x1FD30];
	v51 =	vadd.f32 v4, v10;
	v42 =	vmul.f32 v6, v5;
	[tilespmem:s3+$0x1870] =	vst v11;
	s8 =	smov.u32 s3;
	s3 =	smov.u32 s31;
	v9 =	vmov v2  }
0x347: {  	v36 =	vld [tilespmem:$0x1FE60]  }
0x348: {  	v37 =	vld [tilespmem:$0x1FE70]  }
0x349: {  	v19 =	vld [tilespmem:$0x1FEB0]  }
0x34a: {  	v32 =	vmovc v50;
	v6 =	vmov v14;
	v23 =	vmov v15;
	v2 =	vmov v13;
	v62 =	vld [tilespmem:$0x1FE10]  }
0x34b: {  	v20 =	vmovc v16;
	v26 =	vmovc v9;
	v12 =	vmov v52;
	v3 =	vmov v29;
	v29 =	vmov v38;
	v38 =	vld [tilespmem:$0x1FE50]  }
.LBB2_44:
0x34c: {  	_ = 	snop  }
0x34d: {  	v4 =	vadd.f32 v42, v44  }
0x34e: {  	v0 =	vadd.f32 v8, v0;
	v45 =	vmul.f32 v51, v53;
	v1 =	vmul.f32 v1, v59  }
0x34f: {  	v9 =	vmul.f32 v39, v59;
	v4 =	vadd.f32 v4, v7;
	v7 =	vmul.f32 v43, v58  }
0x350: {  	v10 =	vmul.f32 v40, v58;
	v3 =	vld.idx.msk @p2 [tilespmem:v3+s26+$0x0], $0xffff;
	v0 =	vmul.f32 v0, v5  }
0x351: {  	v11 =	vld [tilespmem:s31+$0x1870];
	v1 =	vadd.f32 v7, v1  }
0x352: {  	v50 =	vld [tilespmem:s31+$0x1880];
	[tilespmem:s31+$0xFFFFFFE0] =	vst v4;
	v0 =	vadd.f32 v0, v45;
	v7 =	vadd.f32 v10, v9  }
0x353: {  	v4 =	vld.idx.msk [tilespmem:v34+s26+$0x0], $0xffff  }
0x354: {  	v46 =	vld.idx.msk [tilespmem:v25+s26+$0x0], $0xffff;
	v1 =	vmul.f32 v1, v53;
	v7 =	vmul.f32 v7, v5;
	v0 =	vadd.f32 v0, v12  }
0x355: {  	v47 =	vld.idx.msk [tilespmem:v30+s26+$0x0], $0xffff  }
0x356: {  	v48 =	vld.idx.msk [tilespmem:v55+s26+$0x0], $0xffff;
	v1 =	vadd.f32 v7, v1;
	[tilespmem:s3+$0xFFFFFFF0] =	vst v0  }
0x357: {  	v0 =	vld.idx.msk [tilespmem:v36+s26+$0x0], $0xffff  }
0x358: {  	v7 =	vld.idx.msk [tilespmem:v27+s26+$0x0], $0xffff;
	v1 =	vadd.f32 v1, v33  }
0x359: {  	v13 =	vld.idx.msk [tilespmem:v37+s26+$0x0], $0xffff  }
0x35a: {  	v51 =	vld.idx.msk [tilespmem:v38+s26+$0x0], $0xffff;
	[tilespmem:s3+$0x0] =	vst v1  }
0x35b: {  	v14 =	vld.idx.msk [tilespmem:v49+s26+$0x0], $0xffff  }
0x35c: {  	v15 =	vmul.f32 @p2 v41, v21;
	v3 =	vmul.f32 @p2 v3, v21;
	v16 =	vld.idx.msk [tilespmem:v26+s26+$0x0], $0xffff  }
0x35d: {  	v4 =	vmul.f32 v4, v6;
	v8 =	vmul.f32 v46, v23;
	v52 =	vld.idx.msk [tilespmem:v32+s26+$0x0], $0xffff  }
0x35e: {  	v6 =	vmul.f32 v47, v6;
	v10 =	vmul.f32 v48, v23;
	v17 =	vld.idx.msk [tilespmem:v29+s26+$0x0], $0xffff  }
0x35f: {  	v4 =	vadd.f32 v8, v4;
	v8 =	vmul.f32 @p2 v22, v54;
	v0 =	vmul.f32 v0, v2  }
0x360: {  	v15 =	vadd.f32 @p2 v15, v24;
	v7 =	vmul.f32 v7, v20;
	v54 =	vmul.f32 v13, v2  }
0x361: {  	v6 =	vadd.f32 v10, v6;
	v1 =	vmul.f32 v51, v20;
	v4 =	vmul.f32 v4, v53  }
0x362: {  	v0 =	vadd.f32 v7, v0;
	v7 =	vmul.f32 v14, v59;
	v55 =	vmul.f32 v16, v58  }
0x363: {  	v56 =	vld [tilespmem:s31+$0x1860];
	v1 =	vadd.f32 v1, v54;
	v57 =	vmul.f32 v52, v59;
	v59 =	vmul.f32 v17, v58  }
0x364: {  	v3 =	vadd.f32 @p2 v3, v8;
	v6 =	vmul.f32 v6, v5;
	v0 =	vmul.f32 v0, v53  }
0x365: {  	v1 =	vmul.f32 v1, v5;
	v7 =	vadd.f32 v55, v7;
	v2 =	vadd.f32 v59, v57  }
0x366: {  	v8 =	vmul.f32 @p2 v15, v53;
	v3 =	vmul.f32 @p2 v3, v5;
	v4 =	vadd.f32 v6, v4  }
0x367: {  	v0 =	vadd.f32 v1, v0;
	v60 =	vmul.f32 v7, v53;
	v2 =	vmul.f32 v2, v5  }
0x368: {  	v3 =	vadd.f32 @p2 v3, v8;
	v4 =	vadd.f32 v4, v56  }
0x369: {  	[tilespmem:s31+$0x1890] =	vst v28;
	v0 =	vadd.f32 v0, v11;
	v1 =	vadd.f32 v2, v60  }
0x36a: {  	[tilespmem:s3+$0x1860] =	vst v4;
	v2 =	vadd.f32 @p2 v3, v35  }
0x36b: {  	[tilespmem:s3+$0x1870] =	vst v0;
	v61 =	vadd.f32 v1, v50  }
0x36c: {  	[tilespmem:s8+$0x1880] =	vst @p2 v2  }
0x36d: {  	[tilespmem:s3+$0x1880] =	vst v61  }
.LBB2_11:
.Ltmp21:
0x36e: {  	(pc) =	sbr.rel @p1 .LBB2_13-.Ltmp21, $3  }
0x36f: {  	_ =	sdelay $0x1  }
0x370: {  	s1 =	smov.u32 s2;
	s3 =	smov.u32 s25  }
0x371: {  	s8 =	smov.u32 s0;
	s10 =	smov.u32 s23;
	s11 =	smov.u32 s4  }
.LBB2_12:
0x372: {  	v0 =	vld [tilespmem:s1+$0x0];
	_ =	sdelay $0x4  }
0x373: {  	vm0 =	vgt.s32 v0, $0x0  }
0x374: {  	v1 =	vadd.s32 $0x1, v0;
	v0 =	vnsel vm0, $0x0, v0  }
0x375: {  	vm15 =	vlt.s32 v1, $0x3F;
	v2 =	vadd.s32 v63, v0  }
0x376: {  	v1 =	vnsel vm15, $0x3F, v1;
	v0 =	vadd.s32 v62, v0;
	v3 =	vadd.s32 $0x3000, v2  }
0x377: {  	v4 =	vadd.s32 v63, v1;
	v7 =	vadd.s32 $0x3000, v0  }
0x378: {  	v1 =	vadd.s32 v62, v1;
	v6 =	vadd.s32 $0x3000, v4  }
0x379: {  	v8 =	vld [tilespmem:s8+$0x0];
	v9 =	vadd.s32 $0x3000, v1  }
0x37a: {  	v10 =	vld [tilespmem:s10+$0x0]  }
0x37b: {  	v3 =	vld.idx.msk [tilespmem:v3+s26+$0x0], $0xffff  }
0x37c: {  	v7 =	vld.idx.msk [tilespmem:v7+s26+$0x0], $0xffff  }
0x37d: {  	v6 =	vld.idx.msk [tilespmem:v6+s26+$0x0], $0xffff  }
0x37e: {  	v9 =	vld.idx.msk [tilespmem:v9+s26+$0x0], $0xffff;
	_ =	sdelay $0x3  }
0x37f: {  	v3 =	vmul.f32 v3, v8;
	v7 =	vmul.f32 v7, v8  }
0x380: {  	v6 =	vmul.f32 v6, v10;
	v9 =	vmul.f32 v9, v10;
	_ =	sdelay $0x1  }
0x381: {  	v3 =	vadd.f32 v6, v3;
	v6 =	vadd.f32 v9, v7  }
0x382: {  	v7 =	vld [tilespmem:s3+$0xFFFFE780]  }
0x383: {  	v3 =	vmul.f32 v3, v53;
	v6 =	vmul.f32 v6, v5;
	_ =	sdelay $0x1  }
0x384: {  	v3 =	vadd.f32 v6, v3;
	v6 =	vadd.s32 $0x4000, v2  }
0x385: {  	v59 =	vadd.s32 $0x4000, v4  }
0x386: {  	v11 =	vadd.s32 $0x4000, v1;
	v3 =	vadd.f32 v3, v7  }
0x387: {  	v7 =	vadd.s32 $0x4000, v0  }
0x388: {  	[tilespmem:s3+$0xFFFFE780] =	vst v3  }
0x389: {  	v3 =	vld.idx.msk [tilespmem:v6+s26+$0x0], $0xffff  }
0x38a: {  	v6 =	vld.idx.msk [tilespmem:v59+s26+$0x0], $0xffff  }
0x38b: {  	v60 =	vld.idx.msk [tilespmem:v11+s26+$0x0], $0xffff  }
0x38c: {  	v7 =	vld.idx.msk [tilespmem:v7+s26+$0x0], $0xffff;
	_ =	sdelay $0x3  }
0x38d: {  	v3 =	vmul.f32 v3, v8;
	v6 =	vmul.f32 v6, v10  }
0x38e: {  	v9 =	vmul.f32 v60, v10;
	v7 =	vmul.f32 v7, v8;
	_ =	sdelay $0x1  }
0x38f: {  	v3 =	vadd.f32 v6, v3;
	v6 =	vadd.f32 v9, v7  }
0x390: {  	v7 =	vld [tilespmem:s3+$0x0]  }
0x391: {  	v3 =	vmul.f32 v3, v53;
	v6 =	vmul.f32 v6, v5;
	_ =	sdelay $0x1  }
0x392: {  	v2 =	vadd.s32 $0x5000, v2;
	v3 =	vadd.f32 v6, v3  }
0x393: {  	v4 =	vadd.s32 $0x5000, v4  }
0x394: {  	v0 =	vadd.s32 $0x5000, v0;
	v3 =	vadd.f32 v3, v7  }
0x395: {  	v1 =	vadd.s32 $0x5000, v1  }
0x396: {  	[tilespmem:s3+$0x0] =	vst v3  }
0x397: {  	v2 =	vld.idx.msk [tilespmem:v2+s26+$0x0], $0xffff  }
0x398: {  	v3 =	vld.idx.msk [tilespmem:v4+s26+$0x0], $0xffff  }
0x399: {  	v0 =	vld.idx.msk [tilespmem:v0+s26+$0x0], $0xffff  }
0x39a: {  	v1 =	vld.idx.msk [tilespmem:v1+s26+$0x0], $0xffff;
	_ =	sdelay $0x3  }
0x39b: {  	v2 =	vmul.f32 v2, v8;
	v3 =	vmul.f32 v3, v10  }
0x39c: {  	v0 =	vmul.f32 v0, v8;
	v1 =	vmul.f32 v1, v10;
	_ =	sdelay $0x1  }
0x39d: {  	v2 =	vadd.f32 v3, v2;
	v0 =	vadd.f32 v1, v0  }
0x39e: {  	v61 =	vld [tilespmem:s3+$0x1880]  }
0x39f: {  	v2 =	vmul.f32 v2, v53;
	v0 =	vmul.f32 v0, v5  }
0x3a0: {  	p2 =	sne.s32 s11, $0x1  }
.Ltmp22:
0x3a1: {  	v0 =	vadd.f32 v0, v2;
	(pc) =	sbr.rel @p2 .LBB2_12-.Ltmp22, $4  }
0x3a2: {  	_ = 	snop  }
0x3a3: {  	v0 =	vadd.f32 v0, v61  }
0x3a4: {  	s10 =	sadd.s32 $0x10, s10;
	s8 =	sadd.s32 $0x10, s8  }
0x3a5: {  	s1 =	sadd.s32 $0x10, s1;
	s11 =	sadd.s32 $0xFFFFFFFF, s11;
	[tilespmem:s3+$0x1880] =	vst v0;
	s3 =	sadd.s32 $0x10, s3  }
.Ltmp23:
0x3a6: {  	_ = 	snop;
	(pc) =	sbr.rel .LBB2_13-.Ltmp23, $1  }
0x3a7: {  	_ =	sdelay $0x3  }
.LBB2_39:
.Ltmp24:
0x3a8: {  	(pc) =	sbr.rel .LBB2_44-.Ltmp24, $2  }
0x3a9: {  	_ =	sdelay $0x2  }
0x3aa: {  	v59 =	vmov v22;
	s31 =	smov.u32 s9;
	s3 =	smov.u32 s9;
	v33 =	vmov v10  }
.LBB2_41:
.Ltmp25:
0x3ab: {  	v36 =	vld [tilespmem:$0x1FE60];
	(pc) =	sbr.rel .LBB2_44-.Ltmp25, $4  }
0x3ac: {  	v37 =	vld [tilespmem:$0x1FE70]  }
0x3ad: {  	v3 =	vmov v29;
	v29 =	vmov v38;
	v38 =	vld [tilespmem:$0x1FE50]  }
0x3ae: {  	v32 =	vmov v50;
	v6 =	vmov v14;
	v19 =	vld [tilespmem:$0x1FEB0]  }
0x3af: {  	s3 =	smov.u32 s31;
	v23 =	vmovc v15;
	v2 =	vmovc v13;
	v20 =	vmov v16;
	v26 =	vmov v9;
	s8 =	smov.u32 s9;
	v62 =	vld [tilespmem:$0x1FE10];
	v12 =	vmov v52  }
.LBB2_15:
0x3b0: {  	s0 =	simm.s32 $0x1  }
0x3b1: {  	_ =	swait.ge [sflag:s0], $0x3000  }
0x3b2: {  	[sflag:s0] =	ssyncset.done $0x0  }
0x3b3: {  	[sflag:s0] =	ssyncadd.s32 $0xFFFFD000  }
0x3b4: {  	v1 =	vld [tilespmem:$0xA9E0];
	_ =	sdelay $0x3  }
0x3b5: {  	v0 =	vld [tilespmem:$0xABE0]  }
0x3b6: {  	(v2sf) =	vpush v1, $0x0  }
0x3b7: {  	(v2sf) =	vpush v1, $0x1  }
0x3b8: {  	(v2sf) =	vpush v1, $0x2  }
0x3b9: {  	(v2sf) =	vpush v1, $0x3  }
0x3ba: {  	(v2sf) =	vpush v0, $0x0;
	_ =	sdelay $0xa  }
0x3bb: {  	s0 =	rddreg [dreg:$0x5];
	s1 =	spop (v2sf)  }
0x3bc: {  	s4 =	rddreg [dreg:$0x10];
	s3 =	spop (v2sf);
	p0 =	sgt.s32 s1, s0  }
0x3bd: {  	s2 =	spop (v2sf);
	s0 =	smov.u32 @p0 s1;
	p0 =	slt.s32 s3, s4  }
0x3be: {  	s1 =	spop (v2sf);
	s4 =	smov.u32 @p0 s3  }
0x3bf: {  	s3 =	spop (v2sf);
	p0 =	sge.s32 s0, s4  }
0x3c0: {  	p1 =	slt.f32 @!p0 s3, $0.0e+00;
	p2 =	sgt.f32 @!p0 s3, $0.0e+00  }
0x3c1: {  	_ = 	snop  }
0x3c2: {  	p1 =	por @!p0 p2, p1  }
0x3c3: {  	p1 =	por @!p0 !p1, !p1  }
0x3c4: {  	p0 =	por p0, p1  }
.Ltmp26:
0x3c5: {  	_ = 	snop;
	(pc) =	sbr.rel @p0 .LBB2_21-.Ltmp26, $1  }
0x3c6: {  	_ =	sdelay $0x3  }
0x3c7: {  	s3 =	ssub.s32 s1, s2  }
0x3c8: {  	s6 =	rddreg [dreg:$0x17];
	s5 =	sshra.s32 s3, $0x1F  }
0x3c9: {  	s6 =	sadd.s32 s0, s6;
	s5 =	sshrl.u32 s5, $0x1E  }
0x3ca: {  	s8 =	sshll.u32 s2, $0x6;
	s9 =	smul.u32 $0x380, s6;
	s5 =	sadd.s32 s5, s3  }
0x3cb: {  	s10 =	sshll.u32 s1, $0x6;
	s24 =	sshra.s32 s8, $0x2;
	s22 =	sand.u32 $0xFFFFFFFC, s5  }
0x3cc: {  	s7 =	sadd.s32 s8, s9;
	s8 =	sadd.s32 $0x5270, s24;
	s12 =	sadd.s32 s10, s9  }
0x3cd: {  	s9 =	sadd.s32 $0x3670, s24;
	s5 =	ssub.s32 s3, s22;
	s6 =	sadd.s32 s2, s22  }
.Ltmp27:
0x3ce: {  	s23 =	sshra.s32 s7, $0x2;
	s11 =	sshll.u32 s5, $0x6;
	(pc) =	sbr.rel .LBB2_17-.Ltmp27, $4  }
0x3cf: {  	s7 =	sadd.s32 $0x124A0, s23;
	p0 =	sge.s32 s2, s6;
	s13 =	ssub.s32 s10, s11  }
0x3d0: {  	v51 =	vbroadcast v0, $0x0;
	p1 =	sge.s32 s6, s1;
	s11 =	ssub.s32 s12, s11;
	s25 =	sshra.s32 s13, $0x2  }
0x3d1: {  	s10 =	sadd.s32 $0x1A70, s24;
	s31 =	sshra.s32 s11, $0x2;
	s11 =	sadd.s32 $0x5240, s25  }
0x3d2: {  	[tilespmem:$0x1FC90] =	vst v51;
	s12 =	sadd.s32 $0x3640, s25;
	s13 =	sadd.s32 $0x12480, s31;
	s14 =	sadd.s32 $0x1A40, s25  }
.LBB2_20:
0x3d3: {  	s0 =	sadd.s32 $0x1, s0  }
0x3d4: {  	p2 =	sne.s32 s0, s4  }
.Ltmp28:
0x3d5: {  	_ = 	snop;
	(pc) =	sbr.rel @!p2 .LBB2_21-.Ltmp28, $2  }
0x3d6: {  	_ =	sdelay $0x2  }
0x3d7: {  	s7 =	sadd.s32 $0xE0, s7;
	s13 =	sadd.s32 $0xE0, s13  }
.LBB2_17:
0x3d8: {  	s1 =	sadd.s32 $0x1A40, s0  }
0x3d9: {  	v0 =	vmov s1;
	_ =	sdelay $0x4  }
0x3da: {  	v2 =	vld.idx.msk [tilespmem:v0+s28+$0x0], $0xffff  }
0x3db: {  	v4 =	vld.idx.msk [tilespmem:v0+s29+$0x0], $0xffff  }
0x3dc: {  	v0 =	vld.idx.msk [tilespmem:v0+s30+$0x0], $0xffff  }
.Ltmp29:
0x3dd: {  	_ = 	snop;
	(pc) =	sbr.rel @p0 .LBB2_18-.Ltmp29, $4  }
0x3de: {  	_ = 	snop  }
0x3df: {  	v3 =	vadd.s32 $0x40, v2  }
0x3e0: {  	vm0 =	vgt.s32 v2, $0x0;
	v4 =	vmul.f32 v4, v51;
	vm15 =	vlt.s32 v3, $0xFC0  }
0x3e1: {  	v5 =	vmul.f32 v0, v51;
	v52 =	vnsel vm0, $0x0, v2;
	v54 =	vnsel vm15, $0xFC0, v3  }
0x3e2: {  	v0 =	vld [tilespmem:s10+$0x0];
	_ =	sdelay $0x4  }
0x3e3: {  	vm0 =	vgt.s32 v0, $0x0  }
0x3e4: {  	v6 =	vnsel vm0, $0x0, v0;
	v0 =	vadd.s32 $0x1, v0  }
0x3e5: {  	vm10 =	vlt.s32 v0, $0x3F;
	v9 =	vadd.s32 v52, v6  }
0x3e6: {  	v7 =	vld [tilespmem:s10+$0xFFFFFFE0];
	v10 =	vadd.s32 v54, v6;
	v0 =	vnsel vm10, $0x3F, v0  }
0x3e7: {  	v12 =	vld [tilespmem:s10+$0xFFFFFFD0];
	v11 =	vadd.s32 v52, v0  }
0x3e8: {  	v8 =	vld [tilespmem:s8+$0x0];
	v13 =	vadd.s32 v54, v0  }
0x3e9: {  	v0 =	vld [tilespmem:s9+$0x0]  }
0x3ea: {  	v14 =	vld.idx.msk [tilespmem:v9+s26+$0x0], $0xffff  }
0x3eb: {  	v15 =	vld.idx.msk [tilespmem:v10+s26+$0x0], $0xffff  }
0x3ec: {  	v16 =	vld.idx.msk [tilespmem:v11+s26+$0x0], $0xffff  }
0x3ed: {  	v18 =	vld.idx.msk [tilespmem:v13+s26+$0x0], $0xffff  }
0x3ee: {  	v17 =	vadd.s32 $0x1, v12  }
0x3ef: {  	vm11 =	vlt.s32 v17, $0x3F  }
0x3f0: {  	v19 =	vadd.s32 $0x1, v7;
	vm13 =	vgt.s32 v12, $0x0;
	v17 =	vnsel vm11, $0x3F, v17  }
0x3f1: {  	v31 =	vld [tilespmem:s9+$0xFFFFFFD0];
	v21 =	vadd.s32 v52, v17;
	v14 =	vmul.f32 v14, v0;
	v15 =	vmul.f32 v15, v0  }
0x3f2: {  	v1 =	vld [tilespmem:s9+$0xFFFFFFF0];
	v24 =	vadd.s32 v54, v17;
	v16 =	vmul.f32 v16, v8;
	v17 =	vmul.f32 v18, v8  }
0x3f3: {  	v2 =	vld [tilespmem:s8+$0xFFFFFFF0];
	vm14 =	vgt.s32 v7, $0x0;
	vm12 =	vlt.s32 v19, $0x3F;
	v12 =	vnsel vm13, $0x0, v12  }
0x3f4: {  	v63 =	vld [tilespmem:s7+$0xFFFFE760];
	v28 =	vadd.s32 v52, v12;
	v14 =	vadd.f32 v16, v14;
	v15 =	vadd.f32 v17, v15  }
0x3f5: {  	v7 =	vnsel vm14, $0x0, v7;
	v19 =	vnsel vm12, $0x3F, v19;
	v32 =	vadd.s32 v54, v12;
	v16 =	vld [tilespmem:s7+$0xFFFFE790]  }
0x3f6: {  	v57 =	vld [tilespmem:s7+$0xFFFFFFE0];
	v34 =	vadd.s32 v52, v7;
	v14 =	vmul.f32 v14, v4;
	v15 =	vmul.f32 v15, v5  }
0x3f7: {  	v3 =	vld [tilespmem:s7+$0xFFFFFFF0];
	v25 =	vadd.s32 v52, v19  }
0x3f8: {  	v6 =	vld [tilespmem:s10+$0xFFFFFFF0];
	v14 =	vadd.f32 v15, v14;
	v15 =	vadd.s32 $0x1000, v9  }
0x3f9: {  	v22 =	vadd.s32 $0x1000, v11;
	v23 =	vld.idx.msk [tilespmem:v28+s26+$0x0], $0xffff  }
0x3fa: {  	v33 =	vadd.s32 $0x1000, v13;
	v35 =	vld.idx.msk [tilespmem:v32+s26+$0x0], $0xffff;
	v14 =	vadd.f32 v14, v16  }
0x3fb: {  	v36 =	vld.idx.msk [tilespmem:v34+s26+$0x0], $0xffff;
	v16 =	vadd.s32 $0x1000, v10  }
0x3fc: {  	v62 =	vld.idx.msk [tilespmem:v25+s26+$0x0], $0xffff;
	[tilespmem:s7+$0xFFFFE790] =	vst v14  }
0x3fd: {  	vm15 =	vgt.s32 v6, $0x0;
	v14 =	vadd.s32 v54, v7;
	v7 =	vld.idx.msk [tilespmem:v15+s26+$0x0], $0xffff  }
0x3fe: {  	v20 =	vadd.s32 $0x1, v6;
	v6 =	vnsel vm15, $0x0, v6;
	v15 =	vld.idx.msk [tilespmem:v22+s26+$0x0], $0xffff  }
0x3ff: {  	vm1 =	vlt.s32 v20, $0x3F;
	v37 =	vadd.s32 v52, v6;
	v40 =	vadd.s32 v54, v6;
	v6 =	vld.idx.msk [tilespmem:v33+s26+$0x0], $0xffff  }
0x400: {  	v18 =	vnsel vm1, $0x3F, v20;
	v20 =	vadd.s32 v54, v19;
	v16 =	vld.idx.msk [tilespmem:v16+s26+$0x0], $0xffff  }
0x401: {  	v44 =	vmul.f32 v23, v31;
	v23 =	vld [tilespmem:s9+$0xFFFFFFE0]  }
0x402: {  	v19 =	vld.idx.msk [tilespmem:v21+s26+$0x0], $0xffff  }
0x403: {  	v33 =	vld [tilespmem:s8+$0xFFFFFFD0]  }
0x404: {  	v17 =	vld.idx.msk [tilespmem:v24+s26+$0x0], $0xffff;
	v7 =	vmul.f32 v7, v0;
	v15 =	vmul.f32 v15, v8  }
0x405: {  	v48 =	vadd.s32 $0x1000, v28;
	v27 =	vld.idx.msk [tilespmem:v20+s26+$0x0], $0xffff;
	v6 =	vmul.f32 v6, v8;
	v16 =	vmul.f32 v16, v0  }
0x406: {  	v53 =	vadd.s32 $0x2000, v9;
	v26 =	vadd.s32 v52, v18;
	v18 =	vadd.s32 v54, v18;
	v22 =	vld [tilespmem:s8+$0xFFFFFFE0]  }
0x407: {  	v58 =	vadd.s32 $0x1000, v32;
	v38 =	vld.idx.msk [tilespmem:v14+s26+$0x0], $0xffff;
	v7 =	vadd.f32 v15, v7;
	v15 =	vadd.f32 v6, v16  }
0x408: {  	v61 =	vadd.s32 $0x1000, v34;
	v42 =	vadd.s32 $0x1000, v21;
	v16 =	vmul.f32 v19, v33;
	v19 =	vld [tilespmem:s7+$0x10]  }
0x409: {  	v43 =	vadd.s32 $0x1000, v24;
	v39 =	vld.idx.msk [tilespmem:v37+s26+$0x0], $0xffff;
	v47 =	vmul.f32 v7, v4;
	v15 =	vmul.f32 v15, v5  }
0x40a: {  	v11 =	vadd.s32 $0x2000, v11;
	v35 =	vmul.f32 v35, v31;
	v41 =	vld.idx.msk [tilespmem:v40+s26+$0x0], $0xffff;
	v17 =	vmul.f32 v17, v33  }
0x40b: {  	v55 =	vmul.f32 v36, v23;
	v30 =	vld.idx.msk [tilespmem:v18+s26+$0x0], $0xffff;
	v10 =	vadd.s32 $0x2000, v10;
	v15 =	vadd.f32 v15, v47  }
0x40c: {  	v36 =	vld [tilespmem:s7+$0xFFFFE780];
	v12 =	vmul.f32 v62, v22;
	v17 =	vadd.f32 v17, v35;
	v16 =	vadd.f32 v16, v44  }
0x40d: {  	v29 =	vld.idx.msk [tilespmem:v26+s26+$0x0], $0xffff;
	v27 =	vmul.f32 v27, v22;
	v38 =	vmul.f32 v38, v23;
	v15 =	vadd.f32 v15, v19  }
0x40e: {  	v13 =	vadd.s32 $0x2000, v13;
	v17 =	vmul.f32 v17, v5;
	v47 =	vld [tilespmem:s7+$0xFFFFE770];
	v16 =	vmul.f32 v16, v4;
	[tilespmem:$0x1FC80] =	vst v3  }
0x40f: {  	v45 =	vadd.s32 $0x1000, v25;
	v12 =	vadd.f32 v12, v55;
	v27 =	vadd.f32 v27, v38;
	[tilespmem:s7+$0x10] =	vst v15  }
0x410: {  	v59 =	vmul.f32 v41, v1;
	v16 =	vadd.f32 v17, v16;
	v15 =	vmul.f32 v30, v2;
	v30 =	vld.idx.msk [tilespmem:v53+s26+$0x0], $0xffff  }
0x411: {  	v46 =	vadd.s32 $0x1000, v20;
	v60 =	vmul.f32 v12, v4;
	v27 =	vmul.f32 v27, v5;
	v11 =	vld.idx.msk [tilespmem:v11+s26+$0x0], $0xffff  }
0x412: {  	v29 =	vmul.f32 v29, v2;
	v17 =	vmul.f32 v39, v1;
	v16 =	vadd.f32 v16, v63;
	v10 =	vld.idx.msk [tilespmem:v10+s26+$0x0], $0xffff  }
0x413: {  	v49 =	vadd.s32 $0x1000, v26;
	v50 =	vadd.s32 $0x1000, v18;
	v27 =	vadd.f32 v27, v60;
	v13 =	vld.idx.msk [tilespmem:v13+s26+$0x0], $0xffff  }
0x414: {  	v41 =	vadd.s32 $0x1000, v40;
	v29 =	vadd.f32 v29, v17;
	v15 =	vadd.f32 v15, v59;
	[tilespmem:s7+$0xFFFFE760] =	vst v16  }
0x415: {  	v62 =	vadd.s32 $0x1000, v14;
	v35 =	vadd.s32 $0x2000, v14;
	v17 =	vadd.s32 $0x2000, v21;
	v48 =	vld.idx.msk [tilespmem:v48+s26+$0x0], $0xffff  }
0x416: {  	v21 =	vadd.f32 v27, v47;
	v29 =	vmul.f32 v29, v4;
	v42 =	vld.idx.msk [tilespmem:v42+s26+$0x0], $0xffff;
	v15 =	vmul.f32 v15, v5  }
0x417: {  	v16 =	vadd.s32 $0x2000, v24;
	v24 =	vld.idx.msk [tilespmem:v58+s26+$0x0], $0xffff;
	v47 =	vmul.f32 v30, v0;
	v11 =	vmul.f32 v11, v8  }
0x418: {  	v6 =	vadd.s32 $0x2000, v40;
	v43 =	vld.idx.msk [tilespmem:v43+s26+$0x0], $0xffff;
	v0 =	vmul.f32 v10, v0;
	v8 =	vmul.f32 v13, v8  }
0x419: {  	v19 =	vadd.s32 $0x2000, v18;
	v63 =	vadd.s32 $0x1000, v37;
	[tilespmem:s7+$0xFFFFE770] =	vst v21;
	v58 =	vld [tilespmem:s7+$0x1890];
	v55 =	vadd.f32 v15, v29  }
0x41a: {  	v21 =	vadd.s32 $0x2000, v26;
	v56 =	vld.idx.msk [tilespmem:v61+s26+$0x0], $0xffff;
	v11 =	vadd.f32 v11, v47;
	v0 =	vadd.f32 v8, v0  }
0x41b: {  	v26 =	vadd.s32 $0x2000, v37;
	v30 =	vadd.s32 $0x2000, v25;
	v15 =	vld.idx.msk [tilespmem:v45+s26+$0x0], $0xffff;
	v8 =	vadd.f32 v55, v36  }
0x41c: {  	s17 =	sadd.s32 $0x4, s2;
	v18 =	vld.idx.msk [tilespmem:v62+s26+$0x0], $0xffff;
	v25 =	vadd.s32 $0x2000, v20;
	v11 =	vmul.f32 v11, v4;
	v0 =	vmul.f32 v0, v5  }
0x41d: {  	p3 =	slt.s32 s17, s6;
	v29 =	vadd.s32 $0x2000, v28;
	v20 =	vld.idx.msk [tilespmem:v46+s26+$0x0], $0xffff;
	v24 =	vmul.f32 v24, v31;
	v60 =	vmul.f32 v43, v33;
	[tilespmem:s7+$0xFFFFE780] =	vst v8  }
.Ltmp30:
0x41e: {  	v59 =	vmul.f32 v42, v33;
	v8 =	vmul.f32 v48, v31;
	v38 =	vld.idx.msk [tilespmem:v63+s26+$0x0], $0xffff;
	v0 =	vadd.f32 v0, v11;
	(pc) =	sbr.rel @!p3 .LBB2_46-.Ltmp30, $4  }
0x41f: {  	v28 =	vadd.s32 $0x2000, v32;
	v61 =	vmul.f32 v56, v23;
	v62 =	vadd.f32 v60, v24;
	v39 =	vld.idx.msk [tilespmem:v49+s26+$0x0], $0xffff  }
0x420: {  	v63 =	vmul.f32 v15, v22;
	v37 =	vld.idx.msk [tilespmem:v41+s26+$0x0], $0xffff;
	v8 =	vadd.f32 v59, v8;
	v10 =	vadd.f32 v0, v58  }
0x421: {  	v36 =	vadd.s32 $0x2000, v34;
	v46 =	vmul.f32 v18, v23;
	v40 =	vld.idx.msk [tilespmem:v50+s26+$0x0], $0xffff;
	v45 =	vmul.f32 v62, v5  }
0x422: {  	s16 =	sadd.s32 $0x40, s10;
	p2 =	por $0x0, $0x0;
	v53 =	vld [tilespmem:s7+$0x0];
	v42 =	vadd.f32 v63, v61;
	v44 =	vmul.f32 v8, v4;
	v0 =	vmul.f32 v20, v22;
	[tilespmem:s7+$0x1890] =	vst v10  }
0x423: {  	v8 =	vld [tilespmem:s16+$0x0];
	_ =	sdelay $0x1  }
0x424: {  	v3 =	vld [tilespmem:s7+$0x1860];
	v10 =	vadd.f32 v45, v44;
	_ =	sdelay $0x1  }
0x425: {  	v10 =	vadd.f32 v10, v57  }
0x426: {  	v11 =	vld [tilespmem:s16+$0xFFFFFFE0];
	vm0 =	vgt.s32 v8, $0x0  }
0x427: {  	v13 =	vld [tilespmem:s16+$0xFFFFFFF0];
	[tilespmem:s7+$0xFFFFFFE0] =	vst v10;
	v10 =	vnsel vm0, $0x0, v8;
	v8 =	vadd.s32 $0x1, v8  }
0x428: {  	v14 =	vld [tilespmem:s16+$0xFFFFFFD0];
	v12 =	vmov v53;
	[tilespmem:$0x1FC50] =	vst v3;
	vm10 =	vlt.s32 v8, $0x3F;
	v53 =	vadd.s32 v52, v10  }
0x429: {  	s1 =	sadd.s32 $0x40, s9;
	v18 =	vld.idx.msk [tilespmem:v29+s26+$0x0], $0xffff;
	v51 =	vadd.s32 v54, v10;
	[tilespmem:$0x1FC70] =	vst v19;
	v8 =	vnsel vm10, $0x3F, v8  }
0x42a: {  	v27 =	vmov v54;
	s15 =	sadd.s32 $0x40, s8;
	v47 =	vld [tilespmem:s1+$0x0];
	v54 =	vadd.s32 v52, v8  }
0x42b: {  	v24 =	vmov v52;
	v50 =	vld [tilespmem:s15+$0x0];
	v52 =	vadd.s32 v27, v8  }
0x42c: {  	v3 =	vld [tilespmem:s7+$0x1880]  }
0x42d: {  	v15 =	vld.idx.msk [tilespmem:v53+s26+$0x0], $0xffff  }
0x42e: {  	v32 =	vld.idx.msk [tilespmem:v51+s26+$0x0], $0xffff  }
0x42f: {  	v10 =	vadd.s32 $0x1, v11;
	v34 =	vld.idx.msk [tilespmem:v54+s26+$0x0], $0xffff  }
0x430: {  	vm12 =	vlt.s32 v10, $0x3F;
	v41 =	vld.idx.msk [tilespmem:v52+s26+$0x0], $0xffff  }
0x431: {  	vm1 =	vgt.s32 v14, $0x0;
	v55 =	vld.idx.msk [tilespmem:v28+s26+$0x0], $0xffff;
	v28 =	vadd.s32 $0x1, v13;
	v10 =	vnsel vm12, $0x3F, v10  }
0x432: {  	v8 =	vadd.s32 $0x1, v14;
	vm13 =	vlt.s32 v28, $0x3F;
	v20 =	vadd.s32 v24, v10  }
0x433: {  	v19 =	vld.idx.msk [tilespmem:v17+s26+$0x0], $0xffff;
	vm11 =	vlt.s32 v8, $0x3F;
	v43 =	vnsel vm13, $0x3F, v28;
	v28 =	vadd.s32 v27, v10  }
0x434: {  	v56 =	vld.idx.msk [tilespmem:v16+s26+$0x0], $0xffff;
	v8 =	vnsel vm11, $0x3F, v8;
	v15 =	vmul.f32 v15, v47;
	v62 =	vmul.f32 v32, v47  }
0x435: {  	v29 =	vld [tilespmem:s7+$0x1870];
	v17 =	vadd.s32 v24, v8;
	[tilespmem:$0x1FC40] =	vst v3;
	v63 =	vmul.f32 v34, v50;
	v48 =	vmul.f32 v41, v50  }
0x436: {  	vm14 =	vgt.s32 v11, $0x0;
	v14 =	vnsel vm1, $0x0, v14;
	v16 =	vadd.s32 v27, v8;
	v10 =	vld [tilespmem:s1+$0xFFFFFFD0]  }
0x437: {  	s3 =	sadd.s32 $0x40, s7;
	v59 =	vld.idx.msk [tilespmem:v20+s26+$0x0], $0xffff;
	v32 =	vadd.s32 v24, v43;
	v15 =	vadd.f32 v63, v15;
	v49 =	vadd.f32 v48, v62  }
0x438: {  	v44 =	vadd.s32 v27, v14;
	v34 =	vadd.s32 v27, v43;
	v41 =	vadd.s32 v24, v14;
	v14 =	vld [tilespmem:s3+$0xFFFFE790]  }
0x439: {  	v11 =	vnsel vm14, $0x0, v11;
	v60 =	vld.idx.msk [tilespmem:v28+s26+$0x0], $0xffff;
	v15 =	vmul.f32 v15, v4;
	v48 =	vmul.f32 v49, v5  }
0x43a: {  	v45 =	vadd.s32 v27, v11;
	v57 =	vld.idx.msk [tilespmem:v17+s26+$0x0], $0xffff  }
0x43b: {  	v58 =	vld.idx.msk [tilespmem:v16+s26+$0x0], $0xffff;
	v43 =	vadd.s32 v24, v11;
	v11 =	vadd.f32 v48, v15;
	v15 =	vadd.s32 $0x1000, v53  }
0x43c: {  	v38 =	vmul.f32 v38, v1;
	v7 =	vmov v1;
	v1 =	vadd.s32 $0x1000, v54;
	v61 =	vld.idx.msk [tilespmem:v32+s26+$0x0], $0xffff  }
0x43d: {  	v62 =	vld.idx.msk [tilespmem:v34+s26+$0x0], $0xffff;
	v11 =	vadd.f32 v11, v14  }
0x43e: {  	v3 =	vadd.s32 $0x1000, v52;
	v63 =	vld.idx.msk [tilespmem:v41+s26+$0x0], $0xffff;
	[tilespmem:$0x1FC60] =	vst v6  }
0x43f: {  	v14 =	vadd.s32 $0x1000, v51;
	[tilespmem:s3+$0xFFFFE790] =	vst v11  }
0x440: {  	vm15 =	vgt.s32 v13, $0x0;
	v11 =	vadd.f32 v0, v46;
	v46 =	vld.idx.msk [tilespmem:v15+s26+$0x0], $0xffff  }
0x441: {  	v39 =	vmul.f32 v39, v2;
	v37 =	vmul.f32 v37, v7;
	v13 =	vnsel vm15, $0x0, v13;
	v1 =	vld.idx.msk [tilespmem:v1+s26+$0x0], $0xffff  }
0x442: {  	v40 =	vmul.f32 v40, v2;
	v8 =	vmovc v2;
	v2 =	vadd.s32 v24, v13;
	v0 =	vadd.s32 v27, v13;
	v9 =	vld [tilespmem:$0x1FC80]  }
0x443: {  	v13 =	vmul.f32 v42, v4;
	v15 =	vadd.f32 v39, v38;
	v3 =	vld.idx.msk [tilespmem:v3+s26+$0x0], $0xffff;
	v11 =	vmul.f32 v11, v5  }
0x444: {  	v37 =	vadd.f32 v40, v37;
	v38 =	vld.idx.msk [tilespmem:v14+s26+$0x0], $0xffff  }
0x445: {  	v6 =	vmov v30;
	v30 =	vld.idx.msk [tilespmem:v44+s26+$0x0], $0xffff;
	v14 =	vmul.f32 v15, v4;
	v11 =	vadd.f32 v11, v13  }
0x446: {  	v49 =	vmov v35;
	v35 =	vld.idx.msk [tilespmem:v45+s26+$0x0], $0xffff;
	v15 =	vmul.f32 v37, v5;
	v13 =	vmul.f32 v18, v31  }
0x447: {  	v40 =	vld [tilespmem:s3+$0x10];
	v18 =	vmul.f32 v56, v33;
	v9 =	vadd.f32 v11, v9;
	v11 =	vmul.f32 v55, v31  }
0x448: {  	v48 =	vmov v25;
	v25 =	vld.idx.msk [tilespmem:v43+s26+$0x0], $0xffff;
	v56 =	vmul.f32 v46, v47;
	v1 =	vmul.f32 v1, v50  }
0x449: {  	v42 =	vld [tilespmem:s3+$0xFFFFE770];
	v3 =	vmul.f32 v3, v50;
	v46 =	vadd.f32 v18, v11;
	v11 =	vmul.f32 v38, v47  }
0x44a: {  	v37 =	vld.idx.msk [tilespmem:v2+s26+$0x0], $0xffff;
	v39 =	vadd.f32 v15, v14  }
0x44b: {  	v15 =	vld [tilespmem:s15+$0xFFFFFFD0];
	v14 =	vmul.f32 v19, v33;
	v1 =	vadd.f32 v1, v56;
	v3 =	vadd.f32 v3, v11  }
0x44c: {  	v31 =	vld.idx.msk [tilespmem:v0+s26+$0x0], $0xffff  }
0x44d: {  	v19 =	vadd.f32 v14, v13;
	v14 =	vld [tilespmem:s15+$0xFFFFFFE0];
	v1 =	vmul.f32 v1, v4;
	v3 =	vmul.f32 v3, v5  }
0x44e: {  	v13 =	vld [tilespmem:s1+$0xFFFFFFE0]  }
0x44f: {  	v1 =	vadd.f32 v3, v1;
	v3 =	vld [tilespmem:s3+$0xFFFFFFF0]  }
0x450: {  	v54 =	vadd.s32 $0x2000, v54;
	v55 =	vmul.f32 v63, v10;
	v18 =	vld [tilespmem:s1+$0xFFFFFFF0];
	v56 =	vmul.f32 v57, v15  }
0x451: {  	v52 =	vadd.s32 $0x2000, v52;
	v30 =	vmul.f32 v30, v10;
	v63 =	vmovc v7;
	v7 =	vld [tilespmem:s3+$0xFFFFE780];
	v57 =	vmul.f32 v58, v15  }
0x452: {  	v19 =	vmul.f32 v19, v4;
	v11 =	vld [tilespmem:s15+$0xFFFFFFF0];
	v33 =	vadd.f32 v56, v55;
	v59 =	vmul.f32 v59, v14  }
0x453: {  	v38 =	vld [tilespmem:s3+$0xFFFFE760];
	[tilespmem:s7+$0xFFFFFFF0] =	vst v9;
	v30 =	vadd.f32 v57, v30;
	v25 =	vmul.f32 v25, v13;
	v60 =	vmul.f32 v60, v14  }
0x454: {  	v35 =	vmul.f32 v35, v13;
	v57 =	vld [tilespmem:s3+$0xFFFFFFE0];
	v1 =	vadd.f32 v1, v40;
	v40 =	vadd.s32 $0x2000, v53;
	[tilespmem:$0x1FC80] =	vst v3  }
0x455: {  	v51 =	vadd.s32 $0x2000, v51;
	v58 =	vmul.f32 v46, v5;
	v37 =	vmul.f32 v37, v18;
	v36 =	vld.idx.msk [tilespmem:v36+s26+$0x0], $0xffff  }
0x456: {  	v25 =	vadd.f32 v59, v25;
	v35 =	vadd.f32 v60, v35;
	v33 =	vmul.f32 v33, v4;
	v55 =	vld.idx.msk [tilespmem:v6+s26+$0x0], $0xffff  }
0x457: {  	v12 =	vadd.f32 v39, v12;
	v30 =	vmul.f32 v30, v5;
	v46 =	vmul.f32 v61, v11;
	v60 =	vld.idx.msk [tilespmem:v49+s26+$0x0], $0xffff  }
0x458: {  	v25 =	vmul.f32 v25, v4;
	v35 =	vmul.f32 v35, v5;
	[tilespmem:s3+$0x10] =	vst v1;
	v1 =	vld.idx.msk [tilespmem:v48+s26+$0x0], $0xffff  }
0x459: {  	v31 =	vmul.f32 v31, v18;
	v53 =	vmul.f32 v62, v11;
	v30 =	vadd.f32 v30, v33;
	v40 =	vld.idx.msk [tilespmem:v40+s26+$0x0], $0xffff  }
0x45a: {  	v61 =	vadd.s32 $0x1000, v41;
	v37 =	vadd.f32 v46, v37;
	v25 =	vadd.f32 v35, v25;
	v35 =	vld.idx.msk [tilespmem:v54+s26+$0x0], $0xffff  }
0x45b: {  	v39 =	vadd.f32 v58, v19;
	v31 =	vadd.f32 v53, v31;
	v51 =	vld.idx.msk [tilespmem:v51+s26+$0x0], $0xffff  }
0x45c: {  	v37 =	vmul.f32 v37, v4;
	[tilespmem:s7+$0x0] =	vst v12;
	v12 =	vadd.f32 v30, v38;
	v53 =	vld.idx.msk [tilespmem:v52+s26+$0x0], $0xffff  }
0x45d: {  	v58 =	vadd.s32 $0x1000, v43;
	v31 =	vmul.f32 v31, v5;
	v26 =	vld.idx.msk [tilespmem:v26+s26+$0x0], $0xffff;
	v36 =	vmul.f32 v36, v23  }
0x45e: {  	v25 =	vadd.f32 v25, v42;
	v3 =	vld [tilespmem:$0x1FC50];
	[tilespmem:s3+$0xFFFFE760] =	vst v12;
	v56 =	vmul.f32 v60, v23;
	v59 =	vmul.f32 v55, v22  }
0x45f: {  	v1 =	vmul.f32 v1, v22;
	v60 =	vld.idx.msk [tilespmem:v61+s26+$0x0], $0xffff;
	v61 =	vadd.s32 $0x1000, v20;
	v40 =	vmul.f32 v40, v47  }
0x460: {  	v12 =	vld.idx.msk [tilespmem:v21+s26+$0x0], $0xffff;
	v35 =	vmul.f32 v35, v50;
	v47 =	vmul.f32 v51, v47  }
0x461: {  	[tilespmem:s3+$0xFFFFE770] =	vst v25;
	v38 =	vmul.f32 v53, v50;
	v36 =	vadd.f32 v59, v36;
	v1 =	vadd.f32 v1, v56  }
0x462: {  	v31 =	vadd.f32 v31, v37;
	v21 =	vld.idx.msk [tilespmem:v58+s26+$0x0], $0xffff;
	v25 =	vmul.f32 v26, v63;
	v48 =	vadd.f32 v35, v40  }
0x463: {  	v58 =	vld [tilespmem:s3+$0x1890];
	v49 =	vadd.f32 v38, v47;
	v26 =	vmul.f32 v36, v4;
	v1 =	vmul.f32 v1, v5  }
0x464: {  	v46 =	vadd.s32 $0x1000, v17;
	v7 =	vadd.f32 v31, v7;
	v35 =	vadd.s32 $0x1000, v28;
	v31 =	vld.idx.msk [tilespmem:v61+s26+$0x0], $0xffff  }
0x465: {  	v23 =	vmul.f32 v48, v4;
	v1 =	vadd.f32 v1, v26;
	v26 =	vmul.f32 v49, v5  }
0x466: {  	v30 =	vadd.s32 $0x1000, v44  }
0x467: {  	v54 =	vadd.s32 $0x1000, v16;
	v47 =	vadd.f32 v26, v23;
	_ =	sdelay $0x1  }
0x468: {  	v61 =	vmul.f32 v31, v14;
	v31 =	vadd.f32 v47, v58;
	v47 =	vadd.f32 v1, v29;
	v1 =	vld.idx.msk [tilespmem:v35+s26+$0x0], $0xffff  }
0x469: {  	v46 =	vld.idx.msk [tilespmem:v46+s26+$0x0], $0xffff;
	v3 =	vadd.f32 v39, v3  }
0x46a: {  	v30 =	vld.idx.msk [tilespmem:v30+s26+$0x0], $0xffff;
	v50 =	vadd.s32 $0x1000, v45;
	[tilespmem:s3+$0xFFFFE780] =	vst v7;
	v12 =	vmul.f32 v12, v8  }
0x46b: {  	v62 =	vmovc v8;
	v6 =	vadd.s32 $0x2000, v0;
	v37 =	vld.idx.msk [tilespmem:v54+s26+$0x0], $0xffff;
	v59 =	vadd.s32 $0x1000, v2;
	v8 =	vadd.s32 $0x1000, v34;
	[tilespmem:s7+$0x1860] =	vst v3  }
0x46c: {  	v40 =	vadd.f32 v12, v25;
	v25 =	vadd.s32 $0x1000, v32;
	v58 =	vadd.s32 $0x2000, v2;
	v2 =	vld [tilespmem:$0x1FC60];
	[tilespmem:s3+$0x1890] =	vst v31  }
0x46d: {  	v22 =	vmul.f32 v60, v10;
	v60 =	vadd.s32 $0x1000, v0;
	v0 =	vmul.f32 v1, v14;
	v1 =	vld [tilespmem:$0x1FC70]  }
0x46e: {  	v53 =	vld [tilespmem:s3+$0x0]  }
0x46f: {  	s18 =	sadd.s32 $0x4, s17;
	v19 =	vadd.s32 $0x2000, v45;
	v17 =	vadd.s32 $0x2000, v17;
	v16 =	vadd.s32 $0x2000, v16;
	v52 =	vld.idx.msk [tilespmem:v50+s26+$0x0], $0xffff  }
0x470: {  	p3 =	slt.s32 s18, s6;
	v7 =	vadd.s32 $0x2000, v34;
	v56 =	vmul.f32 v46, v15;
	v30 =	vmul.f32 v30, v10;
	v38 =	vld.idx.msk [tilespmem:v59+s26+$0x0], $0xffff  }
.Ltmp31:
0x471: {  	v48 =	vadd.s32 $0x2000, v32;
	v37 =	vmul.f32 v37, v15;
	v32 =	vmul.f32 v40, v4;
	v40 =	vld.idx.msk [tilespmem:v8+s26+$0x0], $0xffff;
	(pc) =	sbr.rel @!p3 .LBB2_48-.Ltmp31, $4  }
0x472: {  	v21 =	vmul.f32 v21, v13;
	v33 =	vadd.f32 v56, v22;
	v56 =	vadd.s32 $0x2000, v20;
	v39 =	vld.idx.msk [tilespmem:v25+s26+$0x0], $0xffff  }
0x473: {  	v30 =	vadd.f32 v37, v30;
	v26 =	vadd.s32 $0x2000, v28;
	v28 =	vadd.s32 $0x2000, v44;
	v37 =	vld.idx.msk [tilespmem:v60+s26+$0x0], $0xffff  }
0x474: {  	s19 =	sadd.s32 $0x40, s16;
	v44 =	vmul.f32 v33, v4;
	v29 =	vadd.s32 $0x2000, v41;
	v60 =	vadd.s32 $0x2000, v43;
	v43 =	vld.idx.msk [tilespmem:v2+s26+$0x0], $0xffff  }
0x475: {  	p2 =	por $0x1, $0x1;
	s16 =	smov.u32 s7;
	s17 =	smov.u32 s3;
	v45 =	vmul.f32 v30, v5;
	v46 =	vmul.f32 v52, v13;
	v42 =	vadd.f32 v61, v21;
	v34 =	vld.idx.msk [tilespmem:v1+s26+$0x0], $0xffff  }
.LBB2_49:
0x476: {  	v1 =	vld [tilespmem:s19+$0x0]  }
0x477: {  	v36 =	vld [tilespmem:s19+$0xFFFFFFF0]  }
0x478: {  	[tilespmem:s16+$0x1870] =	vst v47;
	v61 =	vld [tilespmem:s19+$0xFFFFFFD0];
	v30 =	vadd.f32 v45, v44;
	v0 =	vadd.f32 v0, v46  }
0x479: {  	v21 =	vmul.f32 v40, v11;
	v41 =	vmul.f32 v42, v4;
	v33 =	vld [tilespmem:s19+$0xFFFFFFE0]  }
0x47a: {  	[tilespmem:$0x1FB70] =	vst v19;
	v42 =	vld [tilespmem:s3+$0x1860];
	v52 =	vmul.f32 v0, v5;
	v19 =	vadd.f32 v30, v57;
	v30 =	vmul.f32 v37, v18  }
0x47b: {  	[tilespmem:$0x1FB80] =	vst v26;
	s15 =	sadd.s32 $0x40, s15;
	v0 =	vld [tilespmem:s3+$0x1870];
	v31 =	vmul.f32 v38, v18;
	v35 =	vmul.f32 v39, v11;
	vm0 =	vgt.s32 v1, $0x0  }
0x47c: {  	v38 =	vld [tilespmem:s15+$0x0];
	[tilespmem:s3+$0xFFFFFFE0] =	vst v19;
	v54 =	vadd.f32 v21, v30;
	v30 =	vnsel vm0, $0x0, v1;
	v1 =	vadd.s32 $0x1, v1  }
0x47d: {  	v26 =	vmovc v18;
	v40 =	vmul.f32 v43, v63;
	v18 =	vld.idx.msk [tilespmem:v29+s26+$0x0], $0xffff;
	vm13 =	vlt.s32 v1, $0x3F;
	v47 =	vadd.s32 v24, v30  }
0x47e: {  	vm2 =	vgt.s32 v61, $0x0;
	v55 =	vld.idx.msk [tilespmem:v17+s26+$0x0], $0xffff;
	v43 =	vadd.s32 v27, v30;
	v1 =	vnsel vm13, $0x3F, v1  }
0x47f: {  	[tilespmem:$0x1FB60] =	vst v56;
	vm4 =	vgt.s32 v36, $0x0;
	v31 =	vadd.f32 v35, v31;
	v56 =	vld.idx.msk [tilespmem:v28+s26+$0x0], $0xffff;
	v46 =	vadd.s32 v27, v1  }
0x480: {  	s1 =	sadd.s32 $0x40, s1;
	v22 =	vadd.s32 $0x1, v33;
	v17 =	vadd.s32 $0x1, v36;
	v57 =	vld.idx.msk [tilespmem:v16+s26+$0x0], $0xffff;
	v50 =	vadd.s32 v24, v1  }
0x481: {  	[tilespmem:$0x1FC20] =	vst v6;
	v28 =	vadd.s32 $0x1, v61;
	vm1 =	vlt.s32 v22, $0x3F;
	v29 =	vmul.f32 v31, v4;
	v31 =	vld [tilespmem:s1+$0x0]  }
0x482: {  	v44 =	vmovc v58;
	v16 =	vnsel vm2, $0x0, v61;
	vm14 =	vlt.s32 v28, $0x3F;
	[tilespmem:$0x1FC00] =	vst v0;
	vm3 =	vlt.s32 v17, $0x3F;
	v23 =	vld.idx.msk [tilespmem:v47+s26+$0x0], $0xffff  }
0x483: {  	v19 =	vmovc v60;
	v60 =	vadd.s32 v24, v16;
	v0 =	vmovc v62;
	v1 =	vnsel vm14, $0x3F, v28;
	v17 =	vnsel vm3, $0x3F, v17;
	v51 =	vld.idx.msk [tilespmem:v43+s26+$0x0], $0xffff  }
0x484: {  	v58 =	vadd.s32 v24, v1;
	v61 =	vadd.s32 v24, v17;
	v62 =	vadd.s32 v27, v17;
	v17 =	vld.idx.msk [tilespmem:v46+s26+$0x0], $0xffff  }
0x485: {  	[tilespmem:$0x1FC30] =	vst v7;
	v28 =	vnsel vm1, $0x3F, v22;
	v1 =	vadd.s32 v27, v1;
	v2 =	vadd.s32 $0x1000, v58;
	v45 =	vld.idx.msk [tilespmem:v50+s26+$0x0], $0xffff  }
0x486: {  	v25 =	vmovc v53;
	v53 =	vld [tilespmem:s3+$0x1880];
	v41 =	vadd.f32 v52, v41;
	v59 =	vadd.s32 v24, v28;
	v3 =	vadd.s32 $0x1000, v1;
	[tilespmem:$0x1FB90] =	vst v2  }
0x487: {  	vm15 =	vgt.s32 v33, $0x0;
	v6 =	vld [tilespmem:s1+$0xFFFFFFD0];
	v63 =	vadd.s32 v27, v16;
	v16 =	vadd.s32 $0x1000, v61;
	[tilespmem:$0x1FBA0] =	vst v3  }
0x488: {  	v49 =	vnsel vm4, $0x0, v36;
	v30 =	vmovc v48;
	v28 =	vadd.s32 v27, v28;
	v3 =	vadd.s32 $0x1000, v59;
	[tilespmem:$0x1FBD0] =	vst v16;
	v52 =	vld.idx.msk [tilespmem:v60+s26+$0x0], $0xffff  }
0x489: {  	[tilespmem:$0x1FBB0] =	vst v3;
	v3 =	vadd.s32 $0x1000, v28;
	v2 =	vld.idx.msk [tilespmem:v58+s26+$0x0], $0xffff;
	v48 =	vmul.f32 v51, v31;
	v17 =	vmul.f32 v17, v38  }
0x48a: {  	v16 =	vadd.s32 $0x1000, v62;
	[tilespmem:$0x1FBC0] =	vst v3;
	v3 =	vld.idx.msk [tilespmem:v1+s26+$0x0], $0xffff;
	v20 =	vmul.f32 v23, v31;
	v51 =	vmul.f32 v45, v38  }
0x48b: {  	v33 =	vnsel vm15, $0x0, v33;
	[tilespmem:$0x1FBF0] =	vst v16;
	v16 =	vld.idx.msk [tilespmem:v59+s26+$0x0], $0xffff;
	v48 =	vadd.f32 v17, v48;
	v17 =	vadd.s32 $0x2000, v58  }
0x48c: {  	s3 =	sadd.s32 $0x40, s3;
	v7 =	vadd.s32 v24, v49;
	v9 =	vadd.s32 v27, v33;
	v20 =	vadd.f32 v51, v20;
	[tilespmem:$0x1FC10] =	vst v17;
	v17 =	vld [tilespmem:$0x1FC80]  }
0x48d: {  	v12 =	vadd.s32 v27, v49;
	v37 =	vadd.s32 $0x2000, v1;
	v1 =	vld [tilespmem:s3+$0xFFFFE790];
	v51 =	vmul.f32 v54, v5  }
0x48e: {  	v8 =	vadd.s32 v24, v33;
	v49 =	vld.idx.msk [tilespmem:v28+s26+$0x0], $0xffff;
	v20 =	vmul.f32 v20, v4;
	v48 =	vmul.f32 v48, v5  }
0x48f: {  	v21 =	vadd.s32 $0x1000, v12;
	v22 =	vld.idx.msk [tilespmem:v61+s26+$0x0], $0xffff  }
0x490: {  	[tilespmem:$0x1FBE0] =	vst v21;
	v21 =	vld.idx.msk [tilespmem:v62+s26+$0x0], $0xffff;
	v29 =	vadd.f32 v51, v29;
	v48 =	vadd.f32 v48, v20  }
0x491: {  	v23 =	vld.idx.msk [tilespmem:v9+s26+$0x0], $0xffff;
	v58 =	vadd.s32 $0x2000, v28;
	v20 =	vadd.s32 $0x1000, v47;
	v28 =	vadd.f32 v41, v17  }
0x492: {  	v51 =	vld.idx.msk [tilespmem:v63+s26+$0x0], $0xffff;
	v17 =	vadd.f32 v29, v25;
	v1 =	vadd.f32 v48, v1;
	v48 =	vadd.s32 $0x1000, v43  }
0x493: {  	v35 =	vadd.s32 $0x1000, v63;
	v41 =	vld.idx.msk [tilespmem:v8+s26+$0x0], $0xffff;
	[tilespmem:s17+$0xFFFFFFF0] =	vst v28;
	v28 =	vadd.s32 $0x2000, v63;
	v63 =	vadd.s32 $0x1000, v46  }
0x494: {  	v33 =	vadd.s32 $0x1000, v60;
	v34 =	vmul.f32 v34, v0;
	v29 =	vadd.s32 $0x2000, v60;
	v60 =	vld.idx.msk [tilespmem:v7+s26+$0x0], $0xffff;
	[tilespmem:s17+$0x0] =	vst v17  }
0x495: {  	v54 =	vadd.s32 $0x2000, v61;
	v61 =	vadd.s32 $0x2000, v62;
	v62 =	vadd.s32 $0x1000, v50;
	[tilespmem:s3+$0xFFFFE790] =	vst v1;
	v17 =	vld.idx.msk [tilespmem:v12+s26+$0x0], $0xffff  }
0x496: {  	v18 =	vmul.f32 v18, v10;
	v56 =	vmul.f32 v56, v10;
	v1 =	vadd.s32 $0x2000, v12;
	v12 =	vld.idx.msk [tilespmem:v20+s26+$0x0], $0xffff  }
0x497: {  	v10 =	vmov v6;
	v52 =	vmul.f32 v52, v6;
	v51 =	vmul.f32 v51, v6;
	v6 =	vld.idx.msk [tilespmem:v48+s26+$0x0], $0xffff  }
0x498: {  	v0 =	vadd.f32 v34, v40;
	v48 =	vld.idx.msk [tilespmem:v63+s26+$0x0], $0xffff  }
0x499: {  	v55 =	vmul.f32 v55, v15;
	v63 =	vmov v26;
	v26 =	vld [tilespmem:$0x1FC40]  }
0x49a: {  	v0 =	vmul.f32 v0, v5;
	v20 =	vld.idx.msk [tilespmem:v62+s26+$0x0], $0xffff  }
0x49b: {  	v62 =	vmov v11;
	v11 =	vadd.f32 v55, v18;
	v18 =	vld [tilespmem:s1+$0xFFFFFFF0]  }
0x49c: {  	v0 =	vadd.f32 v0, v32  }
0x49d: {  	v57 =	vmul.f32 v57, v15  }
0x49e: {  	v25 =	vld [tilespmem:s15+$0xFFFFFFD0];
	v0 =	vadd.f32 v0, v26  }
0x49f: {  	v56 =	vadd.f32 v57, v56;
	v57 =	vmul.f32 v11, v4;
	v11 =	vld [tilespmem:s15+$0xFFFFFFF0]  }
0x4a0: {  	[tilespmem:s16+$0x1880] =	vst v0;
	v0 =	vmul.f32 v17, v18;
	v17 =	vld.idx.msk [tilespmem:v19+s26+$0x0], $0xffff  }
0x4a1: {  	v19 =	vld [tilespmem:$0x1FB60];
	_ =	sdelay $0x2  }
0x4a2: {  	v55 =	vld [tilespmem:s1+$0xFFFFFFE0];
	v2 =	vmul.f32 v2, v25  }
0x4a3: {  	v40 =	vmul.f32 v56, v5;
	v3 =	vmul.f32 v3, v25;
	v15 =	vmov v25;
	v25 =	vld [tilespmem:s15+$0xFFFFFFE0]  }
0x4a4: {  	v2 =	vadd.f32 v2, v52;
	v26 =	vld [tilespmem:s3+$0xFFFFFFF0]  }
0x4a5: {  	v34 =	vadd.f32 v40, v57;
	v12 =	vmul.f32 v12, v31;
	v20 =	vmul.f32 v20, v38  }
0x4a6: {  	v3 =	vadd.f32 v3, v51;
	v6 =	vmul.f32 v6, v31;
	v48 =	vmul.f32 v48, v38  }
0x4a7: {  	v41 =	vmul.f32 v41, v55;
	v40 =	vmul.f32 v60, v18;
	v34 =	vadd.f32 v34, v42;
	v42 =	vld.idx.msk [tilespmem:v19+s26+$0x0], $0xffff  }
0x4a8: {  	v2 =	vmul.f32 v2, v4;
	v12 =	vadd.f32 v20, v12;
	v6 =	vadd.f32 v48, v6;
	v19 =	vld [tilespmem:$0x1FB70]  }
0x4a9: {  	v3 =	vmul.f32 v3, v5;
	v16 =	vmul.f32 v16, v25;
	v48 =	vld [tilespmem:s3+$0x10];
	[tilespmem:$0x1FC80] =	vst v26;
	v26 =	vmov v53  }
0x4aa: {  	v12 =	vmul.f32 v12, v4;
	v6 =	vmul.f32 v6, v5;
	[tilespmem:$0x1FC40] =	vst v26;
	v26 =	vld [tilespmem:$0x1FB80]  }
0x4ab: {  	v20 =	vmul.f32 v22, v11;
	v21 =	vmul.f32 v21, v11;
	v2 =	vadd.f32 v3, v2  }
0x4ac: {  	v6 =	vadd.f32 v6, v12;
	v12 =	vadd.s32 $0x2000, v47;
	v47 =	vadd.s32 $0x2000, v43  }
0x4ad: {  	v45 =	vadd.s32 $0x1000, v9;
	v20 =	vadd.f32 v20, v40;
	v0 =	vadd.f32 v21, v0  }
0x4ae: {  	v9 =	vadd.s32 $0x2000, v9;
	v16 =	vadd.f32 v16, v41;
	v6 =	vadd.f32 v6, v48  }
0x4af: {  	v52 =	vld [tilespmem:s3+$0xFFFFE770];
	v41 =	vadd.s32 $0x2000, v50;
	v3 =	vmul.f32 v20, v4;
	v0 =	vmul.f32 v0, v5  }
0x4b0: {  	v39 =	vadd.s32 $0x1000, v7;
	[tilespmem:s3+$0x10] =	vst v6;
	v48 =	vld.idx.msk [tilespmem:v19+s26+$0x0], $0xffff;
	v19 =	vmov v9;
	v9 =	vadd.s32 $0x2000, v46  }
0x4b1: {  	v23 =	vmul.f32 v23, v55;
	v32 =	vmul.f32 v49, v25;
	v0 =	vadd.f32 v0, v3;
	v3 =	vld.idx.msk [tilespmem:v47+s26+$0x0], $0xffff  }
0x4b2: {  	v36 =	vadd.s32 $0x1000, v8;
	v8 =	vadd.s32 $0x2000, v8;
	v7 =	vadd.s32 $0x2000, v7;
	v50 =	vld.idx.msk [tilespmem:v26+s26+$0x0], $0xffff  }
0x4b3: {  	v60 =	vmovc v8;
	v8 =	vadd.f32 v32, v23;
	v26 =	vmov v58;
	v58 =	vmov v7;
	v7 =	vld.idx.msk [tilespmem:v12+s26+$0x0], $0xffff  }
0x4b4: {  	v12 =	vld.idx.msk [tilespmem:v41+s26+$0x0], $0xffff  }
0x4b5: {  	v16 =	vmul.f32 v16, v4;
	v8 =	vmul.f32 v8, v5;
	v9 =	vld.idx.msk [tilespmem:v9+s26+$0x0], $0xffff;
	_ =	sdelay $0x1  }
0x4b6: {  	v8 =	vadd.f32 v8, v16  }
0x4b7: {  	v16 =	vmul.f32 v17, v13;
	v17 =	vmul.f32 v42, v14  }
0x4b8: {  	v8 =	vadd.f32 v8, v52;
	v3 =	vmul.f32 v3, v31;
	v7 =	vmul.f32 v7, v31  }
0x4b9: {  	v51 =	vld [tilespmem:s3+$0xFFFFE760];
	v12 =	vmul.f32 v12, v38;
	v9 =	vmul.f32 v9, v38  }
0x4ba: {  	[tilespmem:s3+$0xFFFFE770] =	vst v8;
	v8 =	vadd.f32 v17, v16;
	v16 =	vld [tilespmem:$0x1FB90]  }
0x4bb: {  	v7 =	vadd.f32 v12, v7;
	v3 =	vadd.f32 v9, v3;
	_ =	sdelay $0x1  }
0x4bc: {  	v7 =	vmul.f32 v7, v4;
	v3 =	vmul.f32 v3, v5  }
0x4bd: {  	v49 =	vld [tilespmem:s3+$0xFFFFE780]  }
0x4be: {  	v2 =	vadd.f32 v2, v51;
	v3 =	vadd.f32 v3, v7;
	v7 =	vld [tilespmem:$0x1FBE0]  }
0x4bf: {  	[tilespmem:s17+$0x1860] =	vst v34  }
0x4c0: {  	[tilespmem:s3+$0xFFFFE760] =	vst v2  }
0x4c1: {  	v16 =	vld.idx.msk [tilespmem:v16+s26+$0x0], $0xffff;
	_ =	sdelay $0x1  }
0x4c2: {  	v52 =	vld.idx.msk [tilespmem:v30+s26+$0x0], $0xffff;
	v0 =	vadd.f32 v0, v49  }
0x4c3: {  	v6 =	vld.idx.msk [tilespmem:v44+s26+$0x0], $0xffff  }
0x4c4: {  	[tilespmem:s3+$0xFFFFE780] =	vst v0;
	v17 =	vld [tilespmem:$0x1FBA0]  }
0x4c5: {  	v9 =	vmul.f32 v16, v15;
	v16 =	vmov v37;
	v37 =	vld.idx.msk [tilespmem:v7+s26+$0x0], $0xffff  }
0x4c6: {  	v7 =	vld [tilespmem:$0x1FBF0]  }
0x4c7: {  	v57 =	vld [tilespmem:s3+$0xFFFFFFE0];
	v2 =	vmul.f32 v50, v14;
	v20 =	vmul.f32 v48, v13  }
0x4c8: {  	v53 =	vld [tilespmem:s3+$0x0]  }
0x4c9: {  	v48 =	vmov v54;
	v54 =	vld.idx.msk [tilespmem:v33+s26+$0x0], $0xffff;
	v0 =	vadd.f32 v2, v20  }
0x4ca: {  	v21 =	vmul.f32 v52, v62;
	v6 =	vmul.f32 v6, v63;
	v13 =	vmov v55;
	v55 =	vld [tilespmem:$0x1FBB0]  }
0x4cb: {  	v8 =	vmul.f32 v8, v4;
	v20 =	vld.idx.msk [tilespmem:v36+s26+$0x0], $0xffff;
	v0 =	vmul.f32 v0, v5  }
0x4cc: {  	v6 =	vadd.f32 v21, v6;
	v17 =	vld.idx.msk [tilespmem:v17+s26+$0x0], $0xffff  }
0x4cd: {  	v0 =	vadd.f32 v0, v8;
	v8 =	vld [tilespmem:$0x1FBC0]  }
0x4ce: {  	v40 =	vld.idx.msk [tilespmem:v7+s26+$0x0], $0xffff  }
0x4cf: {  	v7 =	vld [tilespmem:$0x1FC00]  }
0x4d0: {  	v32 =	vmul.f32 v6, v4;
	v6 =	vmov v1;
	v1 =	vld [tilespmem:$0x1FC30]  }
0x4d1: {  	v2 =	vld.idx.msk [tilespmem:v35+s26+$0x0], $0xffff  }
0x4d2: {  	v59 =	vadd.s32 $0x2000, v59;
	v23 =	vld.idx.msk [tilespmem:v55+s26+$0x0], $0xffff  }
0x4d3: {  	v56 =	vmov v59;
	v59 =	vmul.f32 v17, v15;
	v17 =	vmul.f32 v20, v13;
	v20 =	vld [tilespmem:$0x1FBD0]  }
0x4d4: {  	v22 =	vmul.f32 v54, v10;
	v47 =	vadd.f32 v0, v7;
	v0 =	vld [tilespmem:$0x1FC20]  }
0x4d5: {  	v12 =	vld [tilespmem:s3+$0x1890]  }
0x4d6: {  	s18 =	sadd.s32 $0x4, s18;
	v14 =	vmov v25;
	v25 =	vld.idx.msk [tilespmem:v45+s26+$0x0], $0xffff;
	v9 =	vadd.f32 v9, v22  }
0x4d7: {  	p3 =	slt.s32 s18, s6;
	v2 =	vmul.f32 v2, v10;
	v8 =	vld.idx.msk [tilespmem:v8+s26+$0x0], $0xffff  }
.Ltmp32:
0x4d8: {  	v38 =	vld.idx.msk [tilespmem:v39+s26+$0x0], $0xffff;
	v44 =	vmul.f32 v9, v4;
	v9 =	vmul.f32 v23, v14;
	(pc) =	sbr.rel @p3 .LBB2_49-.Ltmp32, $4  }
0x4d9: {  	v34 =	vld.idx.msk [tilespmem:v1+s26+$0x0], $0xffff;
	v2 =	vadd.f32 v59, v2  }
0x4da: {  	v3 =	vadd.f32 v3, v12;
	v42 =	vadd.f32 v9, v17;
	v17 =	vld [tilespmem:$0x1FC10]  }
0x4db: {  	v46 =	vmul.f32 v25, v13;
	v39 =	vld.idx.msk [tilespmem:v20+s26+$0x0], $0xffff  }
0x4dc: {  	s19 =	sadd.s32 $0x40, s19;
	s16 =	smov.u32 s17;
	s17 =	smov.u32 s3;
	v45 =	vmul.f32 v2, v5;
	[tilespmem:s3+$0x1890] =	vst v3;
	v7 =	vmov v61;
	v43 =	vld.idx.msk [tilespmem:v0+s26+$0x0], $0xffff;
	v0 =	vmul.f32 v8, v14  }
0x4dd: {  	v31 =	vmov v10;
	v33 =	vmov v15;
	v36 =	vmov v60  }
0x4de: {  	v30 =	vmovc v56;
	v35 =	vmovc v19;
	v25 =	vmov v26;
	v26 =	vmov v58;
	v23 =	vmov v13;
	v51 =	vld [tilespmem:$0x1FC90]  }
0x4df: {  	v22 =	vmovc v14;
	v21 =	vmovc v48;
	v19 =	vmov v7;
	v52 =	vmov v24;
	v54 =	vmov v27;
	v20 =	vld [tilespmem:$0x1FC40]  }
.LBB2_51:
0x4e0: {  	v1 =	vadd.f32 v45, v44;
	v3 =	vmul.f32 v38, v18;
	v7 =	vmul.f32 v39, v11  }
0x4e1: {  	v8 =	vmul.f32 v37, v18;
	v9 =	vmul.f32 v40, v11  }
0x4e2: {  	v1 =	vadd.f32 v1, v57  }
0x4e3: {  	v48 =	vadd.f32 v7, v3;
	v7 =	vadd.f32 v9, v8;
	_ =	sdelay $0x1  }
0x4e4: {  	v56 =	vld [tilespmem:s3+$0x1870];
	[tilespmem:s3+$0xFFFFFFE0] =	vst v1;
	v1 =	vmul.f32 v48, v4;
	v7 =	vmul.f32 v7, v5  }
0x4e5: {  	v0 =	vadd.f32 v0, v46;
	v12 =	vld [tilespmem:s3+$0x1880]  }
0x4e6: {  	v10 =	vld [tilespmem:$0x1FC80];
	v1 =	vadd.f32 v7, v1  }
0x4e7: {  	v2 =	vmul.f32 v42, v4;
	v0 =	vmul.f32 v0, v5;
	v3 =	vld.idx.msk [tilespmem:v29+s26+$0x0], $0xffff  }
0x4e8: {  	v49 =	vld.idx.msk [tilespmem:v17+s26+$0x0], $0xffff;
	v1 =	vadd.f32 v1, v53  }
0x4e9: {  	v0 =	vadd.f32 v0, v2;
	v50 =	vld.idx.msk [tilespmem:v28+s26+$0x0], $0xffff  }
0x4ea: {  	v55 =	vld.idx.msk [tilespmem:v16+s26+$0x0], $0xffff;
	[tilespmem:s17+$0x0] =	vst v1  }
0x4eb: {  	v0 =	vadd.f32 v0, v10;
	v14 =	vld.idx.msk [tilespmem:v26+s26+$0x0], $0xffff  }
0x4ec: {  	v15 =	vld.idx.msk [tilespmem:v21+s26+$0x0], $0xffff  }
0x4ed: {  	v6 =	vld.idx.msk [tilespmem:v6+s26+$0x0], $0xffff;
	[tilespmem:s17+$0xFFFFFFF0] =	vst v0  }
0x4ee: {  	v0 =	vld.idx.msk [tilespmem:v36+s26+$0x0], $0xffff  }
0x4ef: {  	v3 =	vmul.f32 v3, v31;
	v8 =	vmul.f32 v49, v33;
	v7 =	vld.idx.msk [tilespmem:v30+s26+$0x0], $0xffff  }
0x4f0: {  	v13 =	vld.idx.msk [tilespmem:v35+s26+$0x0], $0xffff  }
0x4f1: {  	v16 =	vmul.f32 @p2 v43, v63;
	v3 =	vadd.f32 v8, v3;
	v57 =	vld.idx.msk [tilespmem:v25+s26+$0x0], $0xffff  }
0x4f2: {  	v17 =	vmul.f32 @p2 v34, v62;
	v2 =	vmul.f32 v50, v31;
	v59 =	vld.idx.msk [tilespmem:v19+s26+$0x0], $0xffff  }
0x4f3: {  	v58 =	vmul.f32 v55, v33;
	v3 =	vmul.f32 v3, v4  }
0x4f4: {  	v60 =	vmul.f32 v14, v18;
	v61 =	vmul.f32 v15, v11  }
0x4f5: {  	v0 =	vmul.f32 v0, v23;
	v7 =	vmul.f32 v7, v22  }
0x4f6: {  	v2 =	vadd.f32 v58, v2;
	v13 =	vmul.f32 v13, v23;
	v1 =	vmul.f32 v57, v22  }
0x4f7: {  	v62 =	vld [tilespmem:s3+$0x1860];
	v16 =	vadd.f32 @p2 v17, v16;
	v6 =	vmul.f32 v6, v18;
	v9 =	vmul.f32 v59, v11  }
0x4f8: {  	v2 =	vmul.f32 v2, v5;
	v0 =	vadd.f32 v7, v0;
	v1 =	vadd.f32 v1, v13  }
0x4f9: {  	v8 =	vadd.f32 v61, v60;
	v6 =	vadd.f32 v9, v6;
	v7 =	vmul.f32 @p2 v16, v5  }
0x4fa: {  	v2 =	vadd.f32 v2, v3;
	v0 =	vmul.f32 v0, v4;
	v1 =	vmul.f32 v1, v5  }
0x4fb: {  	v6 =	vmul.f32 v6, v5;
	v3 =	vadd.f32 @p2 v7, v32;
	v7 =	vmul.f32 v8, v4  }
0x4fc: {  	v2 =	vadd.f32 v2, v62;
	v0 =	vadd.f32 v1, v0  }
0x4fd: {  	[tilespmem:s16+$0x1870] =	vst @p2 v47;
	v1 =	vadd.f32 @p2 v3, v20;
	v3 =	vadd.f32 v6, v7  }
0x4fe: {  	[tilespmem:s17+$0x1860] =	vst v2;
	v0 =	vadd.f32 v0, v56  }
0x4ff: {  	[tilespmem:s16+$0x1880] =	vst @p2 v1;
	v63 =	vadd.f32 v3, v12  }
0x500: {  	[tilespmem:s17+$0x1870] =	vst v0  }
0x501: {  	[tilespmem:s17+$0x1880] =	vst v63  }
.LBB2_18:
.Ltmp33:
0x502: {  	(pc) =	sbr.rel @p1 .LBB2_20-.Ltmp33, $3  }
0x503: {  	_ =	sdelay $0x1  }
0x504: {  	s1 =	smov.u32 s14;
	s3 =	smov.u32 s13  }
0x505: {  	s15 =	smov.u32 s12;
	s16 =	smov.u32 s11;
	s17 =	smov.u32 s5  }
.LBB2_19:
0x506: {  	v0 =	vld [tilespmem:s1+$0x0];
	_ =	sdelay $0x4  }
0x507: {  	vm0 =	vgt.s32 v0, $0x0  }
0x508: {  	v1 =	vadd.s32 $0x1, v0;
	v0 =	vnsel vm0, $0x0, v0  }
0x509: {  	vm15 =	vlt.s32 v1, $0x3F;
	v2 =	vadd.s32 v52, v0  }
0x50a: {  	v1 =	vnsel vm15, $0x3F, v1;
	v0 =	vadd.s32 v54, v0  }
0x50b: {  	v3 =	vadd.s32 v52, v1  }
0x50c: {  	v6 =	vld [tilespmem:s15+$0x0];
	v1 =	vadd.s32 v54, v1  }
0x50d: {  	v7 =	vld [tilespmem:s16+$0x0]  }
0x50e: {  	v8 =	vld.idx.msk [tilespmem:v2+s26+$0x0], $0xffff  }
0x50f: {  	v10 =	vld.idx.msk [tilespmem:v0+s26+$0x0], $0xffff  }
0x510: {  	v9 =	vld.idx.msk [tilespmem:v3+s26+$0x0], $0xffff  }
0x511: {  	v11 =	vld.idx.msk [tilespmem:v1+s26+$0x0], $0xffff;
	_ =	sdelay $0x3  }
0x512: {  	v8 =	vmul.f32 v8, v6;
	v10 =	vmul.f32 v10, v6  }
0x513: {  	v9 =	vmul.f32 v9, v7;
	v11 =	vmul.f32 v11, v7;
	_ =	sdelay $0x1  }
0x514: {  	v8 =	vadd.f32 v9, v8;
	v53 =	vadd.f32 v11, v10  }
0x515: {  	v55 =	vld [tilespmem:s3+$0xFFFFE780]  }
0x516: {  	v8 =	vmul.f32 v8, v4;
	v9 =	vmul.f32 v53, v5;
	_ =	sdelay $0x1  }
0x517: {  	v56 =	vadd.s32 $0x1000, v2;
	v8 =	vadd.f32 v9, v8  }
0x518: {  	v57 =	vadd.s32 $0x1000, v3  }
0x519: {  	v58 =	vadd.s32 $0x1000, v0;
	v8 =	vadd.f32 v8, v55  }
0x51a: {  	v12 =	vadd.s32 $0x1000, v1  }
0x51b: {  	[tilespmem:s3+$0xFFFFE780] =	vst v8  }
0x51c: {  	v8 =	vld.idx.msk [tilespmem:v56+s26+$0x0], $0xffff  }
0x51d: {  	v59 =	vld.idx.msk [tilespmem:v57+s26+$0x0], $0xffff  }
0x51e: {  	v10 =	vld.idx.msk [tilespmem:v58+s26+$0x0], $0xffff  }
0x51f: {  	v60 =	vld.idx.msk [tilespmem:v12+s26+$0x0], $0xffff;
	_ =	sdelay $0x3  }
0x520: {  	v8 =	vmul.f32 v8, v6;
	v9 =	vmul.f32 v59, v7  }
0x521: {  	v10 =	vmul.f32 v10, v6;
	v11 =	vmul.f32 v60, v7;
	_ =	sdelay $0x1  }
0x522: {  	v8 =	vadd.f32 v9, v8;
	v61 =	vadd.f32 v11, v10  }
0x523: {  	v62 =	vld [tilespmem:s3+$0x0]  }
0x524: {  	v8 =	vmul.f32 v8, v4;
	v9 =	vmul.f32 v61, v5;
	_ =	sdelay $0x1  }
0x525: {  	v2 =	vadd.s32 $0x2000, v2;
	v8 =	vadd.f32 v9, v8  }
0x526: {  	v3 =	vadd.s32 $0x2000, v3  }
0x527: {  	v0 =	vadd.s32 $0x2000, v0;
	v8 =	vadd.f32 v8, v62  }
0x528: {  	v1 =	vadd.s32 $0x2000, v1  }
0x529: {  	[tilespmem:s3+$0x0] =	vst v8  }
0x52a: {  	v2 =	vld.idx.msk [tilespmem:v2+s26+$0x0], $0xffff  }
0x52b: {  	v3 =	vld.idx.msk [tilespmem:v3+s26+$0x0], $0xffff  }
0x52c: {  	v0 =	vld.idx.msk [tilespmem:v0+s26+$0x0], $0xffff  }
0x52d: {  	v1 =	vld.idx.msk [tilespmem:v1+s26+$0x0], $0xffff;
	_ =	sdelay $0x3  }
0x52e: {  	v2 =	vmul.f32 v2, v6;
	v3 =	vmul.f32 v3, v7  }
0x52f: {  	v0 =	vmul.f32 v0, v6;
	v1 =	vmul.f32 v1, v7;
	_ =	sdelay $0x1  }
0x530: {  	v2 =	vadd.f32 v3, v2;
	v0 =	vadd.f32 v1, v0  }
0x531: {  	v63 =	vld [tilespmem:s3+$0x1880]  }
0x532: {  	v2 =	vmul.f32 v2, v4;
	v0 =	vmul.f32 v0, v5  }
0x533: {  	p2 =	sne.s32 s17, $0x1  }
.Ltmp34:
0x534: {  	v0 =	vadd.f32 v0, v2;
	(pc) =	sbr.rel @p2 .LBB2_19-.Ltmp34, $4  }
0x535: {  	_ = 	snop  }
0x536: {  	v0 =	vadd.f32 v0, v63  }
0x537: {  	s16 =	sadd.s32 $0x10, s16;
	s15 =	sadd.s32 $0x10, s15  }
0x538: {  	s1 =	sadd.s32 $0x10, s1;
	s17 =	sadd.s32 $0xFFFFFFFF, s17;
	[tilespmem:s3+$0x1880] =	vst v0;
	s3 =	sadd.s32 $0x10, s3  }
.Ltmp35:
0x539: {  	_ = 	snop;
	(pc) =	sbr.rel .LBB2_20-.Ltmp35, $1  }
0x53a: {  	_ =	sdelay $0x3  }
.LBB2_46:
.Ltmp36:
0x53b: {  	(pc) =	sbr.rel .LBB2_51-.Ltmp36, $2  }
0x53c: {  	_ =	sdelay $0x2  }
0x53d: {  	v18 =	vmov v1;
	v11 =	vmov v2;
	s3 =	smov.u32 s7;
	s17 =	smov.u32 s7  }
.LBB2_48:
.Ltmp37:
0x53e: {  	(pc) =	sbr.rel .LBB2_51-.Ltmp37, $4  }
0x53f: {  	_ = 	snop  }
0x540: {  	v31 =	vmov v10;
	v33 =	vmov v15;
	v36 =	vmov v60  }
0x541: {  	v30 =	vmovc v56;
	v35 =	vmovc v19;
	v25 =	vmov v26;
	v26 =	vmov v58;
	v23 =	vmov v13;
	v51 =	vld [tilespmem:$0x1FC90]  }
0x542: {  	s16 =	smov.u32 s7;
	s17 =	smov.u32 s3;
	v22 =	vmovc v14;
	v21 =	vmovc v48;
	v19 =	vmov v7;
	v52 =	vmov v24;
	v54 =	vmov v27;
	v20 =	vld [tilespmem:$0x1FC40]  }
.LBB2_21:
0x543: {  	s0 =	simm.s32 $0x2  }
0x544: {  	_ =	swait.ge [sflag:s0], $0x3000  }
0x545: {  	[sflag:s0] =	ssyncset.done $0x0  }
0x546: {  	[sflag:s0] =	ssyncadd.s32 $0xFFFFD000  }
0x547: {  	v1 =	vld [tilespmem:$0xA9F0];
	_ =	sdelay $0x3  }
0x548: {  	v0 =	vld [tilespmem:$0xABF0]  }
0x549: {  	(v2sf) =	vpush v1, $0x0  }
0x54a: {  	(v2sf) =	vpush v1, $0x1  }
0x54b: {  	(v2sf) =	vpush v1, $0x2  }
0x54c: {  	(v2sf) =	vpush v1, $0x3  }
0x54d: {  	(v2sf) =	vpush v0, $0x0;
	_ =	sdelay $0xa  }
0x54e: {  	s5 =	rddreg [dreg:$0x5];
	s0 =	spop (v2sf)  }
0x54f: {  	s9 =	rddreg [dreg:$0x10];
	s2 =	spop (v2sf);
	p0 =	sgt.s32 s0, s5  }
0x550: {  	s8 =	spop (v2sf);
	s5 =	smov.u32 @p0 s0;
	p0 =	slt.s32 s2, s9  }
0x551: {  	s1 =	spop (v2sf);
	s9 =	smov.u32 @p0 s2  }
0x552: {  	s0 =	spop (v2sf);
	p0 =	sge.s32 s5, s9  }
0x553: {  	p1 =	slt.f32 @!p0 s0, $0.0e+00;
	p2 =	sgt.f32 @!p0 s0, $0.0e+00  }
0x554: {  	_ = 	snop  }
0x555: {  	p1 =	por @!p0 p2, p1  }
0x556: {  	p1 =	por @!p0 !p1, !p1  }
0x557: {  	p0 =	por p0, p1  }
.Ltmp38:
0x558: {  	_ = 	snop;
	(pc) =	sbr.rel @p0 .LBB2_27-.Ltmp38, $1  }
0x559: {  	_ =	sdelay $0x3  }
0x55a: {  	s0 =	ssub.s32 s1, s8;
	s3 =	rddreg [dreg:$0x17]  }
0x55b: {  	s10 =	sshll.u32 s8, $0x6;
	s2 =	sshra.s32 s0, $0x1F;
	s3 =	sadd.s32 s5, s3  }
0x55c: {  	s25 =	sshra.s32 s10, $0x2;
	s2 =	sshrl.u32 s2, $0x1E;
	s3 =	smul.u32 $0x380, s3  }
0x55d: {  	s31 =	sshll.u32 s1, $0x6;
	s11 =	sadd.s32 $0x3750, s25;
	s2 =	sadd.s32 s2, s0  }
0x55e: {  	s2 =	sand.u32 $0xFFFFFFFC, s2;
	s7 =	sadd.s32 s10, s3;
	s10 =	sadd.s32 $0x5350, s25  }
0x55f: {  	s3 =	sadd.s32 s31, s3;
	s4 =	ssub.s32 s0, s2;
	s6 =	sadd.s32 s8, s2  }
.Ltmp39:
0x560: {  	s24 =	sshra.s32 s7, $0x2;
	s12 =	sshll.u32 s4, $0x6;
	(pc) =	sbr.rel .LBB2_23-.Ltmp39, $4  }
0x561: {  	s7 =	sadd.s32 $0x16E20, s24;
	p0 =	sge.s32 s8, s6;
	s2 =	ssub.s32 s31, s12  }
0x562: {  	v19 =	vbroadcast v0, $0x0;
	p1 =	sge.s32 s6, s1;
	s3 =	ssub.s32 s3, s12;
	s14 =	sshra.s32 s2, $0x2  }
0x563: {  	s12 =	sadd.s32 $0x1B50, s25;
	s3 =	sshra.s32 s3, $0x2;
	s2 =	sadd.s32 $0x5320, s14  }
0x564: {  	[tilespmem:$0x1FB50] =	vst v19;
	s0 =	sadd.s32 $0x3720, s14;
	s13 =	sadd.s32 $0x16E00, s3;
	s14 =	sadd.s32 $0x1B20, s14  }
.LBB2_26:
0x565: {  	s5 =	sadd.s32 $0x1, s5  }
0x566: {  	p2 =	sne.s32 s5, s9  }
.Ltmp40:
0x567: {  	_ = 	snop;
	(pc) =	sbr.rel @!p2 .LBB2_27-.Ltmp40, $2  }
0x568: {  	_ =	sdelay $0x2  }
0x569: {  	s7 =	sadd.s32 $0xE0, s7;
	s13 =	sadd.s32 $0xE0, s13  }
.LBB2_23:
0x56a: {  	s1 =	sadd.s32 $0x1B20, s5  }
0x56b: {  	v0 =	vmov s1;
	_ =	sdelay $0x4  }
0x56c: {  	v1 =	vld.idx.msk [tilespmem:v0+s28+$0x0], $0xffff  }
0x56d: {  	v4 =	vld.idx.msk [tilespmem:v0+s29+$0x0], $0xffff  }
0x56e: {  	v0 =	vld.idx.msk [tilespmem:v0+s30+$0x0], $0xffff  }
.Ltmp41:
0x56f: {  	_ = 	snop;
	(pc) =	sbr.rel @p0 .LBB2_24-.Ltmp41, $4  }
0x570: {  	_ = 	snop  }
0x571: {  	v3 =	vadd.s32 $0x40, v1  }
0x572: {  	vm0 =	vgt.s32 v1, $0x0;
	v53 =	vmul.f32 v4, v19;
	vm15 =	vlt.s32 v3, $0xFC0  }
0x573: {  	v5 =	vmul.f32 v0, v19;
	v63 =	vnsel vm0, $0x0, v1;
	v62 =	vnsel vm15, $0xFC0, v3  }
0x574: {  	v0 =	vld [tilespmem:s12+$0x0];
	_ =	sdelay $0x4  }
0x575: {  	vm0 =	vgt.s32 v0, $0x0  }
0x576: {  	v1 =	vnsel vm0, $0x0, v0  }
0x577: {  	v0 =	vadd.s32 $0x1, v0;
	v9 =	vadd.s32 v63, v1  }
0x578: {  	vm10 =	vlt.s32 v0, $0x3F;
	v10 =	vadd.s32 v62, v1;
	v6 =	vadd.s32 $0x3000, v9  }
0x579: {  	v0 =	vnsel vm10, $0x3F, v0;
	v1 =	vadd.s32 $0x3000, v10  }
0x57a: {  	v12 =	vld [tilespmem:s12+$0xFFFFFFE0];
	v11 =	vadd.s32 v63, v0  }
0x57b: {  	v14 =	vld [tilespmem:s12+$0xFFFFFFD0];
	v13 =	vadd.s32 v62, v0;
	v7 =	vadd.s32 $0x3000, v11  }
0x57c: {  	v0 =	vld [tilespmem:s11+$0x0];
	v8 =	vadd.s32 $0x3000, v13  }
0x57d: {  	v6 =	vld.idx.msk [tilespmem:v6+s26+$0x0], $0xffff  }
0x57e: {  	v15 =	vld.idx.msk [tilespmem:v1+s26+$0x0], $0xffff  }
0x57f: {  	v1 =	vld [tilespmem:s10+$0x0]  }
0x580: {  	v7 =	vld.idx.msk [tilespmem:v7+s26+$0x0], $0xffff  }
0x581: {  	v8 =	vld.idx.msk [tilespmem:v8+s26+$0x0], $0xffff;
	_ =	sdelay $0x2  }
0x582: {  	v16 =	vadd.s32 $0x1, v14;
	vm13 =	vgt.s32 v14, $0x0  }
0x583: {  	vm14 =	vgt.s32 v12, $0x0;
	v20 =	vmul.f32 v6, v0;
	v15 =	vmul.f32 v15, v0  }
0x584: {  	v18 =	vld [tilespmem:s12+$0xFFFFFFF0];
	v14 =	vnsel vm13, $0x0, v14;
	v7 =	vmul.f32 v7, v1;
	v21 =	vmul.f32 v8, v1  }
0x585: {  	v23 =	vld [tilespmem:s10+$0xFFFFFFD0];
	v17 =	vadd.s32 $0x1, v12;
	v12 =	vnsel vm14, $0x0, v12;
	v34 =	vadd.s32 v63, v14  }
0x586: {  	v2 =	vld [tilespmem:s11+$0xFFFFFFE0];
	v14 =	vadd.s32 v62, v14;
	v7 =	vadd.f32 v7, v20;
	v15 =	vadd.f32 v21, v15  }
0x587: {  	v25 =	vld [tilespmem:s7+$0xFFFFE790];
	v37 =	vadd.s32 v63, v12;
	v39 =	vadd.s32 v62, v12;
	v36 =	vadd.s32 $0x3000, v14  }
0x588: {  	v22 =	vld [tilespmem:s11+$0xFFFFFFF0];
	v12 =	vadd.s32 $0x3000, v37;
	v28 =	vmul.f32 v7, v53;
	v15 =	vmul.f32 v15, v5  }
0x589: {  	v58 =	vld [tilespmem:s10+$0xFFFFFFF0]  }
0x58a: {  	v54 =	vld [tilespmem:s7+$0x10];
	v15 =	vadd.f32 v15, v28;
	v28 =	vadd.s32 $0x4000, v9  }
0x58b: {  	v55 =	vld [tilespmem:s7+$0xFFFFE760];
	vm11 =	vlt.s32 v16, $0x3F;
	v31 =	vadd.s32 $0x4000, v11  }
0x58c: {  	v16 =	vnsel vm11, $0x3F, v16;
	v33 =	vadd.s32 $0x4000, v13;
	v36 =	vld.idx.msk [tilespmem:v36+s26+$0x0], $0xffff;
	v15 =	vadd.f32 v15, v25  }
0x58d: {  	v30 =	vadd.s32 $0x1, v18;
	v24 =	vadd.s32 v63, v16;
	v12 =	vld.idx.msk [tilespmem:v12+s26+$0x0], $0xffff;
	v25 =	vadd.s32 $0x4000, v10  }
0x58e: {  	vm15 =	vgt.s32 v18, $0x0;
	v6 =	vld [tilespmem:s11+$0xFFFFFFD0];
	v8 =	vadd.s32 v62, v16;
	v16 =	vadd.s32 $0x3000, v24;
	[tilespmem:s7+$0xFFFFE790] =	vst v15  }
0x58f: {  	vm1 =	vlt.s32 v17, $0x3F;
	vm12 =	vlt.s32 v30, $0x3F;
	v21 =	vadd.s32 $0x3000, v8;
	v28 =	vld.idx.msk [tilespmem:v28+s26+$0x0], $0xffff  }
0x590: {  	v18 =	vnsel vm15, $0x0, v18;
	v17 =	vnsel vm1, $0x3F, v17;
	v15 =	vadd.s32 $0x3000, v34;
	v31 =	vld.idx.msk [tilespmem:v31+s26+$0x0], $0xffff  }
0x591: {  	v30 =	vnsel vm12, $0x3F, v30;
	v26 =	vadd.s32 v63, v17;
	v41 =	vadd.s32 $0x3000, v39;
	v33 =	vld.idx.msk [tilespmem:v33+s26+$0x0], $0xffff  }
0x592: {  	v40 =	vadd.s32 v63, v18;
	v17 =	vadd.s32 v62, v17;
	v27 =	vadd.s32 $0x3000, v26;
	v25 =	vld.idx.msk [tilespmem:v25+s26+$0x0], $0xffff  }
0x593: {  	v42 =	vadd.s32 v62, v18;
	v32 =	vadd.s32 v63, v30;
	v29 =	vadd.s32 $0x3000, v17;
	v16 =	vld.idx.msk [tilespmem:v16+s26+$0x0], $0xffff  }
0x594: {  	v30 =	vadd.s32 v62, v30;
	v18 =	vadd.s32 $0x3000, v40;
	v43 =	vadd.s32 $0x3000, v42;
	v21 =	vld.idx.msk [tilespmem:v21+s26+$0x0], $0xffff  }
0x595: {  	v48 =	vadd.s32 $0x4000, v34;
	v56 =	vadd.s32 $0x5000, v10;
	v51 =	vadd.s32 $0x4000, v14;
	v15 =	vld.idx.msk [tilespmem:v15+s26+$0x0], $0xffff  }
0x596: {  	v57 =	vadd.s32 $0x4000, v37;
	v41 =	vld.idx.msk [tilespmem:v41+s26+$0x0], $0xffff;
	v28 =	vmul.f32 v28, v0;
	v31 =	vmul.f32 v31, v1  }
0x597: {  	v35 =	vadd.s32 $0x3000, v32;
	v27 =	vld.idx.msk [tilespmem:v27+s26+$0x0], $0xffff;
	v33 =	vmul.f32 v33, v1;
	v25 =	vmul.f32 v25, v0  }
0x598: {  	v3 =	vadd.s32 $0x4000, v39;
	v38 =	vadd.s32 $0x3000, v30;
	v29 =	vld.idx.msk [tilespmem:v29+s26+$0x0], $0xffff;
	v52 =	vmul.f32 v36, v6  }
0x599: {  	v20 =	vld [tilespmem:s10+$0xFFFFFFE0];
	v16 =	vmul.f32 v16, v23;
	v28 =	vadd.f32 v31, v28;
	v25 =	vadd.f32 v33, v25  }
0x59a: {  	v49 =	vld [tilespmem:s7+$0xFFFFE770];
	v59 =	vadd.s32 $0x4000, v40;
	v21 =	vmul.f32 v21, v23;
	v15 =	vmul.f32 v15, v6  }
0x59b: {  	v44 =	vadd.s32 $0x4000, v24;
	v18 =	vld.idx.msk [tilespmem:v18+s26+$0x0], $0xffff;
	v28 =	vmul.f32 v28, v53;
	v25 =	vmul.f32 v25, v5  }
0x59c: {  	v35 =	vld.idx.msk [tilespmem:v35+s26+$0x0], $0xffff;
	v12 =	vmul.f32 v12, v2;
	v41 =	vmul.f32 v41, v2;
	v33 =	vadd.f32 v21, v52  }
0x59d: {  	v38 =	vld.idx.msk [tilespmem:v38+s26+$0x0], $0xffff;
	v9 =	vadd.s32 $0x5000, v9;
	v15 =	vadd.f32 v16, v15;
	v25 =	vadd.f32 v25, v28  }
0x59e: {  	v11 =	vadd.s32 $0x5000, v11;
	v7 =	vld [tilespmem:s7+$0xFFFFFFE0];
	v27 =	vmul.f32 v27, v20;
	v29 =	vmul.f32 v29, v20  }
0x59f: {  	v16 =	vld.idx.msk [tilespmem:v43+s26+$0x0], $0xffff;
	v33 =	vmul.f32 v33, v5;
	v15 =	vmul.f32 v15, v53;
	v25 =	vadd.f32 v25, v54  }
0x5a0: {  	v46 =	vadd.s32 $0x4000, v26;
	v13 =	vadd.s32 $0x5000, v13;
	v10 =	vld [tilespmem:s7+$0x0];
	v27 =	vadd.f32 v27, v12  }
0x5a1: {  	v47 =	vadd.s32 $0x4000, v17;
	v29 =	vadd.f32 v29, v41;
	v28 =	vld [tilespmem:s7+$0xFFFFE780];
	v15 =	vadd.f32 v33, v15;
	[tilespmem:s7+$0x10] =	vst v25  }
0x5a2: {  	v50 =	vadd.s32 $0x4000, v30;
	v18 =	vmul.f32 v18, v22;
	v35 =	vmul.f32 v35, v58;
	v9 =	vld.idx.msk [tilespmem:v9+s26+$0x0], $0xffff  }
0x5a3: {  	v25 =	vmul.f32 v27, v53;
	v27 =	vmul.f32 v29, v5;
	v15 =	vadd.f32 v15, v55;
	v11 =	vld.idx.msk [tilespmem:v11+s26+$0x0], $0xffff  }
0x5a4: {  	v38 =	vmul.f32 v38, v58;
	v4 =	vadd.s32 $0x4000, v8;
	v16 =	vmul.f32 v16, v22;
	v36 =	vld.idx.msk [tilespmem:v56+s26+$0x0], $0xffff  }
0x5a5: {  	v34 =	vadd.s32 $0x5000, v34;
	v31 =	vadd.s32 $0x4000, v32;
	v13 =	vld.idx.msk [tilespmem:v13+s26+$0x0], $0xffff;
	v60 =	vadd.f32 v27, v25;
	[tilespmem:s7+$0xFFFFE760] =	vst v15  }
0x5a6: {  	v16 =	vadd.f32 v38, v16;
	v25 =	vadd.s32 $0x5000, v24;
	v15 =	vadd.f32 v35, v18;
	v24 =	vld.idx.msk [tilespmem:v48+s26+$0x0], $0xffff  }
0x5a7: {  	v52 =	vadd.s32 $0x4000, v42;
	v55 =	vadd.s32 $0x5000, v8;
	v61 =	vld.idx.msk [tilespmem:v44+s26+$0x0], $0xffff;
	v8 =	vadd.f32 v60, v49  }
0x5a8: {  	v38 =	vadd.s32 $0x5000, v17;
	v16 =	vmul.f32 v16, v5;
	v17 =	vld.idx.msk [tilespmem:v51+s26+$0x0], $0xffff;
	v15 =	vmul.f32 v15, v53  }
0x5a9: {  	v29 =	vadd.s32 $0x5000, v30;
	v30 =	vadd.s32 $0x5000, v14;
	v27 =	vadd.s32 $0x5000, v26;
	[tilespmem:s7+$0xFFFFE770] =	vst v8;
	v8 =	vld.idx.msk [tilespmem:v4+s26+$0x0], $0xffff  }
0x5aa: {  	v15 =	vadd.f32 v16, v15;
	v9 =	vmul.f32 v9, v0;
	v11 =	vmul.f32 v11, v1;
	v16 =	vld.idx.msk [tilespmem:v57+s26+$0x0], $0xffff  }
0x5ab: {  	v26 =	vadd.s32 $0x5000, v32;
	v0 =	vmul.f32 v36, v0;
	v1 =	vmul.f32 v13, v1;
	v14 =	vld.idx.msk [tilespmem:v46+s26+$0x0], $0xffff  }
0x5ac: {  	v32 =	vadd.s32 $0x5000, v42;
	v13 =	vadd.f32 v15, v28;
	v15 =	vld.idx.msk [tilespmem:v3+s26+$0x0], $0xffff;
	v9 =	vadd.f32 v11, v9  }
0x5ad: {  	s17 =	sadd.s32 $0x4, s8;
	v11 =	vmul.f32 v24, v6;
	v24 =	vmul.f32 v61, v23;
	v28 =	vld.idx.msk [tilespmem:v47+s26+$0x0], $0xffff;
	v0 =	vadd.f32 v1, v0  }
0x5ae: {  	p3 =	slt.s32 s17, s6;
	v49 =	vadd.s32 $0x5000, v40;
	v17 =	vmul.f32 v17, v6;
	v3 =	vld [tilespmem:s7+$0x1890];
	v9 =	vmul.f32 v9, v53  }
.Ltmp42:
0x5af: {  	v12 =	vld [tilespmem:s7+$0xFFFFFFF0];
	[tilespmem:s7+$0xFFFFE780] =	vst v13;
	v0 =	vmul.f32 v0, v5;
	v11 =	vadd.f32 v24, v11;
	v8 =	vmul.f32 v8, v23;
	(pc) =	sbr.rel @!p3 .LBB2_53-.Ltmp42, $4  }
0x5b0: {  	v36 =	vadd.s32 $0x5000, v37;
	v1 =	vld.idx.msk [tilespmem:v59+s26+$0x0], $0xffff;
	v13 =	vmul.f32 v16, v2;
	v14 =	vmul.f32 v14, v20  }
0x5b1: {  	v43 =	vld.idx.msk [tilespmem:v31+s26+$0x0], $0xffff;
	v9 =	vadd.f32 v0, v9;
	v44 =	vmul.f32 v11, v53;
	v16 =	vadd.f32 v8, v17  }
0x5b2: {  	v37 =	vadd.s32 $0x5000, v39;
	v39 =	vld.idx.msk [tilespmem:v52+s26+$0x0], $0xffff;
	v0 =	vmul.f32 v15, v2;
	v8 =	vmul.f32 v28, v20  }
0x5b3: {  	s16 =	sadd.s32 $0x40, s12;
	p2 =	por $0x0, $0x0;
	v40 =	vld.idx.msk [tilespmem:v50+s26+$0x0], $0xffff;
	v51 =	vadd.f32 v14, v13;
	v28 =	vadd.f32 v9, v3;
	v42 =	vmul.f32 v16, v5  }
0x5b4: {  	v9 =	vld [tilespmem:s16+$0x0];
	_ =	sdelay $0x1  }
0x5b5: {  	v3 =	vld [tilespmem:s7+$0x1860];
	v11 =	vadd.f32 v42, v44;
	_ =	sdelay $0x1  }
0x5b6: {  	v11 =	vadd.f32 v11, v7  }
0x5b7: {  	v21 =	vld [tilespmem:s16+$0xFFFFFFF0];
	vm0 =	vgt.s32 v9, $0x0  }
0x5b8: {  	v14 =	vld [tilespmem:s16+$0xFFFFFFD0];
	[tilespmem:s7+$0xFFFFFFE0] =	vst v11;
	v13 =	vnsel vm0, $0x0, v9;
	v9 =	vadd.s32 $0x1, v9  }
0x5b9: {  	v42 =	vld [tilespmem:s16+$0xFFFFFFE0];
	[tilespmem:$0x1FAD0] =	vst v3;
	vm12 =	vlt.s32 v9, $0x3F;
	v46 =	vadd.s32 v63, v13  }
0x5ba: {  	[tilespmem:$0x1FAE0] =	vst v49;
	v44 =	vadd.s32 v62, v13;
	v9 =	vnsel vm12, $0x3F, v9;
	v11 =	vadd.s32 $0x3000, v46  }
0x5bb: {  	v49 =	vld.idx.msk [tilespmem:v34+s26+$0x0], $0xffff;
	v13 =	vadd.s32 $0x3000, v44;
	v48 =	vadd.s32 v63, v9  }
0x5bc: {  	v50 =	vld.idx.msk [tilespmem:v25+s26+$0x0], $0xffff;
	v45 =	vadd.s32 v62, v9;
	v15 =	vadd.s32 $0x3000, v48  }
0x5bd: {  	s15 =	sadd.s32 $0x40, s11;
	v47 =	vld.idx.msk [tilespmem:v30+s26+$0x0], $0xffff;
	v9 =	vadd.s32 $0x3000, v45  }
0x5be: {  	v25 =	vld [tilespmem:s15+$0x0]  }
0x5bf: {  	v11 =	vld.idx.msk [tilespmem:v11+s26+$0x0], $0xffff  }
0x5c0: {  	v0 =	vadd.f32 v8, v0;
	v8 =	vld.idx.msk [tilespmem:v13+s26+$0x0], $0xffff  }
0x5c1: {  	v30 =	vld.idx.msk [tilespmem:v15+s26+$0x0], $0xffff;
	[tilespmem:$0x1FAC0] =	vst v53  }
0x5c2: {  	s1 =	sadd.s32 $0x40, s10;
	v51 =	vmul.f32 v51, v53;
	v52 =	vmul.f32 v1, v22;
	vm3 =	vgt.s32 v14, $0x0;
	v9 =	vld.idx.msk [tilespmem:v9+s26+$0x0], $0xffff  }
0x5c3: {  	v1 =	vmovc v38;
	v43 =	vmul.f32 v43, v58;
	v41 =	vnsel vm3, $0x0, v14;
	v13 =	vadd.s32 $0x1, v14;
	v38 =	vld [tilespmem:s1+$0x0]  }
0x5c4: {  	vm13 =	vlt.s32 v13, $0x3F;
	v53 =	vmul.f32 v0, v5;
	v0 =	vadd.s32 $0x1, v42;
	v17 =	vld.idx.msk [tilespmem:v55+s26+$0x0], $0xffff  }
0x5c5: {  	v15 =	vadd.s32 $0x1, v21;
	v13 =	vnsel vm13, $0x3F, v13;
	vm1 =	vlt.s32 v0, $0x3F;
	[tilespmem:$0x1FB40] =	vst v58;
	v3 =	vld [tilespmem:$0x1FAC0]  }
0x5c6: {  	v19 =	vmovc v22;
	vm2 =	vlt.s32 v15, $0x3F;
	v18 =	vadd.s32 v63, v13;
	v22 =	vadd.s32 v62, v13;
	v14 =	vld [tilespmem:s15+$0xFFFFFFD0]  }
0x5c7: {  	v0 =	vnsel vm1, $0x3F, v0;
	v54 =	vnsel vm2, $0x3F, v15;
	v15 =	vld [tilespmem:s1+$0xFFFFFFD0];
	v55 =	vadd.s32 $0x3000, v18  }
0x5c8: {  	v13 =	vld [tilespmem:s15+$0xFFFFFFE0];
	v56 =	vadd.s32 $0x3000, v22;
	v60 =	vmul.f32 v11, v25;
	v8 =	vmul.f32 v8, v25  }
0x5c9: {  	v16 =	vld [tilespmem:s1+$0xFFFFFFE0];
	v24 =	vadd.s32 v63, v0;
	v57 =	vmul.f32 v30, v38;
	v61 =	vmul.f32 v9, v38  }
0x5ca: {  	v31 =	vadd.s32 v63, v54;
	v11 =	vld [tilespmem:s15+$0xFFFFFFF0];
	v30 =	vadd.s32 v62, v0;
	v0 =	vadd.s32 $0x3000, v24  }
0x5cb: {  	s3 =	sadd.s32 $0x40, s7;
	v33 =	vadd.s32 $0x3000, v31;
	v9 =	vld [tilespmem:s1+$0xFFFFFFF0];
	v57 =	vadd.f32 v57, v60;
	v8 =	vadd.f32 v61, v8  }
0x5cc: {  	v34 =	vadd.s32 v63, v41;
	v41 =	vadd.s32 v62, v41;
	v59 =	vadd.s32 $0x3000, v30;
	v60 =	vld [tilespmem:s3+$0xFFFFE790]  }
0x5cd: {  	v55 =	vld.idx.msk [tilespmem:v55+s26+$0x0], $0xffff;
	v61 =	vadd.s32 $0x3000, v34;
	v57 =	vmul.f32 v57, v3;
	v8 =	vmul.f32 v8, v5  }
0x5ce: {  	v56 =	vld.idx.msk [tilespmem:v56+s26+$0x0], $0xffff;
	v3 =	vadd.s32 $0x3000, v41  }
0x5cf: {  	v4 =	vmovc v58;
	v43 =	vadd.f32 v43, v52;
	v52 =	vld.idx.msk [tilespmem:v0+s26+$0x0], $0xffff;
	v0 =	vadd.f32 v8, v57;
	v8 =	vadd.s32 $0x4000, v46  }
0x5d0: {  	v39 =	vmul.f32 v39, v19;
	v40 =	vmul.f32 v40, v4;
	vm14 =	vgt.s32 v42, $0x0;
	v58 =	vld.idx.msk [tilespmem:v33+s26+$0x0], $0xffff  }
0x5d1: {  	v35 =	vnsel vm14, $0x0, v42;
	v57 =	vld.idx.msk [tilespmem:v59+s26+$0x0], $0xffff;
	v59 =	vadd.s32 $0x4000, v48;
	v42 =	vadd.f32 v0, v60  }
0x5d2: {  	v39 =	vadd.f32 v40, v39;
	v40 =	vadd.s32 v62, v35;
	v61 =	vld.idx.msk [tilespmem:v61+s26+$0x0], $0xffff;
	[tilespmem:$0x1FB30] =	vst v32;
	v60 =	vadd.s32 $0x4000, v44  }
0x5d3: {  	v51 =	vadd.f32 v53, v51;
	v53 =	vadd.s32 $0x3000, v40;
	v3 =	vld.idx.msk [tilespmem:v3+s26+$0x0], $0xffff;
	[tilespmem:s3+$0xFFFFE790] =	vst v42  }
0x5d4: {  	vm15 =	vgt.s32 v21, $0x0;
	v0 =	vadd.s32 v63, v35;
	v33 =	vld.idx.msk [tilespmem:v8+s26+$0x0], $0xffff  }
0x5d5: {  	v21 =	vnsel vm15, $0x0, v21;
	v32 =	vadd.s32 $0x3000, v0;
	v7 =	vld [tilespmem:$0x1FAC0];
	[tilespmem:$0x1FB20] =	vst v26  }
0x5d6: {  	v42 =	vadd.s32 v63, v21;
	v59 =	vld.idx.msk [tilespmem:v59+s26+$0x0], $0xffff;
	[tilespmem:$0x1FAB0] =	vst v62  }
0x5d7: {  	v35 =	vadd.s32 $0x3000, v42;
	v8 =	vadd.s32 v62, v21;
	v21 =	vld.idx.msk [tilespmem:v60+s26+$0x0], $0xffff  }
0x5d8: {  	v4 =	vadd.s32 $0x4000, v45;
	v26 =	vmul.f32 v39, v5;
	v39 =	vadd.s32 v62, v54;
	v53 =	vld.idx.msk [tilespmem:v53+s26+$0x0], $0xffff  }
0x5d9: {  	v54 =	vadd.s32 $0x3000, v8;
	v60 =	vmul.f32 v61, v14;
	v61 =	vmul.f32 v57, v16;
	v57 =	vld [tilespmem:s3+$0xFFFFE780]  }
0x5da: {  	v32 =	vld.idx.msk [tilespmem:v32+s26+$0x0], $0xffff  }
0x5db: {  	v62 =	vmul.f32 v3, v14;
	v3 =	vld [tilespmem:$0x1FAC0];
	v43 =	vmul.f32 v43, v7  }
0x5dc: {  	v55 =	vmul.f32 v55, v15;
	v7 =	vmovc v10;
	v10 =	vadd.f32 v51, v12;
	v51 =	vadd.s32 $0x3000, v39;
	v35 =	vld.idx.msk [tilespmem:v35+s26+$0x0], $0xffff  }
0x5dd: {  	v49 =	vmul.f32 v49, v6;
	v50 =	vmul.f32 v50, v23;
	v26 =	vadd.f32 v26, v43;
	v43 =	vld.idx.msk [tilespmem:v4+s26+$0x0], $0xffff  }
0x5de: {  	v55 =	vadd.f32 v55, v60;
	v60 =	vmul.f32 v52, v16;
	v33 =	vmul.f32 v33, v25;
	v52 =	vld.idx.msk [tilespmem:v54+s26+$0x0], $0xffff  }
0x5df: {  	v59 =	vmul.f32 v59, v38;
	v12 =	vadd.f32 v26, v7;
	v26 =	vmul.f32 v56, v15;
	v56 =	vld [tilespmem:s7+$0x1870]  }
0x5e0: {  	v7 =	vld [tilespmem:s3+$0xFFFFFFE0]  }
0x5e1: {  	v49 =	vadd.f32 v50, v49;
	v21 =	vmul.f32 v21, v25;
	v33 =	vadd.f32 v59, v33;
	v50 =	vld.idx.msk [tilespmem:v51+s26+$0x0], $0xffff  }
0x5e2: {  	v32 =	vmul.f32 v32, v13;
	v51 =	vld [tilespmem:s3+$0xFFFFE770];
	v43 =	vmul.f32 v43, v38  }
0x5e3: {  	v33 =	vmul.f32 v33, v3;
	v3 =	vld [tilespmem:$0x1FAC0]  }
0x5e4: {  	v32 =	vadd.f32 v60, v32;
	v60 =	vld [tilespmem:s3+$0x10];
	[tilespmem:s7+$0xFFFFFFF0] =	vst v10;
	v21 =	vadd.f32 v43, v21  }
0x5e5: {  	v46 =	vadd.s32 $0x5000, v46;
	v48 =	vadd.s32 $0x5000, v48;
	v36 =	vld.idx.msk [tilespmem:v36+s26+$0x0], $0xffff  }
0x5e6: {  	v44 =	vadd.s32 $0x5000, v44;
	v53 =	vmul.f32 v53, v13;
	v27 =	vld.idx.msk [tilespmem:v27+s26+$0x0], $0xffff;
	v21 =	vmul.f32 v21, v5  }
0x5e7: {  	v35 =	vmul.f32 v35, v11;
	v26 =	vadd.f32 v26, v62;
	v62 =	vmul.f32 v58, v9;
	v43 =	vld [tilespmem:s3+$0xFFFFE760]  }
0x5e8: {  	v53 =	vadd.f32 v61, v53;
	v55 =	vmul.f32 v55, v3;
	v3 =	vld [tilespmem:$0x1FAC0];
	v10 =	vadd.f32 v21, v33  }
0x5e9: {  	v61 =	vmul.f32 v52, v11;
	v37 =	vld.idx.msk [tilespmem:v37+s26+$0x0], $0xffff;
	v35 =	vadd.f32 v62, v35;
	v26 =	vmul.f32 v26, v5  }
0x5ea: {  	v62 =	vmul.f32 v53, v5;
	v53 =	vld [tilespmem:$0x1FAC0];
	v50 =	vmul.f32 v50, v9;
	v10 =	vadd.f32 v10, v60  }
0x5eb: {  	v45 =	vadd.s32 $0x5000, v45;
	v52 =	vld [tilespmem:s3+$0xFFFFFFF0];
	v26 =	vadd.f32 v26, v55  }
0x5ec: {  	v33 =	vadd.f32 v50, v61;
	v50 =	vld.idx.msk [tilespmem:v1+s26+$0x0], $0xffff;
	v1 =	vmul.f32 v17, v23;
	v23 =	vadd.s32 $0x4000, v34;
	[tilespmem:s3+$0x10] =	vst v10  }
0x5ed: {  	v26 =	vadd.f32 v26, v43;
	v43 =	vadd.s32 $0x4000, v18;
	v32 =	vmul.f32 v32, v3;
	v46 =	vld.idx.msk [tilespmem:v46+s26+$0x0], $0xffff  }
0x5ee: {  	v6 =	vmul.f32 v47, v6;
	v55 =	vld.idx.msk [tilespmem:v48+s26+$0x0], $0xffff  }
0x5ef: {  	v35 =	vmul.f32 v35, v53;
	v33 =	vmul.f32 v33, v5;
	v32 =	vadd.f32 v62, v32;
	v44 =	vld.idx.msk [tilespmem:v44+s26+$0x0], $0xffff  }
0x5f0: {  	v36 =	vmul.f32 v36, v2;
	v1 =	vadd.f32 v1, v6;
	[tilespmem:s3+$0xFFFFE760] =	vst v26;
	v45 =	vld.idx.msk [tilespmem:v45+s26+$0x0], $0xffff  }
0x5f1: {  	v6 =	vadd.s32 $0x4000, v41;
	v33 =	vadd.f32 v33, v35;
	v23 =	vld.idx.msk [tilespmem:v23+s26+$0x0], $0xffff;
	v32 =	vadd.f32 v32, v51  }
0x5f2: {  	v27 =	vmul.f32 v27, v20;
	v60 =	vadd.s32 $0x4000, v22;
	v20 =	vmul.f32 v50, v20;
	v50 =	vld.idx.msk [tilespmem:v43+s26+$0x0], $0xffff  }
0x5f3: {  	v54 =	vmovc v19;
	v19 =	vmul.f32 v37, v2;
	v26 =	vadd.s32 $0x4000, v0;
	v2 =	vadd.f32 v33, v57;
	v33 =	vld [tilespmem:s3+$0x0];
	[tilespmem:s3+$0xFFFFE770] =	vst v32  }
0x5f4: {  	v61 =	vadd.s32 $0x4000, v24;
	v27 =	vadd.f32 v27, v36;
	v3 =	vld [tilespmem:$0x1FAD0];
	[tilespmem:s7+$0x0] =	vst v12  }
0x5f5: {  	v62 =	vmul.f32 v49, v53;
	v1 =	vmul.f32 v1, v5;
	v19 =	vadd.f32 v20, v19;
	v4 =	vld [tilespmem:$0x1FAE0]  }
0x5f6: {  	v27 =	vmul.f32 v27, v53;
	v6 =	vld.idx.msk [tilespmem:v6+s26+$0x0], $0xffff  }
0x5f7: {  	v1 =	vadd.f32 v1, v62;
	v37 =	vld.idx.msk [tilespmem:v60+s26+$0x0], $0xffff;
	v32 =	vadd.s32 $0x4000, v30;
	v19 =	vmul.f32 v19, v5  }
0x5f8: {  	v26 =	vld.idx.msk [tilespmem:v26+s26+$0x0], $0xffff;
	v20 =	vmul.f32 v46, v25;
	v25 =	vmul.f32 v44, v25  }
0x5f9: {  	v51 =	vld.idx.msk [tilespmem:v61+s26+$0x0], $0xffff;
	v35 =	vmul.f32 v55, v38;
	v44 =	vadd.f32 v1, v3;
	v1 =	vadd.s32 $0x4000, v40  }
0x5fa: {  	v19 =	vadd.f32 v19, v27;
	v27 =	vld [tilespmem:s3+$0x1890];
	v3 =	vadd.s32 $0x4000, v42  }
0x5fb: {  	v43 =	vadd.s32 $0x4000, v31;
	v20 =	vadd.f32 v35, v20;
	v35 =	vld [tilespmem:s7+$0x1880]  }
0x5fc: {  	v55 =	vmul.f32 v37, v15;
	v37 =	vadd.s32 $0x4000, v8;
	v32 =	vld.idx.msk [tilespmem:v32+s26+$0x0], $0xffff  }
0x5fd: {  	[tilespmem:s7+$0x1890] =	vst v28;
	v57 =	vld.idx.msk [tilespmem:v4+s26+$0x0], $0xffff  }
0x5fe: {  	[tilespmem:s3+$0xFFFFE780] =	vst v2;
	v2 =	vadd.s32 $0x5000, v30;
	v62 =	vld.idx.msk [tilespmem:v1+s26+$0x0], $0xffff  }
0x5ff: {  	v38 =	vmul.f32 v45, v38;
	v1 =	vld.idx.msk [tilespmem:v3+s26+$0x0], $0xffff;
	[tilespmem:$0x1FAF0] =	vst v2  }
0x600: {  	v0 =	vadd.s32 $0x5000, v0;
	v61 =	vadd.s32 $0x4000, v39;
	v43 =	vld.idx.msk [tilespmem:v43+s26+$0x0], $0xffff  }
0x601: {  	v25 =	vadd.f32 v38, v25;
	v38 =	vadd.s32 $0x5000, v39;
	v39 =	vld.idx.msk [tilespmem:v37+s26+$0x0], $0xffff;
	[tilespmem:$0x1FB00] =	vst v0;
	v0 =	vadd.s32 $0x5000, v40  }
0x602: {  	[tilespmem:$0x1FB10] =	vst v0  }
0x603: {  	[tilespmem:s7+$0x1860] =	vst v44  }
0x604: {  	v2 =	vld [tilespmem:$0x1FB20];
	_ =	sdelay $0x5  }
0x605: {  	v4 =	vadd.f32 v19, v56;
	_ =	sdelay $0x1  }
0x606: {  	v30 =	vadd.s32 $0x5000, v41;
	[tilespmem:s7+$0x1870] =	vst v4;
	v41 =	vld.idx.msk [tilespmem:v2+s26+$0x0], $0xffff  }
0x607: {  	v2 =	vld [tilespmem:$0x1FB30]  }
0x608: {  	v58 =	vmovc v9;
	v9 =	vadd.s32 $0x5000, v31;
	v34 =	vadd.s32 $0x5000, v34;
	v23 =	vmul.f32 v23, v14  }
0x609: {  	s18 =	sadd.s32 $0x4, s17;
	v49 =	vadd.s32 $0x5000, v42;
	v36 =	vmul.f32 v50, v15;
	v6 =	vmul.f32 v6, v14  }
0x60a: {  	p3 =	slt.s32 s18, s6;
	v50 =	vadd.s32 $0x5000, v8;
	v20 =	vmul.f32 v20, v53;
	v25 =	vmul.f32 v25, v5  }
.Ltmp43:
0x60b: {  	v26 =	vmul.f32 v26, v13;
	v60 =	vmul.f32 v51, v16;
	v6 =	vadd.f32 v55, v6;
	(pc) =	sbr.rel @!p3 .LBB2_55-.Ltmp43, $4  }
0x60c: {  	v23 =	vadd.f32 v36, v23;
	v55 =	vadd.s32 $0x5000, v22;
	v19 =	vadd.f32 v25, v20  }
0x60d: {  	v51 =	vadd.f32 v60, v26;
	v42 =	vmul.f32 v6, v5;
	v25 =	vadd.s32 $0x5000, v18;
	v40 =	vld.idx.msk [tilespmem:v61+s26+$0x0], $0xffff  }
0x60e: {  	s19 =	sadd.s32 $0x40, s16;
	v8 =	vmul.f32 v32, v16;
	v28 =	vadd.f32 v19, v27;
	v44 =	vmul.f32 v23, v53;
	v21 =	vld [tilespmem:$0x1FB40]  }
0x60f: {  	p2 =	por $0x1, $0x1;
	s17 =	smov.u32 s7;
	s16 =	smov.u32 s3;
	v59 =	vmovc v11;
	v27 =	vadd.s32 $0x5000, v24;
	v24 =	vmul.f32 v57, v54;
	v0 =	vmul.f32 v62, v13;
	v22 =	vld.idx.msk [tilespmem:v2+s26+$0x0], $0xffff  }
.LBB2_56:
0x610: {  	_ =	sdelay $0x2  }
0x611: {  	v0 =	vadd.f32 v8, v0;
	_ =	sdelay $0x1  }
0x612: {  	v23 =	vmul.f32 v51, v53;
	v0 =	vmul.f32 v0, v5  }
0x613: {  	v6 =	vld [tilespmem:s19+$0x0];
	[tilespmem:s3+$0x1890] =	vst v28;
	v28 =	vadd.f32 v42, v44  }
0x614: {  	v3 =	vmov v49;
	v49 =	vadd.f32 v0, v23;
	v0 =	vld.idx.msk [tilespmem:v29+s26+$0x0], $0xffff  }
0x615: {  	v2 =	vmov v50;
	v28 =	vadd.f32 v28, v7  }
0x616: {  	[tilespmem:$0x1FA80] =	vst v2;
	v2 =	vmul.f32 v41, v21  }
0x617: {  	v57 =	vld [tilespmem:s19+$0xFFFFFFD0];
	[tilespmem:s3+$0xFFFFFFE0] =	vst v28  }
0x618: {  	[tilespmem:$0x1F940] =	vst v2;
	v2 =	vld.idx.msk [tilespmem:v30+s26+$0x0], $0xffff  }
0x619: {  	[tilespmem:$0x1F9A0] =	vst v0;
	v0 =	vmov v38  }
0x61a: {  	[tilespmem:$0x1F9D0] =	vst v0;
	v0 =	vld [tilespmem:s3+$0x1860]  }
0x61b: {  	v37 =	vld [tilespmem:s19+$0xFFFFFFF0]  }
0x61c: {  	[tilespmem:$0x1FA90] =	vst v58;
	v1 =	vmul.f32 v1, v59;
	v8 =	vld [tilespmem:s19+$0xFFFFFFE0];
	v32 =	vmul.f32 v43, v58  }
0x61d: {  	v36 =	vmul.f32 v39, v59;
	v58 =	vmul.f32 v40, v58;
	[tilespmem:$0x1F950] =	vst v2;
	v2 =	vld.idx.msk [tilespmem:v55+s26+$0x0], $0xffff;
	_ =	sdelay $0x1  }
0x61e: {  	v1 =	vadd.f32 v32, v1;
	v50 =	vadd.f32 v58, v36;
	vm0 =	vgt.s32 v6, $0x0;
	[tilespmem:$0x1F9F0] =	vst v0;
	v0 =	vld [tilespmem:$0x1FAB0]  }
0x61f: {  	v60 =	vadd.s32 $0x1, v37;
	v28 =	vnsel vm0, $0x0, v6;
	v6 =	vadd.s32 $0x1, v6  }
0x620: {  	vm3 =	vgt.s32 v57, $0x0;
	vm4 =	vgt.s32 v8, $0x0;
	vm14 =	vlt.s32 v6, $0x3F  }
0x621: {  	vm5 =	vgt.s32 v37, $0x0;
	v46 =	vadd.s32 v63, v28;
	v6 =	vnsel vm14, $0x3F, v6;
	[tilespmem:$0x1F970] =	vst v2;
	v2 =	vld [tilespmem:s3+$0x1870]  }
0x622: {  	s1 =	sadd.s32 $0x40, s1;
	vm2 =	vlt.s32 v60, $0x3F;
	v23 =	vld.idx.msk [tilespmem:v25+s26+$0x0], $0xffff;
	v25 =	vadd.s32 $0x3000, v46;
	v48 =	vadd.s32 v63, v6  }
0x623: {  	s15 =	sadd.s32 $0x40, s15;
	v47 =	vld [tilespmem:s1+$0xFFFFFFE0];
	v39 =	vnsel vm3, $0x0, v57;
	v18 =	vadd.s32 $0x3000, v48;
	v43 =	vadd.s32 v0, v28  }
0x624: {  	v36 =	vld [tilespmem:s15+$0x0];
	v37 =	vnsel vm5, $0x0, v37;
	v44 =	vadd.s32 v0, v6;
	v61 =	vadd.s32 $0x3000, v43  }
0x625: {  	[tilespmem:$0x1F980] =	vst v22;
	v32 =	vld.idx.msk [tilespmem:v34+s26+$0x0], $0xffff;
	v30 =	vadd.s32 $0x1, v57;
	v34 =	vnsel vm2, $0x3F, v60;
	v6 =	vadd.s32 $0x3000, v44  }
0x626: {  	v12 =	vadd.s32 v63, v39;
	v38 =	vmul.f32 v1, v53;
	v1 =	vadd.s32 $0x1, v8;
	[tilespmem:$0x1FA30] =	vst v2;
	v2 =	vld [tilespmem:s3+$0x1880]  }
0x627: {  	[tilespmem:$0x1FA10] =	vst v35;
	vm15 =	vlt.s32 v30, $0x3F;
	v7 =	vadd.s32 v63, v34;
	vm1 =	vlt.s32 v1, $0x3F;
	v25 =	vld.idx.msk [tilespmem:v25+s26+$0x0], $0xffff  }
0x628: {  	[tilespmem:$0x1F960] =	vst v3;
	v30 =	vnsel vm15, $0x3F, v30;
	v8 =	vnsel vm4, $0x0, v8;
	v1 =	vnsel vm1, $0x3F, v1;
	v18 =	vld.idx.msk [tilespmem:v18+s26+$0x0], $0xffff  }
0x629: {  	v55 =	vadd.s32 v63, v30;
	v22 =	vadd.s32 v63, v1;
	v30 =	vadd.s32 v0, v30;
	v42 =	vld.idx.msk [tilespmem:v61+s26+$0x0], $0xffff  }
0x62a: {  	v10 =	vadd.s32 v0, v1;
	v34 =	vadd.s32 v0, v34;
	v17 =	vadd.s32 v0, v8;
	v1 =	vld.idx.msk [tilespmem:v6+s26+$0x0], $0xffff  }
0x62b: {  	v35 =	vadd.s32 v0, v37;
	[tilespmem:$0x1FA60] =	vst v2;
	v2 =	vadd.s32 v0, v39;
	v39 =	vld [tilespmem:s1+$0x0];
	v0 =	vadd.s32 $0x4000, v55  }
0x62c: {  	v51 =	vld [tilespmem:s15+$0xFFFFFFF0];
	v58 =	vadd.s32 $0x3000, v7;
	[tilespmem:$0x1F9B0] =	vst v0;
	v0 =	vadd.s32 $0x4000, v30  }
0x62d: {  	v60 =	vld [tilespmem:s15+$0xFFFFFFD0];
	v6 =	vadd.s32 $0x3000, v55;
	[tilespmem:$0x1F9C0] =	vst v0;
	v0 =	vadd.s32 $0x4000, v22  }
0x62e: {  	v57 =	vld [tilespmem:s1+$0xFFFFFFD0];
	[tilespmem:$0x1F9E0] =	vst v0;
	v0 =	vadd.s32 $0x4000, v10  }
0x62f: {  	v3 =	vadd.s32 v63, v8;
	v25 =	vmul.f32 v25, v36;
	v42 =	vmul.f32 v42, v36;
	[tilespmem:$0x1FA00] =	vst v0;
	v0 =	vld [tilespmem:$0x1FAC0]  }
0x630: {  	[tilespmem:$0x1F990] =	vst v54;
	v53 =	vld [tilespmem:s15+$0xFFFFFFE0];
	v8 =	vadd.s32 $0x3000, v30;
	v18 =	vmul.f32 v18, v39;
	v1 =	vmul.f32 v1, v39  }
0x631: {  	[tilespmem:$0x1FA70] =	vst v9;
	v62 =	vmov v24;
	v58 =	vld.idx.msk [tilespmem:v58+s26+$0x0], $0xffff;
	v54 =	vadd.s32 $0x3000, v10  }
0x632: {  	v11 =	vmovc v52;
	v9 =	vadd.s32 $0x3000, v34;
	s3 =	sadd.s32 $0x40, s3;
	v52 =	vld.idx.msk [tilespmem:v6+s26+$0x0], $0xffff;
	v6 =	vadd.f32 v18, v25;
	v1 =	vadd.f32 v1, v42  }
0x633: {  	v24 =	vadd.s32 $0x3000, v3;
	v45 =	vadd.s32 $0x3000, v22;
	v28 =	vmovc v16;
	v16 =	vmovc v15;
	v15 =	vmov v14;
	v25 =	vld [tilespmem:s3+$0xFFFFE790]  }
0x634: {  	v14 =	vmovc v33;
	v33 =	vadd.s32 v63, v37;
	v37 =	vld [tilespmem:s1+$0xFFFFFFF0];
	v61 =	vmul.f32 v6, v0;
	v1 =	vmul.f32 v1, v5  }
0x635: {  	v29 =	vld.idx.msk [tilespmem:v8+s26+$0x0], $0xffff;
	v19 =	vadd.s32 $0x3000, v2;
	v6 =	vadd.s32 $0x5000, v55  }
0x636: {  	v54 =	vld.idx.msk [tilespmem:v54+s26+$0x0], $0xffff;
	v55 =	vadd.s32 $0x5000, v30;
	v30 =	vadd.f32 v49, v11;
	v56 =	vadd.f32 v1, v61  }
0x637: {  	v31 =	vadd.s32 $0x4000, v46;
	v9 =	vld.idx.msk [tilespmem:v9+s26+$0x0], $0xffff  }
0x638: {  	v18 =	vmovc v21;
	v21 =	vld.idx.msk [tilespmem:v45+s26+$0x0], $0xffff;
	v45 =	vmov v59;
	v59 =	vadd.s32 $0x4000, v48;
	[tilespmem:s16+$0xFFFFFFF0] =	vst v30;
	v25 =	vadd.f32 v56, v25  }
0x639: {  	v4 =	vadd.s32 $0x3000, v12;
	v41 =	vadd.s32 $0x4000, v2;
	v30 =	vadd.s32 $0x5000, v2;
	v2 =	vld.idx.msk [tilespmem:v24+s26+$0x0], $0xffff  }
0x63a: {  	v20 =	vadd.s32 $0x3000, v17;
	v19 =	vld.idx.msk [tilespmem:v19+s26+$0x0], $0xffff;
	[tilespmem:s3+$0xFFFFE790] =	vst v25;
	v25 =	vmul.f32 v50, v5  }
0x63b: {  	v0 =	vadd.s32 $0x4000, v7;
	v11 =	vld [tilespmem:$0x1F940]  }
0x63c: {  	v26 =	vadd.s32 $0x3000, v33;
	v7 =	vadd.s32 $0x5000, v7;
	[tilespmem:$0x1FA20] =	vst v0;
	v31 =	vld.idx.msk [tilespmem:v31+s26+$0x0], $0xffff;
	v25 =	vadd.f32 v25, v38  }
0x63d: {  	v40 =	vmovc v27;
	v27 =	vadd.s32 $0x3000, v35;
	v8 =	vadd.s32 $0x4000, v12;
	v0 =	vadd.s32 $0x4000, v34;
	[tilespmem:$0x1FAA0] =	vst v7;
	v59 =	vld.idx.msk [tilespmem:v59+s26+$0x0], $0xffff  }
0x63e: {  	v1 =	vld.idx.msk [tilespmem:v4+s26+$0x0], $0xffff;
	v21 =	vmul.f32 v21, v47;
	v2 =	vmul.f32 v2, v53;
	v7 =	vadd.f32 v25, v14  }
0x63f: {  	[tilespmem:$0x1FA50] =	vst v0;
	v38 =	vadd.s32 $0x5000, v34;
	v34 =	vadd.s32 $0x5000, v12;
	v12 =	vmul.f32 v19, v60;
	v19 =	vld.idx.msk [tilespmem:v20+s26+$0x0], $0xffff  }
0x640: {  	v0 =	vadd.s32 $0x4000, v43;
	v2 =	vadd.f32 v21, v2;
	v21 =	vld [tilespmem:$0x1FAC0];
	[tilespmem:s16+$0x0] =	vst v7  }
0x641: {  	v29 =	vmul.f32 v29, v57;
	v4 =	vadd.s32 $0x4000, v35;
	v20 =	vld.idx.msk [tilespmem:v26+s26+$0x0], $0xffff  }
0x642: {  	[tilespmem:$0x1FA40] =	vst v4;
	v4 =	vadd.s32 $0x4000, v44;
	v24 =	vld.idx.msk [tilespmem:v27+s26+$0x0], $0xffff;
	v26 =	vmul.f32 v31, v36;
	v27 =	vmul.f32 v59, v39  }
0x643: {  	v12 =	vadd.f32 v29, v12;
	v29 =	vadd.f32 v11, v62;
	v11 =	vld [tilespmem:$0x1FB00]  }
0x644: {  	v26 =	vadd.f32 v27, v26  }
0x645: {  	v0 =	vld.idx.msk [tilespmem:v0+s26+$0x0], $0xffff  }
0x646: {  	v21 =	vmul.f32 v26, v21;
	v26 =	vld [tilespmem:$0x1FAC0]  }
0x647: {  	v4 =	vld.idx.msk [tilespmem:v4+s26+$0x0], $0xffff;
	_ =	sdelay $0x2  }
0x648: {  	v23 =	vmul.f32 v23, v16;
	v42 =	vadd.s32 $0x4000, v3;
	v3 =	vadd.s32 $0x5000, v3  }
0x649: {  	v7 =	vmul.f32 v32, v15;
	v2 =	vmul.f32 v2, v26;
	v26 =	vld.idx.msk [tilespmem:v11+s26+$0x0], $0xffff;
	v11 =	vmov v3  }
0x64a: {  	v0 =	vmul.f32 v0, v36;
	v4 =	vmul.f32 v4, v39;
	[tilespmem:$0x1FB00] =	vst v11;
	v11 =	vld [tilespmem:$0x1FB10]  }
0x64b: {  	v23 =	vadd.f32 v23, v7;
	v7 =	vld [tilespmem:$0x1FAC0]  }
0x64c: {  	v52 =	vmul.f32 v52, v57;
	v1 =	vmul.f32 v1, v60;
	v0 =	vadd.f32 v4, v0  }
0x64d: {  	v4 =	vmul.f32 v12, v5;
	v12 =	vmul.f32 v20, v51;
	v20 =	vld [tilespmem:s3+$0x10]  }
0x64e: {  	v1 =	vadd.f32 v52, v1;
	v0 =	vmul.f32 v0, v5  }
0x64f: {  	v25 =	vld [tilespmem:s3+$0xFFFFE760]  }
0x650: {  	v1 =	vmul.f32 v1, v7;
	v0 =	vadd.f32 v0, v21  }
0x651: {  	v61 =	vadd.s32 $0x4000, v17;
	v17 =	vadd.s32 $0x5000, v17  }
0x652: {  	v1 =	vadd.f32 v4, v1;
	v0 =	vadd.f32 v0, v20;
	v20 =	vld.idx.msk [tilespmem:v11+s26+$0x0], $0xffff;
	v11 =	vmov v17  }
0x653: {  	[tilespmem:$0x1FB10] =	vst v11;
	v11 =	vld [tilespmem:$0x1FAF0]  }
0x654: {  	v1 =	vadd.f32 v1, v25;
	v25 =	vmov v6;
	v6 =	vld [tilespmem:$0x1F960]  }
0x655: {  	v54 =	vmul.f32 v54, v47;
	v19 =	vmul.f32 v19, v53;
	_ =	sdelay $0x1  }
0x656: {  	v19 =	vadd.f32 v54, v19;
	_ =	sdelay $0x1  }
0x657: {  	v58 =	vmul.f32 v58, v37;
	v19 =	vmul.f32 v19, v5;
	v3 =	vld [tilespmem:$0x1FAC0]  }
0x658: {  	v9 =	vmul.f32 v9, v37;
	v24 =	vmul.f32 v24, v51  }
0x659: {  	v10 =	vadd.s32 $0x5000, v10;
	v21 =	vadd.s32 $0x5000, v46;
	v2 =	vadd.f32 v19, v2;
	v19 =	vld.idx.msk [tilespmem:v11+s26+$0x0], $0xffff  }
0x65a: {  	v12 =	vadd.f32 v58, v12;
	v9 =	vadd.f32 v9, v24;
	v11 =	vmov v10;
	v10 =	vld.idx.msk [tilespmem:v6+s26+$0x0], $0xffff  }
0x65b: {  	v6 =	vld [tilespmem:$0x1F970]  }
0x65c: {  	v9 =	vmul.f32 v9, v5;
	v3 =	vmul.f32 v12, v3  }
0x65d: {  	[tilespmem:s3+$0x10] =	vst v0  }
0x65e: {  	v3 =	vadd.f32 v9, v3;
	v9 =	vld.idx.msk [tilespmem:v21+s26+$0x0], $0xffff  }
0x65f: {  	[tilespmem:$0x1FAF0] =	vst v11;
	v11 =	vld [tilespmem:$0x1F990]  }
0x660: {  	v21 =	vmul.f32 v6, v16;
	v6 =	vld [tilespmem:$0x1F980];
	_ =	sdelay $0x1  }
0x661: {  	v31 =	vld [tilespmem:s3+$0xFFFFE770]  }
0x662: {  	v62 =	vld [tilespmem:s3+$0xFFFFE780];
	v12 =	vadd.s32 $0x5000, v48  }
0x663: {  	v22 =	vadd.s32 $0x5000, v22;
	v24 =	vld.idx.msk [tilespmem:v40+s26+$0x0], $0xffff;
	v4 =	vadd.s32 $0x5000, v43  }
0x664: {  	v27 =	vmov v22;
	v22 =	vmul.f32 v6, v11;
	v11 =	vld [tilespmem:$0x1F9C0];
	_ =	sdelay $0x1  }
0x665: {  	v2 =	vadd.f32 v2, v31  }
0x666: {  	[tilespmem:s3+$0xFFFFE760] =	vst v1;
	v1 =	vld.idx.msk [tilespmem:v12+s26+$0x0], $0xffff;
	v12 =	vmul.f32 v26, v13  }
0x667: {  	[tilespmem:s3+$0xFFFFE770] =	vst v2;
	v2 =	vadd.f32 v3, v62;
	v3 =	vld.idx.msk [tilespmem:v4+s26+$0x0], $0xffff;
	v4 =	vmul.f32 v24, v28;
	_ =	sdelay $0x1  }
0x668: {  	v0 =	vld [tilespmem:$0x1F950];
	v20 =	vmul.f32 v20, v13;
	[tilespmem:s3+$0xFFFFE780] =	vst v2;
	v2 =	vadd.f32 v4, v12;
	v4 =	vmul.f32 v19, v28  }
0x669: {  	v13 =	vmov v53;
	v53 =	vld [tilespmem:$0x1FAC0]  }
0x66a: {  	v4 =	vadd.f32 v4, v20;
	v20 =	vld.idx.msk [tilespmem:v11+s26+$0x0], $0xffff  }
0x66b: {  	v11 =	vld [tilespmem:$0x1F9E0]  }
0x66c: {  	v6 =	vld [tilespmem:$0x1F9A0]  }
0x66d: {  	v0 =	vmul.f32 v0, v15;
	_ =	sdelay $0x1  }
0x66e: {  	v0 =	vadd.f32 v21, v0  }
0x66f: {  	v19 =	vmul.f32 v23, v53  }
0x670: {  	v0 =	vmul.f32 v0, v5;
	v21 =	vmul.f32 v6, v18;
	v6 =	vld.idx.msk [tilespmem:v8+s26+$0x0], $0xffff  }
0x671: {  	v8 =	vld [tilespmem:$0x1F9B0]  }
0x672: {  	v17 =	vadd.s32 $0x5000, v44;
	v0 =	vadd.f32 v0, v19;
	v19 =	vld.idx.msk [tilespmem:v11+s26+$0x0], $0xffff  }
0x673: {  	v11 =	vld [tilespmem:$0x1F9F0];
	_ =	sdelay $0x3  }
0x674: {  	v17 =	vld.idx.msk [tilespmem:v17+s26+$0x0], $0xffff  }
0x675: {  	v0 =	vadd.f32 v0, v11;
	v11 =	vld [tilespmem:$0x1FA00];
	_ =	sdelay $0x1  }
0x676: {  	v12 =	vld.idx.msk [tilespmem:v8+s26+$0x0], $0xffff;
	_ =	sdelay $0x1  }
0x677: {  	v17 =	vmul.f32 v17, v39;
	v3 =	vmul.f32 v3, v36  }
0x678: {  	v14 =	vmovc v60;
	v54 =	vmov v45;
	v9 =	vmul.f32 v9, v36;
	v1 =	vmul.f32 v1, v39  }
0x679: {  	v15 =	vmovc v57;
	v2 =	vmul.f32 v2, v53;
	v3 =	vadd.f32 v17, v3;
	v17 =	vld [tilespmem:s3+$0x1890];
	v4 =	vmul.f32 v4, v5  }
0x67a: {  	v9 =	vadd.f32 v1, v9;
	v6 =	vmul.f32 v6, v14;
	v8 =	vld.idx.msk [tilespmem:v41+s26+$0x0], $0xffff;
	v12 =	vmul.f32 v12, v15  }
0x67b: {  	v24 =	vmul.f32 v10, v54;
	v3 =	vmul.f32 v3, v5;
	v10 =	vadd.f32 v21, v22;
	v22 =	vld.idx.msk [tilespmem:v11+s26+$0x0], $0xffff  }
0x67c: {  	[tilespmem:s16+$0x1860] =	vst v0;
	v0 =	vadd.f32 v4, v2;
	v4 =	vadd.f32 v12, v6;
	v6 =	vmul.f32 v9, v53;
	v11 =	vld [tilespmem:$0x1FA20];
	_ =	sdelay $0x1  }
0x67d: {  	v3 =	vadd.f32 v3, v6;
	_ =	sdelay $0x1  }
0x67e: {  	v28 =	vadd.f32 v3, v17;
	v3 =	vld [tilespmem:$0x1FA70]  }
0x67f: {  	v8 =	vmul.f32 v8, v14;
	v9 =	vmul.f32 v20, v15;
	_ =	sdelay $0x1  }
0x680: {  	v6 =	vadd.f32 v9, v8;
	v8 =	vld [tilespmem:$0x1FA50]  }
0x681: {  	v43 =	vld.idx.msk [tilespmem:v11+s26+$0x0], $0xffff  }
0x682: {  	v11 =	vld [tilespmem:$0x1FA30];
	_ =	sdelay $0x1  }
0x683: {  	v1 =	vld [tilespmem:$0x1FA10]  }
0x684: {  	v41 =	vld.idx.msk [tilespmem:v3+s26+$0x0], $0xffff  }
0x685: {  	v3 =	vld [tilespmem:$0x1FA80]  }
0x686: {  	v11 =	vadd.f32 v0, v11;
	v0 =	vld [tilespmem:$0x1FA40]  }
0x687: {  	v56 =	vadd.s32 $0x4000, v33;
	v40 =	vld.idx.msk [tilespmem:v8+s26+$0x0], $0xffff  }
0x688: {  	v21 =	vmul.f32 v29, v53;
	v10 =	vmul.f32 v10, v5;
	v8 =	vld [tilespmem:$0x1FA60];
	_ =	sdelay $0x1  }
0x689: {  	v10 =	vadd.f32 v10, v21  }
0x68a: {  	v21 =	vld.idx.msk [tilespmem:v61+s26+$0x0], $0xffff  }
0x68b: {  	v16 =	vmov v47;
	v2 =	vadd.f32 v10, v1;
	v1 =	vld.idx.msk [tilespmem:v56+s26+$0x0], $0xffff  }
0x68c: {  	v50 =	vadd.s32 $0x5000, v35;
	v35 =	vmov v8;
	v8 =	vmul.f32 v22, v16;
	v22 =	vld.idx.msk [tilespmem:v3+s26+$0x0], $0xffff  }
0x68d: {  	v39 =	vld.idx.msk [tilespmem:v0+s26+$0x0], $0xffff  }
0x68e: {  	[tilespmem:s17+$0x1880] =	vst v2;
	v2 =	vld [tilespmem:$0x1FA90];
	_ =	sdelay $0x1  }
0x68f: {  	v18 =	vld.idx.msk [tilespmem:v42+s26+$0x0], $0xffff;
	_ =	sdelay $0x1  }
0x690: {  	s18 =	sadd.s32 $0x4, s18  }
0x691: {  	p3 =	slt.s32 s18, s6;
	v0 =	vmul.f32 v21, v13;
	v21 =	vmov v2;
	v2 =	vld [tilespmem:$0x1FAA0]  }
.Ltmp44:
0x692: {  	_ = 	snop;
	(pc) =	sbr.rel @p3 .LBB2_56-.Ltmp44, $4  }
0x693: {  	v52 =	vld [tilespmem:s3+$0xFFFFFFF0];
	v10 =	vmul.f32 v18, v13  }
0x694: {  	v49 =	vadd.s32 $0x5000, v33;
	v33 =	vld [tilespmem:s3+$0x0];
	v44 =	vmul.f32 v4, v53;
	v4 =	vmul.f32 v19, v16  }
0x695: {  	v59 =	vmov v51;
	v7 =	vld [tilespmem:s3+$0xFFFFFFE0]  }
0x696: {  	s19 =	sadd.s32 $0x40, s19;
	v58 =	vmovc v37;
	v29 =	vld [tilespmem:$0x1F9D0];
	v51 =	vadd.f32 v4, v10;
	v42 =	vmul.f32 v6, v5;
	[tilespmem:s16+$0x1870] =	vst v11;
	s17 =	smov.u32 s16;
	s16 =	smov.u32 s3;
	v9 =	vmov v2  }
0x697: {  	v36 =	vld [tilespmem:$0x1FB00]  }
0x698: {  	v37 =	vld [tilespmem:$0x1FB10]  }
0x699: {  	v19 =	vld [tilespmem:$0x1FB50]  }
0x69a: {  	v32 =	vmovc v50;
	v6 =	vmov v14;
	v23 =	vmov v15;
	v2 =	vmov v13;
	v62 =	vld [tilespmem:$0x1FAB0]  }
0x69b: {  	v20 =	vmovc v16;
	v26 =	vmovc v9;
	v12 =	vmov v52;
	v3 =	vmov v29;
	v29 =	vmov v38;
	v38 =	vld [tilespmem:$0x1FAF0]  }
.LBB2_58:
0x69c: {  	_ = 	snop  }
0x69d: {  	v4 =	vadd.f32 v42, v44  }
0x69e: {  	v0 =	vadd.f32 v8, v0;
	v45 =	vmul.f32 v51, v53;
	v1 =	vmul.f32 v1, v59  }
0x69f: {  	v9 =	vmul.f32 v39, v59;
	v4 =	vadd.f32 v4, v7;
	v7 =	vmul.f32 v43, v58  }
0x6a0: {  	v10 =	vmul.f32 v40, v58;
	v3 =	vld.idx.msk @p2 [tilespmem:v3+s26+$0x0], $0xffff;
	v0 =	vmul.f32 v0, v5  }
0x6a1: {  	v11 =	vld [tilespmem:s3+$0x1870];
	v1 =	vadd.f32 v7, v1  }
0x6a2: {  	v50 =	vld [tilespmem:s3+$0x1880];
	[tilespmem:s3+$0xFFFFFFE0] =	vst v4;
	v0 =	vadd.f32 v0, v45;
	v7 =	vadd.f32 v10, v9  }
0x6a3: {  	v4 =	vld.idx.msk [tilespmem:v34+s26+$0x0], $0xffff  }
0x6a4: {  	v46 =	vld.idx.msk [tilespmem:v25+s26+$0x0], $0xffff;
	v1 =	vmul.f32 v1, v53;
	v7 =	vmul.f32 v7, v5;
	v0 =	vadd.f32 v0, v12  }
0x6a5: {  	v47 =	vld.idx.msk [tilespmem:v30+s26+$0x0], $0xffff  }
0x6a6: {  	v48 =	vld.idx.msk [tilespmem:v55+s26+$0x0], $0xffff;
	v1 =	vadd.f32 v7, v1;
	[tilespmem:s16+$0xFFFFFFF0] =	vst v0  }
0x6a7: {  	v0 =	vld.idx.msk [tilespmem:v36+s26+$0x0], $0xffff  }
0x6a8: {  	v7 =	vld.idx.msk [tilespmem:v27+s26+$0x0], $0xffff;
	v1 =	vadd.f32 v1, v33  }
0x6a9: {  	v13 =	vld.idx.msk [tilespmem:v37+s26+$0x0], $0xffff  }
0x6aa: {  	v51 =	vld.idx.msk [tilespmem:v38+s26+$0x0], $0xffff;
	[tilespmem:s16+$0x0] =	vst v1  }
0x6ab: {  	v14 =	vld.idx.msk [tilespmem:v49+s26+$0x0], $0xffff  }
0x6ac: {  	v15 =	vmul.f32 @p2 v41, v21;
	v3 =	vmul.f32 @p2 v3, v21;
	v16 =	vld.idx.msk [tilespmem:v26+s26+$0x0], $0xffff  }
0x6ad: {  	v4 =	vmul.f32 v4, v6;
	v8 =	vmul.f32 v46, v23;
	v52 =	vld.idx.msk [tilespmem:v32+s26+$0x0], $0xffff  }
0x6ae: {  	v6 =	vmul.f32 v47, v6;
	v10 =	vmul.f32 v48, v23;
	v17 =	vld.idx.msk [tilespmem:v29+s26+$0x0], $0xffff  }
0x6af: {  	v4 =	vadd.f32 v8, v4;
	v8 =	vmul.f32 @p2 v22, v54;
	v0 =	vmul.f32 v0, v2  }
0x6b0: {  	v15 =	vadd.f32 @p2 v15, v24;
	v7 =	vmul.f32 v7, v20;
	v54 =	vmul.f32 v13, v2  }
0x6b1: {  	v6 =	vadd.f32 v10, v6;
	v1 =	vmul.f32 v51, v20;
	v4 =	vmul.f32 v4, v53  }
0x6b2: {  	v0 =	vadd.f32 v7, v0;
	v7 =	vmul.f32 v14, v59;
	v55 =	vmul.f32 v16, v58  }
0x6b3: {  	v56 =	vld [tilespmem:s3+$0x1860];
	v1 =	vadd.f32 v1, v54;
	v57 =	vmul.f32 v52, v59;
	v59 =	vmul.f32 v17, v58  }
0x6b4: {  	v3 =	vadd.f32 @p2 v3, v8;
	v6 =	vmul.f32 v6, v5;
	v0 =	vmul.f32 v0, v53  }
0x6b5: {  	v1 =	vmul.f32 v1, v5;
	v7 =	vadd.f32 v55, v7;
	v2 =	vadd.f32 v59, v57  }
0x6b6: {  	v8 =	vmul.f32 @p2 v15, v53;
	v3 =	vmul.f32 @p2 v3, v5;
	v4 =	vadd.f32 v6, v4  }
0x6b7: {  	v0 =	vadd.f32 v1, v0;
	v60 =	vmul.f32 v7, v53;
	v2 =	vmul.f32 v2, v5  }
0x6b8: {  	v3 =	vadd.f32 @p2 v3, v8;
	v4 =	vadd.f32 v4, v56  }
0x6b9: {  	[tilespmem:s3+$0x1890] =	vst v28;
	v0 =	vadd.f32 v0, v11;
	v1 =	vadd.f32 v2, v60  }
0x6ba: {  	[tilespmem:s16+$0x1860] =	vst v4;
	v2 =	vadd.f32 @p2 v3, v35  }
0x6bb: {  	[tilespmem:s16+$0x1870] =	vst v0;
	v61 =	vadd.f32 v1, v50  }
0x6bc: {  	[tilespmem:s17+$0x1880] =	vst @p2 v2  }
0x6bd: {  	[tilespmem:s16+$0x1880] =	vst v61  }
.LBB2_24:
.Ltmp45:
0x6be: {  	(pc) =	sbr.rel @p1 .LBB2_26-.Ltmp45, $3  }
0x6bf: {  	_ =	sdelay $0x1  }
0x6c0: {  	s1 =	smov.u32 s14;
	s3 =	smov.u32 s13  }
0x6c1: {  	s15 =	smov.u32 s0;
	s16 =	smov.u32 s2;
	s17 =	smov.u32 s4  }
.LBB2_25:
0x6c2: {  	v0 =	vld [tilespmem:s1+$0x0];
	_ =	sdelay $0x4  }
0x6c3: {  	vm0 =	vgt.s32 v0, $0x0  }
0x6c4: {  	v1 =	vadd.s32 $0x1, v0;
	v0 =	vnsel vm0, $0x0, v0  }
0x6c5: {  	vm15 =	vlt.s32 v1, $0x3F;
	v2 =	vadd.s32 v63, v0  }
0x6c6: {  	v1 =	vnsel vm15, $0x3F, v1;
	v0 =	vadd.s32 v62, v0;
	v3 =	vadd.s32 $0x3000, v2  }
0x6c7: {  	v4 =	vadd.s32 v63, v1;
	v7 =	vadd.s32 $0x3000, v0  }
0x6c8: {  	v1 =	vadd.s32 v62, v1;
	v6 =	vadd.s32 $0x3000, v4  }
0x6c9: {  	v8 =	vld [tilespmem:s15+$0x0];
	v9 =	vadd.s32 $0x3000, v1  }
0x6ca: {  	v10 =	vld [tilespmem:s16+$0x0]  }
0x6cb: {  	v3 =	vld.idx.msk [tilespmem:v3+s26+$0x0], $0xffff  }
0x6cc: {  	v7 =	vld.idx.msk [tilespmem:v7+s26+$0x0], $0xffff  }
0x6cd: {  	v6 =	vld.idx.msk [tilespmem:v6+s26+$0x0], $0xffff  }
0x6ce: {  	v9 =	vld.idx.msk [tilespmem:v9+s26+$0x0], $0xffff;
	_ =	sdelay $0x3  }
0x6cf: {  	v3 =	vmul.f32 v3, v8;
	v7 =	vmul.f32 v7, v8  }
0x6d0: {  	v6 =	vmul.f32 v6, v10;
	v9 =	vmul.f32 v9, v10;
	_ =	sdelay $0x1  }
0x6d1: {  	v3 =	vadd.f32 v6, v3;
	v6 =	vadd.f32 v9, v7  }
0x6d2: {  	v7 =	vld [tilespmem:s3+$0xFFFFE780]  }
0x6d3: {  	v3 =	vmul.f32 v3, v53;
	v6 =	vmul.f32 v6, v5;
	_ =	sdelay $0x1  }
0x6d4: {  	v3 =	vadd.f32 v6, v3;
	v6 =	vadd.s32 $0x4000, v2  }
0x6d5: {  	v59 =	vadd.s32 $0x4000, v4  }
0x6d6: {  	v11 =	vadd.s32 $0x4000, v1;
	v3 =	vadd.f32 v3, v7  }
0x6d7: {  	v7 =	vadd.s32 $0x4000, v0  }
0x6d8: {  	[tilespmem:s3+$0xFFFFE780] =	vst v3  }
0x6d9: {  	v3 =	vld.idx.msk [tilespmem:v6+s26+$0x0], $0xffff  }
0x6da: {  	v6 =	vld.idx.msk [tilespmem:v59+s26+$0x0], $0xffff  }
0x6db: {  	v60 =	vld.idx.msk [tilespmem:v11+s26+$0x0], $0xffff  }
0x6dc: {  	v7 =	vld.idx.msk [tilespmem:v7+s26+$0x0], $0xffff;
	_ =	sdelay $0x3  }
0x6dd: {  	v3 =	vmul.f32 v3, v8;
	v6 =	vmul.f32 v6, v10  }
0x6de: {  	v9 =	vmul.f32 v60, v10;
	v7 =	vmul.f32 v7, v8;
	_ =	sdelay $0x1  }
0x6df: {  	v3 =	vadd.f32 v6, v3;
	v6 =	vadd.f32 v9, v7  }
0x6e0: {  	v7 =	vld [tilespmem:s3+$0x0]  }
0x6e1: {  	v3 =	vmul.f32 v3, v53;
	v6 =	vmul.f32 v6, v5;
	_ =	sdelay $0x1  }
0x6e2: {  	v2 =	vadd.s32 $0x5000, v2;
	v3 =	vadd.f32 v6, v3  }
0x6e3: {  	v4 =	vadd.s32 $0x5000, v4  }
0x6e4: {  	v0 =	vadd.s32 $0x5000, v0;
	v3 =	vadd.f32 v3, v7  }
0x6e5: {  	v1 =	vadd.s32 $0x5000, v1  }
0x6e6: {  	[tilespmem:s3+$0x0] =	vst v3  }
0x6e7: {  	v2 =	vld.idx.msk [tilespmem:v2+s26+$0x0], $0xffff  }
0x6e8: {  	v3 =	vld.idx.msk [tilespmem:v4+s26+$0x0], $0xffff  }
0x6e9: {  	v0 =	vld.idx.msk [tilespmem:v0+s26+$0x0], $0xffff  }
0x6ea: {  	v1 =	vld.idx.msk [tilespmem:v1+s26+$0x0], $0xffff;
	_ =	sdelay $0x3  }
0x6eb: {  	v2 =	vmul.f32 v2, v8;
	v3 =	vmul.f32 v3, v10  }
0x6ec: {  	v0 =	vmul.f32 v0, v8;
	v1 =	vmul.f32 v1, v10;
	_ =	sdelay $0x1  }
0x6ed: {  	v2 =	vadd.f32 v3, v2;
	v0 =	vadd.f32 v1, v0  }
0x6ee: {  	v61 =	vld [tilespmem:s3+$0x1880]  }
0x6ef: {  	v2 =	vmul.f32 v2, v53;
	v0 =	vmul.f32 v0, v5  }
0x6f0: {  	p2 =	sne.s32 s17, $0x1  }
.Ltmp46:
0x6f1: {  	v0 =	vadd.f32 v0, v2;
	(pc) =	sbr.rel @p2 .LBB2_25-.Ltmp46, $4  }
0x6f2: {  	_ = 	snop  }
0x6f3: {  	v0 =	vadd.f32 v0, v61  }
0x6f4: {  	s16 =	sadd.s32 $0x10, s16;
	s15 =	sadd.s32 $0x10, s15  }
0x6f5: {  	s1 =	sadd.s32 $0x10, s1;
	s17 =	sadd.s32 $0xFFFFFFFF, s17;
	[tilespmem:s3+$0x1880] =	vst v0;
	s3 =	sadd.s32 $0x10, s3  }
.Ltmp47:
0x6f6: {  	_ = 	snop;
	(pc) =	sbr.rel .LBB2_26-.Ltmp47, $1  }
0x6f7: {  	_ =	sdelay $0x3  }
.LBB2_53:
.Ltmp48:
0x6f8: {  	(pc) =	sbr.rel .LBB2_58-.Ltmp48, $2  }
0x6f9: {  	_ =	sdelay $0x2  }
0x6fa: {  	v59 =	vmov v22;
	s3 =	smov.u32 s7;
	s16 =	smov.u32 s7;
	v33 =	vmov v10  }
.LBB2_55:
.Ltmp49:
0x6fb: {  	v36 =	vld [tilespmem:$0x1FB00];
	(pc) =	sbr.rel .LBB2_58-.Ltmp49, $4  }
0x6fc: {  	v37 =	vld [tilespmem:$0x1FB10]  }
0x6fd: {  	v3 =	vmov v29;
	v29 =	vmov v38;
	v38 =	vld [tilespmem:$0x1FAF0]  }
0x6fe: {  	v32 =	vmov v50;
	v6 =	vmov v14;
	v19 =	vld [tilespmem:$0x1FB50]  }
0x6ff: {  	s16 =	smov.u32 s3;
	v23 =	vmovc v15;
	v2 =	vmovc v13;
	v20 =	vmov v16;
	v26 =	vmov v9;
	s17 =	smov.u32 s7;
	v62 =	vld [tilespmem:$0x1FAB0];
	v12 =	vmov v52  }
.LBB2_27:
0x700: {  	s0 =	simm.s32 $0x10C20  }
0x701: {  	v3 =	vld [tilespmem:s0+$0x10]  }
0x702: {  	s1 =	simm.s32 $0x155A0;
	v5 =	vld [tilespmem:s0+$0xFFFFFFF0]  }
0x703: {  	v1 =	vld [tilespmem:s1+$0x10]  }
0x704: {  	v6 =	vld [tilespmem:s0+$0x0]  }
0x705: {  	v7 =	vld [tilespmem:s0+$0xFFFFFFE0]  }
0x706: {  	v4 =	vld [tilespmem:s1+$0xFFFFFFE0]  }
0x707: {  	v8 =	vld [tilespmem:s1+$0xFFFFFFF0]  }
0x708: {  	v9 =	vld [tilespmem:s1+$0x0];
	s1 =	simm.s32 $0x10C60  }
0x709: {  	v15 =	vimm.f32 $0.0e+00;
	v2 =	vld [tilespmem:s1+$0x10];
	vm0 =	vlt.f32 v3, $1.000000050e-03  }
0x70a: {  	s2 =	simm.s32 $0x155E0;
	v0 =	vld [tilespmem:s1+$0xFFFFFFF0];
	vm12 =	vlt.f32 v7, $1.000000050e-03;
	v10 =	vsel vm0, $0x3F800000, v15  }
0x70b: {  	v11 =	vld [tilespmem:s2+$0x10];
	vm1 =	vlt.f32 v5, $1.000000050e-03;
	v10 =	vmul.f32 v10, v1;
	v1 =	vsel vm12, $0x3F800000, v15  }
0x70c: {  	vm13 =	vlt.f32 v6, $1.000000050e-03;
	v12 =	vsel vm1, $0x3F800000, v15;
	v13 =	vmul.f32 v1, v4;
	v1 =	vld [tilespmem:s1+$0x0]  }
0x70d: {  	v8 =	vmul.f32 v12, v8;
	v4 =	vsel vm13, $0x3F800000, v15;
	v10 =	vadd.f32 v10, v3;
	v3 =	vld [tilespmem:s1+$0xFFFFFFE0]  }
0x70e: {  	vm14 =	vlt.f32 v2, $1.000000050e-03;
	v12 =	vmul.f32 v4, v9;
	v4 =	vld [tilespmem:s2+$0xFFFFFFE0];
	v13 =	vadd.f32 v13, v7  }
0x70f: {  	vm15 =	vlt.f32 v0, $1.000000050e-03;
	v9 =	vadd.f32 v8, v5;
	v5 =	vld [tilespmem:s2+$0xFFFFFFF0];
	[tilespmem:s0+$0x10] =	vst v10;
	v10 =	vsel vm14, $0x3F800000, v15  }
0x710: {  	s3 =	simm.s32 $0x4;
	s4 =	simm.s32 $0x10CA0;
	v7 =	vsel vm15, $0x3F800000, v15;
	v8 =	vadd.f32 v12, v6;
	v6 =	vld [tilespmem:s2+$0x0];
	v10 =	vmul.f32 v10, v11;
	[tilespmem:s0+$0xFFFFFFE0] =	vst v13  }
.LBB2_28:
0x711: {  	v11 =	vld [tilespmem:s4+$0x10];
	s3 =	sadd.s32 $0x4, s3;
	vm0 =	vlt.f32 v1, $1.000000050e-03;
	[tilespmem:s0+$0xFFFFFFF0] =	vst v9;
	v12 =	vmov v1  }
0x712: {  	s2 =	sadd.s32 $0x40, s2;
	v13 =	vld [tilespmem:s4+$0xFFFFFFF0];
	p0 =	slt.u32 s3, $0x494;
	vm1 =	vlt.f32 v3, $1.000000050e-03;
	v9 =	vsel vm0, $0x3F800000, v15;
	v2 =	vadd.f32 v10, v2;
	[tilespmem:s0+$0x0] =	vst v8;
	v8 =	vmovc v3;
	s0 =	smov.u32 s1  }
0x713: {  	s1 =	smov.u32 s4;
	v10 =	vld [tilespmem:s2+$0x10];
	v3 =	vsel vm1, $0x3F800000, v15  }
.Ltmp50:
0x714: {  	v1 =	vld [tilespmem:s4+$0x0];
	v14 =	vmul.f32 v3, v4;
	v5 =	vmul.f32 v7, v5;
	[tilespmem:s0+$0x10] =	vst v2;
	(pc) =	sbr.rel @p0 .LBB2_28-.Ltmp50, $4  }
0x715: {  	v3 =	vld [tilespmem:s4+$0xFFFFFFE0];
	v6 =	vmul.f32 v9, v6  }
0x716: {  	v4 =	vld [tilespmem:s2+$0xFFFFFFE0];
	vm0 =	vlt.f32 v11, $1.000000050e-03;
	v14 =	vadd.f32 v14, v8;
	v9 =	vadd.f32 v5, v0;
	v2 =	vmovc v11  }
0x717: {  	v5 =	vld [tilespmem:s2+$0xFFFFFFF0];
	vm1 =	vlt.f32 v13, $1.000000050e-03;
	v11 =	vsel vm0, $0x3F800000, v15;
	v8 =	vadd.f32 v6, v12;
	v0 =	vmovc v13  }
0x718: {  	s4 =	sadd.s32 $0x40, s4;
	v7 =	vsel vm1, $0x3F800000, v15;
	v6 =	vld [tilespmem:s2+$0x0];
	v10 =	vmul.f32 v11, v10;
	[tilespmem:s0+$0xFFFFFFE0] =	vst v14  }
0x719: {  	_ = 	snop  }
0x71a: {  	vm0 =	vlt.f32 v3, $1.000000050e-03  }
0x71b: {  	v11 =	vsel vm0, $0x3F800000, v15  }
0x71c: {  	vm15 =	vlt.f32 v1, $1.000000050e-03;
	v4 =	vmul.f32 v11, v4  }
0x71d: {  	[tilespmem:s0+$0xFFFFFFF0] =	vst v9;
	v61 =	vsel vm15, $0x3F800000, v15;
	v2 =	vadd.f32 v10, v2;
	v5 =	vmul.f32 v7, v5  }
0x71e: {  	[tilespmem:s0+$0x0] =	vst v8;
	v6 =	vmul.f32 v61, v6;
	v62 =	vadd.f32 v4, v3  }
0x71f: {  	[tilespmem:s1+$0x10] =	vst v2;
	v0 =	vadd.f32 v5, v0  }
0x720: {  	v63 =	vadd.f32 v6, v1;
	[tilespmem:s1+$0xFFFFFFE0] =	vst v62  }
0x721: {  	[tilespmem:s1+$0xFFFFFFF0] =	vst v0  }
0x722: {  	s4 =	simm.s32 $0x10C00;
	s21 =	simm.s32 $0x80;
	[tilespmem:s1+$0x0] =	vst v63  }
0x723: {  	s3 =	simm.s32 $0x400;
	s2 =	simm.s32 $0x3;
	s0 =	rddreg [dreg:$0x13]  }
0x724: {  	[hbm4b:s0+s21] =	stream.strided.scatter [tilespmem:s4], [sflag:$0x3], $0x1880, s3, s21, $0x38;
	[tilespmem:$0x19F00] =	vst v63  }
0x725: {  	_ =	swait.ge [sflag:s2], $0x1880  }
0x726: {  	[sflag:s2] =	ssyncset.done $0x0  }
0x727: {  	s5 =	simm.s32 $0x12480;
	s22 =	rddreg [dreg:$0x14];
	[sflag:s2] =	ssyncadd.s32 $0xFFFFE780  }
0x728: {  	[hbm4b:s22+s21] =	stream.strided.scatter [tilespmem:s5], [sflag:$0x3], $0x1880, s3, s21, $0x38;
	[tilespmem:$0x19F00] =	vst v63  }
0x729: {  	_ =	swait.ge [sflag:s2], $0x1880  }
0x72a: {  	[sflag:s2] =	ssyncset.done $0x0  }
0x72b: {  	s24 =	simm.s32 $0x13D00;
	s23 =	rddreg [dreg:$0x15];
	[sflag:s2] =	ssyncadd.s32 $0xFFFFE780  }
0x72c: {  	[hbm4b:s23+s21] =	stream.strided.scatter [tilespmem:s24], [sflag:$0x3], $0x1880, s3, s21, $0x38;
	[tilespmem:$0x19F00] =	vst v63  }
0x72d: {  	_ =	swait.ge [sflag:s2], $0x1880  }
0x72e: {  	s25 =	rddreg [dreg:$0x18]  }
0x72f: {  	s31 =	rddreg [dreg:$0x16];
	s1 =	sadd.s32 $0x1, s25  }
0x730: {  	p0 =	sne.s32 s1, s31  }
.Ltmp51:
0x731: {  	_ = 	snop;
	(pc) =	sbr.rel @p0 .LBB2_1-.Ltmp51, $3  }
0x732: {  	_ =	sdelay $0x1  }
0x733: {  	[sflag:s2] =	ssyncset.done $0x0  }
0x734: {  	[sflag:s2] =	ssyncadd.s32 $0xFFFFE780  }
0x735: {  	_ =	sfence.sel $0x180000  }
0x736: {  	[bflag:$0x0] =	sbarrier.arrive $0xFFFF  }
0x737: {  	_ =	strace $0x90000047  }
0x738: {  	s0 =	stileid.u32;
	[bflag:$0x2] =	sbarrier.arrive $0xFFFF  }
0x739: {  	p0 =	sne.s32 s0, $0x0;
	s0 =	rddreg [dreg:$0x2]  }
0x73a: {  	s0 =	sadd.s32 @!p0 $0x100000, s0  }
0x73b: {  	[sflag:s0] =	ssyncadd.tile.s32 @!p0 $0x1;
	_ =	shalt  }
.Lfunc_end2:
_tile_overlayer_lowered:
.L_overlay_start_2:
0x73c: {  	(tag) =	ssettag $0x2  }
0x73d: {  	s0 =	rddreg [dreg:$0x0];
	s2 =	stileid.u32  }
0x73e: {  	s1 =	rddreg [dreg:$0x1];
	p0 =	sne.s32 s2, $0x0  }
0x73f: {  	s3 =	rddreg [dreg:$0x2];
	[bflag:$0x3] =	sbarrier.arrive $0xFFFF;
	s2 =	simm.s32 @!p0 $0x1C03  }
0x740: {  	[timem:s3], [sflag:s2] =	dma.local @!p0 [hbm:s0], s1  }
0x741: {  	s0 =	simm.s32 @!p0 $0x3  }
0x742: {  	_ =	swait.ge @!p0 [sflag:s0], s1  }
0x743: {  	s1 =	ssub.s32 @!p0 $0x0, s1;
	[sflag:s0] =	ssyncset.done @!p0 $0x0  }
0x744: {  	[sflag:s0] =	ssyncadd.s32 @!p0 s1  }
0x745: {  	[bflag:$0x3] =	sbarrier.arrive $0xFFFF  }
0x746: {  	_ =	shalt  }

</sc_bundles>
